<compile_context>
chip_gen: v7x
topology: tpu7x:2x2x1
jax: 0.10.2.dev20260603
libtpu: 0.0.44.dev20260713+nightly
codegen_flags: <defaults>
</compile_context>

<pallas_src>
import jax
import jax.numpy as jnp
from jax import lax
from jax.experimental import pallas as pl
from jax.experimental.pallas import tpu as pltpu
from jax.experimental.pallas import tpu_sc as plsc

BATCH = 16384
DIM = 64
NUMS = 1000000
NW = 32
B_PER_W = BATCH // NW
L_PER_W = 2 * B_PER_W
TC_EDGE = NUMS // 128
EDGE0 = TC_EDGE * 128
CHUNK2 = 256
NCHUNK2 = L_PER_W // CHUNK2
NBLK = B_PER_W // 16


def _rsqrt_newton(s):
    i = plsc.bitcast(s, jnp.int32)
    y = plsc.bitcast(jnp.int32(0x5F3759DF) - (i >> 1), jnp.float32)
    half = s * 0.5
    for _ in range(3):
        y = y * (1.5 - half * y * y)
    return jnp.minimum(y, 1e12)


def _gather_body(sv_hbm, pv_hbm, wt_hbm, wedge_hbm, stage_hbm,
                 sv, pv, ev, tiles, tmp, sem0, sem1, sem2, sem3,
                 osem0, osem1, osem2, osem3):
    wid = lax.axis_index("s") * 2 + lax.axis_index("c")

    pltpu.sync_copy(sv_hbm.at[wid], sv)
    pltpu.sync_copy(pv_hbm.at[wid], pv)
    pltpu.sync_copy(wedge_hbm, ev)

    zero16 = jnp.full((16,), 0, jnp.int32)
    lanes = lax.iota(jnp.int32, 16)

    def sval(q):
        return plsc.load_gather(sv, [zero16 + q])[0]

    def pval(q):
        return plsc.load_gather(pv, [zero16 + q])[0]

    sems = (sem0, sem1, sem2, sem3)

    def fire(tcv):
        src = wt_hbm.at[:, pl.ds(pl.multiple_of(tcv * 128, 128), 128)]
        for b in range(4):
            @pl.when(tcv % 4 == b)
            def _(b=b):
                pltpu.async_copy(src, tiles.at[b], sems[b])

    def wait_tile(tcv):
        for b in range(4):
            @pl.when(tcv % 4 == b)
            def _(b=b):
                pltpu.make_async_copy(
                    wt_hbm.at[:, pl.ds(0, 128)], tiles.at[b], sems[b]
                ).wait()

    osems = (osem0, osem1, osem2, osem3)

    def drain_group(q):
        for b in range(4):
            @pl.when(((q >> 3) % 4) == b)
            def _(b=b):
                def w8(_, c):
                    pltpu.make_async_copy(
                        tmp.at[0], stage_hbm.at[0, pl.ds(0, DIM)], osems[b]
                    ).wait()
                    return c

                lax.fori_loop(0, 8, w8, 0)

    def emit(q, col_vec_fn):
        @pl.when((q % 8 == 0) & (q >= 32))
        def _():
            drain_group(q)

        slot = q % 32
        for k in range(4):
            tmp[slot, pl.ds(k * 16, 16)] = col_vec_fn(k)
        for b in range(4):
            @pl.when(((q >> 3) % 4) == b)
            def _(b=b):
                pltpu.async_copy(
                    tmp.at[slot], stage_hbm.at[pval(q), pl.ds(0, DIM)],
                    osems[b],
                )

    s_first = sval(0)
    s_last = sval(L_PER_W - 1)
    tc_first = jnp.minimum(s_first >> 7, TC_EDGE - 1)
    tc_last = jnp.minimum(s_last >> 7, TC_EDGE - 1)
    have_main = s_first < EDGE0

    @pl.when(have_main)
    def _():
        for d in range(3):
            @pl.when(tc_first + d <= tc_last)
            def _(d=d):
                fire(tc_first + d)

        def cond(c):
            _, tcv = c
            return tcv <= tc_last

        def body(c):
            p, tcv = c
            wait_tile(tcv)

            @pl.when(tcv + 3 <= tc_last)
            def _():
                fire(tcv + 3)

            par = tcv % 4

            def icond(q):
                v = sval(jnp.minimum(q, L_PER_W - 1))
                return (q < L_PER_W) & (v < EDGE0) & ((v >> 7) == tcv)

            def ibody(q):
                col = sval(q) & 127
                emit(
                    q,
                    lambda k: plsc.load_gather(
                        tiles,
                        [zero16 + par, lanes + k * 16, zero16 + col],
                    ),
                )
                return q + 1

            p = lax.while_loop(icond, ibody, p)
            return (p, tcv + 1)

        lax.while_loop(cond, body, (jnp.int32(0), tc_first))

    def find_edge_start(q, acc):
        v = sval(q)
        return jnp.where((v >= EDGE0) & (acc == L_PER_W), q, acc)

    p_edge = lax.fori_loop(0, L_PER_W, find_edge_start, jnp.int32(L_PER_W))

    def econd(q):
        return q < L_PER_W

    def ebody(q):
        col = sval(q) - EDGE0
        emit(
            q,
            lambda k: plsc.load_gather(ev, [lanes + k * 16, zero16 + col]),
        )
        return q + 1

    lax.while_loop(econd, ebody, p_edge)

    for b in range(4):
        def wfin(_, c, b=b):
            pltpu.make_async_copy(
                tmp.at[0], stage_hbm.at[0, pl.ds(0, DIM)], osems[b]
            ).wait()
            return c

        lax.fori_loop(0, 8, wfin, 0)


def _cos_body(stage_hbm, out_hbm, buf0, buf1, sums_v, out_v, sem0, sem1):
    wid = lax.axis_index("s") * 2 + lax.axis_index("c")
    base = wid * L_PER_W

    bufs = (buf0, buf1)
    sems = (sem0, sem1)

    def fetch(j):
        return pltpu.async_copy(
            stage_hbm.at[pl.ds(base + j * CHUNK2, CHUNK2)],
            bufs[j % 2],
            sems[j % 2],
        )

    zero16 = jnp.full((16,), 0, jnp.int32)
    lanes = lax.iota(jnp.int32, 16)
    last = lanes == 15

    def compute_chunk(j, buf):
        def e_body(i, _):
            p_acc = jnp.zeros((16,), jnp.float32)
            q_acc = jnp.zeros((16,), jnp.float32)
            r_acc = jnp.zeros((16,), jnp.float32)
            for k in range(4):
                a = buf[2 * i, pl.ds(k * 16, 16)]
                b = buf[2 * i + 1, pl.ds(k * 16, 16)]
                p_acc = p_acc + a * b
                q_acc = q_acc + a * a
                r_acc = r_acc + b * b
            ei = zero16 + (j * (CHUNK2 // 2) + i)
            plsc.store_scatter(sums_v, [ei], plsc.cumsum(p_acc), mask=last)
            plsc.store_scatter(
                sums_v, [ei + B_PER_W], plsc.cumsum(q_acc), mask=last)
            plsc.store_scatter(
                sums_v, [ei + 2 * B_PER_W], plsc.cumsum(r_acc), mask=last)
            return 0

        lax.fori_loop(0, CHUNK2 // 2, e_body, 0, unroll=2)

    copies = [fetch(0)]
    for j in range(NCHUNK2):
        if j + 1 < NCHUNK2:
            copies.append(fetch(j + 1))
        copies[j].wait()
        compute_chunk(j, bufs[j % 2])

    def blk_body(blk, _):
        sl = pl.ds(blk * 16, 16)
        s01 = sums_v[sl]
        s00 = sums_v[pl.ds(B_PER_W + blk * 16, 16)]
        s11 = sums_v[pl.ds(2 * B_PER_W + blk * 16, 16)]
        out_v[sl] = s01 * _rsqrt_newton(s00) * _rsqrt_newton(s11)
        return 0

    lax.fori_loop(0, NBLK, blk_body, 0)

    pltpu.sync_copy(out_v, out_hbm.at[pl.ds(wid * B_PER_W, B_PER_W)])


def kernel(x, W):
    xf = x.astype(jnp.int32).reshape(-1)
    pos = lax.iota(jnp.int32, 2 * BATCH)
    sv, pv = lax.sort((xf, pos), num_keys=1)
    sv3 = sv.reshape(NW, L_PER_W)
    pv3 = pv.reshape(NW, L_PER_W)
    wt = W.T
    wedge = jnp.pad(wt[:, EDGE0:], ((0, 0), (0, 128 - (NUMS - EDGE0))))

    mesh = plsc.VectorSubcoreMesh(core_axis_name="c", subcore_axis_name="s")
    params = pltpu.CompilerParams(
        needs_layout_passes=False, use_tc_tiling_on_sc=True
    )

    stage = pl.kernel(
        _gather_body,
        mesh=mesh,
        compiler_params=params,
        out_type=jax.ShapeDtypeStruct((2 * BATCH, 128), jnp.float32),
        scratch_types=[
            pltpu.VMEM((L_PER_W,), jnp.int32),
            pltpu.VMEM((L_PER_W,), jnp.int32),
            pltpu.VMEM((DIM, 128), jnp.float32),
            pltpu.VMEM((4, DIM, 128), jnp.float32),
            pltpu.VMEM((32, DIM), jnp.float32),
            pltpu.SemaphoreType.DMA,
            pltpu.SemaphoreType.DMA,
            pltpu.SemaphoreType.DMA,
            pltpu.SemaphoreType.DMA,
            pltpu.SemaphoreType.DMA,
            pltpu.SemaphoreType.DMA,
            pltpu.SemaphoreType.DMA,
            pltpu.SemaphoreType.DMA,
        ],
    )(sv3, pv3, wt, wedge)

    out = pl.kernel(
        _cos_body,
        mesh=mesh,
        compiler_params=params,
        out_type=jax.ShapeDtypeStruct((BATCH,), jnp.float32),
        scratch_types=[
            pltpu.VMEM((CHUNK2, 128), jnp.float32),
            pltpu.VMEM((CHUNK2, 128), jnp.float32),
            pltpu.VMEM((3 * B_PER_W,), jnp.float32),
            pltpu.VMEM((B_PER_W,), jnp.float32),
            pltpu.SemaphoreType.DMA,
            pltpu.SemaphoreType.DMA,
        ],
    )(stage)
    return out[:, None]

# --- scband reference (transcript-rebuilt; emitter-appended) ---
"""Pipeline reference for scband-recommendation-50474455662856 (READ-ONLY COPY).

The authoritative reference and input builder live on the scoring server;
editing this copy changes nothing except your own understanding.
"""

import jax, jax.numpy as jnp
import numpy as np

NUMS = 1000000
DIM = 64
BATCH = 16384

def setup_inputs(seed: int = 0) -> dict:
    key = jax.random.key(seed)
    k1, k2 = jax.random.split(key)
    x = jax.random.randint(k1, (BATCH, 2), 0, NUMS, dtype=jnp.int64 if jax.config.jax_enable_x64 else jnp.int32)
    W = jax.random.normal(k2, (NUMS, DIM), dtype=jnp.float32)
    return {"x": x, "W": W}

def reference(x, W):
    # embedding lookup
    e = jnp.take(W, x, axis=0)  # [B, 2, D]
    # F.normalize(e, dim=2) with default p=2, eps=1e-12
    n = jnp.linalg.norm(e, axis=2, keepdims=True)
    e = e / jnp.maximum(n, 1e-12)
    # elementwise product of the two normalized embeddings, then dot-sum
    prod = e[:, 0, :] * e[:, 1, :]
    out = jnp.sum(prod, axis=1)[:, None]  # [B, 1]
    return out

if __name__ == "__main__":
    import jax
    _d = setup_inputs()
    print(jax.jit(kernel)(*tuple(_d.values())))

</pallas_src>

<mosaic_0001>
#map = affine_map<(d0, d1) -> (0, 0)>
#map1 = affine_map<(d0, d1) -> (0)>
module attributes {stable_mosaic.version = 14 : i64} {
  func.func @_cos_body(%arg0: i32, %arg1: i32, %arg2: memref<32768x128xf32, #tpu.memory_space<hbm>>, %arg3: memref<16384xf32, #tpu.memory_space<hbm>>, %arg4: memref<256x128xf32, #tpu.memory_space<vmem>>, %arg5: memref<256x128xf32, #tpu.memory_space<vmem>>, %arg6: memref<1536xf32, #tpu.memory_space<vmem>>, %arg7: memref<512xf32, #tpu.memory_space<vmem>>, %arg8: memref<!tpu.dma_semaphore, #tpu.memory_space<semaphore_mem>>, %arg9: memref<!tpu.dma_semaphore, #tpu.memory_space<semaphore_mem>>) attributes {dimension_semantics = [#tpu.dimension_semantics<core_parallel>, #tpu.dimension_semantics<subcore_parallel>], iteration_bounds = array<i64: 2, 16>, scalar_prefetch = 0 : i64, scratch_operands = 6 : i64, tpu.core_type = #tpu.core_type<sc_vector_subcore>, window_params = [{transform_indices = #map}, {transform_indices = #map1}]} {
    %mul3A = arith.constant 2 : i32
    %mul3A_0 = arith.muli %arg1, %mul3A : i32
    %add3A = arith.addi %mul3A_0, %arg0 : i32
    %mul3A_1 = arith.constant 1024 : i32
    %mul3A_2 = arith.muli %add3A, %mul3A_1 : i32
    %broadcast_in_dim3A = arith.constant 0 : i32
    %broadcast_in_dim3A_3 = vector.broadcast %broadcast_in_dim3A : i32 to vector<16xi32>
    %iota3A = tpu.iota {dimensions = array<i32: 0>} : vector<16xi32>
    %eq3A = arith.constant 15 : i32
    %eq3A_4 = vector.broadcast %eq3A : i32 to vector<16xi32>
    %eq3A_5 = arith.cmpi eq, %iota3A, %eq3A_4 : vector<16xi32>
    %add3A_6 = arith.constant 0 : i32
    %add3A_7 = arith.addi %mul3A_2, %add3A_6 : i32
    %dma_start3A = arith.constant 0 : i32
    %dma_start3A_8 = tpu.memref_slice %arg2[%add3A_7, %dma_start3A] : memref<32768x128xf32, #tpu.memory_space<hbm>> -> memref<256x128xf32, #tpu.memory_space<hbm>>
    %dma_start3A_9 = arith.constant 0 : i32
    %dma_start3A_10 = tpu.memref_slice %arg2[%add3A_7, %dma_start3A_9] : memref<32768x128xf32, #tpu.memory_space<hbm>> -> memref<256x128xf32, #tpu.memory_space<hbm>>
    tpu.enqueue_dma source(%dma_start3A_10 : memref<256x128xf32, #tpu.memory_space<hbm>>) target(%arg4 : memref<256x128xf32, #tpu.memory_space<vmem>>) target_semaphore(%arg8 : memref<!tpu.dma_semaphore, #tpu.memory_space<semaphore_mem>>)
    %add3A_11 = arith.constant 256 : i32
    %add3A_12 = arith.addi %mul3A_2, %add3A_11 : i32
    %dma_start3A_13 = arith.constant 0 : i32
    %dma_start3A_14 = tpu.memref_slice %arg2[%add3A_12, %dma_start3A_13] : memref<32768x128xf32, #tpu.memory_space<hbm>> -> memref<256x128xf32, #tpu.memory_space<hbm>>
    %dma_start3A_15 = arith.constant 0 : i32
    %dma_start3A_16 = tpu.memref_slice %arg2[%add3A_12, %dma_start3A_15] : memref<32768x128xf32, #tpu.memory_space<hbm>> -> memref<256x128xf32, #tpu.memory_space<hbm>>
    tpu.enqueue_dma source(%dma_start3A_16 : memref<256x128xf32, #tpu.memory_space<hbm>>) target(%arg5 : memref<256x128xf32, #tpu.memory_space<vmem>>) target_semaphore(%arg9 : memref<!tpu.dma_semaphore, #tpu.memory_space<semaphore_mem>>)
    %dma_wait3A = arith.constant 0 : i32
    %dma_wait3A_17 = tpu.memref_slice %arg2[%add3A_7, %dma_wait3A] : memref<32768x128xf32, #tpu.memory_space<hbm>> -> memref<256x128xf32, #tpu.memory_space<hbm>>
    %dma_wait3A_18 = arith.constant 0 : i32
    %dma_wait3A_19 = tpu.memref_slice %arg2[%add3A_7, %dma_wait3A_18] : memref<32768x128xf32, #tpu.memory_space<hbm>> -> memref<256x128xf32, #tpu.memory_space<hbm>>
    tpu.wait_dma2 semaphore(%arg8 : memref<!tpu.dma_semaphore, #tpu.memory_space<semaphore_mem>>) src(%dma_wait3A_19 : memref<256x128xf32, #tpu.memory_space<hbm>>) dst(%arg4 : memref<256x128xf32, #tpu.memory_space<vmem>>)
    %scan3A = arith.constant 0 : i32
    %scan3A_20 = arith.constant 0 : i32
    %scan3A_21 = arith.constant 128 : i32
    %scan3A_22 = arith.addi %scan3A_20, %scan3A_21 : i32
    %scan3A_23 = arith.constant 2 : i32
    %scan3A_24 = scf.for %scan3A_80 = %scan3A_20 to %scan3A_22 step %scan3A_23 iter_args(%scan3A_81 = %scan3A) -> (i32)  : i32 {
      %broadcast_in_dim3A_82 = arith.constant 0.000000e+00 : f32
      %broadcast_in_dim3A_83 = vector.broadcast %broadcast_in_dim3A_82 : f32 to vector<16xf32>
      %broadcast_in_dim3A_84 = arith.constant 0.000000e+00 : f32
      %broadcast_in_dim3A_85 = vector.broadcast %broadcast_in_dim3A_84 : f32 to vector<16xf32>
      %broadcast_in_dim3A_86 = arith.constant 0.000000e+00 : f32
      %broadcast_in_dim3A_87 = vector.broadcast %broadcast_in_dim3A_86 : f32 to vector<16xf32>
      %mul3A_88 = arith.constant 2 : i32
      %mul3A_89 = arith.muli %mul3A_88, %scan3A_80 : i32
      %get3A = arith.index_cast %mul3A_89 : i32 to index
      %get3A_90 = arith.constant 0 : index
      %get3A_91 = tpu.vector_load %arg4[%get3A, %get3A_90] {strides = array<i32>} : memref<256x128xf32, #tpu.memory_space<vmem>>, vector<16xf32>,
      %mul3A_92 = arith.constant 2 : i32
      %mul3A_93 = arith.muli %mul3A_92, %scan3A_80 : i32
      %add3A_94 = arith.constant 1 : i32
      %add3A_95 = arith.addi %mul3A_93, %add3A_94 : i32
      %get3A_96 = arith.index_cast %add3A_95 : i32 to index
      %get3A_97 = arith.constant 0 : index
      %get3A_98 = tpu.vector_load %arg4[%get3A_96, %get3A_97] {strides = array<i32>} : memref<256x128xf32, #tpu.memory_space<vmem>>, vector<16xf32>,
      %mul3A_99 = arith.mulf %get3A_91, %get3A_98 : vector<16xf32>
      %add3A_100 = arith.addf %broadcast_in_dim3A_83, %mul3A_99 : vector<16xf32>
      %mul3A_101 = arith.mulf %get3A_91, %get3A_91 : vector<16xf32>
      %add3A_102 = arith.addf %broadcast_in_dim3A_85, %mul3A_101 : vector<16xf32>
      %mul3A_103 = arith.mulf %get3A_98, %get3A_98 : vector<16xf32>
      %add3A_104 = arith.addf %broadcast_in_dim3A_87, %mul3A_103 : vector<16xf32>
      %mul3A_105 = arith.constant 2 : i32
      %mul3A_106 = arith.muli %mul3A_105, %scan3A_80 : i32
      %get3A_107 = arith.index_cast %mul3A_106 : i32 to index
      %get3A_108 = arith.constant 16 : index
      %get3A_109 = tpu.vector_load %arg4[%get3A_107, %get3A_108] {strides = array<i32>} : memref<256x128xf32, #tpu.memory_space<vmem>>, vector<16xf32>,
      %mul3A_110 = arith.constant 2 : i32
      %mul3A_111 = arith.muli %mul3A_110, %scan3A_80 : i32
      %add3A_112 = arith.constant 1 : i32
      %add3A_113 = arith.addi %mul3A_111, %add3A_112 : i32
      %get3A_114 = arith.index_cast %add3A_113 : i32 to index
      %get3A_115 = arith.constant 16 : index
      %get3A_116 = tpu.vector_load %arg4[%get3A_114, %get3A_115] {strides = array<i32>} : memref<256x128xf32, #tpu.memory_space<vmem>>, vector<16xf32>,
      %mul3A_117 = arith.mulf %get3A_109, %get3A_116 : vector<16xf32>
      %add3A_118 = arith.addf %add3A_100, %mul3A_117 : vector<16xf32>
      %mul3A_119 = arith.mulf %get3A_109, %get3A_109 : vector<16xf32>
      %add3A_120 = arith.addf %add3A_102, %mul3A_119 : vector<16xf32>
      %mul3A_121 = arith.mulf %get3A_116, %get3A_116 : vector<16xf32>
      %add3A_122 = arith.addf %add3A_104, %mul3A_121 : vector<16xf32>
      %mul3A_123 = arith.constant 2 : i32
      %mul3A_124 = arith.muli %mul3A_123, %scan3A_80 : i32
      %get3A_125 = arith.index_cast %mul3A_124 : i32 to index
      %get3A_126 = arith.constant 32 : index
      %get3A_127 = tpu.vector_load %arg4[%get3A_125, %get3A_126] {strides = array<i32>} : memref<256x128xf32, #tpu.memory_space<vmem>>, vector<16xf32>,
      %mul3A_128 = arith.constant 2 : i32
      %mul3A_129 = arith.muli %mul3A_128, %scan3A_80 : i32
      %add3A_130 = arith.constant 1 : i32
      %add3A_131 = arith.addi %mul3A_129, %add3A_130 : i32
      %get3A_132 = arith.index_cast %add3A_131 : i32 to index
      %get3A_133 = arith.constant 32 : index
      %get3A_134 = tpu.vector_load %arg4[%get3A_132, %get3A_133] {strides = array<i32>} : memref<256x128xf32, #tpu.memory_space<vmem>>, vector<16xf32>,
      %mul3A_135 = arith.mulf %get3A_127, %get3A_134 : vector<16xf32>
      %add3A_136 = arith.addf %add3A_118, %mul3A_135 : vector<16xf32>
      %mul3A_137 = arith.mulf %get3A_127, %get3A_127 : vector<16xf32>
      %add3A_138 = arith.addf %add3A_120, %mul3A_137 : vector<16xf32>
      %mul3A_139 = arith.mulf %get3A_134, %get3A_134 : vector<16xf32>
      %add3A_140 = arith.addf %add3A_122, %mul3A_139 : vector<16xf32>
      %mul3A_141 = arith.constant 2 : i32
      %mul3A_142 = arith.muli %mul3A_141, %scan3A_80 : i32
      %get3A_143 = arith.index_cast %mul3A_142 : i32 to index
      %get3A_144 = arith.constant 48 : index
      %get3A_145 = tpu.vector_load %arg4[%get3A_143, %get3A_144] {strides = array<i32>} : memref<256x128xf32, #tpu.memory_space<vmem>>, vector<16xf32>,
      %mul3A_146 = arith.constant 2 : i32
      %mul3A_147 = arith.muli %mul3A_146, %scan3A_80 : i32
      %add3A_148 = arith.constant 1 : i32
      %add3A_149 = arith.addi %mul3A_147, %add3A_148 : i32
      %get3A_150 = arith.index_cast %add3A_149 : i32 to index
      %get3A_151 = arith.constant 48 : index
      %get3A_152 = tpu.vector_load %arg4[%get3A_150, %get3A_151] {strides = array<i32>} : memref<256x128xf32, #tpu.memory_space<vmem>>, vector<16xf32>,
      %mul3A_153 = arith.mulf %get3A_145, %get3A_152 : vector<16xf32>
      %add3A_154 = arith.addf %add3A_136, %mul3A_153 : vector<16xf32>
      %mul3A_155 = arith.mulf %get3A_145, %get3A_145 : vector<16xf32>
      %add3A_156 = arith.addf %add3A_138, %mul3A_155 : vector<16xf32>
      %mul3A_157 = arith.mulf %get3A_152, %get3A_152 : vector<16xf32>
      %add3A_158 = arith.addf %add3A_140, %mul3A_157 : vector<16xf32>
      %add3A_159 = arith.constant 0 : i32
      %add3A_160 = arith.addi %add3A_159, %scan3A_80 : i32
      %add3A_161 = vector.broadcast %add3A_160 : i32 to vector<16xi32>
      %add3A_162 = arith.addi %broadcast_in_dim3A_3, %add3A_161 : vector<16xi32>
      %broadcast_in_dim3A_163 = arith.constant true
      %broadcast_in_dim3A_164 = vector.broadcast %broadcast_in_dim3A_163 : i1 to vector<16xi1>
      %masked_cumsum3A = tpu.scan <sum>, %add3A_154 masked %broadcast_in_dim3A_164 : vector<16xf32>, vector<16xi1> -> vector<16xf32>
      tpu.vector_store_idx %arg6[%add3A_162], %masked_cumsum3A masked %eq3A_5 : memref<1536xf32, #tpu.memory_space<vmem>>[vector<16xi32>], vector<16xf32>, vector<16xi1>
      %add3A_165 = arith.constant 512 : i32
      %add3A_166 = vector.broadcast %add3A_165 : i32 to vector<16xi32>
      %add3A_167 = arith.addi %add3A_162, %add3A_166 : vector<16xi32>
      %broadcast_in_dim3A_168 = arith.constant true
      %broadcast_in_dim3A_169 = vector.broadcast %broadcast_in_dim3A_168 : i1 to vector<16xi1>
      %masked_cumsum3A_170 = tpu.scan <sum>, %add3A_156 masked %broadcast_in_dim3A_169 : vector<16xf32>, vector<16xi1> -> vector<16xf32>
      tpu.vector_store_idx %arg6[%add3A_167], %masked_cumsum3A_170 masked %eq3A_5 : memref<1536xf32, #tpu.memory_space<vmem>>[vector<16xi32>], vector<16xf32>, vector<16xi1>
      %add3A_171 = arith.constant 1024 : i32
      %add3A_172 = vector.broadcast %add3A_171 : i32 to vector<16xi32>
      %add3A_173 = arith.addi %add3A_162, %add3A_172 : vector<16xi32>
      %broadcast_in_dim3A_174 = arith.constant true
      %broadcast_in_dim3A_175 = vector.broadcast %broadcast_in_dim3A_174 : i1 to vector<16xi1>
      %masked_cumsum3A_176 = tpu.scan <sum>, %add3A_158 masked %broadcast_in_dim3A_175 : vector<16xf32>, vector<16xi1> -> vector<16xf32>
      tpu.vector_store_idx %arg6[%add3A_173], %masked_cumsum3A_176 masked %eq3A_5 : memref<1536xf32, #tpu.memory_space<vmem>>[vector<16xi32>], vector<16xf32>, vector<16xi1>
      %scan3A_177 = arith.constant 0 : i32
      %scan3A_178 = arith.constant 1 : i32
      %scan3A_179 = arith.addi %scan3A_80, %scan3A_178 : i32
      %broadcast_in_dim3A_180 = arith.constant 0.000000e+00 : f32
      %broadcast_in_dim3A_181 = vector.broadcast %broadcast_in_dim3A_180 : f32 to vector<16xf32>
      %broadcast_in_dim3A_182 = arith.constant 0.000000e+00 : f32
      %broadcast_in_dim3A_183 = vector.broadcast %broadcast_in_dim3A_182 : f32 to vector<16xf32>
      %broadcast_in_dim3A_184 = arith.constant 0.000000e+00 : f32
      %broadcast_in_dim3A_185 = vector.broadcast %broadcast_in_dim3A_184 : f32 to vector<16xf32>
      %mul3A_186 = arith.constant 2 : i32
      %mul3A_187 = arith.muli %mul3A_186, %scan3A_179 : i32
      %get3A_188 = arith.index_cast %mul3A_187 : i32 to index
      %get3A_189 = arith.constant 0 : index
      %get3A_190 = tpu.vector_load %arg4[%get3A_188, %get3A_189] {strides = array<i32>} : memref<256x128xf32, #tpu.memory_space<vmem>>, vector<16xf32>,
      %mul3A_191 = arith.constant 2 : i32
      %mul3A_192 = arith.muli %mul3A_191, %scan3A_179 : i32
      %add3A_193 = arith.constant 1 : i32
      %add3A_194 = arith.addi %mul3A_192, %add3A_193 : i32
      %get3A_195 = arith.index_cast %add3A_194 : i32 to index
      %get3A_196 = arith.constant 0 : index
      %get3A_197 = tpu.vector_load %arg4[%get3A_195, %get3A_196] {strides = array<i32>} : memref<256x128xf32, #tpu.memory_space<vmem>>, vector<16xf32>,
      %mul3A_198 = arith.mulf %get3A_190, %get3A_197 : vector<16xf32>
      %add3A_199 = arith.addf %broadcast_in_dim3A_181, %mul3A_198 : vector<16xf32>
      %mul3A_200 = arith.mulf %get3A_190, %get3A_190 : vector<16xf32>
      %add3A_201 = arith.addf %broadcast_in_dim3A_183, %mul3A_200 : vector<16xf32>
      %mul3A_202 = arith.mulf %get3A_197, %get3A_197 : vector<16xf32>
      %add3A_203 = arith.addf %broadcast_in_dim3A_185, %mul3A_202 : vector<16xf32>
      %mul3A_204 = arith.constant 2 : i32
      %mul3A_205 = arith.muli %mul3A_204, %scan3A_179 : i32
      %get3A_206 = arith.index_cast %mul3A_205 : i32 to index
      %get3A_207 = arith.constant 16 : index
      %get3A_208 = tpu.vector_load %arg4[%get3A_206, %get3A_207] {strides = array<i32>} : memref<256x128xf32, #tpu.memory_space<vmem>>, vector<16xf32>,
      %mul3A_209 = arith.constant 2 : i32
      %mul3A_210 = arith.muli %mul3A_209, %scan3A_179 : i32
      %add3A_211 = arith.constant 1 : i32
      %add3A_212 = arith.addi %mul3A_210, %add3A_211 : i32
      %get3A_213 = arith.index_cast %add3A_212 : i32 to index
      %get3A_214 = arith.constant 16 : index
      %get3A_215 = tpu.vector_load %arg4[%get3A_213, %get3A_214] {strides = array<i32>} : memref<256x128xf32, #tpu.memory_space<vmem>>, vector<16xf32>,
      %mul3A_216 = arith.mulf %get3A_208, %get3A_215 : vector<16xf32>
      %add3A_217 = arith.addf %add3A_199, %mul3A_216 : vector<16xf32>
      %mul3A_218 = arith.mulf %get3A_208, %get3A_208 : vector<16xf32>
      %add3A_219 = arith.addf %add3A_201, %mul3A_218 : vector<16xf32>
      %mul3A_220 = arith.mulf %get3A_215, %get3A_215 : vector<16xf32>
      %add3A_221 = arith.addf %add3A_203, %mul3A_220 : vector<16xf32>
      %mul3A_222 = arith.constant 2 : i32
      %mul3A_223 = arith.muli %mul3A_222, %scan3A_179 : i32
      %get3A_224 = arith.index_cast %mul3A_223 : i32 to index
      %get3A_225 = arith.constant 32 : index
      %get3A_226 = tpu.vector_load %arg4[%get3A_224, %get3A_225] {strides = array<i32>} : memref<256x128xf32, #tpu.memory_space<vmem>>, vector<16xf32>,
      %mul3A_227 = arith.constant 2 : i32
      %mul3A_228 = arith.muli %mul3A_227, %scan3A_179 : i32
      %add3A_229 = arith.constant 1 : i32
      %add3A_230 = arith.addi %mul3A_228, %add3A_229 : i32
      %get3A_231 = arith.index_cast %add3A_230 : i32 to index
      %get3A_232 = arith.constant 32 : index
      %get3A_233 = tpu.vector_load %arg4[%get3A_231, %get3A_232] {strides = array<i32>} : memref<256x128xf32, #tpu.memory_space<vmem>>, vector<16xf32>,
      %mul3A_234 = arith.mulf %get3A_226, %get3A_233 : vector<16xf32>
      %add3A_235 = arith.addf %add3A_217, %mul3A_234 : vector<16xf32>
      %mul3A_236 = arith.mulf %get3A_226, %get3A_226 : vector<16xf32>
      %add3A_237 = arith.addf %add3A_219, %mul3A_236 : vector<16xf32>
      %mul3A_238 = arith.mulf %get3A_233, %get3A_233 : vector<16xf32>
      %add3A_239 = arith.addf %add3A_221, %mul3A_238 : vector<16xf32>
      %mul3A_240 = arith.constant 2 : i32
      %mul3A_241 = arith.muli %mul3A_240, %scan3A_179 : i32
      %get3A_242 = arith.index_cast %mul3A_241 : i32 to index
      %get3A_243 = arith.constant 48 : index
      %get3A_244 = tpu.vector_load %arg4[%get3A_242, %get3A_243] {strides = array<i32>} : memref<256x128xf32, #tpu.memory_space<vmem>>, vector<16xf32>,
      %mul3A_245 = arith.constant 2 : i32
      %mul3A_246 = arith.muli %mul3A_245, %scan3A_179 : i32
      %add3A_247 = arith.constant 1 : i32
      %add3A_248 = arith.addi %mul3A_246, %add3A_247 : i32
      %get3A_249 = arith.index_cast %add3A_248 : i32 to index
      %get3A_250 = arith.constant 48 : index
      %get3A_251 = tpu.vector_load %arg4[%get3A_249, %get3A_250] {strides = array<i32>} : memref<256x128xf32, #tpu.memory_space<vmem>>, vector<16xf32>,
      %mul3A_252 = arith.mulf %get3A_244, %get3A_251 : vector<16xf32>
      %add3A_253 = arith.addf %add3A_235, %mul3A_252 : vector<16xf32>
      %mul3A_254 = arith.mulf %get3A_244, %get3A_244 : vector<16xf32>
      %add3A_255 = arith.addf %add3A_237, %mul3A_254 : vector<16xf32>
      %mul3A_256 = arith.mulf %get3A_251, %get3A_251 : vector<16xf32>
      %add3A_257 = arith.addf %add3A_239, %mul3A_256 : vector<16xf32>
      %add3A_258 = arith.constant 0 : i32
      %add3A_259 = arith.addi %add3A_258, %scan3A_179 : i32
      %add3A_260 = vector.broadcast %add3A_259 : i32 to vector<16xi32>
      %add3A_261 = arith.addi %broadcast_in_dim3A_3, %add3A_260 : vector<16xi32>
      %broadcast_in_dim3A_262 = arith.constant true
      %broadcast_in_dim3A_263 = vector.broadcast %broadcast_in_dim3A_262 : i1 to vector<16xi1>
      %masked_cumsum3A_264 = tpu.scan <sum>, %add3A_253 masked %broadcast_in_dim3A_263 : vector<16xf32>, vector<16xi1> -> vector<16xf32>
      tpu.vector_store_idx %arg6[%add3A_261], %masked_cumsum3A_264 masked %eq3A_5 : memref<1536xf32, #tpu.memory_space<vmem>>[vector<16xi32>], vector<16xf32>, vector<16xi1>
      %add3A_265 = arith.constant 512 : i32
      %add3A_266 = vector.broadcast %add3A_265 : i32 to vector<16xi32>
      %add3A_267 = arith.addi %add3A_261, %add3A_266 : vector<16xi32>
      %broadcast_in_dim3A_268 = arith.constant true
      %broadcast_in_dim3A_269 = vector.broadcast %broadcast_in_dim3A_268 : i1 to vector<16xi1>
      %masked_cumsum3A_270 = tpu.scan <sum>, %add3A_255 masked %broadcast_in_dim3A_269 : vector<16xf32>, vector<16xi1> -> vector<16xf32>
      tpu.vector_store_idx %arg6[%add3A_267], %masked_cumsum3A_270 masked %eq3A_5 : memref<1536xf32, #tpu.memory_space<vmem>>[vector<16xi32>], vector<16xf32>, vector<16xi1>
      %add3A_271 = arith.constant 1024 : i32
      %add3A_272 = vector.broadcast %add3A_271 : i32 to vector<16xi32>
      %add3A_273 = arith.addi %add3A_261, %add3A_272 : vector<16xi32>
      %broadcast_in_dim3A_274 = arith.constant true
      %broadcast_in_dim3A_275 = vector.broadcast %broadcast_in_dim3A_274 : i1 to vector<16xi1>
      %masked_cumsum3A_276 = tpu.scan <sum>, %add3A_257 masked %broadcast_in_dim3A_275 : vector<16xf32>, vector<16xi1> -> vector<16xf32>
      tpu.vector_store_idx %arg6[%add3A_273], %masked_cumsum3A_276 masked %eq3A_5 : memref<1536xf32, #tpu.memory_space<vmem>>[vector<16xi32>], vector<16xf32>, vector<16xi1>
      %scan3A_277 = arith.constant 0 : i32
      scf.yield %scan3A_277 : i32
    }
    %scan3A_25 = arith.constant 128 : i32
    %add3A_26 = arith.constant 512 : i32
    %add3A_27 = arith.addi %mul3A_2, %add3A_26 : i32
    %dma_start3A_28 = arith.constant 0 : i32
    %dma_start3A_29 = tpu.memref_slice %arg2[%add3A_27, %dma_start3A_28] : memref<32768x128xf32, #tpu.memory_space<hbm>> -> memref<256x128xf32, #tpu.memory_space<hbm>>
    %dma_start3A_30 = arith.constant 0 : i32
    %dma_start3A_31 = tpu.memref_slice %arg2[%add3A_27, %dma_start3A_30] : memref<32768x128xf32, #tpu.memory_space<hbm>> -> memref<256x128xf32, #tpu.memory_space<hbm>>
    tpu.enqueue_dma source(%dma_start3A_31 : memref<256x128xf32, #tpu.memory_space<hbm>>) target(%arg4 : memref<256x128xf32, #tpu.memory_space<vmem>>) target_semaphore(%arg8 : memref<!tpu.dma_semaphore, #tpu.memory_space<semaphore_mem>>)
    %dma_wait3A_32 = arith.constant 0 : i32
    %dma_wait3A_33 = tpu.memref_slice %arg2[%add3A_12, %dma_wait3A_32] : memref<32768x128xf32, #tpu.memory_space<hbm>> -> memref<256x128xf32, #tpu.memory_space<hbm>>
    %dma_wait3A_34 = arith.constant 0 : i32
    %dma_wait3A_35 = tpu.memref_slice %arg2[%add3A_12, %dma_wait3A_34] : memref<32768x128xf32, #tpu.memory_space<hbm>> -> memref<256x128xf32, #tpu.memory_space<hbm>>
    tpu.wait_dma2 semaphore(%arg9 : memref<!tpu.dma_semaphore, #tpu.memory_space<semaphore_mem>>) src(%dma_wait3A_35 : memref<256x128xf32, #tpu.memory_space<hbm>>) dst(%arg5 : memref<256x128xf32, #tpu.memory_space<vmem>>)
    %scan3A_36 = arith.constant 0 : i32
    %scan3A_37 = arith.constant 0 : i32
    %scan3A_38 = arith.constant 128 : i32
    %scan3A_39 = arith.addi %scan3A_37, %scan3A_38 : i32
    %scan3A_40 = arith.constant 2 : i32
    %scan3A_41 = scf.for %scan3A_80 = %scan3A_37 to %scan3A_39 step %scan3A_40 iter_args(%scan3A_81 = %scan3A_36) -> (i32)  : i32 {
      %broadcast_in_dim3A_82 = arith.constant 0.000000e+00 : f32
      %broadcast_in_dim3A_83 = vector.broadcast %broadcast_in_dim3A_82 : f32 to vector<16xf32>
      %broadcast_in_dim3A_84 = arith.constant 0.000000e+00 : f32
      %broadcast_in_dim3A_85 = vector.broadcast %broadcast_in_dim3A_84 : f32 to vector<16xf32>
      %broadcast_in_dim3A_86 = arith.constant 0.000000e+00 : f32
      %broadcast_in_dim3A_87 = vector.broadcast %broadcast_in_dim3A_86 : f32 to vector<16xf32>
      %mul3A_88 = arith.constant 2 : i32
      %mul3A_89 = arith.muli %mul3A_88, %scan3A_80 : i32
      %get3A = arith.index_cast %mul3A_89 : i32 to index
      %get3A_90 = arith.constant 0 : index
      %get3A_91 = tpu.vector_load %arg5[%get3A, %get3A_90] {strides = array<i32>} : memref<256x128xf32, #tpu.memory_space<vmem>>, vector<16xf32>,
      %mul3A_92 = arith.constant 2 : i32
      %mul3A_93 = arith.muli %mul3A_92, %scan3A_80 : i32
      %add3A_94 = arith.constant 1 : i32
      %add3A_95 = arith.addi %mul3A_93, %add3A_94 : i32
      %get3A_96 = arith.index_cast %add3A_95 : i32 to index
      %get3A_97 = arith.constant 0 : index
      %get3A_98 = tpu.vector_load %arg5[%get3A_96, %get3A_97] {strides = array<i32>} : memref<256x128xf32, #tpu.memory_space<vmem>>, vector<16xf32>,
      %mul3A_99 = arith.mulf %get3A_91, %get3A_98 : vector<16xf32>
      %add3A_100 = arith.addf %broadcast_in_dim3A_83, %mul3A_99 : vector<16xf32>
      %mul3A_101 = arith.mulf %get3A_91, %get3A_91 : vector<16xf32>
      %add3A_102 = arith.addf %broadcast_in_dim3A_85, %mul3A_101 : vector<16xf32>
      %mul3A_103 = arith.mulf %get3A_98, %get3A_98 : vector<16xf32>
      %add3A_104 = arith.addf %broadcast_in_dim3A_87, %mul3A_103 : vector<16xf32>
      %mul3A_105 = arith.constant 2 : i32
      %mul3A_106 = arith.muli %mul3A_105, %scan3A_80 : i32
      %get3A_107 = arith.index_cast %mul3A_106 : i32 to index
      %get3A_108 = arith.constant 16 : index
      %get3A_109 = tpu.vector_load %arg5[%get3A_107, %get3A_108] {strides = array<i32>} : memref<256x128xf32, #tpu.memory_space<vmem>>, vector<16xf32>,
      %mul3A_110 = arith.constant 2 : i32
      %mul3A_111 = arith.muli %mul3A_110, %scan3A_80 : i32
      %add3A_112 = arith.constant 1 : i32
      %add3A_113 = arith.addi %mul3A_111, %add3A_112 : i32
      %get3A_114 = arith.index_cast %add3A_113 : i32 to index
      %get3A_115 = arith.constant 16 : index
      %get3A_116 = tpu.vector_load %arg5[%get3A_114, %get3A_115] {strides = array<i32>} : memref<256x128xf32, #tpu.memory_space<vmem>>, vector<16xf32>,
      %mul3A_117 = arith.mulf %get3A_109, %get3A_116 : vector<16xf32>
      %add3A_118 = arith.addf %add3A_100, %mul3A_117 : vector<16xf32>
      %mul3A_119 = arith.mulf %get3A_109, %get3A_109 : vector<16xf32>
      %add3A_120 = arith.addf %add3A_102, %mul3A_119 : vector<16xf32>
      %mul3A_121 = arith.mulf %get3A_116, %get3A_116 : vector<16xf32>
      %add3A_122 = arith.addf %add3A_104, %mul3A_121 : vector<16xf32>
      %mul3A_123 = arith.constant 2 : i32
      %mul3A_124 = arith.muli %mul3A_123, %scan3A_80 : i32
      %get3A_125 = arith.index_cast %mul3A_124 : i32 to index
      %get3A_126 = arith.constant 32 : index
      %get3A_127 = tpu.vector_load %arg5[%get3A_125, %get3A_126] {strides = array<i32>} : memref<256x128xf32, #tpu.memory_space<vmem>>, vector<16xf32>,
      %mul3A_128 = arith.constant 2 : i32
      %mul3A_129 = arith.muli %mul3A_128, %scan3A_80 : i32
      %add3A_130 = arith.constant 1 : i32
      %add3A_131 = arith.addi %mul3A_129, %add3A_130 : i32
      %get3A_132 = arith.index_cast %add3A_131 : i32 to index
      %get3A_133 = arith.constant 32 : index
      %get3A_134 = tpu.vector_load %arg5[%get3A_132, %get3A_133] {strides = array<i32>} : memref<256x128xf32, #tpu.memory_space<vmem>>, vector<16xf32>,
      %mul3A_135 = arith.mulf %get3A_127, %get3A_134 : vector<16xf32>
      %add3A_136 = arith.addf %add3A_118, %mul3A_135 : vector<16xf32>
      %mul3A_137 = arith.mulf %get3A_127, %get3A_127 : vector<16xf32>
      %add3A_138 = arith.addf %add3A_120, %mul3A_137 : vector<16xf32>
      %mul3A_139 = arith.mulf %get3A_134, %get3A_134 : vector<16xf32>
      %add3A_140 = arith.addf %add3A_122, %mul3A_139 : vector<16xf32>
      %mul3A_141 = arith.constant 2 : i32
      %mul3A_142 = arith.muli %mul3A_141, %scan3A_80 : i32
      %get3A_143 = arith.index_cast %mul3A_142 : i32 to index
      %get3A_144 = arith.constant 48 : index
      %get3A_145 = tpu.vector_load %arg5[%get3A_143, %get3A_144] {strides = array<i32>} : memref<256x128xf32, #tpu.memory_space<vmem>>, vector<16xf32>,
      %mul3A_146 = arith.constant 2 : i32
      %mul3A_147 = arith.muli %mul3A_146, %scan3A_80 : i32
      %add3A_148 = arith.constant 1 : i32
      %add3A_149 = arith.addi %mul3A_147, %add3A_148 : i32
      %get3A_150 = arith.index_cast %add3A_149 : i32 to index
      %get3A_151 = arith.constant 48 : index
      %get3A_152 = tpu.vector_load %arg5[%get3A_150, %get3A_151] {strides = array<i32>} : memref<256x128xf32, #tpu.memory_space<vmem>>, vector<16xf32>,
      %mul3A_153 = arith.mulf %get3A_145, %get3A_152 : vector<16xf32>
      %add3A_154 = arith.addf %add3A_136, %mul3A_153 : vector<16xf32>
      %mul3A_155 = arith.mulf %get3A_145, %get3A_145 : vector<16xf32>
      %add3A_156 = arith.addf %add3A_138, %mul3A_155 : vector<16xf32>
      %mul3A_157 = arith.mulf %get3A_152, %get3A_152 : vector<16xf32>
      %add3A_158 = arith.addf %add3A_140, %mul3A_157 : vector<16xf32>
      %add3A_159 = arith.constant 128 : i32
      %add3A_160 = arith.addi %add3A_159, %scan3A_80 : i32
      %add3A_161 = vector.broadcast %add3A_160 : i32 to vector<16xi32>
      %add3A_162 = arith.addi %broadcast_in_dim3A_3, %add3A_161 : vector<16xi32>
      %broadcast_in_dim3A_163 = arith.constant true
      %broadcast_in_dim3A_164 = vector.broadcast %broadcast_in_dim3A_163 : i1 to vector<16xi1>
      %masked_cumsum3A = tpu.scan <sum>, %add3A_154 masked %broadcast_in_dim3A_164 : vector<16xf32>, vector<16xi1> -> vector<16xf32>
      tpu.vector_store_idx %arg6[%add3A_162], %masked_cumsum3A masked %eq3A_5 : memref<1536xf32, #tpu.memory_space<vmem>>[vector<16xi32>], vector<16xf32>, vector<16xi1>
      %add3A_165 = arith.constant 512 : i32
      %add3A_166 = vector.broadcast %add3A_165 : i32 to vector<16xi32>
      %add3A_167 = arith.addi %add3A_162, %add3A_166 : vector<16xi32>
      %broadcast_in_dim3A_168 = arith.constant true
      %broadcast_in_dim3A_169 = vector.broadcast %broadcast_in_dim3A_168 : i1 to vector<16xi1>
      %masked_cumsum3A_170 = tpu.scan <sum>, %add3A_156 masked %broadcast_in_dim3A_169 : vector<16xf32>, vector<16xi1> -> vector<16xf32>
      tpu.vector_store_idx %arg6[%add3A_167], %masked_cumsum3A_170 masked %eq3A_5 : memref<1536xf32, #tpu.memory_space<vmem>>[vector<16xi32>], vector<16xf32>, vector<16xi1>
      %add3A_171 = arith.constant 1024 : i32
      %add3A_172 = vector.broadcast %add3A_171 : i32 to vector<16xi32>
      %add3A_173 = arith.addi %add3A_162, %add3A_172 : vector<16xi32>
      %broadcast_in_dim3A_174 = arith.constant true
      %broadcast_in_dim3A_175 = vector.broadcast %broadcast_in_dim3A_174 : i1 to vector<16xi1>
      %masked_cumsum3A_176 = tpu.scan <sum>, %add3A_158 masked %broadcast_in_dim3A_175 : vector<16xf32>, vector<16xi1> -> vector<16xf32>
      tpu.vector_store_idx %arg6[%add3A_173], %masked_cumsum3A_176 masked %eq3A_5 : memref<1536xf32, #tpu.memory_space<vmem>>[vector<16xi32>], vector<16xf32>, vector<16xi1>
      %scan3A_177 = arith.constant 0 : i32
      %scan3A_178 = arith.constant 1 : i32
      %scan3A_179 = arith.addi %scan3A_80, %scan3A_178 : i32
      %broadcast_in_dim3A_180 = arith.constant 0.000000e+00 : f32
      %broadcast_in_dim3A_181 = vector.broadcast %broadcast_in_dim3A_180 : f32 to vector<16xf32>
      %broadcast_in_dim3A_182 = arith.constant 0.000000e+00 : f32
      %broadcast_in_dim3A_183 = vector.broadcast %broadcast_in_dim3A_182 : f32 to vector<16xf32>
      %broadcast_in_dim3A_184 = arith.constant 0.000000e+00 : f32
      %broadcast_in_dim3A_185 = vector.broadcast %broadcast_in_dim3A_184 : f32 to vector<16xf32>
      %mul3A_186 = arith.constant 2 : i32
      %mul3A_187 = arith.muli %mul3A_186, %scan3A_179 : i32
      %get3A_188 = arith.index_cast %mul3A_187 : i32 to index
      %get3A_189 = arith.constant 0 : index
      %get3A_190 = tpu.vector_load %arg5[%get3A_188, %get3A_189] {strides = array<i32>} : memref<256x128xf32, #tpu.memory_space<vmem>>, vector<16xf32>,
      %mul3A_191 = arith.constant 2 : i32
      %mul3A_192 = arith.muli %mul3A_191, %scan3A_179 : i32
      %add3A_193 = arith.constant 1 : i32
      %add3A_194 = arith.addi %mul3A_192, %add3A_193 : i32
      %get3A_195 = arith.index_cast %add3A_194 : i32 to index
      %get3A_196 = arith.constant 0 : index
      %get3A_197 = tpu.vector_load %arg5[%get3A_195, %get3A_196] {strides = array<i32>} : memref<256x128xf32, #tpu.memory_space<vmem>>, vector<16xf32>,
      %mul3A_198 = arith.mulf %get3A_190, %get3A_197 : vector<16xf32>
      %add3A_199 = arith.addf %broadcast_in_dim3A_181, %mul3A_198 : vector<16xf32>
      %mul3A_200 = arith.mulf %get3A_190, %get3A_190 : vector<16xf32>
      %add3A_201 = arith.addf %broadcast_in_dim3A_183, %mul3A_200 : vector<16xf32>
      %mul3A_202 = arith.mulf %get3A_197, %get3A_197 : vector<16xf32>
      %add3A_203 = arith.addf %broadcast_in_dim3A_185, %mul3A_202 : vector<16xf32>
      %mul3A_204 = arith.constant 2 : i32
      %mul3A_205 = arith.muli %mul3A_204, %scan3A_179 : i32
      %get3A_206 = arith.index_cast %mul3A_205 : i32 to index
      %get3A_207 = arith.constant 16 : index
      %get3A_208 = tpu.vector_load %arg5[%get3A_206, %get3A_207] {strides = array<i32>} : memref<256x128xf32, #tpu.memory_space<vmem>>, vector<16xf32>,
      %mul3A_209 = arith.constant 2 : i32
      %mul3A_210 = arith.muli %mul3A_209, %scan3A_179 : i32
      %add3A_211 = arith.constant 1 : i32
      %add3A_212 = arith.addi %mul3A_210, %add3A_211 : i32
      %get3A_213 = arith.index_cast %add3A_212 : i32 to index
      %get3A_214 = arith.constant 16 : index
      %get3A_215 = tpu.vector_load %arg5[%get3A_213, %get3A_214] {strides = array<i32>} : memref<256x128xf32, #tpu.memory_space<vmem>>, vector<16xf32>,
      %mul3A_216 = arith.mulf %get3A_208, %get3A_215 : vector<16xf32>
      %add3A_217 = arith.addf %add3A_199, %mul3A_216 : vector<16xf32>
      %mul3A_218 = arith.mulf %get3A_208, %get3A_208 : vector<16xf32>
      %add3A_219 = arith.addf %add3A_201, %mul3A_218 : vector<16xf32>
      %mul3A_220 = arith.mulf %get3A_215, %get3A_215 : vector<16xf32>
      %add3A_221 = arith.addf %add3A_203, %mul3A_220 : vector<16xf32>
      %mul3A_222 = arith.constant 2 : i32
      %mul3A_223 = arith.muli %mul3A_222, %scan3A_179 : i32
      %get3A_224 = arith.index_cast %mul3A_223 : i32 to index
      %get3A_225 = arith.constant 32 : index
      %get3A_226 = tpu.vector_load %arg5[%get3A_224, %get3A_225] {strides = array<i32>} : memref<256x128xf32, #tpu.memory_space<vmem>>, vector<16xf32>,
      %mul3A_227 = arith.constant 2 : i32
      %mul3A_228 = arith.muli %mul3A_227, %scan3A_179 : i32
      %add3A_229 = arith.constant 1 : i32
      %add3A_230 = arith.addi %mul3A_228, %add3A_229 : i32
      %get3A_231 = arith.index_cast %add3A_230 : i32 to index
      %get3A_232 = arith.constant 32 : index
      %get3A_233 = tpu.vector_load %arg5[%get3A_231, %get3A_232] {strides = array<i32>} : memref<256x128xf32, #tpu.memory_space<vmem>>, vector<16xf32>,
      %mul3A_234 = arith.mulf %get3A_226, %get3A_233 : vector<16xf32>
      %add3A_235 = arith.addf %add3A_217, %mul3A_234 : vector<16xf32>
      %mul3A_236 = arith.mulf %get3A_226, %get3A_226 : vector<16xf32>
      %add3A_237 = arith.addf %add3A_219, %mul3A_236 : vector<16xf32>
      %mul3A_238 = arith.mulf %get3A_233, %get3A_233 : vector<16xf32>
      %add3A_239 = arith.addf %add3A_221, %mul3A_238 : vector<16xf32>
      %mul3A_240 = arith.constant 2 : i32
      %mul3A_241 = arith.muli %mul3A_240, %scan3A_179 : i32
      %get3A_242 = arith.index_cast %mul3A_241 : i32 to index
      %get3A_243 = arith.constant 48 : index
      %get3A_244 = tpu.vector_load %arg5[%get3A_242, %get3A_243] {strides = array<i32>} : memref<256x128xf32, #tpu.memory_space<vmem>>, vector<16xf32>,
      %mul3A_245 = arith.constant 2 : i32
      %mul3A_246 = arith.muli %mul3A_245, %scan3A_179 : i32
      %add3A_247 = arith.constant 1 : i32
      %add3A_248 = arith.addi %mul3A_246, %add3A_247 : i32
      %get3A_249 = arith.index_cast %add3A_248 : i32 to index
      %get3A_250 = arith.constant 48 : index
      %get3A_251 = tpu.vector_load %arg5[%get3A_249, %get3A_250] {strides = array<i32>} : memref<256x128xf32, #tpu.memory_space<vmem>>, vector<16xf32>,
      %mul3A_252 = arith.mulf %get3A_244, %get3A_251 : vector<16xf32>
      %add3A_253 = arith.addf %add3A_235, %mul3A_252 : vector<16xf32>
      %mul3A_254 = arith.mulf %get3A_244, %get3A_244 : vector<16xf32>
      %add3A_255 = arith.addf %add3A_237, %mul3A_254 : vector<16xf32>
      %mul3A_256 = arith.mulf %get3A_251, %get3A_251 : vector<16xf32>
      %add3A_257 = arith.addf %add3A_239, %mul3A_256 : vector<16xf32>
      %add3A_258 = arith.constant 128 : i32
      %add3A_259 = arith.addi %add3A_258, %scan3A_179 : i32
      %add3A_260 = vector.broadcast %add3A_259 : i32 to vector<16xi32>
      %add3A_261 = arith.addi %broadcast_in_dim3A_3, %add3A_260 : vector<16xi32>
      %broadcast_in_dim3A_262 = arith.constant true
      %broadcast_in_dim3A_263 = vector.broadcast %broadcast_in_dim3A_262 : i1 to vector<16xi1>
      %masked_cumsum3A_264 = tpu.scan <sum>, %add3A_253 masked %broadcast_in_dim3A_263 : vector<16xf32>, vector<16xi1> -> vector<16xf32>
      tpu.vector_store_idx %arg6[%add3A_261], %masked_cumsum3A_264 masked %eq3A_5 : memref<1536xf32, #tpu.memory_space<vmem>>[vector<16xi32>], vector<16xf32>, vector<16xi1>
      %add3A_265 = arith.constant 512 : i32
      %add3A_266 = vector.broadcast %add3A_265 : i32 to vector<16xi32>
      %add3A_267 = arith.addi %add3A_261, %add3A_266 : vector<16xi32>
      %broadcast_in_dim3A_268 = arith.constant true
      %broadcast_in_dim3A_269 = vector.broadcast %broadcast_in_dim3A_268 : i1 to vector<16xi1>
      %masked_cumsum3A_270 = tpu.scan <sum>, %add3A_255 masked %broadcast_in_dim3A_269 : vector<16xf32>, vector<16xi1> -> vector<16xf32>
      tpu.vector_store_idx %arg6[%add3A_267], %masked_cumsum3A_270 masked %eq3A_5 : memref<1536xf32, #tpu.memory_space<vmem>>[vector<16xi32>], vector<16xf32>, vector<16xi1>
      %add3A_271 = arith.constant 1024 : i32
      %add3A_272 = vector.broadcast %add3A_271 : i32 to vector<16xi32>
      %add3A_273 = arith.addi %add3A_261, %add3A_272 : vector<16xi32>
      %broadcast_in_dim3A_274 = arith.constant true
      %broadcast_in_dim3A_275 = vector.broadcast %broadcast_in_dim3A_274 : i1 to vector<16xi1>
      %masked_cumsum3A_276 = tpu.scan <sum>, %add3A_257 masked %broadcast_in_dim3A_275 : vector<16xf32>, vector<16xi1> -> vector<16xf32>
      tpu.vector_store_idx %arg6[%add3A_273], %masked_cumsum3A_276 masked %eq3A_5 : memref<1536xf32, #tpu.memory_space<vmem>>[vector<16xi32>], vector<16xf32>, vector<16xi1>
      %scan3A_277 = arith.constant 0 : i32
      scf.yield %scan3A_277 : i32
    }
    %scan3A_42 = arith.constant 128 : i32
    %add3A_43 = arith.constant 768 : i32
    %add3A_44 = arith.addi %mul3A_2, %add3A_43 : i32
    %dma_start3A_45 = arith.constant 0 : i32
    %dma_start3A_46 = tpu.memref_slice %arg2[%add3A_44, %dma_start3A_45] : memref<32768x128xf32, #tpu.memory_space<hbm>> -> memref<256x128xf32, #tpu.memory_space<hbm>>
    %dma_start3A_47 = arith.constant 0 : i32
    %dma_start3A_48 = tpu.memref_slice %arg2[%add3A_44, %dma_start3A_47] : memref<32768x128xf32, #tpu.memory_space<hbm>> -> memref<256x128xf32, #tpu.memory_space<hbm>>
    tpu.enqueue_dma source(%dma_start3A_48 : memref<256x128xf32, #tpu.memory_space<hbm>>) target(%arg5 : memref<256x128xf32, #tpu.memory_space<vmem>>) target_semaphore(%arg9 : memref<!tpu.dma_semaphore, #tpu.memory_space<semaphore_mem>>)
    %dma_wait3A_49 = arith.constant 0 : i32
    %dma_wait3A_50 = tpu.memref_slice %arg2[%add3A_27, %dma_wait3A_49] : memref<32768x128xf32, #tpu.memory_space<hbm>> -> memref<256x128xf32, #tpu.memory_space<hbm>>
    %dma_wait3A_51 = arith.constant 0 : i32
    %dma_wait3A_52 = tpu.memref_slice %arg2[%add3A_27, %dma_wait3A_51] : memref<32768x128xf32, #tpu.memory_space<hbm>> -> memref<256x128xf32, #tpu.memory_space<hbm>>
    tpu.wait_dma2 semaphore(%arg8 : memref<!tpu.dma_semaphore, #tpu.memory_space<semaphore_mem>>) src(%dma_wait3A_52 : memref<256x128xf32, #tpu.memory_space<hbm>>) dst(%arg4 : memref<256x128xf32, #tpu.memory_space<vmem>>)
    %scan3A_53 = arith.constant 0 : i32
    %scan3A_54 = arith.constant 0 : i32
    %scan3A_55 = arith.constant 128 : i32
    %scan3A_56 = arith.addi %scan3A_54, %scan3A_55 : i32
    %scan3A_57 = arith.constant 2 : i32
    %scan3A_58 = scf.for %scan3A_80 = %scan3A_54 to %scan3A_56 step %scan3A_57 iter_args(%scan3A_81 = %scan3A_53) -> (i32)  : i32 {
      %broadcast_in_dim3A_82 = arith.constant 0.000000e+00 : f32
      %broadcast_in_dim3A_83 = vector.broadcast %broadcast_in_dim3A_82 : f32 to vector<16xf32>
      %broadcast_in_dim3A_84 = arith.constant 0.000000e+00 : f32
      %broadcast_in_dim3A_85 = vector.broadcast %broadcast_in_dim3A_84 : f32 to vector<16xf32>
      %broadcast_in_dim3A_86 = arith.constant 0.000000e+00 : f32
      %broadcast_in_dim3A_87 = vector.broadcast %broadcast_in_dim3A_86 : f32 to vector<16xf32>
      %mul3A_88 = arith.constant 2 : i32
      %mul3A_89 = arith.muli %mul3A_88, %scan3A_80 : i32
      %get3A = arith.index_cast %mul3A_89 : i32 to index
      %get3A_90 = arith.constant 0 : index
      %get3A_91 = tpu.vector_load %arg4[%get3A, %get3A_90] {strides = array<i32>} : memref<256x128xf32, #tpu.memory_space<vmem>>, vector<16xf32>,
      %mul3A_92 = arith.constant 2 : i32
      %mul3A_93 = arith.muli %mul3A_92, %scan3A_80 : i32
      %add3A_94 = arith.constant 1 : i32
      %add3A_95 = arith.addi %mul3A_93, %add3A_94 : i32
      %get3A_96 = arith.index_cast %add3A_95 : i32 to index
      %get3A_97 = arith.constant 0 : index
      %get3A_98 = tpu.vector_load %arg4[%get3A_96, %get3A_97] {strides = array<i32>} : memref<256x128xf32, #tpu.memory_space<vmem>>, vector<16xf32>,
      %mul3A_99 = arith.mulf %get3A_91, %get3A_98 : vector<16xf32>
      %add3A_100 = arith.addf %broadcast_in_dim3A_83, %mul3A_99 : vector<16xf32>
      %mul3A_101 = arith.mulf %get3A_91, %get3A_91 : vector<16xf32>
      %add3A_102 = arith.addf %broadcast_in_dim3A_85, %mul3A_101 : vector<16xf32>
      %mul3A_103 = arith.mulf %get3A_98, %get3A_98 : vector<16xf32>
      %add3A_104 = arith.addf %broadcast_in_dim3A_87, %mul3A_103 : vector<16xf32>
      %mul3A_105 = arith.constant 2 : i32
      %mul3A_106 = arith.muli %mul3A_105, %scan3A_80 : i32
      %get3A_107 = arith.index_cast %mul3A_106 : i32 to index
      %get3A_108 = arith.constant 16 : index
      %get3A_109 = tpu.vector_load %arg4[%get3A_107, %get3A_108] {strides = array<i32>} : memref<256x128xf32, #tpu.memory_space<vmem>>, vector<16xf32>,
      %mul3A_110 = arith.constant 2 : i32
      %mul3A_111 = arith.muli %mul3A_110, %scan3A_80 : i32
      %add3A_112 = arith.constant 1 : i32
      %add3A_113 = arith.addi %mul3A_111, %add3A_112 : i32
      %get3A_114 = arith.index_cast %add3A_113 : i32 to index
      %get3A_115 = arith.constant 16 : index
      %get3A_116 = tpu.vector_load %arg4[%get3A_114, %get3A_115] {strides = array<i32>} : memref<256x128xf32, #tpu.memory_space<vmem>>, vector<16xf32>,
      %mul3A_117 = arith.mulf %get3A_109, %get3A_116 : vector<16xf32>
      %add3A_118 = arith.addf %add3A_100, %mul3A_117 : vector<16xf32>
      %mul3A_119 = arith.mulf %get3A_109, %get3A_109 : vector<16xf32>
      %add3A_120 = arith.addf %add3A_102, %mul3A_119 : vector<16xf32>
      %mul3A_121 = arith.mulf %get3A_116, %get3A_116 : vector<16xf32>
      %add3A_122 = arith.addf %add3A_104, %mul3A_121 : vector<16xf32>
      %mul3A_123 = arith.constant 2 : i32
      %mul3A_124 = arith.muli %mul3A_123, %scan3A_80 : i32
      %get3A_125 = arith.index_cast %mul3A_124 : i32 to index
      %get3A_126 = arith.constant 32 : index
      %get3A_127 = tpu.vector_load %arg4[%get3A_125, %get3A_126] {strides = array<i32>} : memref<256x128xf32, #tpu.memory_space<vmem>>, vector<16xf32>,
      %mul3A_128 = arith.constant 2 : i32
      %mul3A_129 = arith.muli %mul3A_128, %scan3A_80 : i32
      %add3A_130 = arith.constant 1 : i32
      %add3A_131 = arith.addi %mul3A_129, %add3A_130 : i32
      %get3A_132 = arith.index_cast %add3A_131 : i32 to index
      %get3A_133 = arith.constant 32 : index
      %get3A_134 = tpu.vector_load %arg4[%get3A_132, %get3A_133] {strides = array<i32>} : memref<256x128xf32, #tpu.memory_space<vmem>>, vector<16xf32>,
      %mul3A_135 = arith.mulf %get3A_127, %get3A_134 : vector<16xf32>
      %add3A_136 = arith.addf %add3A_118, %mul3A_135 : vector<16xf32>
      %mul3A_137 = arith.mulf %get3A_127, %get3A_127 : vector<16xf32>
      %add3A_138 = arith.addf %add3A_120, %mul3A_137 : vector<16xf32>
      %mul3A_139 = arith.mulf %get3A_134, %get3A_134 : vector<16xf32>
      %add3A_140 = arith.addf %add3A_122, %mul3A_139 : vector<16xf32>
      %mul3A_141 = arith.constant 2 : i32
      %mul3A_142 = arith.muli %mul3A_141, %scan3A_80 : i32
      %get3A_143 = arith.index_cast %mul3A_142 : i32 to index
      %get3A_144 = arith.constant 48 : index
      %get3A_145 = tpu.vector_load %arg4[%get3A_143, %get3A_144] {strides = array<i32>} : memref<256x128xf32, #tpu.memory_space<vmem>>, vector<16xf32>,
      %mul3A_146 = arith.constant 2 : i32
      %mul3A_147 = arith.muli %mul3A_146, %scan3A_80 : i32
      %add3A_148 = arith.constant 1 : i32
      %add3A_149 = arith.addi %mul3A_147, %add3A_148 : i32
      %get3A_150 = arith.index_cast %add3A_149 : i32 to index
      %get3A_151 = arith.constant 48 : index
      %get3A_152 = tpu.vector_load %arg4[%get3A_150, %get3A_151] {strides = array<i32>} : memref<256x128xf32, #tpu.memory_space<vmem>>, vector<16xf32>,
      %mul3A_153 = arith.mulf %get3A_145, %get3A_152 : vector<16xf32>
      %add3A_154 = arith.addf %add3A_136, %mul3A_153 : vector<16xf32>
      %mul3A_155 = arith.mulf %get3A_145, %get3A_145 : vector<16xf32>
      %add3A_156 = arith.addf %add3A_138, %mul3A_155 : vector<16xf32>
      %mul3A_157 = arith.mulf %get3A_152, %get3A_152 : vector<16xf32>
      %add3A_158 = arith.addf %add3A_140, %mul3A_157 : vector<16xf32>
      %add3A_159 = arith.constant 256 : i32
      %add3A_160 = arith.addi %add3A_159, %scan3A_80 : i32
      %add3A_161 = vector.broadcast %add3A_160 : i32 to vector<16xi32>
      %add3A_162 = arith.addi %broadcast_in_dim3A_3, %add3A_161 : vector<16xi32>
      %broadcast_in_dim3A_163 = arith.constant true
      %broadcast_in_dim3A_164 = vector.broadcast %broadcast_in_dim3A_163 : i1 to vector<16xi1>
      %masked_cumsum3A = tpu.scan <sum>, %add3A_154 masked %broadcast_in_dim3A_164 : vector<16xf32>, vector<16xi1> -> vector<16xf32>
      tpu.vector_store_idx %arg6[%add3A_162], %masked_cumsum3A masked %eq3A_5 : memref<1536xf32, #tpu.memory_space<vmem>>[vector<16xi32>], vector<16xf32>, vector<16xi1>
      %add3A_165 = arith.constant 512 : i32
      %add3A_166 = vector.broadcast %add3A_165 : i32 to vector<16xi32>
      %add3A_167 = arith.addi %add3A_162, %add3A_166 : vector<16xi32>
      %broadcast_in_dim3A_168 = arith.constant true
      %broadcast_in_dim3A_169 = vector.broadcast %broadcast_in_dim3A_168 : i1 to vector<16xi1>
      %masked_cumsum3A_170 = tpu.scan <sum>, %add3A_156 masked %broadcast_in_dim3A_169 : vector<16xf32>, vector<16xi1> -> vector<16xf32>
      tpu.vector_store_idx %arg6[%add3A_167], %masked_cumsum3A_170 masked %eq3A_5 : memref<1536xf32, #tpu.memory_space<vmem>>[vector<16xi32>], vector<16xf32>, vector<16xi1>
      %add3A_171 = arith.constant 1024 : i32
      %add3A_172 = vector.broadcast %add3A_171 : i32 to vector<16xi32>
      %add3A_173 = arith.addi %add3A_162, %add3A_172 : vector<16xi32>
      %broadcast_in_dim3A_174 = arith.constant true
      %broadcast_in_dim3A_175 = vector.broadcast %broadcast_in_dim3A_174 : i1 to vector<16xi1>
      %masked_cumsum3A_176 = tpu.scan <sum>, %add3A_158 masked %broadcast_in_dim3A_175 : vector<16xf32>, vector<16xi1> -> vector<16xf32>
      tpu.vector_store_idx %arg6[%add3A_173], %masked_cumsum3A_176 masked %eq3A_5 : memref<1536xf32, #tpu.memory_space<vmem>>[vector<16xi32>], vector<16xf32>, vector<16xi1>
      %scan3A_177 = arith.constant 0 : i32
      %scan3A_178 = arith.constant 1 : i32
      %scan3A_179 = arith.addi %scan3A_80, %scan3A_178 : i32
      %broadcast_in_dim3A_180 = arith.constant 0.000000e+00 : f32
      %broadcast_in_dim3A_181 = vector.broadcast %broadcast_in_dim3A_180 : f32 to vector<16xf32>
      %broadcast_in_dim3A_182 = arith.constant 0.000000e+00 : f32
      %broadcast_in_dim3A_183 = vector.broadcast %broadcast_in_dim3A_182 : f32 to vector<16xf32>
      %broadcast_in_dim3A_184 = arith.constant 0.000000e+00 : f32
      %broadcast_in_dim3A_185 = vector.broadcast %broadcast_in_dim3A_184 : f32 to vector<16xf32>
      %mul3A_186 = arith.constant 2 : i32
      %mul3A_187 = arith.muli %mul3A_186, %scan3A_179 : i32
      %get3A_188 = arith.index_cast %mul3A_187 : i32 to index
      %get3A_189 = arith.constant 0 : index
      %get3A_190 = tpu.vector_load %arg4[%get3A_188, %get3A_189] {strides = array<i32>} : memref<256x128xf32, #tpu.memory_space<vmem>>, vector<16xf32>,
      %mul3A_191 = arith.constant 2 : i32
      %mul3A_192 = arith.muli %mul3A_191, %scan3A_179 : i32
      %add3A_193 = arith.constant 1 : i32
      %add3A_194 = arith.addi %mul3A_192, %add3A_193 : i32
      %get3A_195 = arith.index_cast %add3A_194 : i32 to index
      %get3A_196 = arith.constant 0 : index
      %get3A_197 = tpu.vector_load %arg4[%get3A_195, %get3A_196] {strides = array<i32>} : memref<256x128xf32, #tpu.memory_space<vmem>>, vector<16xf32>,
      %mul3A_198 = arith.mulf %get3A_190, %get3A_197 : vector<16xf32>
      %add3A_199 = arith.addf %broadcast_in_dim3A_181, %mul3A_198 : vector<16xf32>
      %mul3A_200 = arith.mulf %get3A_190, %get3A_190 : vector<16xf32>
      %add3A_201 = arith.addf %broadcast_in_dim3A_183, %mul3A_200 : vector<16xf32>
      %mul3A_202 = arith.mulf %get3A_197, %get3A_197 : vector<16xf32>
      %add3A_203 = arith.addf %broadcast_in_dim3A_185, %mul3A_202 : vector<16xf32>
      %mul3A_204 = arith.constant 2 : i32
      %mul3A_205 = arith.muli %mul3A_204, %scan3A_179 : i32
      %get3A_206 = arith.index_cast %mul3A_205 : i32 to index
      %get3A_207 = arith.constant 16 : index
      %get3A_208 = tpu.vector_load %arg4[%get3A_206, %get3A_207] {strides = array<i32>} : memref<256x128xf32, #tpu.memory_space<vmem>>, vector<16xf32>,
      %mul3A_209 = arith.constant 2 : i32
      %mul3A_210 = arith.muli %mul3A_209, %scan3A_179 : i32
      %add3A_211 = arith.constant 1 : i32
      %add3A_212 = arith.addi %mul3A_210, %add3A_211 : i32
      %get3A_213 = arith.index_cast %add3A_212 : i32 to index
      %get3A_214 = arith.constant 16 : index
      %get3A_215 = tpu.vector_load %arg4[%get3A_213, %get3A_214] {strides = array<i32>} : memref<256x128xf32, #tpu.memory_space<vmem>>, vector<16xf32>,
      %mul3A_216 = arith.mulf %get3A_208, %get3A_215 : vector<16xf32>
      %add3A_217 = arith.addf %add3A_199, %mul3A_216 : vector<16xf32>
      %mul3A_218 = arith.mulf %get3A_208, %get3A_208 : vector<16xf32>
      %add3A_219 = arith.addf %add3A_201, %mul3A_218 : vector<16xf32>
      %mul3A_220 = arith.mulf %get3A_215, %get3A_215 : vector<16xf32>
      %add3A_221 = arith.addf %add3A_203, %mul3A_220 : vector<16xf32>
      %mul3A_222 = arith.constant 2 : i32
      %mul3A_223 = arith.muli %mul3A_222, %scan3A_179 : i32
      %get3A_224 = arith.index_cast %mul3A_223 : i32 to index
      %get3A_225 = arith.constant 32 : index
      %get3A_226 = tpu.vector_load %arg4[%get3A_224, %get3A_225] {strides = array<i32>} : memref<256x128xf32, #tpu.memory_space<vmem>>, vector<16xf32>,
      %mul3A_227 = arith.constant 2 : i32
      %mul3A_228 = arith.muli %mul3A_227, %scan3A_179 : i32
      %add3A_229 = arith.constant 1 : i32
      %add3A_230 = arith.addi %mul3A_228, %add3A_229 : i32
      %get3A_231 = arith.index_cast %add3A_230 : i32 to index
      %get3A_232 = arith.constant 32 : index
      %get3A_233 = tpu.vector_load %arg4[%get3A_231, %get3A_232] {strides = array<i32>} : memref<256x128xf32, #tpu.memory_space<vmem>>, vector<16xf32>,
      %mul3A_234 = arith.mulf %get3A_226, %get3A_233 : vector<16xf32>
      %add3A_235 = arith.addf %add3A_217, %mul3A_234 : vector<16xf32>
      %mul3A_236 = arith.mulf %get3A_226, %get3A_226 : vector<16xf32>
      %add3A_237 = arith.addf %add3A_219, %mul3A_236 : vector<16xf32>
      %mul3A_238 = arith.mulf %get3A_233, %get3A_233 : vector<16xf32>
      %add3A_239 = arith.addf %add3A_221, %mul3A_238 : vector<16xf32>
      %mul3A_240 = arith.constant 2 : i32
      %mul3A_241 = arith.muli %mul3A_240, %scan3A_179 : i32
      %get3A_242 = arith.index_cast %mul3A_241 : i32 to index
      %get3A_243 = arith.constant 48 : index
      %get3A_244 = tpu.vector_load %arg4[%get3A_242, %get3A_243] {strides = array<i32>} : memref<256x128xf32, #tpu.memory_space<vmem>>, vector<16xf32>,
      %mul3A_245 = arith.constant 2 : i32
      %mul3A_246 = arith.muli %mul3A_245, %scan3A_179 : i32
      %add3A_247 = arith.constant 1 : i32
      %add3A_248 = arith.addi %mul3A_246, %add3A_247 : i32
      %get3A_249 = arith.index_cast %add3A_248 : i32 to index
      %get3A_250 = arith.constant 48 : index
      %get3A_251 = tpu.vector_load %arg4[%get3A_249, %get3A_250] {strides = array<i32>} : memref<256x128xf32, #tpu.memory_space<vmem>>, vector<16xf32>,
      %mul3A_252 = arith.mulf %get3A_244, %get3A_251 : vector<16xf32>
      %add3A_253 = arith.addf %add3A_235, %mul3A_252 : vector<16xf32>
      %mul3A_254 = arith.mulf %get3A_244, %get3A_244 : vector<16xf32>
      %add3A_255 = arith.addf %add3A_237, %mul3A_254 : vector<16xf32>
      %mul3A_256 = arith.mulf %get3A_251, %get3A_251 : vector<16xf32>
      %add3A_257 = arith.addf %add3A_239, %mul3A_256 : vector<16xf32>
      %add3A_258 = arith.constant 256 : i32
      %add3A_259 = arith.addi %add3A_258, %scan3A_179 : i32
      %add3A_260 = vector.broadcast %add3A_259 : i32 to vector<16xi32>
      %add3A_261 = arith.addi %broadcast_in_dim3A_3, %add3A_260 : vector<16xi32>
      %broadcast_in_dim3A_262 = arith.constant true
      %broadcast_in_dim3A_263 = vector.broadcast %broadcast_in_dim3A_262 : i1 to vector<16xi1>
      %masked_cumsum3A_264 = tpu.scan <sum>, %add3A_253 masked %broadcast_in_dim3A_263 : vector<16xf32>, vector<16xi1> -> vector<16xf32>
      tpu.vector_store_idx %arg6[%add3A_261], %masked_cumsum3A_264 masked %eq3A_5 : memref<1536xf32, #tpu.memory_space<vmem>>[vector<16xi32>], vector<16xf32>, vector<16xi1>
      %add3A_265 = arith.constant 512 : i32
      %add3A_266 = vector.broadcast %add3A_265 : i32 to vector<16xi32>
      %add3A_267 = arith.addi %add3A_261, %add3A_266 : vector<16xi32>
      %broadcast_in_dim3A_268 = arith.constant true
      %broadcast_in_dim3A_269 = vector.broadcast %broadcast_in_dim3A_268 : i1 to vector<16xi1>
      %masked_cumsum3A_270 = tpu.scan <sum>, %add3A_255 masked %broadcast_in_dim3A_269 : vector<16xf32>, vector<16xi1> -> vector<16xf32>
      tpu.vector_store_idx %arg6[%add3A_267], %masked_cumsum3A_270 masked %eq3A_5 : memref<1536xf32, #tpu.memory_space<vmem>>[vector<16xi32>], vector<16xf32>, vector<16xi1>
      %add3A_271 = arith.constant 1024 : i32
      %add3A_272 = vector.broadcast %add3A_271 : i32 to vector<16xi32>
      %add3A_273 = arith.addi %add3A_261, %add3A_272 : vector<16xi32>
      %broadcast_in_dim3A_274 = arith.constant true
      %broadcast_in_dim3A_275 = vector.broadcast %broadcast_in_dim3A_274 : i1 to vector<16xi1>
      %masked_cumsum3A_276 = tpu.scan <sum>, %add3A_257 masked %broadcast_in_dim3A_275 : vector<16xf32>, vector<16xi1> -> vector<16xf32>
      tpu.vector_store_idx %arg6[%add3A_273], %masked_cumsum3A_276 masked %eq3A_5 : memref<1536xf32, #tpu.memory_space<vmem>>[vector<16xi32>], vector<16xf32>, vector<16xi1>
      %scan3A_277 = arith.constant 0 : i32
      scf.yield %scan3A_277 : i32
    }
    %scan3A_59 = arith.constant 128 : i32
    %dma_wait3A_60 = arith.constant 0 : i32
    %dma_wait3A_61 = tpu.memref_slice %arg2[%add3A_44, %dma_wait3A_60] : memref<32768x128xf32, #tpu.memory_space<hbm>> -> memref<256x128xf32, #tpu.memory_space<hbm>>
    %dma_wait3A_62 = arith.constant 0 : i32
    %dma_wait3A_63 = tpu.memref_slice %arg2[%add3A_44, %dma_wait3A_62] : memref<32768x128xf32, #tpu.memory_space<hbm>> -> memref<256x128xf32, #tpu.memory_space<hbm>>
    tpu.wait_dma2 semaphore(%arg9 : memref<!tpu.dma_semaphore, #tpu.memory_space<semaphore_mem>>) src(%dma_wait3A_63 : memref<256x128xf32, #tpu.memory_space<hbm>>) dst(%arg5 : memref<256x128xf32, #tpu.memory_space<vmem>>)
    %scan3A_64 = arith.constant 0 : i32
    %scan3A_65 = arith.constant 0 : i32
    %scan3A_66 = arith.constant 128 : i32
    %scan3A_67 = arith.addi %scan3A_65, %scan3A_66 : i32
    %scan3A_68 = arith.constant 2 : i32
    %scan3A_69 = scf.for %scan3A_80 = %scan3A_65 to %scan3A_67 step %scan3A_68 iter_args(%scan3A_81 = %scan3A_64) -> (i32)  : i32 {
      %broadcast_in_dim3A_82 = arith.constant 0.000000e+00 : f32
      %broadcast_in_dim3A_83 = vector.broadcast %broadcast_in_dim3A_82 : f32 to vector<16xf32>
      %broadcast_in_dim3A_84 = arith.constant 0.000000e+00 : f32
      %broadcast_in_dim3A_85 = vector.broadcast %broadcast_in_dim3A_84 : f32 to vector<16xf32>
      %broadcast_in_dim3A_86 = arith.constant 0.000000e+00 : f32
      %broadcast_in_dim3A_87 = vector.broadcast %broadcast_in_dim3A_86 : f32 to vector<16xf32>
      %mul3A_88 = arith.constant 2 : i32
      %mul3A_89 = arith.muli %mul3A_88, %scan3A_80 : i32
      %get3A = arith.index_cast %mul3A_89 : i32 to index
      %get3A_90 = arith.constant 0 : index
      %get3A_91 = tpu.vector_load %arg5[%get3A, %get3A_90] {strides = array<i32>} : memref<256x128xf32, #tpu.memory_space<vmem>>, vector<16xf32>,
      %mul3A_92 = arith.constant 2 : i32
      %mul3A_93 = arith.muli %mul3A_92, %scan3A_80 : i32
      %add3A_94 = arith.constant 1 : i32
      %add3A_95 = arith.addi %mul3A_93, %add3A_94 : i32
      %get3A_96 = arith.index_cast %add3A_95 : i32 to index
      %get3A_97 = arith.constant 0 : index
      %get3A_98 = tpu.vector_load %arg5[%get3A_96, %get3A_97] {strides = array<i32>} : memref<256x128xf32, #tpu.memory_space<vmem>>, vector<16xf32>,
      %mul3A_99 = arith.mulf %get3A_91, %get3A_98 : vector<16xf32>
      %add3A_100 = arith.addf %broadcast_in_dim3A_83, %mul3A_99 : vector<16xf32>
      %mul3A_101 = arith.mulf %get3A_91, %get3A_91 : vector<16xf32>
      %add3A_102 = arith.addf %broadcast_in_dim3A_85, %mul3A_101 : vector<16xf32>
      %mul3A_103 = arith.mulf %get3A_98, %get3A_98 : vector<16xf32>
      %add3A_104 = arith.addf %broadcast_in_dim3A_87, %mul3A_103 : vector<16xf32>
      %mul3A_105 = arith.constant 2 : i32
      %mul3A_106 = arith.muli %mul3A_105, %scan3A_80 : i32
      %get3A_107 = arith.index_cast %mul3A_106 : i32 to index
      %get3A_108 = arith.constant 16 : index
      %get3A_109 = tpu.vector_load %arg5[%get3A_107, %get3A_108] {strides = array<i32>} : memref<256x128xf32, #tpu.memory_space<vmem>>, vector<16xf32>,
      %mul3A_110 = arith.constant 2 : i32
      %mul3A_111 = arith.muli %mul3A_110, %scan3A_80 : i32
      %add3A_112 = arith.constant 1 : i32
      %add3A_113 = arith.addi %mul3A_111, %add3A_112 : i32
      %get3A_114 = arith.index_cast %add3A_113 : i32 to index
      %get3A_115 = arith.constant 16 : index
      %get3A_116 = tpu.vector_load %arg5[%get3A_114, %get3A_115] {strides = array<i32>} : memref<256x128xf32, #tpu.memory_space<vmem>>, vector<16xf32>,
      %mul3A_117 = arith.mulf %get3A_109, %get3A_116 : vector<16xf32>
      %add3A_118 = arith.addf %add3A_100, %mul3A_117 : vector<16xf32>
      %mul3A_119 = arith.mulf %get3A_109, %get3A_109 : vector<16xf32>
      %add3A_120 = arith.addf %add3A_102, %mul3A_119 : vector<16xf32>
      %mul3A_121 = arith.mulf %get3A_116, %get3A_116 : vector<16xf32>
      %add3A_122 = arith.addf %add3A_104, %mul3A_121 : vector<16xf32>
      %mul3A_123 = arith.constant 2 : i32
      %mul3A_124 = arith.muli %mul3A_123, %scan3A_80 : i32
      %get3A_125 = arith.index_cast %mul3A_124 : i32 to index
      %get3A_126 = arith.constant 32 : index
      %get3A_127 = tpu.vector_load %arg5[%get3A_125, %get3A_126] {strides = array<i32>} : memref<256x128xf32, #tpu.memory_space<vmem>>, vector<16xf32>,
      %mul3A_128 = arith.constant 2 : i32
      %mul3A_129 = arith.muli %mul3A_128, %scan3A_80 : i32
      %add3A_130 = arith.constant 1 : i32
      %add3A_131 = arith.addi %mul3A_129, %add3A_130 : i32
      %get3A_132 = arith.index_cast %add3A_131 : i32 to index
      %get3A_133 = arith.constant 32 : index
      %get3A_134 = tpu.vector_load %arg5[%get3A_132, %get3A_133] {strides = array<i32>} : memref<256x128xf32, #tpu.memory_space<vmem>>, vector<16xf32>,
      %mul3A_135 = arith.mulf %get3A_127, %get3A_134 : vector<16xf32>
      %add3A_136 = arith.addf %add3A_118, %mul3A_135 : vector<16xf32>
      %mul3A_137 = arith.mulf %get3A_127, %get3A_127 : vector<16xf32>
      %add3A_138 = arith.addf %add3A_120, %mul3A_137 : vector<16xf32>
      %mul3A_139 = arith.mulf %get3A_134, %get3A_134 : vector<16xf32>
      %add3A_140 = arith.addf %add3A_122, %mul3A_139 : vector<16xf32>
      %mul3A_141 = arith.constant 2 : i32
      %mul3A_142 = arith.muli %mul3A_141, %scan3A_80 : i32
      %get3A_143 = arith.index_cast %mul3A_142 : i32 to index
      %get3A_144 = arith.constant 48 : index
      %get3A_145 = tpu.vector_load %arg5[%get3A_143, %get3A_144] {strides = array<i32>} : memref<256x128xf32, #tpu.memory_space<vmem>>, vector<16xf32>,
      %mul3A_146 = arith.constant 2 : i32
      %mul3A_147 = arith.muli %mul3A_146, %scan3A_80 : i32
      %add3A_148 = arith.constant 1 : i32
      %add3A_149 = arith.addi %mul3A_147, %add3A_148 : i32
      %get3A_150 = arith.index_cast %add3A_149 : i32 to index
      %get3A_151 = arith.constant 48 : index
      %get3A_152 = tpu.vector_load %arg5[%get3A_150, %get3A_151] {strides = array<i32>} : memref<256x128xf32, #tpu.memory_space<vmem>>, vector<16xf32>,
      %mul3A_153 = arith.mulf %get3A_145, %get3A_152 : vector<16xf32>
      %add3A_154 = arith.addf %add3A_136, %mul3A_153 : vector<16xf32>
      %mul3A_155 = arith.mulf %get3A_145, %get3A_145 : vector<16xf32>
      %add3A_156 = arith.addf %add3A_138, %mul3A_155 : vector<16xf32>
      %mul3A_157 = arith.mulf %get3A_152, %get3A_152 : vector<16xf32>
      %add3A_158 = arith.addf %add3A_140, %mul3A_157 : vector<16xf32>
      %add3A_159 = arith.constant 384 : i32
      %add3A_160 = arith.addi %add3A_159, %scan3A_80 : i32
      %add3A_161 = vector.broadcast %add3A_160 : i32 to vector<16xi32>
      %add3A_162 = arith.addi %broadcast_in_dim3A_3, %add3A_161 : vector<16xi32>
      %broadcast_in_dim3A_163 = arith.constant true
      %broadcast_in_dim3A_164 = vector.broadcast %broadcast_in_dim3A_163 : i1 to vector<16xi1>
      %masked_cumsum3A = tpu.scan <sum>, %add3A_154 masked %broadcast_in_dim3A_164 : vector<16xf32>, vector<16xi1> -> vector<16xf32>
      tpu.vector_store_idx %arg6[%add3A_162], %masked_cumsum3A masked %eq3A_5 : memref<1536xf32, #tpu.memory_space<vmem>>[vector<16xi32>], vector<16xf32>, vector<16xi1>
      %add3A_165 = arith.constant 512 : i32
      %add3A_166 = vector.broadcast %add3A_165 : i32 to vector<16xi32>
      %add3A_167 = arith.addi %add3A_162, %add3A_166 : vector<16xi32>
      %broadcast_in_dim3A_168 = arith.constant true
      %broadcast_in_dim3A_169 = vector.broadcast %broadcast_in_dim3A_168 : i1 to vector<16xi1>
      %masked_cumsum3A_170 = tpu.scan <sum>, %add3A_156 masked %broadcast_in_dim3A_169 : vector<16xf32>, vector<16xi1> -> vector<16xf32>
      tpu.vector_store_idx %arg6[%add3A_167], %masked_cumsum3A_170 masked %eq3A_5 : memref<1536xf32, #tpu.memory_space<vmem>>[vector<16xi32>], vector<16xf32>, vector<16xi1>
      %add3A_171 = arith.constant 1024 : i32
      %add3A_172 = vector.broadcast %add3A_171 : i32 to vector<16xi32>
      %add3A_173 = arith.addi %add3A_162, %add3A_172 : vector<16xi32>
      %broadcast_in_dim3A_174 = arith.constant true
      %broadcast_in_dim3A_175 = vector.broadcast %broadcast_in_dim3A_174 : i1 to vector<16xi1>
      %masked_cumsum3A_176 = tpu.scan <sum>, %add3A_158 masked %broadcast_in_dim3A_175 : vector<16xf32>, vector<16xi1> -> vector<16xf32>
      tpu.vector_store_idx %arg6[%add3A_173], %masked_cumsum3A_176 masked %eq3A_5 : memref<1536xf32, #tpu.memory_space<vmem>>[vector<16xi32>], vector<16xf32>, vector<16xi1>
      %scan3A_177 = arith.constant 0 : i32
      %scan3A_178 = arith.constant 1 : i32
      %scan3A_179 = arith.addi %scan3A_80, %scan3A_178 : i32
      %broadcast_in_dim3A_180 = arith.constant 0.000000e+00 : f32
      %broadcast_in_dim3A_181 = vector.broadcast %broadcast_in_dim3A_180 : f32 to vector<16xf32>
      %broadcast_in_dim3A_182 = arith.constant 0.000000e+00 : f32
      %broadcast_in_dim3A_183 = vector.broadcast %broadcast_in_dim3A_182 : f32 to vector<16xf32>
      %broadcast_in_dim3A_184 = arith.constant 0.000000e+00 : f32
      %broadcast_in_dim3A_185 = vector.broadcast %broadcast_in_dim3A_184 : f32 to vector<16xf32>
      %mul3A_186 = arith.constant 2 : i32
      %mul3A_187 = arith.muli %mul3A_186, %scan3A_179 : i32
      %get3A_188 = arith.index_cast %mul3A_187 : i32 to index
      %get3A_189 = arith.constant 0 : index
      %get3A_190 = tpu.vector_load %arg5[%get3A_188, %get3A_189] {strides = array<i32>} : memref<256x128xf32, #tpu.memory_space<vmem>>, vector<16xf32>,
      %mul3A_191 = arith.constant 2 : i32
      %mul3A_192 = arith.muli %mul3A_191, %scan3A_179 : i32
      %add3A_193 = arith.constant 1 : i32
      %add3A_194 = arith.addi %mul3A_192, %add3A_193 : i32
      %get3A_195 = arith.index_cast %add3A_194 : i32 to index
      %get3A_196 = arith.constant 0 : index
      %get3A_197 = tpu.vector_load %arg5[%get3A_195, %get3A_196] {strides = array<i32>} : memref<256x128xf32, #tpu.memory_space<vmem>>, vector<16xf32>,
      %mul3A_198 = arith.mulf %get3A_190, %get3A_197 : vector<16xf32>
      %add3A_199 = arith.addf %broadcast_in_dim3A_181, %mul3A_198 : vector<16xf32>
      %mul3A_200 = arith.mulf %get3A_190, %get3A_190 : vector<16xf32>
      %add3A_201 = arith.addf %broadcast_in_dim3A_183, %mul3A_200 : vector<16xf32>
      %mul3A_202 = arith.mulf %get3A_197, %get3A_197 : vector<16xf32>
      %add3A_203 = arith.addf %broadcast_in_dim3A_185, %mul3A_202 : vector<16xf32>
      %mul3A_204 = arith.constant 2 : i32
      %mul3A_205 = arith.muli %mul3A_204, %scan3A_179 : i32
      %get3A_206 = arith.index_cast %mul3A_205 : i32 to index
      %get3A_207 = arith.constant 16 : index
      %get3A_208 = tpu.vector_load %arg5[%get3A_206, %get3A_207] {strides = array<i32>} : memref<256x128xf32, #tpu.memory_space<vmem>>, vector<16xf32>,
      %mul3A_209 = arith.constant 2 : i32
      %mul3A_210 = arith.muli %mul3A_209, %scan3A_179 : i32
      %add3A_211 = arith.constant 1 : i32
      %add3A_212 = arith.addi %mul3A_210, %add3A_211 : i32
      %get3A_213 = arith.index_cast %add3A_212 : i32 to index
      %get3A_214 = arith.constant 16 : index
      %get3A_215 = tpu.vector_load %arg5[%get3A_213, %get3A_214] {strides = array<i32>} : memref<256x128xf32, #tpu.memory_space<vmem>>, vector<16xf32>,
      %mul3A_216 = arith.mulf %get3A_208, %get3A_215 : vector<16xf32>
      %add3A_217 = arith.addf %add3A_199, %mul3A_216 : vector<16xf32>
      %mul3A_218 = arith.mulf %get3A_208, %get3A_208 : vector<16xf32>
      %add3A_219 = arith.addf %add3A_201, %mul3A_218 : vector<16xf32>
      %mul3A_220 = arith.mulf %get3A_215, %get3A_215 : vector<16xf32>
      %add3A_221 = arith.addf %add3A_203, %mul3A_220 : vector<16xf32>
      %mul3A_222 = arith.constant 2 : i32
      %mul3A_223 = arith.muli %mul3A_222, %scan3A_179 : i32
      %get3A_224 = arith.index_cast %mul3A_223 : i32 to index
      %get3A_225 = arith.constant 32 : index
      %get3A_226 = tpu.vector_load %arg5[%get3A_224, %get3A_225] {strides = array<i32>} : memref<256x128xf32, #tpu.memory_space<vmem>>, vector<16xf32>,
      %mul3A_227 = arith.constant 2 : i32
      %mul3A_228 = arith.muli %mul3A_227, %scan3A_179 : i32
      %add3A_229 = arith.constant 1 : i32
      %add3A_230 = arith.addi %mul3A_228, %add3A_229 : i32
      %get3A_231 = arith.index_cast %add3A_230 : i32 to index
      %get3A_232 = arith.constant 32 : index
      %get3A_233 = tpu.vector_load %arg5[%get3A_231, %get3A_232] {strides = array<i32>} : memref<256x128xf32, #tpu.memory_space<vmem>>, vector<16xf32>,
      %mul3A_234 = arith.mulf %get3A_226, %get3A_233 : vector<16xf32>
      %add3A_235 = arith.addf %add3A_217, %mul3A_234 : vector<16xf32>
      %mul3A_236 = arith.mulf %get3A_226, %get3A_226 : vector<16xf32>
      %add3A_237 = arith.addf %add3A_219, %mul3A_236 : vector<16xf32>
      %mul3A_238 = arith.mulf %get3A_233, %get3A_233 : vector<16xf32>
      %add3A_239 = arith.addf %add3A_221, %mul3A_238 : vector<16xf32>
      %mul3A_240 = arith.constant 2 : i32
      %mul3A_241 = arith.muli %mul3A_240, %scan3A_179 : i32
      %get3A_242 = arith.index_cast %mul3A_241 : i32 to index
      %get3A_243 = arith.constant 48 : index
      %get3A_244 = tpu.vector_load %arg5[%get3A_242, %get3A_243] {strides = array<i32>} : memref<256x128xf32, #tpu.memory_space<vmem>>, vector<16xf32>,
      %mul3A_245 = arith.constant 2 : i32
      %mul3A_246 = arith.muli %mul3A_245, %scan3A_179 : i32
      %add3A_247 = arith.constant 1 : i32
      %add3A_248 = arith.addi %mul3A_246, %add3A_247 : i32
      %get3A_249 = arith.index_cast %add3A_248 : i32 to index
      %get3A_250 = arith.constant 48 : index
      %get3A_251 = tpu.vector_load %arg5[%get3A_249, %get3A_250] {strides = array<i32>} : memref<256x128xf32, #tpu.memory_space<vmem>>, vector<16xf32>,
      %mul3A_252 = arith.mulf %get3A_244, %get3A_251 : vector<16xf32>
      %add3A_253 = arith.addf %add3A_235, %mul3A_252 : vector<16xf32>
      %mul3A_254 = arith.mulf %get3A_244, %get3A_244 : vector<16xf32>
      %add3A_255 = arith.addf %add3A_237, %mul3A_254 : vector<16xf32>
      %mul3A_256 = arith.mulf %get3A_251, %get3A_251 : vector<16xf32>
      %add3A_257 = arith.addf %add3A_239, %mul3A_256 : vector<16xf32>
      %add3A_258 = arith.constant 384 : i32
      %add3A_259 = arith.addi %add3A_258, %scan3A_179 : i32
      %add3A_260 = vector.broadcast %add3A_259 : i32 to vector<16xi32>
      %add3A_261 = arith.addi %broadcast_in_dim3A_3, %add3A_260 : vector<16xi32>
      %broadcast_in_dim3A_262 = arith.constant true
      %broadcast_in_dim3A_263 = vector.broadcast %broadcast_in_dim3A_262 : i1 to vector<16xi1>
      %masked_cumsum3A_264 = tpu.scan <sum>, %add3A_253 masked %broadcast_in_dim3A_263 : vector<16xf32>, vector<16xi1> -> vector<16xf32>
      tpu.vector_store_idx %arg6[%add3A_261], %masked_cumsum3A_264 masked %eq3A_5 : memref<1536xf32, #tpu.memory_space<vmem>>[vector<16xi32>], vector<16xf32>, vector<16xi1>
      %add3A_265 = arith.constant 512 : i32
      %add3A_266 = vector.broadcast %add3A_265 : i32 to vector<16xi32>
      %add3A_267 = arith.addi %add3A_261, %add3A_266 : vector<16xi32>
      %broadcast_in_dim3A_268 = arith.constant true
      %broadcast_in_dim3A_269 = vector.broadcast %broadcast_in_dim3A_268 : i1 to vector<16xi1>
      %masked_cumsum3A_270 = tpu.scan <sum>, %add3A_255 masked %broadcast_in_dim3A_269 : vector<16xf32>, vector<16xi1> -> vector<16xf32>
      tpu.vector_store_idx %arg6[%add3A_267], %masked_cumsum3A_270 masked %eq3A_5 : memref<1536xf32, #tpu.memory_space<vmem>>[vector<16xi32>], vector<16xf32>, vector<16xi1>
      %add3A_271 = arith.constant 1024 : i32
      %add3A_272 = vector.broadcast %add3A_271 : i32 to vector<16xi32>
      %add3A_273 = arith.addi %add3A_261, %add3A_272 : vector<16xi32>
      %broadcast_in_dim3A_274 = arith.constant true
      %broadcast_in_dim3A_275 = vector.broadcast %broadcast_in_dim3A_274 : i1 to vector<16xi1>
      %masked_cumsum3A_276 = tpu.scan <sum>, %add3A_257 masked %broadcast_in_dim3A_275 : vector<16xf32>, vector<16xi1> -> vector<16xf32>
      tpu.vector_store_idx %arg6[%add3A_273], %masked_cumsum3A_276 masked %eq3A_5 : memref<1536xf32, #tpu.memory_space<vmem>>[vector<16xi32>], vector<16xf32>, vector<16xi1>
      %scan3A_277 = arith.constant 0 : i32
      scf.yield %scan3A_277 : i32
    }
    %scan3A_70 = arith.constant 128 : i32
    %scan3A_71 = arith.constant 0 : i32
    %scan3A_72 = arith.constant 0 : i32
    %scan3A_73 = arith.constant 32 : i32
    %scan3A_74 = arith.addi %scan3A_72, %scan3A_73 : i32
    %scan3A_75 = arith.constant 1 : i32
    %scan3A_76 = scf.for %scan3A_80 = %scan3A_72 to %scan3A_74 step %scan3A_75 iter_args(%scan3A_81 = %scan3A_71) -> (i32)  : i32 {
      %mul3A_82 = arith.constant 16 : i32
      %mul3A_83 = arith.muli %scan3A_80, %mul3A_82 : i32
      %get3A = arith.index_cast %mul3A_83 : i32 to index
      %get3A_84 = tpu.vector_load %arg6[%get3A] {strides = array<i32>} : memref<1536xf32, #tpu.memory_space<vmem>>, vector<16xf32>,
      %mul3A_85 = arith.constant 16 : i32
      %mul3A_86 = arith.muli %scan3A_80, %mul3A_85 : i32
      %add3A_87 = arith.constant 512 : i32
      %add3A_88 = arith.addi %add3A_87, %mul3A_86 : i32
      %get3A_89 = arith.index_cast %add3A_88 : i32 to index
      %get3A_90 = tpu.vector_load %arg6[%get3A_89] {strides = array<i32>} : memref<1536xf32, #tpu.memory_space<vmem>>, vector<16xf32>,
      %mul3A_91 = arith.constant 16 : i32
      %mul3A_92 = arith.muli %scan3A_80, %mul3A_91 : i32
      %add3A_93 = arith.constant 1024 : i32
      %add3A_94 = arith.addi %add3A_93, %mul3A_92 : i32
      %get3A_95 = arith.index_cast %add3A_94 : i32 to index
      %get3A_96 = tpu.vector_load %arg6[%get3A_95] {strides = array<i32>} : memref<1536xf32, #tpu.memory_space<vmem>>, vector<16xf32>,
      %bitcast3A = vector.bitcast %get3A_90 : vector<16xf32> to vector<16xi32>
      %shift_right_arithmetic3A = arith.constant 1 : i32
      %shift_right_arithmetic3A_97 = vector.broadcast %shift_right_arithmetic3A : i32 to vector<16xi32>
      %shift_right_arithmetic3A_98 = arith.shrsi %bitcast3A, %shift_right_arithmetic3A_97 : vector<16xi32>
      %sub3A = arith.constant 1597463007 : i32
      %sub3A_99 = vector.broadcast %sub3A : i32 to vector<16xi32>
      %sub3A_100 = arith.subi %sub3A_99, %shift_right_arithmetic3A_98 : vector<16xi32>
      %bitcast3A_101 = vector.bitcast %sub3A_100 : vector<16xi32> to vector<16xf32>
      %mul3A_102 = arith.constant 5.000000e-01 : f32
      %mul3A_103 = vector.broadcast %mul3A_102 : f32 to vector<16xf32>
      %mul3A_104 = arith.mulf %get3A_90, %mul3A_103 : vector<16xf32>
      %mul3A_105 = arith.mulf %mul3A_104, %bitcast3A_101 : vector<16xf32>
      %mul3A_106 = arith.mulf %mul3A_105, %bitcast3A_101 : vector<16xf32>
      %sub3A_107 = arith.constant 1.500000e+00 : f32
      %sub3A_108 = vector.broadcast %sub3A_107 : f32 to vector<16xf32>
      %sub3A_109 = arith.subf %sub3A_108, %mul3A_106 : vector<16xf32>
      %mul3A_110 = arith.mulf %bitcast3A_101, %sub3A_109 : vector<16xf32>
      %mul3A_111 = arith.mulf %mul3A_104, %mul3A_110 : vector<16xf32>
      %mul3A_112 = arith.mulf %mul3A_111, %mul3A_110 : vector<16xf32>
      %sub3A_113 = arith.constant 1.500000e+00 : f32
      %sub3A_114 = vector.broadcast %sub3A_113 : f32 to vector<16xf32>
      %sub3A_115 = arith.subf %sub3A_114, %mul3A_112 : vector<16xf32>
      %mul3A_116 = arith.mulf %mul3A_110, %sub3A_115 : vector<16xf32>
      %mul3A_117 = arith.mulf %mul3A_104, %mul3A_116 : vector<16xf32>
      %mul3A_118 = arith.mulf %mul3A_117, %mul3A_116 : vector<16xf32>
      %sub3A_119 = arith.constant 1.500000e+00 : f32
      %sub3A_120 = vector.broadcast %sub3A_119 : f32 to vector<16xf32>
      %sub3A_121 = arith.subf %sub3A_120, %mul3A_118 : vector<16xf32>
      %mul3A_122 = arith.mulf %mul3A_116, %sub3A_121 : vector<16xf32>
      %min3A = arith.constant 9.99999995E+11 : f32
      %min3A_123 = vector.broadcast %min3A : f32 to vector<16xf32>
      %min3A_124 = arith.minimumf %mul3A_122, %min3A_123 : vector<16xf32>
      %mul3A_125 = arith.mulf %get3A_84, %min3A_124 : vector<16xf32>
      %bitcast3A_126 = vector.bitcast %get3A_96 : vector<16xf32> to vector<16xi32>
      %shift_right_arithmetic3A_127 = arith.constant 1 : i32
      %shift_right_arithmetic3A_128 = vector.broadcast %shift_right_arithmetic3A_127 : i32 to vector<16xi32>
      %shift_right_arithmetic3A_129 = arith.shrsi %bitcast3A_126, %shift_right_arithmetic3A_128 : vector<16xi32>
      %sub3A_130 = arith.constant 1597463007 : i32
      %sub3A_131 = vector.broadcast %sub3A_130 : i32 to vector<16xi32>
      %sub3A_132 = arith.subi %sub3A_131, %shift_right_arithmetic3A_129 : vector<16xi32>
      %bitcast3A_133 = vector.bitcast %sub3A_132 : vector<16xi32> to vector<16xf32>
      %mul3A_134 = arith.constant 5.000000e-01 : f32
      %mul3A_135 = vector.broadcast %mul3A_134 : f32 to vector<16xf32>
      %mul3A_136 = arith.mulf %get3A_96, %mul3A_135 : vector<16xf32>
      %mul3A_137 = arith.mulf %mul3A_136, %bitcast3A_133 : vector<16xf32>
      %mul3A_138 = arith.mulf %mul3A_137, %bitcast3A_133 : vector<16xf32>
      %sub3A_139 = arith.constant 1.500000e+00 : f32
      %sub3A_140 = vector.broadcast %sub3A_139 : f32 to vector<16xf32>
      %sub3A_141 = arith.subf %sub3A_140, %mul3A_138 : vector<16xf32>
      %mul3A_142 = arith.mulf %bitcast3A_133, %sub3A_141 : vector<16xf32>
      %mul3A_143 = arith.mulf %mul3A_136, %mul3A_142 : vector<16xf32>
      %mul3A_144 = arith.mulf %mul3A_143, %mul3A_142 : vector<16xf32>
      %sub3A_145 = arith.constant 1.500000e+00 : f32
      %sub3A_146 = vector.broadcast %sub3A_145 : f32 to vector<16xf32>
      %sub3A_147 = arith.subf %sub3A_146, %mul3A_144 : vector<16xf32>
      %mul3A_148 = arith.mulf %mul3A_142, %sub3A_147 : vector<16xf32>
      %mul3A_149 = arith.mulf %mul3A_136, %mul3A_148 : vector<16xf32>
      %mul3A_150 = arith.mulf %mul3A_149, %mul3A_148 : vector<16xf32>
      %sub3A_151 = arith.constant 1.500000e+00 : f32
      %sub3A_152 = vector.broadcast %sub3A_151 : f32 to vector<16xf32>
      %sub3A_153 = arith.subf %sub3A_152, %mul3A_150 : vector<16xf32>
      %mul3A_154 = arith.mulf %mul3A_148, %sub3A_153 : vector<16xf32>
      %min3A_155 = arith.constant 9.99999995E+11 : f32
      %min3A_156 = vector.broadcast %min3A_155 : f32 to vector<16xf32>
      %min3A_157 = arith.minimumf %mul3A_154, %min3A_156 : vector<16xf32>
      %mul3A_158 = arith.mulf %mul3A_125, %min3A_157 : vector<16xf32>
      %swap3A = arith.index_cast %mul3A_83 : i32 to index
      %swap3A_159 = tpu.vector_load %arg7[%swap3A] {strides = array<i32>} : memref<512xf32, #tpu.memory_space<vmem>>, vector<16xf32>,
      tpu.vector_store %arg7[%swap3A], %mul3A_158 {strides = array<i32>} : memref<512xf32, #tpu.memory_space<vmem>>, vector<16xf32>,
      %scan3A_160 = arith.constant 0 : i32
      scf.yield %scan3A_160 : i32
    }
    %scan3A_77 = arith.constant 32 : i32
    %mul3A_78 = arith.constant 512 : i32
    %mul3A_79 = arith.muli %add3A, %mul3A_78 : i32
    "tpu.region"() ({
      %run_scoped3A = tpu.sem_alloc : memref<!tpu.dma_semaphore, #tpu.memory_space<semaphore_mem>>
      %dma_start3A_80 = tpu.memref_slice %arg3[%mul3A_79] : memref<16384xf32, #tpu.memory_space<hbm>> -> memref<512xf32, #tpu.memory_space<hbm>>
      %dma_start3A_81 = tpu.memref_slice %arg3[%mul3A_79] : memref<16384xf32, #tpu.memory_space<hbm>> -> memref<512xf32, #tpu.memory_space<hbm>>
      tpu.enqueue_dma source(%arg7 : memref<512xf32, #tpu.memory_space<vmem>>) target(%dma_start3A_81 : memref<512xf32, #tpu.memory_space<hbm>>) target_semaphore(%run_scoped3A : memref<!tpu.dma_semaphore, #tpu.memory_space<semaphore_mem>>)
      %dma_wait3A_82 = tpu.memref_slice %arg3[%mul3A_79] : memref<16384xf32, #tpu.memory_space<hbm>> -> memref<512xf32, #tpu.memory_space<hbm>>
      %dma_wait3A_83 = tpu.memref_slice %arg3[%mul3A_79] : memref<16384xf32, #tpu.memory_space<hbm>> -> memref<512xf32, #tpu.memory_space<hbm>>
      tpu.wait_dma2 semaphore(%run_scoped3A : memref<!tpu.dma_semaphore, #tpu.memory_space<semaphore_mem>>) src(%arg7 : memref<512xf32, #tpu.memory_space<vmem>>) dst(%dma_wait3A_83 : memref<512xf32, #tpu.memory_space<hbm>>)
      tpu.yield
    }) : () -> ()
    return
  }
}

#map = affine_map<(d0, d1) -> (0, 0)>
module attributes {stable_mosaic.version = 14 : i64} {
  func.func @_gather_body(%arg0: i32, %arg1: i32, %arg2: memref<32x1024xi32, #tpu.memory_space<hbm>>, %arg3: memref<32x1024xi32, #tpu.memory_space<hbm>>, %arg4: memref<64x1000000xf32, #tpu.memory_space<hbm>>, %arg5: memref<64x128xf32, #tpu.memory_space<hbm>>, %arg6: memref<32768x128xf32, #tpu.memory_space<hbm>>, %arg7: memref<1024xi32, #tpu.memory_space<vmem>>, %arg8: memref<1024xi32, #tpu.memory_space<vmem>>, %arg9: memref<64x128xf32, #tpu.memory_space<vmem>>, %arg10: memref<4x64x128xf32, #tpu.memory_space<vmem>>, %arg11: memref<32x64xf32, #tpu.memory_space<vmem>>, %arg12: memref<!tpu.dma_semaphore, #tpu.memory_space<semaphore_mem>>, %arg13: memref<!tpu.dma_semaphore, #tpu.memory_space<semaphore_mem>>, %arg14: memref<!tpu.dma_semaphore, #tpu.memory_space<semaphore_mem>>, %arg15: memref<!tpu.dma_semaphore, #tpu.memory_space<semaphore_mem>>, %arg16: memref<!tpu.dma_semaphore, #tpu.memory_space<semaphore_mem>>, %arg17: memref<!tpu.dma_semaphore, #tpu.memory_space<semaphore_mem>>, %arg18: memref<!tpu.dma_semaphore, #tpu.memory_space<semaphore_mem>>, %arg19: memref<!tpu.dma_semaphore, #tpu.memory_space<semaphore_mem>>) attributes {dimension_semantics = [#tpu.dimension_semantics<core_parallel>, #tpu.dimension_semantics<subcore_parallel>], iteration_bounds = array<i64: 2, 16>, scalar_prefetch = 0 : i64, scratch_operands = 13 : i64, tpu.core_type = #tpu.core_type<sc_vector_subcore>, window_params = [{transform_indices = #map}, {transform_indices = #map}, {transform_indices = #map}, {transform_indices = #map}, {transform_indices = #map}]} {
    %mul3A = arith.constant 2 : i32
    %mul3A_0 = arith.muli %arg1, %mul3A : i32
    %add3A = arith.addi %mul3A_0, %arg0 : i32
    "tpu.region"() ({
      %run_scoped3A = tpu.sem_alloc : memref<!tpu.dma_semaphore, #tpu.memory_space<semaphore_mem>>
      %dma_start3A = arith.constant 0 : i32
      %dma_start3A_49 = tpu.memref_slice %arg2[%add3A, %dma_start3A] : memref<32x1024xi32, #tpu.memory_space<hbm>> -> memref<1x1024xi32, #tpu.memory_space<hbm>>
      %dma_start3A_50 = tpu.memref_squeeze %dma_start3A_49 : memref<1x1024xi32, #tpu.memory_space<hbm>> -> memref<1024xi32, #tpu.memory_space<hbm>>
      %dma_start3A_51 = arith.constant 0 : i32
      %dma_start3A_52 = tpu.memref_slice %arg2[%add3A, %dma_start3A_51] : memref<32x1024xi32, #tpu.memory_space<hbm>> -> memref<1x1024xi32, #tpu.memory_space<hbm>>
      %dma_start3A_53 = tpu.memref_squeeze %dma_start3A_52 : memref<1x1024xi32, #tpu.memory_space<hbm>> -> memref<1024xi32, #tpu.memory_space<hbm>>
      tpu.enqueue_dma source(%dma_start3A_53 : memref<1024xi32, #tpu.memory_space<hbm>>) target(%arg7 : memref<1024xi32, #tpu.memory_space<vmem>>) target_semaphore(%run_scoped3A : memref<!tpu.dma_semaphore, #tpu.memory_space<semaphore_mem>>)
      %dma_wait3A = arith.constant 0 : i32
      %dma_wait3A_54 = tpu.memref_slice %arg2[%add3A, %dma_wait3A] : memref<32x1024xi32, #tpu.memory_space<hbm>> -> memref<1x1024xi32, #tpu.memory_space<hbm>>
      %dma_wait3A_55 = tpu.memref_squeeze %dma_wait3A_54 : memref<1x1024xi32, #tpu.memory_space<hbm>> -> memref<1024xi32, #tpu.memory_space<hbm>>
      %dma_wait3A_56 = arith.constant 0 : i32
      %dma_wait3A_57 = tpu.memref_slice %arg2[%add3A, %dma_wait3A_56] : memref<32x1024xi32, #tpu.memory_space<hbm>> -> memref<1x1024xi32, #tpu.memory_space<hbm>>
      %dma_wait3A_58 = tpu.memref_squeeze %dma_wait3A_57 : memref<1x1024xi32, #tpu.memory_space<hbm>> -> memref<1024xi32, #tpu.memory_space<hbm>>
      tpu.wait_dma2 semaphore(%run_scoped3A : memref<!tpu.dma_semaphore, #tpu.memory_space<semaphore_mem>>) src(%dma_wait3A_58 : memref<1024xi32, #tpu.memory_space<hbm>>) dst(%arg7 : memref<1024xi32, #tpu.memory_space<vmem>>)
      tpu.yield
    }) : () -> ()
    "tpu.region"() ({
      %run_scoped3A = tpu.sem_alloc : memref<!tpu.dma_semaphore, #tpu.memory_space<semaphore_mem>>
      %dma_start3A = arith.constant 0 : i32
      %dma_start3A_49 = tpu.memref_slice %arg3[%add3A, %dma_start3A] : memref<32x1024xi32, #tpu.memory_space<hbm>> -> memref<1x1024xi32, #tpu.memory_space<hbm>>
      %dma_start3A_50 = tpu.memref_squeeze %dma_start3A_49 : memref<1x1024xi32, #tpu.memory_space<hbm>> -> memref<1024xi32, #tpu.memory_space<hbm>>
      %dma_start3A_51 = arith.constant 0 : i32
      %dma_start3A_52 = tpu.memref_slice %arg3[%add3A, %dma_start3A_51] : memref<32x1024xi32, #tpu.memory_space<hbm>> -> memref<1x1024xi32, #tpu.memory_space<hbm>>
      %dma_start3A_53 = tpu.memref_squeeze %dma_start3A_52 : memref<1x1024xi32, #tpu.memory_space<hbm>> -> memref<1024xi32, #tpu.memory_space<hbm>>
      tpu.enqueue_dma source(%dma_start3A_53 : memref<1024xi32, #tpu.memory_space<hbm>>) target(%arg8 : memref<1024xi32, #tpu.memory_space<vmem>>) target_semaphore(%run_scoped3A : memref<!tpu.dma_semaphore, #tpu.memory_space<semaphore_mem>>)
      %dma_wait3A = arith.constant 0 : i32
      %dma_wait3A_54 = tpu.memref_slice %arg3[%add3A, %dma_wait3A] : memref<32x1024xi32, #tpu.memory_space<hbm>> -> memref<1x1024xi32, #tpu.memory_space<hbm>>
      %dma_wait3A_55 = tpu.memref_squeeze %dma_wait3A_54 : memref<1x1024xi32, #tpu.memory_space<hbm>> -> memref<1024xi32, #tpu.memory_space<hbm>>
      %dma_wait3A_56 = arith.constant 0 : i32
      %dma_wait3A_57 = tpu.memref_slice %arg3[%add3A, %dma_wait3A_56] : memref<32x1024xi32, #tpu.memory_space<hbm>> -> memref<1x1024xi32, #tpu.memory_space<hbm>>
      %dma_wait3A_58 = tpu.memref_squeeze %dma_wait3A_57 : memref<1x1024xi32, #tpu.memory_space<hbm>> -> memref<1024xi32, #tpu.memory_space<hbm>>
      tpu.wait_dma2 semaphore(%run_scoped3A : memref<!tpu.dma_semaphore, #tpu.memory_space<semaphore_mem>>) src(%dma_wait3A_58 : memref<1024xi32, #tpu.memory_space<hbm>>) dst(%arg8 : memref<1024xi32, #tpu.memory_space<vmem>>)
      tpu.yield
    }) : () -> ()
    "tpu.region"() ({
      %run_scoped3A = tpu.sem_alloc : memref<!tpu.dma_semaphore, #tpu.memory_space<semaphore_mem>>
      tpu.enqueue_dma source(%arg5 : memref<64x128xf32, #tpu.memory_space<hbm>>) target(%arg9 : memref<64x128xf32, #tpu.memory_space<vmem>>) target_semaphore(%run_scoped3A : memref<!tpu.dma_semaphore, #tpu.memory_space<semaphore_mem>>)
      tpu.wait_dma2 semaphore(%run_scoped3A : memref<!tpu.dma_semaphore, #tpu.memory_space<semaphore_mem>>) src(%arg5 : memref<64x128xf32, #tpu.memory_space<hbm>>) dst(%arg9 : memref<64x128xf32, #tpu.memory_space<vmem>>)
      tpu.yield
    }) : () -> ()
    %broadcast_in_dim3A = arith.constant 0 : i32
    %broadcast_in_dim3A_1 = vector.broadcast %broadcast_in_dim3A : i32 to vector<16xi32>
    %iota3A = tpu.iota {dimensions = array<i32: 0>} : vector<16xi32>
    %add3A_2 = arith.constant 0 : i32
    %add3A_3 = vector.broadcast %add3A_2 : i32 to vector<16xi32>
    %add3A_4 = arith.addi %broadcast_in_dim3A_1, %add3A_3 : vector<16xi32>
    %gather3A = tpu.vector_load_idx %arg7[%add3A_4] : memref<1024xi32, #tpu.memory_space<vmem>>[vector<16xi32>], vector<16xi32>,
    %slice3A = vector.extract_strided_slice %gather3A {offsets = [0], sizes = [1], strides = [1]} : vector<16xi32> to vector<1xi32>
    %squeeze3A = vector.extract %slice3A[0] : i32 from vector<1xi32>
    %add3A_5 = arith.constant 1023 : i32
    %add3A_6 = vector.broadcast %add3A_5 : i32 to vector<16xi32>
    %add3A_7 = arith.addi %broadcast_in_dim3A_1, %add3A_6 : vector<16xi32>
    %gather3A_8 = tpu.vector_load_idx %arg7[%add3A_7] : memref<1024xi32, #tpu.memory_space<vmem>>[vector<16xi32>], vector<16xi32>,
    %slice3A_9 = vector.extract_strided_slice %gather3A_8 {offsets = [0], sizes = [1], strides = [1]} : vector<16xi32> to vector<1xi32>
    %squeeze3A_10 = vector.extract %slice3A_9[0] : i32 from vector<1xi32>
    %shift_right_arithmetic3A = arith.constant 7 : i32
    %shift_right_arithmetic3A_11 = arith.shrsi %squeeze3A, %shift_right_arithmetic3A : i32
    %min3A = arith.constant 7811 : i32
    %min3A_12 = arith.minsi %shift_right_arithmetic3A_11, %min3A : i32
    %shift_right_arithmetic3A_13 = arith.constant 7 : i32
    %shift_right_arithmetic3A_14 = arith.shrsi %squeeze3A_10, %shift_right_arithmetic3A_13 : i32
    %min3A_15 = arith.constant 7811 : i32
    %min3A_16 = arith.minsi %shift_right_arithmetic3A_14, %min3A_15 : i32
    %lt3A = arith.constant 999936 : i32
    %lt3A_17 = arith.cmpi slt, %squeeze3A, %lt3A : i32
    %convert_element_type3A = arith.extui %lt3A_17 : i1 to i32
    %cond3A = arith.constant 0 : i32
    %cond3A_18 = arith.cmpi ne, %convert_element_type3A, %cond3A : i32
    scf.if %cond3A_18 {
      %add3A_49 = arith.constant 0 : i32
      %add3A_50 = arith.addi %min3A_12, %add3A_49 : i32
      %le3A = arith.cmpi sle, %add3A_50, %min3A_16 : i32
      %convert_element_type3A_51 = arith.extui %le3A : i1 to i32
      %cond3A_52 = arith.constant 0 : i32
      %cond3A_53 = arith.cmpi ne, %convert_element_type3A_51, %cond3A_52 : i32
      scf.if %cond3A_53 {
        %add3A_68 = arith.constant 0 : i32
        %add3A_69 = arith.addi %min3A_12, %add3A_68 : i32
        %mul3A_70 = arith.constant 128 : i32
        %mul3A_71 = arith.muli %add3A_69, %mul3A_70 : i32
        %multiple_of3A = tpu.assume_multiple %mul3A_71, 128 : i32
        %jit3A = arith.constant 4 : i32
        %eq3A = arith.constant 0 : i32
        %eq3A_72 = arith.cmpi eq, %jit3A, %eq3A : i32
        %jit3A_73 = arith.constant 1 : i32
        %select_n3A = arith.select %eq3A_72, %jit3A_73, %jit3A : i32
        %rem3A = arith.remsi %add3A_69, %select_n3A : i32
        %ne3A = arith.constant 0 : i32
        %ne3A_74 = arith.cmpi ne, %rem3A, %ne3A : i32
        %lt3A_75 = arith.constant 0 : i32
        %lt3A_76 = arith.cmpi slt, %rem3A, %lt3A_75 : i32
        %lt3A_77 = arith.constant 0 : i32
        %lt3A_78 = arith.cmpi slt, %select_n3A, %lt3A_77 : i32
        %ne3A_79 = arith.xori %lt3A_76, %lt3A_78 : i1
        %and3A = arith.andi %ne3A_79, %ne3A_74 : i1
        %add3A_80 = arith.addi %rem3A, %select_n3A : i32
        %select_n3A_81 = arith.select %and3A, %add3A_80, %rem3A : i32
        %eq3A_82 = arith.constant 0 : i32
        %eq3A_83 = arith.cmpi eq, %select_n3A_81, %eq3A_82 : i32
        %convert_element_type3A_84 = arith.extui %eq3A_83 : i1 to i32
        %cond3A_85 = arith.constant 0 : i32
        %cond3A_86 = arith.cmpi ne, %convert_element_type3A_84, %cond3A_85 : i32
        scf.if %cond3A_86 {
          %dma_start3A = arith.constant 0 : i32
          %dma_start3A_150 = arith.constant 0 : i32
          %dma_start3A_151 = arith.constant 0 : i32
          %dma_start3A_152 = tpu.memref_slice %arg10[%dma_start3A, %dma_start3A_150, %dma_start3A_151] : memref<4x64x128xf32, #tpu.memory_space<vmem>> -> memref<1x64x128xf32, #tpu.memory_space<vmem>>
          %dma_start3A_153 = tpu.memref_squeeze %dma_start3A_152 : memref<1x64x128xf32, #tpu.memory_space<vmem>> -> memref<64x128xf32, #tpu.memory_space<vmem>>
          %dma_start3A_154 = arith.constant 0 : i32
          %dma_start3A_155 = tpu.memref_slice %arg4[%dma_start3A_154, %multiple_of3A] : memref<64x1000000xf32, #tpu.memory_space<hbm>> -> memref<64x128xf32, #tpu.memory_space<hbm>>
          %dma_start3A_156 = arith.constant 0 : i32
          %dma_start3A_157 = arith.constant 0 : i32
          %dma_start3A_158 = tpu.memref_slice %arg10[%dma_start3A, %dma_start3A_156, %dma_start3A_157] : memref<4x64x128xf32, #tpu.memory_space<vmem>> -> memref<1x64x128xf32, #tpu.memory_space<vmem>>
          %dma_start3A_159 = tpu.memref_squeeze %dma_start3A_158 : memref<1x64x128xf32, #tpu.memory_space<vmem>> -> memref<64x128xf32, #tpu.memory_space<vmem>>
          %dma_start3A_160 = arith.constant 0 : i32
          %dma_start3A_161 = tpu.memref_slice %arg4[%dma_start3A_160, %multiple_of3A] : memref<64x1000000xf32, #tpu.memory_space<hbm>> -> memref<64x128xf32, #tpu.memory_space<hbm>>
          tpu.enqueue_dma source(%dma_start3A_161 : memref<64x128xf32, #tpu.memory_space<hbm>>) target(%dma_start3A_159 : memref<64x128xf32, #tpu.memory_space<vmem>>) target_semaphore(%arg12 : memref<!tpu.dma_semaphore, #tpu.memory_space<semaphore_mem>>)
        } else {
        }
        %jit3A_87 = arith.constant 4 : i32
        %eq3A_88 = arith.constant 0 : i32
        %eq3A_89 = arith.cmpi eq, %jit3A_87, %eq3A_88 : i32
        %jit3A_90 = arith.constant 1 : i32
        %select_n3A_91 = arith.select %eq3A_89, %jit3A_90, %jit3A_87 : i32
        %rem3A_92 = arith.remsi %add3A_69, %select_n3A_91 : i32
        %ne3A_93 = arith.constant 0 : i32
        %ne3A_94 = arith.cmpi ne, %rem3A_92, %ne3A_93 : i32
        %lt3A_95 = arith.constant 0 : i32
        %lt3A_96 = arith.cmpi slt, %rem3A_92, %lt3A_95 : i32
        %lt3A_97 = arith.constant 0 : i32
        %lt3A_98 = arith.cmpi slt, %select_n3A_91, %lt3A_97 : i32
        %ne3A_99 = arith.xori %lt3A_96, %lt3A_98 : i1
        %and3A_100 = arith.andi %ne3A_99, %ne3A_94 : i1
        %add3A_101 = arith.addi %rem3A_92, %select_n3A_91 : i32
        %select_n3A_102 = arith.select %and3A_100, %add3A_101, %rem3A_92 : i32
        %eq3A_103 = arith.constant 1 : i32
        %eq3A_104 = arith.cmpi eq, %select_n3A_102, %eq3A_103 : i32
        %convert_element_type3A_105 = arith.extui %eq3A_104 : i1 to i32
        %cond3A_106 = arith.constant 0 : i32
        %cond3A_107 = arith.cmpi ne, %convert_element_type3A_105, %cond3A_106 : i32
        scf.if %cond3A_107 {
          %dma_start3A = arith.constant 1 : i32
          %dma_start3A_150 = arith.constant 0 : i32
          %dma_start3A_151 = arith.constant 0 : i32
          %dma_start3A_152 = tpu.memref_slice %arg10[%dma_start3A, %dma_start3A_150, %dma_start3A_151] : memref<4x64x128xf32, #tpu.memory_space<vmem>> -> memref<1x64x128xf32, #tpu.memory_space<vmem>>
          %dma_start3A_153 = tpu.memref_squeeze %dma_start3A_152 : memref<1x64x128xf32, #tpu.memory_space<vmem>> -> memref<64x128xf32, #tpu.memory_space<vmem>>
          %dma_start3A_154 = arith.constant 0 : i32
          %dma_start3A_155 = tpu.memref_slice %arg4[%dma_start3A_154, %multiple_of3A] : memref<64x1000000xf32, #tpu.memory_space<hbm>> -> memref<64x128xf32, #tpu.memory_space<hbm>>
          %dma_start3A_156 = arith.constant 0 : i32
          %dma_start3A_157 = arith.constant 0 : i32
          %dma_start3A_158 = tpu.memref_slice %arg10[%dma_start3A, %dma_start3A_156, %dma_start3A_157] : memref<4x64x128xf32, #tpu.memory_space<vmem>> -> memref<1x64x128xf32, #tpu.memory_space<vmem>>
          %dma_start3A_159 = tpu.memref_squeeze %dma_start3A_158 : memref<1x64x128xf32, #tpu.memory_space<vmem>> -> memref<64x128xf32, #tpu.memory_space<vmem>>
          %dma_start3A_160 = arith.constant 0 : i32
          %dma_start3A_161 = tpu.memref_slice %arg4[%dma_start3A_160, %multiple_of3A] : memref<64x1000000xf32, #tpu.memory_space<hbm>> -> memref<64x128xf32, #tpu.memory_space<hbm>>
          tpu.enqueue_dma source(%dma_start3A_161 : memref<64x128xf32, #tpu.memory_space<hbm>>) target(%dma_start3A_159 : memref<64x128xf32, #tpu.memory_space<vmem>>) target_semaphore(%arg13 : memref<!tpu.dma_semaphore, #tpu.memory_space<semaphore_mem>>)
        } else {
        }
        %jit3A_108 = arith.constant 4 : i32
        %eq3A_109 = arith.constant 0 : i32
        %eq3A_110 = arith.cmpi eq, %jit3A_108, %eq3A_109 : i32
        %jit3A_111 = arith.constant 1 : i32
        %select_n3A_112 = arith.select %eq3A_110, %jit3A_111, %jit3A_108 : i32
        %rem3A_113 = arith.remsi %add3A_69, %select_n3A_112 : i32
        %ne3A_114 = arith.constant 0 : i32
        %ne3A_115 = arith.cmpi ne, %rem3A_113, %ne3A_114 : i32
        %lt3A_116 = arith.constant 0 : i32
        %lt3A_117 = arith.cmpi slt, %rem3A_113, %lt3A_116 : i32
        %lt3A_118 = arith.constant 0 : i32
        %lt3A_119 = arith.cmpi slt, %select_n3A_112, %lt3A_118 : i32
        %ne3A_120 = arith.xori %lt3A_117, %lt3A_119 : i1
        %and3A_121 = arith.andi %ne3A_120, %ne3A_115 : i1
        %add3A_122 = arith.addi %rem3A_113, %select_n3A_112 : i32
        %select_n3A_123 = arith.select %and3A_121, %add3A_122, %rem3A_113 : i32
        %eq3A_124 = arith.constant 2 : i32
        %eq3A_125 = arith.cmpi eq, %select_n3A_123, %eq3A_124 : i32
        %convert_element_type3A_126 = arith.extui %eq3A_125 : i1 to i32
        %cond3A_127 = arith.constant 0 : i32
        %cond3A_128 = arith.cmpi ne, %convert_element_type3A_126, %cond3A_127 : i32
        scf.if %cond3A_128 {
          %dma_start3A = arith.constant 2 : i32
          %dma_start3A_150 = arith.constant 0 : i32
          %dma_start3A_151 = arith.constant 0 : i32
          %dma_start3A_152 = tpu.memref_slice %arg10[%dma_start3A, %dma_start3A_150, %dma_start3A_151] : memref<4x64x128xf32, #tpu.memory_space<vmem>> -> memref<1x64x128xf32, #tpu.memory_space<vmem>>
          %dma_start3A_153 = tpu.memref_squeeze %dma_start3A_152 : memref<1x64x128xf32, #tpu.memory_space<vmem>> -> memref<64x128xf32, #tpu.memory_space<vmem>>
          %dma_start3A_154 = arith.constant 0 : i32
          %dma_start3A_155 = tpu.memref_slice %arg4[%dma_start3A_154, %multiple_of3A] : memref<64x1000000xf32, #tpu.memory_space<hbm>> -> memref<64x128xf32, #tpu.memory_space<hbm>>
          %dma_start3A_156 = arith.constant 0 : i32
          %dma_start3A_157 = arith.constant 0 : i32
          %dma_start3A_158 = tpu.memref_slice %arg10[%dma_start3A, %dma_start3A_156, %dma_start3A_157] : memref<4x64x128xf32, #tpu.memory_space<vmem>> -> memref<1x64x128xf32, #tpu.memory_space<vmem>>
          %dma_start3A_159 = tpu.memref_squeeze %dma_start3A_158 : memref<1x64x128xf32, #tpu.memory_space<vmem>> -> memref<64x128xf32, #tpu.memory_space<vmem>>
          %dma_start3A_160 = arith.constant 0 : i32
          %dma_start3A_161 = tpu.memref_slice %arg4[%dma_start3A_160, %multiple_of3A] : memref<64x1000000xf32, #tpu.memory_space<hbm>> -> memref<64x128xf32, #tpu.memory_space<hbm>>
          tpu.enqueue_dma source(%dma_start3A_161 : memref<64x128xf32, #tpu.memory_space<hbm>>) target(%dma_start3A_159 : memref<64x128xf32, #tpu.memory_space<vmem>>) target_semaphore(%arg14 : memref<!tpu.dma_semaphore, #tpu.memory_space<semaphore_mem>>)
        } else {
        }
        %jit3A_129 = arith.constant 4 : i32
        %eq3A_130 = arith.constant 0 : i32
        %eq3A_131 = arith.cmpi eq, %jit3A_129, %eq3A_130 : i32
        %jit3A_132 = arith.constant 1 : i32
        %select_n3A_133 = arith.select %eq3A_131, %jit3A_132, %jit3A_129 : i32
        %rem3A_134 = arith.remsi %add3A_69, %select_n3A_133 : i32
        %ne3A_135 = arith.constant 0 : i32
        %ne3A_136 = arith.cmpi ne, %rem3A_134, %ne3A_135 : i32
        %lt3A_137 = arith.constant 0 : i32
        %lt3A_138 = arith.cmpi slt, %rem3A_134, %lt3A_137 : i32
        %lt3A_139 = arith.constant 0 : i32
        %lt3A_140 = arith.cmpi slt, %select_n3A_133, %lt3A_139 : i32
        %ne3A_141 = arith.xori %lt3A_138, %lt3A_140 : i1
        %and3A_142 = arith.andi %ne3A_141, %ne3A_136 : i1
        %add3A_143 = arith.addi %rem3A_134, %select_n3A_133 : i32
        %select_n3A_144 = arith.select %and3A_142, %add3A_143, %rem3A_134 : i32
        %eq3A_145 = arith.constant 3 : i32
        %eq3A_146 = arith.cmpi eq, %select_n3A_144, %eq3A_145 : i32
        %convert_element_type3A_147 = arith.extui %eq3A_146 : i1 to i32
        %cond3A_148 = arith.constant 0 : i32
        %cond3A_149 = arith.cmpi ne, %convert_element_type3A_147, %cond3A_148 : i32
        scf.if %cond3A_149 {
          %dma_start3A = arith.constant 3 : i32
          %dma_start3A_150 = arith.constant 0 : i32
          %dma_start3A_151 = arith.constant 0 : i32
          %dma_start3A_152 = tpu.memref_slice %arg10[%dma_start3A, %dma_start3A_150, %dma_start3A_151] : memref<4x64x128xf32, #tpu.memory_space<vmem>> -> memref<1x64x128xf32, #tpu.memory_space<vmem>>
          %dma_start3A_153 = tpu.memref_squeeze %dma_start3A_152 : memref<1x64x128xf32, #tpu.memory_space<vmem>> -> memref<64x128xf32, #tpu.memory_space<vmem>>
          %dma_start3A_154 = arith.constant 0 : i32
          %dma_start3A_155 = tpu.memref_slice %arg4[%dma_start3A_154, %multiple_of3A] : memref<64x1000000xf32, #tpu.memory_space<hbm>> -> memref<64x128xf32, #tpu.memory_space<hbm>>
          %dma_start3A_156 = arith.constant 0 : i32
          %dma_start3A_157 = arith.constant 0 : i32
          %dma_start3A_158 = tpu.memref_slice %arg10[%dma_start3A, %dma_start3A_156, %dma_start3A_157] : memref<4x64x128xf32, #tpu.memory_space<vmem>> -> memref<1x64x128xf32, #tpu.memory_space<vmem>>
          %dma_start3A_159 = tpu.memref_squeeze %dma_start3A_158 : memref<1x64x128xf32, #tpu.memory_space<vmem>> -> memref<64x128xf32, #tpu.memory_space<vmem>>
          %dma_start3A_160 = arith.constant 0 : i32
          %dma_start3A_161 = tpu.memref_slice %arg4[%dma_start3A_160, %multiple_of3A] : memref<64x1000000xf32, #tpu.memory_space<hbm>> -> memref<64x128xf32, #tpu.memory_space<hbm>>
          tpu.enqueue_dma source(%dma_start3A_161 : memref<64x128xf32, #tpu.memory_space<hbm>>) target(%dma_start3A_159 : memref<64x128xf32, #tpu.memory_space<vmem>>) target_semaphore(%arg15 : memref<!tpu.dma_semaphore, #tpu.memory_space<semaphore_mem>>)
        } else {
        }
      } else {
      }
      %add3A_54 = arith.constant 1 : i32
      %add3A_55 = arith.addi %min3A_12, %add3A_54 : i32
      %le3A_56 = arith.cmpi sle, %add3A_55, %min3A_16 : i32
      %convert_element_type3A_57 = arith.extui %le3A_56 : i1 to i32
      %cond3A_58 = arith.constant 0 : i32
      %cond3A_59 = arith.cmpi ne, %convert_element_type3A_57, %cond3A_58 : i32
      scf.if %cond3A_59 {
        %add3A_68 = arith.constant 1 : i32
        %add3A_69 = arith.addi %min3A_12, %add3A_68 : i32
        %mul3A_70 = arith.constant 128 : i32
        %mul3A_71 = arith.muli %add3A_69, %mul3A_70 : i32
        %multiple_of3A = tpu.assume_multiple %mul3A_71, 128 : i32
        %jit3A = arith.constant 4 : i32
        %eq3A = arith.constant 0 : i32
        %eq3A_72 = arith.cmpi eq, %jit3A, %eq3A : i32
        %jit3A_73 = arith.constant 1 : i32
        %select_n3A = arith.select %eq3A_72, %jit3A_73, %jit3A : i32
        %rem3A = arith.remsi %add3A_69, %select_n3A : i32
        %ne3A = arith.constant 0 : i32
        %ne3A_74 = arith.cmpi ne, %rem3A, %ne3A : i32
        %lt3A_75 = arith.constant 0 : i32
        %lt3A_76 = arith.cmpi slt, %rem3A, %lt3A_75 : i32
        %lt3A_77 = arith.constant 0 : i32
        %lt3A_78 = arith.cmpi slt, %select_n3A, %lt3A_77 : i32
        %ne3A_79 = arith.xori %lt3A_76, %lt3A_78 : i1
        %and3A = arith.andi %ne3A_79, %ne3A_74 : i1
        %add3A_80 = arith.addi %rem3A, %select_n3A : i32
        %select_n3A_81 = arith.select %and3A, %add3A_80, %rem3A : i32
        %eq3A_82 = arith.constant 0 : i32
        %eq3A_83 = arith.cmpi eq, %select_n3A_81, %eq3A_82 : i32
        %convert_element_type3A_84 = arith.extui %eq3A_83 : i1 to i32
        %cond3A_85 = arith.constant 0 : i32
        %cond3A_86 = arith.cmpi ne, %convert_element_type3A_84, %cond3A_85 : i32
        scf.if %cond3A_86 {
          %dma_start3A = arith.constant 0 : i32
          %dma_start3A_150 = arith.constant 0 : i32
          %dma_start3A_151 = arith.constant 0 : i32
          %dma_start3A_152 = tpu.memref_slice %arg10[%dma_start3A, %dma_start3A_150, %dma_start3A_151] : memref<4x64x128xf32, #tpu.memory_space<vmem>> -> memref<1x64x128xf32, #tpu.memory_space<vmem>>
          %dma_start3A_153 = tpu.memref_squeeze %dma_start3A_152 : memref<1x64x128xf32, #tpu.memory_space<vmem>> -> memref<64x128xf32, #tpu.memory_space<vmem>>
          %dma_start3A_154 = arith.constant 0 : i32
          %dma_start3A_155 = tpu.memref_slice %arg4[%dma_start3A_154, %multiple_of3A] : memref<64x1000000xf32, #tpu.memory_space<hbm>> -> memref<64x128xf32, #tpu.memory_space<hbm>>
          %dma_start3A_156 = arith.constant 0 : i32
          %dma_start3A_157 = arith.constant 0 : i32
          %dma_start3A_158 = tpu.memref_slice %arg10[%dma_start3A, %dma_start3A_156, %dma_start3A_157] : memref<4x64x128xf32, #tpu.memory_space<vmem>> -> memref<1x64x128xf32, #tpu.memory_space<vmem>>
          %dma_start3A_159 = tpu.memref_squeeze %dma_start3A_158 : memref<1x64x128xf32, #tpu.memory_space<vmem>> -> memref<64x128xf32, #tpu.memory_space<vmem>>
          %dma_start3A_160 = arith.constant 0 : i32
          %dma_start3A_161 = tpu.memref_slice %arg4[%dma_start3A_160, %multiple_of3A] : memref<64x1000000xf32, #tpu.memory_space<hbm>> -> memref<64x128xf32, #tpu.memory_space<hbm>>
          tpu.enqueue_dma source(%dma_start3A_161 : memref<64x128xf32, #tpu.memory_space<hbm>>) target(%dma_start3A_159 : memref<64x128xf32, #tpu.memory_space<vmem>>) target_semaphore(%arg12 : memref<!tpu.dma_semaphore, #tpu.memory_space<semaphore_mem>>)
        } else {
        }
        %jit3A_87 = arith.constant 4 : i32
        %eq3A_88 = arith.constant 0 : i32
        %eq3A_89 = arith.cmpi eq, %jit3A_87, %eq3A_88 : i32
        %jit3A_90 = arith.constant 1 : i32
        %select_n3A_91 = arith.select %eq3A_89, %jit3A_90, %jit3A_87 : i32
        %rem3A_92 = arith.remsi %add3A_69, %select_n3A_91 : i32
        %ne3A_93 = arith.constant 0 : i32
        %ne3A_94 = arith.cmpi ne, %rem3A_92, %ne3A_93 : i32
        %lt3A_95 = arith.constant 0 : i32
        %lt3A_96 = arith.cmpi slt, %rem3A_92, %lt3A_95 : i32
        %lt3A_97 = arith.constant 0 : i32
        %lt3A_98 = arith.cmpi slt, %select_n3A_91, %lt3A_97 : i32
        %ne3A_99 = arith.xori %lt3A_96, %lt3A_98 : i1
        %and3A_100 = arith.andi %ne3A_99, %ne3A_94 : i1
        %add3A_101 = arith.addi %rem3A_92, %select_n3A_91 : i32
        %select_n3A_102 = arith.select %and3A_100, %add3A_101, %rem3A_92 : i32
        %eq3A_103 = arith.constant 1 : i32
        %eq3A_104 = arith.cmpi eq, %select_n3A_102, %eq3A_103 : i32
        %convert_element_type3A_105 = arith.extui %eq3A_104 : i1 to i32
        %cond3A_106 = arith.constant 0 : i32
        %cond3A_107 = arith.cmpi ne, %convert_element_type3A_105, %cond3A_106 : i32
        scf.if %cond3A_107 {
          %dma_start3A = arith.constant 1 : i32
          %dma_start3A_150 = arith.constant 0 : i32
          %dma_start3A_151 = arith.constant 0 : i32
          %dma_start3A_152 = tpu.memref_slice %arg10[%dma_start3A, %dma_start3A_150, %dma_start3A_151] : memref<4x64x128xf32, #tpu.memory_space<vmem>> -> memref<1x64x128xf32, #tpu.memory_space<vmem>>
          %dma_start3A_153 = tpu.memref_squeeze %dma_start3A_152 : memref<1x64x128xf32, #tpu.memory_space<vmem>> -> memref<64x128xf32, #tpu.memory_space<vmem>>
          %dma_start3A_154 = arith.constant 0 : i32
          %dma_start3A_155 = tpu.memref_slice %arg4[%dma_start3A_154, %multiple_of3A] : memref<64x1000000xf32, #tpu.memory_space<hbm>> -> memref<64x128xf32, #tpu.memory_space<hbm>>
          %dma_start3A_156 = arith.constant 0 : i32
          %dma_start3A_157 = arith.constant 0 : i32
          %dma_start3A_158 = tpu.memref_slice %arg10[%dma_start3A, %dma_start3A_156, %dma_start3A_157] : memref<4x64x128xf32, #tpu.memory_space<vmem>> -> memref<1x64x128xf32, #tpu.memory_space<vmem>>
          %dma_start3A_159 = tpu.memref_squeeze %dma_start3A_158 : memref<1x64x128xf32, #tpu.memory_space<vmem>> -> memref<64x128xf32, #tpu.memory_space<vmem>>
          %dma_start3A_160 = arith.constant 0 : i32
          %dma_start3A_161 = tpu.memref_slice %arg4[%dma_start3A_160, %multiple_of3A] : memref<64x1000000xf32, #tpu.memory_space<hbm>> -> memref<64x128xf32, #tpu.memory_space<hbm>>
          tpu.enqueue_dma source(%dma_start3A_161 : memref<64x128xf32, #tpu.memory_space<hbm>>) target(%dma_start3A_159 : memref<64x128xf32, #tpu.memory_space<vmem>>) target_semaphore(%arg13 : memref<!tpu.dma_semaphore, #tpu.memory_space<semaphore_mem>>)
        } else {
        }
        %jit3A_108 = arith.constant 4 : i32
        %eq3A_109 = arith.constant 0 : i32
        %eq3A_110 = arith.cmpi eq, %jit3A_108, %eq3A_109 : i32
        %jit3A_111 = arith.constant 1 : i32
        %select_n3A_112 = arith.select %eq3A_110, %jit3A_111, %jit3A_108 : i32
        %rem3A_113 = arith.remsi %add3A_69, %select_n3A_112 : i32
        %ne3A_114 = arith.constant 0 : i32
        %ne3A_115 = arith.cmpi ne, %rem3A_113, %ne3A_114 : i32
        %lt3A_116 = arith.constant 0 : i32
        %lt3A_117 = arith.cmpi slt, %rem3A_113, %lt3A_116 : i32
        %lt3A_118 = arith.constant 0 : i32
        %lt3A_119 = arith.cmpi slt, %select_n3A_112, %lt3A_118 : i32
        %ne3A_120 = arith.xori %lt3A_117, %lt3A_119 : i1
        %and3A_121 = arith.andi %ne3A_120, %ne3A_115 : i1
        %add3A_122 = arith.addi %rem3A_113, %select_n3A_112 : i32
        %select_n3A_123 = arith.select %and3A_121, %add3A_122, %rem3A_113 : i32
        %eq3A_124 = arith.constant 2 : i32
        %eq3A_125 = arith.cmpi eq, %select_n3A_123, %eq3A_124 : i32
        %convert_element_type3A_126 = arith.extui %eq3A_125 : i1 to i32
        %cond3A_127 = arith.constant 0 : i32
        %cond3A_128 = arith.cmpi ne, %convert_element_type3A_126, %cond3A_127 : i32
        scf.if %cond3A_128 {
          %dma_start3A = arith.constant 2 : i32
          %dma_start3A_150 = arith.constant 0 : i32
          %dma_start3A_151 = arith.constant 0 : i32
          %dma_start3A_152 = tpu.memref_slice %arg10[%dma_start3A, %dma_start3A_150, %dma_start3A_151] : memref<4x64x128xf32, #tpu.memory_space<vmem>> -> memref<1x64x128xf32, #tpu.memory_space<vmem>>
          %dma_start3A_153 = tpu.memref_squeeze %dma_start3A_152 : memref<1x64x128xf32, #tpu.memory_space<vmem>> -> memref<64x128xf32, #tpu.memory_space<vmem>>
          %dma_start3A_154 = arith.constant 0 : i32
          %dma_start3A_155 = tpu.memref_slice %arg4[%dma_start3A_154, %multiple_of3A] : memref<64x1000000xf32, #tpu.memory_space<hbm>> -> memref<64x128xf32, #tpu.memory_space<hbm>>
          %dma_start3A_156 = arith.constant 0 : i32
          %dma_start3A_157 = arith.constant 0 : i32
          %dma_start3A_158 = tpu.memref_slice %arg10[%dma_start3A, %dma_start3A_156, %dma_start3A_157] : memref<4x64x128xf32, #tpu.memory_space<vmem>> -> memref<1x64x128xf32, #tpu.memory_space<vmem>>
          %dma_start3A_159 = tpu.memref_squeeze %dma_start3A_158 : memref<1x64x128xf32, #tpu.memory_space<vmem>> -> memref<64x128xf32, #tpu.memory_space<vmem>>
          %dma_start3A_160 = arith.constant 0 : i32
          %dma_start3A_161 = tpu.memref_slice %arg4[%dma_start3A_160, %multiple_of3A] : memref<64x1000000xf32, #tpu.memory_space<hbm>> -> memref<64x128xf32, #tpu.memory_space<hbm>>
          tpu.enqueue_dma source(%dma_start3A_161 : memref<64x128xf32, #tpu.memory_space<hbm>>) target(%dma_start3A_159 : memref<64x128xf32, #tpu.memory_space<vmem>>) target_semaphore(%arg14 : memref<!tpu.dma_semaphore, #tpu.memory_space<semaphore_mem>>)
        } else {
        }
        %jit3A_129 = arith.constant 4 : i32
        %eq3A_130 = arith.constant 0 : i32
        %eq3A_131 = arith.cmpi eq, %jit3A_129, %eq3A_130 : i32
        %jit3A_132 = arith.constant 1 : i32
        %select_n3A_133 = arith.select %eq3A_131, %jit3A_132, %jit3A_129 : i32
        %rem3A_134 = arith.remsi %add3A_69, %select_n3A_133 : i32
        %ne3A_135 = arith.constant 0 : i32
        %ne3A_136 = arith.cmpi ne, %rem3A_134, %ne3A_135 : i32
        %lt3A_137 = arith.constant 0 : i32
        %lt3A_138 = arith.cmpi slt, %rem3A_134, %lt3A_137 : i32
        %lt3A_139 = arith.constant 0 : i32
        %lt3A_140 = arith.cmpi slt, %select_n3A_133, %lt3A_139 : i32
        %ne3A_141 = arith.xori %lt3A_138, %lt3A_140 : i1
        %and3A_142 = arith.andi %ne3A_141, %ne3A_136 : i1
        %add3A_143 = arith.addi %rem3A_134, %select_n3A_133 : i32
        %select_n3A_144 = arith.select %and3A_142, %add3A_143, %rem3A_134 : i32
        %eq3A_145 = arith.constant 3 : i32
        %eq3A_146 = arith.cmpi eq, %select_n3A_144, %eq3A_145 : i32
        %convert_element_type3A_147 = arith.extui %eq3A_146 : i1 to i32
        %cond3A_148 = arith.constant 0 : i32
        %cond3A_149 = arith.cmpi ne, %convert_element_type3A_147, %cond3A_148 : i32
        scf.if %cond3A_149 {
          %dma_start3A = arith.constant 3 : i32
          %dma_start3A_150 = arith.constant 0 : i32
          %dma_start3A_151 = arith.constant 0 : i32
          %dma_start3A_152 = tpu.memref_slice %arg10[%dma_start3A, %dma_start3A_150, %dma_start3A_151] : memref<4x64x128xf32, #tpu.memory_space<vmem>> -> memref<1x64x128xf32, #tpu.memory_space<vmem>>
          %dma_start3A_153 = tpu.memref_squeeze %dma_start3A_152 : memref<1x64x128xf32, #tpu.memory_space<vmem>> -> memref<64x128xf32, #tpu.memory_space<vmem>>
          %dma_start3A_154 = arith.constant 0 : i32
          %dma_start3A_155 = tpu.memref_slice %arg4[%dma_start3A_154, %multiple_of3A] : memref<64x1000000xf32, #tpu.memory_space<hbm>> -> memref<64x128xf32, #tpu.memory_space<hbm>>
          %dma_start3A_156 = arith.constant 0 : i32
          %dma_start3A_157 = arith.constant 0 : i32
          %dma_start3A_158 = tpu.memref_slice %arg10[%dma_start3A, %dma_start3A_156, %dma_start3A_157] : memref<4x64x128xf32, #tpu.memory_space<vmem>> -> memref<1x64x128xf32, #tpu.memory_space<vmem>>
          %dma_start3A_159 = tpu.memref_squeeze %dma_start3A_158 : memref<1x64x128xf32, #tpu.memory_space<vmem>> -> memref<64x128xf32, #tpu.memory_space<vmem>>
          %dma_start3A_160 = arith.constant 0 : i32
          %dma_start3A_161 = tpu.memref_slice %arg4[%dma_start3A_160, %multiple_of3A] : memref<64x1000000xf32, #tpu.memory_space<hbm>> -> memref<64x128xf32, #tpu.memory_space<hbm>>
          tpu.enqueue_dma source(%dma_start3A_161 : memref<64x128xf32, #tpu.memory_space<hbm>>) target(%dma_start3A_159 : memref<64x128xf32, #tpu.memory_space<vmem>>) target_semaphore(%arg15 : memref<!tpu.dma_semaphore, #tpu.memory_space<semaphore_mem>>)
        } else {
        }
      } else {
      }
      %add3A_60 = arith.constant 2 : i32
      %add3A_61 = arith.addi %min3A_12, %add3A_60 : i32
      %le3A_62 = arith.cmpi sle, %add3A_61, %min3A_16 : i32
      %convert_element_type3A_63 = arith.extui %le3A_62 : i1 to i32
      %cond3A_64 = arith.constant 0 : i32
      %cond3A_65 = arith.cmpi ne, %convert_element_type3A_63, %cond3A_64 : i32
      scf.if %cond3A_65 {
        %add3A_68 = arith.constant 2 : i32
        %add3A_69 = arith.addi %min3A_12, %add3A_68 : i32
        %mul3A_70 = arith.constant 128 : i32
        %mul3A_71 = arith.muli %add3A_69, %mul3A_70 : i32
        %multiple_of3A = tpu.assume_multiple %mul3A_71, 128 : i32
        %jit3A = arith.constant 4 : i32
        %eq3A = arith.constant 0 : i32
        %eq3A_72 = arith.cmpi eq, %jit3A, %eq3A : i32
        %jit3A_73 = arith.constant 1 : i32
        %select_n3A = arith.select %eq3A_72, %jit3A_73, %jit3A : i32
        %rem3A = arith.remsi %add3A_69, %select_n3A : i32
        %ne3A = arith.constant 0 : i32
        %ne3A_74 = arith.cmpi ne, %rem3A, %ne3A : i32
        %lt3A_75 = arith.constant 0 : i32
        %lt3A_76 = arith.cmpi slt, %rem3A, %lt3A_75 : i32
        %lt3A_77 = arith.constant 0 : i32
        %lt3A_78 = arith.cmpi slt, %select_n3A, %lt3A_77 : i32
        %ne3A_79 = arith.xori %lt3A_76, %lt3A_78 : i1
        %and3A = arith.andi %ne3A_79, %ne3A_74 : i1
        %add3A_80 = arith.addi %rem3A, %select_n3A : i32
        %select_n3A_81 = arith.select %and3A, %add3A_80, %rem3A : i32
        %eq3A_82 = arith.constant 0 : i32
        %eq3A_83 = arith.cmpi eq, %select_n3A_81, %eq3A_82 : i32
        %convert_element_type3A_84 = arith.extui %eq3A_83 : i1 to i32
        %cond3A_85 = arith.constant 0 : i32
        %cond3A_86 = arith.cmpi ne, %convert_element_type3A_84, %cond3A_85 : i32
        scf.if %cond3A_86 {
          %dma_start3A = arith.constant 0 : i32
          %dma_start3A_150 = arith.constant 0 : i32
          %dma_start3A_151 = arith.constant 0 : i32
          %dma_start3A_152 = tpu.memref_slice %arg10[%dma_start3A, %dma_start3A_150, %dma_start3A_151] : memref<4x64x128xf32, #tpu.memory_space<vmem>> -> memref<1x64x128xf32, #tpu.memory_space<vmem>>
          %dma_start3A_153 = tpu.memref_squeeze %dma_start3A_152 : memref<1x64x128xf32, #tpu.memory_space<vmem>> -> memref<64x128xf32, #tpu.memory_space<vmem>>
          %dma_start3A_154 = arith.constant 0 : i32
          %dma_start3A_155 = tpu.memref_slice %arg4[%dma_start3A_154, %multiple_of3A] : memref<64x1000000xf32, #tpu.memory_space<hbm>> -> memref<64x128xf32, #tpu.memory_space<hbm>>
          %dma_start3A_156 = arith.constant 0 : i32
          %dma_start3A_157 = arith.constant 0 : i32
          %dma_start3A_158 = tpu.memref_slice %arg10[%dma_start3A, %dma_start3A_156, %dma_start3A_157] : memref<4x64x128xf32, #tpu.memory_space<vmem>> -> memref<1x64x128xf32, #tpu.memory_space<vmem>>
          %dma_start3A_159 = tpu.memref_squeeze %dma_start3A_158 : memref<1x64x128xf32, #tpu.memory_space<vmem>> -> memref<64x128xf32, #tpu.memory_space<vmem>>
          %dma_start3A_160 = arith.constant 0 : i32
          %dma_start3A_161 = tpu.memref_slice %arg4[%dma_start3A_160, %multiple_of3A] : memref<64x1000000xf32, #tpu.memory_space<hbm>> -> memref<64x128xf32, #tpu.memory_space<hbm>>
          tpu.enqueue_dma source(%dma_start3A_161 : memref<64x128xf32, #tpu.memory_space<hbm>>) target(%dma_start3A_159 : memref<64x128xf32, #tpu.memory_space<vmem>>) target_semaphore(%arg12 : memref<!tpu.dma_semaphore, #tpu.memory_space<semaphore_mem>>)
        } else {
        }
        %jit3A_87 = arith.constant 4 : i32
        %eq3A_88 = arith.constant 0 : i32
        %eq3A_89 = arith.cmpi eq, %jit3A_87, %eq3A_88 : i32
        %jit3A_90 = arith.constant 1 : i32
        %select_n3A_91 = arith.select %eq3A_89, %jit3A_90, %jit3A_87 : i32
        %rem3A_92 = arith.remsi %add3A_69, %select_n3A_91 : i32
        %ne3A_93 = arith.constant 0 : i32
        %ne3A_94 = arith.cmpi ne, %rem3A_92, %ne3A_93 : i32
        %lt3A_95 = arith.constant 0 : i32
        %lt3A_96 = arith.cmpi slt, %rem3A_92, %lt3A_95 : i32
        %lt3A_97 = arith.constant 0 : i32
        %lt3A_98 = arith.cmpi slt, %select_n3A_91, %lt3A_97 : i32
        %ne3A_99 = arith.xori %lt3A_96, %lt3A_98 : i1
        %and3A_100 = arith.andi %ne3A_99, %ne3A_94 : i1
        %add3A_101 = arith.addi %rem3A_92, %select_n3A_91 : i32
        %select_n3A_102 = arith.select %and3A_100, %add3A_101, %rem3A_92 : i32
        %eq3A_103 = arith.constant 1 : i32
        %eq3A_104 = arith.cmpi eq, %select_n3A_102, %eq3A_103 : i32
        %convert_element_type3A_105 = arith.extui %eq3A_104 : i1 to i32
        %cond3A_106 = arith.constant 0 : i32
        %cond3A_107 = arith.cmpi ne, %convert_element_type3A_105, %cond3A_106 : i32
        scf.if %cond3A_107 {
          %dma_start3A = arith.constant 1 : i32
          %dma_start3A_150 = arith.constant 0 : i32
          %dma_start3A_151 = arith.constant 0 : i32
          %dma_start3A_152 = tpu.memref_slice %arg10[%dma_start3A, %dma_start3A_150, %dma_start3A_151] : memref<4x64x128xf32, #tpu.memory_space<vmem>> -> memref<1x64x128xf32, #tpu.memory_space<vmem>>
          %dma_start3A_153 = tpu.memref_squeeze %dma_start3A_152 : memref<1x64x128xf32, #tpu.memory_space<vmem>> -> memref<64x128xf32, #tpu.memory_space<vmem>>
          %dma_start3A_154 = arith.constant 0 : i32
          %dma_start3A_155 = tpu.memref_slice %arg4[%dma_start3A_154, %multiple_of3A] : memref<64x1000000xf32, #tpu.memory_space<hbm>> -> memref<64x128xf32, #tpu.memory_space<hbm>>
          %dma_start3A_156 = arith.constant 0 : i32
          %dma_start3A_157 = arith.constant 0 : i32
          %dma_start3A_158 = tpu.memref_slice %arg10[%dma_start3A, %dma_start3A_156, %dma_start3A_157] : memref<4x64x128xf32, #tpu.memory_space<vmem>> -> memref<1x64x128xf32, #tpu.memory_space<vmem>>
          %dma_start3A_159 = tpu.memref_squeeze %dma_start3A_158 : memref<1x64x128xf32, #tpu.memory_space<vmem>> -> memref<64x128xf32, #tpu.memory_space<vmem>>
          %dma_start3A_160 = arith.constant 0 : i32
          %dma_start3A_161 = tpu.memref_slice %arg4[%dma_start3A_160, %multiple_of3A] : memref<64x1000000xf32, #tpu.memory_space<hbm>> -> memref<64x128xf32, #tpu.memory_space<hbm>>
          tpu.enqueue_dma source(%dma_start3A_161 : memref<64x128xf32, #tpu.memory_space<hbm>>) target(%dma_start3A_159 : memref<64x128xf32, #tpu.memory_space<vmem>>) target_semaphore(%arg13 : memref<!tpu.dma_semaphore, #tpu.memory_space<semaphore_mem>>)
        } else {
        }
        %jit3A_108 = arith.constant 4 : i32
        %eq3A_109 = arith.constant 0 : i32
        %eq3A_110 = arith.cmpi eq, %jit3A_108, %eq3A_109 : i32
        %jit3A_111 = arith.constant 1 : i32
        %select_n3A_112 = arith.select %eq3A_110, %jit3A_111, %jit3A_108 : i32
        %rem3A_113 = arith.remsi %add3A_69, %select_n3A_112 : i32
        %ne3A_114 = arith.constant 0 : i32
        %ne3A_115 = arith.cmpi ne, %rem3A_113, %ne3A_114 : i32
        %lt3A_116 = arith.constant 0 : i32
        %lt3A_117 = arith.cmpi slt, %rem3A_113, %lt3A_116 : i32
        %lt3A_118 = arith.constant 0 : i32
        %lt3A_119 = arith.cmpi slt, %select_n3A_112, %lt3A_118 : i32
        %ne3A_120 = arith.xori %lt3A_117, %lt3A_119 : i1
        %and3A_121 = arith.andi %ne3A_120, %ne3A_115 : i1
        %add3A_122 = arith.addi %rem3A_113, %select_n3A_112 : i32
        %select_n3A_123 = arith.select %and3A_121, %add3A_122, %rem3A_113 : i32
        %eq3A_124 = arith.constant 2 : i32
        %eq3A_125 = arith.cmpi eq, %select_n3A_123, %eq3A_124 : i32
        %convert_element_type3A_126 = arith.extui %eq3A_125 : i1 to i32
        %cond3A_127 = arith.constant 0 : i32
        %cond3A_128 = arith.cmpi ne, %convert_element_type3A_126, %cond3A_127 : i32
        scf.if %cond3A_128 {
          %dma_start3A = arith.constant 2 : i32
          %dma_start3A_150 = arith.constant 0 : i32
          %dma_start3A_151 = arith.constant 0 : i32
          %dma_start3A_152 = tpu.memref_slice %arg10[%dma_start3A, %dma_start3A_150, %dma_start3A_151] : memref<4x64x128xf32, #tpu.memory_space<vmem>> -> memref<1x64x128xf32, #tpu.memory_space<vmem>>
          %dma_start3A_153 = tpu.memref_squeeze %dma_start3A_152 : memref<1x64x128xf32, #tpu.memory_space<vmem>> -> memref<64x128xf32, #tpu.memory_space<vmem>>
          %dma_start3A_154 = arith.constant 0 : i32
          %dma_start3A_155 = tpu.memref_slice %arg4[%dma_start3A_154, %multiple_of3A] : memref<64x1000000xf32, #tpu.memory_space<hbm>> -> memref<64x128xf32, #tpu.memory_space<hbm>>
          %dma_start3A_156 = arith.constant 0 : i32
          %dma_start3A_157 = arith.constant 0 : i32
          %dma_start3A_158 = tpu.memref_slice %arg10[%dma_start3A, %dma_start3A_156, %dma_start3A_157] : memref<4x64x128xf32, #tpu.memory_space<vmem>> -> memref<1x64x128xf32, #tpu.memory_space<vmem>>
          %dma_start3A_159 = tpu.memref_squeeze %dma_start3A_158 : memref<1x64x128xf32, #tpu.memory_space<vmem>> -> memref<64x128xf32, #tpu.memory_space<vmem>>
          %dma_start3A_160 = arith.constant 0 : i32
          %dma_start3A_161 = tpu.memref_slice %arg4[%dma_start3A_160, %multiple_of3A] : memref<64x1000000xf32, #tpu.memory_space<hbm>> -> memref<64x128xf32, #tpu.memory_space<hbm>>
          tpu.enqueue_dma source(%dma_start3A_161 : memref<64x128xf32, #tpu.memory_space<hbm>>) target(%dma_start3A_159 : memref<64x128xf32, #tpu.memory_space<vmem>>) target_semaphore(%arg14 : memref<!tpu.dma_semaphore, #tpu.memory_space<semaphore_mem>>)
        } else {
        }
        %jit3A_129 = arith.constant 4 : i32
        %eq3A_130 = arith.constant 0 : i32
        %eq3A_131 = arith.cmpi eq, %jit3A_129, %eq3A_130 : i32
        %jit3A_132 = arith.constant 1 : i32
        %select_n3A_133 = arith.select %eq3A_131, %jit3A_132, %jit3A_129 : i32
        %rem3A_134 = arith.remsi %add3A_69, %select_n3A_133 : i32
        %ne3A_135 = arith.constant 0 : i32
        %ne3A_136 = arith.cmpi ne, %rem3A_134, %ne3A_135 : i32
        %lt3A_137 = arith.constant 0 : i32
        %lt3A_138 = arith.cmpi slt, %rem3A_134, %lt3A_137 : i32
        %lt3A_139 = arith.constant 0 : i32
        %lt3A_140 = arith.cmpi slt, %select_n3A_133, %lt3A_139 : i32
        %ne3A_141 = arith.xori %lt3A_138, %lt3A_140 : i1
        %and3A_142 = arith.andi %ne3A_141, %ne3A_136 : i1
        %add3A_143 = arith.addi %rem3A_134, %select_n3A_133 : i32
        %select_n3A_144 = arith.select %and3A_142, %add3A_143, %rem3A_134 : i32
        %eq3A_145 = arith.constant 3 : i32
        %eq3A_146 = arith.cmpi eq, %select_n3A_144, %eq3A_145 : i32
        %convert_element_type3A_147 = arith.extui %eq3A_146 : i1 to i32
        %cond3A_148 = arith.constant 0 : i32
        %cond3A_149 = arith.cmpi ne, %convert_element_type3A_147, %cond3A_148 : i32
        scf.if %cond3A_149 {
          %dma_start3A = arith.constant 3 : i32
          %dma_start3A_150 = arith.constant 0 : i32
          %dma_start3A_151 = arith.constant 0 : i32
          %dma_start3A_152 = tpu.memref_slice %arg10[%dma_start3A, %dma_start3A_150, %dma_start3A_151] : memref<4x64x128xf32, #tpu.memory_space<vmem>> -> memref<1x64x128xf32, #tpu.memory_space<vmem>>
          %dma_start3A_153 = tpu.memref_squeeze %dma_start3A_152 : memref<1x64x128xf32, #tpu.memory_space<vmem>> -> memref<64x128xf32, #tpu.memory_space<vmem>>
          %dma_start3A_154 = arith.constant 0 : i32
          %dma_start3A_155 = tpu.memref_slice %arg4[%dma_start3A_154, %multiple_of3A] : memref<64x1000000xf32, #tpu.memory_space<hbm>> -> memref<64x128xf32, #tpu.memory_space<hbm>>
          %dma_start3A_156 = arith.constant 0 : i32
          %dma_start3A_157 = arith.constant 0 : i32
          %dma_start3A_158 = tpu.memref_slice %arg10[%dma_start3A, %dma_start3A_156, %dma_start3A_157] : memref<4x64x128xf32, #tpu.memory_space<vmem>> -> memref<1x64x128xf32, #tpu.memory_space<vmem>>
          %dma_start3A_159 = tpu.memref_squeeze %dma_start3A_158 : memref<1x64x128xf32, #tpu.memory_space<vmem>> -> memref<64x128xf32, #tpu.memory_space<vmem>>
          %dma_start3A_160 = arith.constant 0 : i32
          %dma_start3A_161 = tpu.memref_slice %arg4[%dma_start3A_160, %multiple_of3A] : memref<64x1000000xf32, #tpu.memory_space<hbm>> -> memref<64x128xf32, #tpu.memory_space<hbm>>
          tpu.enqueue_dma source(%dma_start3A_161 : memref<64x128xf32, #tpu.memory_space<hbm>>) target(%dma_start3A_159 : memref<64x128xf32, #tpu.memory_space<vmem>>) target_semaphore(%arg15 : memref<!tpu.dma_semaphore, #tpu.memory_space<semaphore_mem>>)
        } else {
        }
      } else {
      }
      %while3A_66 = arith.constant 0 : i32
      %while3A_67:2 = scf.while (%while3A_68 = %while3A_66, %while3A_69 = %min3A_12) : (i32, i32) -> (i32, i32) {
        %le3A_70 = arith.cmpi sle, %while3A_69, %min3A_16 : i32
        scf.condition(%le3A_70) %while3A_68, %while3A_69 : i32, i32
      } do {
      ^bb0(%while3A_68: i32, %while3A_69: i32):
        %jit3A = arith.constant 4 : i32
        %eq3A = arith.constant 0 : i32
        %eq3A_70 = arith.cmpi eq, %jit3A, %eq3A : i32
        %jit3A_71 = arith.constant 1 : i32
        %select_n3A = arith.select %eq3A_70, %jit3A_71, %jit3A : i32
        %rem3A = arith.remsi %while3A_69, %select_n3A : i32
        %ne3A = arith.constant 0 : i32
        %ne3A_72 = arith.cmpi ne, %rem3A, %ne3A : i32
        %lt3A_73 = arith.constant 0 : i32
        %lt3A_74 = arith.cmpi slt, %rem3A, %lt3A_73 : i32
        %lt3A_75 = arith.constant 0 : i32
        %lt3A_76 = arith.cmpi slt, %select_n3A, %lt3A_75 : i32
        %ne3A_77 = arith.xori %lt3A_74, %lt3A_76 : i1
        %and3A = arith.andi %ne3A_77, %ne3A_72 : i1
        %add3A_78 = arith.addi %rem3A, %select_n3A : i32
        %select_n3A_79 = arith.select %and3A, %add3A_78, %rem3A : i32
        %eq3A_80 = arith.constant 0 : i32
        %eq3A_81 = arith.cmpi eq, %select_n3A_79, %eq3A_80 : i32
        %convert_element_type3A_82 = arith.extui %eq3A_81 : i1 to i32
        %cond3A_83 = arith.constant 0 : i32
        %cond3A_84 = arith.cmpi ne, %convert_element_type3A_82, %cond3A_83 : i32
        scf.if %cond3A_84 {
          %dma_wait3A = arith.constant 0 : i32
          %dma_wait3A_173 = arith.constant 0 : i32
          %dma_wait3A_174 = arith.constant 0 : i32
          %dma_wait3A_175 = tpu.memref_slice %arg10[%dma_wait3A, %dma_wait3A_173, %dma_wait3A_174] : memref<4x64x128xf32, #tpu.memory_space<vmem>> -> memref<1x64x128xf32, #tpu.memory_space<vmem>>
          %dma_wait3A_176 = tpu.memref_squeeze %dma_wait3A_175 : memref<1x64x128xf32, #tpu.memory_space<vmem>> -> memref<64x128xf32, #tpu.memory_space<vmem>>
          %dma_wait3A_177 = arith.constant 0 : i32
          %dma_wait3A_178 = arith.constant 0 : i32
          %dma_wait3A_179 = tpu.memref_slice %arg4[%dma_wait3A_177, %dma_wait3A_178] : memref<64x1000000xf32, #tpu.memory_space<hbm>> -> memref<64x128xf32, #tpu.memory_space<hbm>>
          %dma_wait3A_180 = arith.constant 0 : i32
          %dma_wait3A_181 = arith.constant 0 : i32
          %dma_wait3A_182 = tpu.memref_slice %arg10[%dma_wait3A, %dma_wait3A_180, %dma_wait3A_181] : memref<4x64x128xf32, #tpu.memory_space<vmem>> -> memref<1x64x128xf32, #tpu.memory_space<vmem>>
          %dma_wait3A_183 = tpu.memref_squeeze %dma_wait3A_182 : memref<1x64x128xf32, #tpu.memory_space<vmem>> -> memref<64x128xf32, #tpu.memory_space<vmem>>
          %dma_wait3A_184 = arith.constant 0 : i32
          %dma_wait3A_185 = arith.constant 0 : i32
          %dma_wait3A_186 = tpu.memref_slice %arg4[%dma_wait3A_184, %dma_wait3A_185] : memref<64x1000000xf32, #tpu.memory_space<hbm>> -> memref<64x128xf32, #tpu.memory_space<hbm>>
          tpu.wait_dma2 semaphore(%arg12 : memref<!tpu.dma_semaphore, #tpu.memory_space<semaphore_mem>>) src(%dma_wait3A_186 : memref<64x128xf32, #tpu.memory_space<hbm>>) dst(%dma_wait3A_183 : memref<64x128xf32, #tpu.memory_space<vmem>>)
        } else {
        }
        %jit3A_85 = arith.constant 4 : i32
        %eq3A_86 = arith.constant 0 : i32
        %eq3A_87 = arith.cmpi eq, %jit3A_85, %eq3A_86 : i32
        %jit3A_88 = arith.constant 1 : i32
        %select_n3A_89 = arith.select %eq3A_87, %jit3A_88, %jit3A_85 : i32
        %rem3A_90 = arith.remsi %while3A_69, %select_n3A_89 : i32
        %ne3A_91 = arith.constant 0 : i32
        %ne3A_92 = arith.cmpi ne, %rem3A_90, %ne3A_91 : i32
        %lt3A_93 = arith.constant 0 : i32
        %lt3A_94 = arith.cmpi slt, %rem3A_90, %lt3A_93 : i32
        %lt3A_95 = arith.constant 0 : i32
        %lt3A_96 = arith.cmpi slt, %select_n3A_89, %lt3A_95 : i32
        %ne3A_97 = arith.xori %lt3A_94, %lt3A_96 : i1
        %and3A_98 = arith.andi %ne3A_97, %ne3A_92 : i1
        %add3A_99 = arith.addi %rem3A_90, %select_n3A_89 : i32
        %select_n3A_100 = arith.select %and3A_98, %add3A_99, %rem3A_90 : i32
        %eq3A_101 = arith.constant 1 : i32
        %eq3A_102 = arith.cmpi eq, %select_n3A_100, %eq3A_101 : i32
        %convert_element_type3A_103 = arith.extui %eq3A_102 : i1 to i32
        %cond3A_104 = arith.constant 0 : i32
        %cond3A_105 = arith.cmpi ne, %convert_element_type3A_103, %cond3A_104 : i32
        scf.if %cond3A_105 {
          %dma_wait3A = arith.constant 1 : i32
          %dma_wait3A_173 = arith.constant 0 : i32
          %dma_wait3A_174 = arith.constant 0 : i32
          %dma_wait3A_175 = tpu.memref_slice %arg10[%dma_wait3A, %dma_wait3A_173, %dma_wait3A_174] : memref<4x64x128xf32, #tpu.memory_space<vmem>> -> memref<1x64x128xf32, #tpu.memory_space<vmem>>
          %dma_wait3A_176 = tpu.memref_squeeze %dma_wait3A_175 : memref<1x64x128xf32, #tpu.memory_space<vmem>> -> memref<64x128xf32, #tpu.memory_space<vmem>>
          %dma_wait3A_177 = arith.constant 0 : i32
          %dma_wait3A_178 = arith.constant 0 : i32
          %dma_wait3A_179 = tpu.memref_slice %arg4[%dma_wait3A_177, %dma_wait3A_178] : memref<64x1000000xf32, #tpu.memory_space<hbm>> -> memref<64x128xf32, #tpu.memory_space<hbm>>
          %dma_wait3A_180 = arith.constant 0 : i32
          %dma_wait3A_181 = arith.constant 0 : i32
          %dma_wait3A_182 = tpu.memref_slice %arg10[%dma_wait3A, %dma_wait3A_180, %dma_wait3A_181] : memref<4x64x128xf32, #tpu.memory_space<vmem>> -> memref<1x64x128xf32, #tpu.memory_space<vmem>>
          %dma_wait3A_183 = tpu.memref_squeeze %dma_wait3A_182 : memref<1x64x128xf32, #tpu.memory_space<vmem>> -> memref<64x128xf32, #tpu.memory_space<vmem>>
          %dma_wait3A_184 = arith.constant 0 : i32
          %dma_wait3A_185 = arith.constant 0 : i32
          %dma_wait3A_186 = tpu.memref_slice %arg4[%dma_wait3A_184, %dma_wait3A_185] : memref<64x1000000xf32, #tpu.memory_space<hbm>> -> memref<64x128xf32, #tpu.memory_space<hbm>>
          tpu.wait_dma2 semaphore(%arg13 : memref<!tpu.dma_semaphore, #tpu.memory_space<semaphore_mem>>) src(%dma_wait3A_186 : memref<64x128xf32, #tpu.memory_space<hbm>>) dst(%dma_wait3A_183 : memref<64x128xf32, #tpu.memory_space<vmem>>)
        } else {
        }
        %jit3A_106 = arith.constant 4 : i32
        %eq3A_107 = arith.constant 0 : i32
        %eq3A_108 = arith.cmpi eq, %jit3A_106, %eq3A_107 : i32
        %jit3A_109 = arith.constant 1 : i32
        %select_n3A_110 = arith.select %eq3A_108, %jit3A_109, %jit3A_106 : i32
        %rem3A_111 = arith.remsi %while3A_69, %select_n3A_110 : i32
        %ne3A_112 = arith.constant 0 : i32
        %ne3A_113 = arith.cmpi ne, %rem3A_111, %ne3A_112 : i32
        %lt3A_114 = arith.constant 0 : i32
        %lt3A_115 = arith.cmpi slt, %rem3A_111, %lt3A_114 : i32
        %lt3A_116 = arith.constant 0 : i32
        %lt3A_117 = arith.cmpi slt, %select_n3A_110, %lt3A_116 : i32
        %ne3A_118 = arith.xori %lt3A_115, %lt3A_117 : i1
        %and3A_119 = arith.andi %ne3A_118, %ne3A_113 : i1
        %add3A_120 = arith.addi %rem3A_111, %select_n3A_110 : i32
        %select_n3A_121 = arith.select %and3A_119, %add3A_120, %rem3A_111 : i32
        %eq3A_122 = arith.constant 2 : i32
        %eq3A_123 = arith.cmpi eq, %select_n3A_121, %eq3A_122 : i32
        %convert_element_type3A_124 = arith.extui %eq3A_123 : i1 to i32
        %cond3A_125 = arith.constant 0 : i32
        %cond3A_126 = arith.cmpi ne, %convert_element_type3A_124, %cond3A_125 : i32
        scf.if %cond3A_126 {
          %dma_wait3A = arith.constant 2 : i32
          %dma_wait3A_173 = arith.constant 0 : i32
          %dma_wait3A_174 = arith.constant 0 : i32
          %dma_wait3A_175 = tpu.memref_slice %arg10[%dma_wait3A, %dma_wait3A_173, %dma_wait3A_174] : memref<4x64x128xf32, #tpu.memory_space<vmem>> -> memref<1x64x128xf32, #tpu.memory_space<vmem>>
          %dma_wait3A_176 = tpu.memref_squeeze %dma_wait3A_175 : memref<1x64x128xf32, #tpu.memory_space<vmem>> -> memref<64x128xf32, #tpu.memory_space<vmem>>
          %dma_wait3A_177 = arith.constant 0 : i32
          %dma_wait3A_178 = arith.constant 0 : i32
          %dma_wait3A_179 = tpu.memref_slice %arg4[%dma_wait3A_177, %dma_wait3A_178] : memref<64x1000000xf32, #tpu.memory_space<hbm>> -> memref<64x128xf32, #tpu.memory_space<hbm>>
          %dma_wait3A_180 = arith.constant 0 : i32
          %dma_wait3A_181 = arith.constant 0 : i32
          %dma_wait3A_182 = tpu.memref_slice %arg10[%dma_wait3A, %dma_wait3A_180, %dma_wait3A_181] : memref<4x64x128xf32, #tpu.memory_space<vmem>> -> memref<1x64x128xf32, #tpu.memory_space<vmem>>
          %dma_wait3A_183 = tpu.memref_squeeze %dma_wait3A_182 : memref<1x64x128xf32, #tpu.memory_space<vmem>> -> memref<64x128xf32, #tpu.memory_space<vmem>>
          %dma_wait3A_184 = arith.constant 0 : i32
          %dma_wait3A_185 = arith.constant 0 : i32
          %dma_wait3A_186 = tpu.memref_slice %arg4[%dma_wait3A_184, %dma_wait3A_185] : memref<64x1000000xf32, #tpu.memory_space<hbm>> -> memref<64x128xf32, #tpu.memory_space<hbm>>
          tpu.wait_dma2 semaphore(%arg14 : memref<!tpu.dma_semaphore, #tpu.memory_space<semaphore_mem>>) src(%dma_wait3A_186 : memref<64x128xf32, #tpu.memory_space<hbm>>) dst(%dma_wait3A_183 : memref<64x128xf32, #tpu.memory_space<vmem>>)
        } else {
        }
        %jit3A_127 = arith.constant 4 : i32
        %eq3A_128 = arith.constant 0 : i32
        %eq3A_129 = arith.cmpi eq, %jit3A_127, %eq3A_128 : i32
        %jit3A_130 = arith.constant 1 : i32
        %select_n3A_131 = arith.select %eq3A_129, %jit3A_130, %jit3A_127 : i32
        %rem3A_132 = arith.remsi %while3A_69, %select_n3A_131 : i32
        %ne3A_133 = arith.constant 0 : i32
        %ne3A_134 = arith.cmpi ne, %rem3A_132, %ne3A_133 : i32
        %lt3A_135 = arith.constant 0 : i32
        %lt3A_136 = arith.cmpi slt, %rem3A_132, %lt3A_135 : i32
        %lt3A_137 = arith.constant 0 : i32
        %lt3A_138 = arith.cmpi slt, %select_n3A_131, %lt3A_137 : i32
        %ne3A_139 = arith.xori %lt3A_136, %lt3A_138 : i1
        %and3A_140 = arith.andi %ne3A_139, %ne3A_134 : i1
        %add3A_141 = arith.addi %rem3A_132, %select_n3A_131 : i32
        %select_n3A_142 = arith.select %and3A_140, %add3A_141, %rem3A_132 : i32
        %eq3A_143 = arith.constant 3 : i32
        %eq3A_144 = arith.cmpi eq, %select_n3A_142, %eq3A_143 : i32
        %convert_element_type3A_145 = arith.extui %eq3A_144 : i1 to i32
        %cond3A_146 = arith.constant 0 : i32
        %cond3A_147 = arith.cmpi ne, %convert_element_type3A_145, %cond3A_146 : i32
        scf.if %cond3A_147 {
          %dma_wait3A = arith.constant 3 : i32
          %dma_wait3A_173 = arith.constant 0 : i32
          %dma_wait3A_174 = arith.constant 0 : i32
          %dma_wait3A_175 = tpu.memref_slice %arg10[%dma_wait3A, %dma_wait3A_173, %dma_wait3A_174] : memref<4x64x128xf32, #tpu.memory_space<vmem>> -> memref<1x64x128xf32, #tpu.memory_space<vmem>>
          %dma_wait3A_176 = tpu.memref_squeeze %dma_wait3A_175 : memref<1x64x128xf32, #tpu.memory_space<vmem>> -> memref<64x128xf32, #tpu.memory_space<vmem>>
          %dma_wait3A_177 = arith.constant 0 : i32
          %dma_wait3A_178 = arith.constant 0 : i32
          %dma_wait3A_179 = tpu.memref_slice %arg4[%dma_wait3A_177, %dma_wait3A_178] : memref<64x1000000xf32, #tpu.memory_space<hbm>> -> memref<64x128xf32, #tpu.memory_space<hbm>>
          %dma_wait3A_180 = arith.constant 0 : i32
          %dma_wait3A_181 = arith.constant 0 : i32
          %dma_wait3A_182 = tpu.memref_slice %arg10[%dma_wait3A, %dma_wait3A_180, %dma_wait3A_181] : memref<4x64x128xf32, #tpu.memory_space<vmem>> -> memref<1x64x128xf32, #tpu.memory_space<vmem>>
          %dma_wait3A_183 = tpu.memref_squeeze %dma_wait3A_182 : memref<1x64x128xf32, #tpu.memory_space<vmem>> -> memref<64x128xf32, #tpu.memory_space<vmem>>
          %dma_wait3A_184 = arith.constant 0 : i32
          %dma_wait3A_185 = arith.constant 0 : i32
          %dma_wait3A_186 = tpu.memref_slice %arg4[%dma_wait3A_184, %dma_wait3A_185] : memref<64x1000000xf32, #tpu.memory_space<hbm>> -> memref<64x128xf32, #tpu.memory_space<hbm>>
          tpu.wait_dma2 semaphore(%arg15 : memref<!tpu.dma_semaphore, #tpu.memory_space<semaphore_mem>>) src(%dma_wait3A_186 : memref<64x128xf32, #tpu.memory_space<hbm>>) dst(%dma_wait3A_183 : memref<64x128xf32, #tpu.memory_space<vmem>>)
        } else {
        }
        %add3A_148 = arith.constant 3 : i32
        %add3A_149 = arith.addi %while3A_69, %add3A_148 : i32
        %le3A_150 = arith.cmpi sle, %add3A_149, %min3A_16 : i32
        %convert_element_type3A_151 = arith.extui %le3A_150 : i1 to i32
        %cond3A_152 = arith.constant 0 : i32
        %cond3A_153 = arith.cmpi ne, %convert_element_type3A_151, %cond3A_152 : i32
        scf.if %cond3A_153 {
          %add3A_173 = arith.constant 3 : i32
          %add3A_174 = arith.addi %while3A_69, %add3A_173 : i32
          %mul3A_175 = arith.constant 128 : i32
          %mul3A_176 = arith.muli %add3A_174, %mul3A_175 : i32
          %multiple_of3A = tpu.assume_multiple %mul3A_176, 128 : i32
          %jit3A_177 = arith.constant 4 : i32
          %eq3A_178 = arith.constant 0 : i32
          %eq3A_179 = arith.cmpi eq, %jit3A_177, %eq3A_178 : i32
          %jit3A_180 = arith.constant 1 : i32
          %select_n3A_181 = arith.select %eq3A_179, %jit3A_180, %jit3A_177 : i32
          %rem3A_182 = arith.remsi %add3A_174, %select_n3A_181 : i32
          %ne3A_183 = arith.constant 0 : i32
          %ne3A_184 = arith.cmpi ne, %rem3A_182, %ne3A_183 : i32
          %lt3A_185 = arith.constant 0 : i32
          %lt3A_186 = arith.cmpi slt, %rem3A_182, %lt3A_185 : i32
          %lt3A_187 = arith.constant 0 : i32
          %lt3A_188 = arith.cmpi slt, %select_n3A_181, %lt3A_187 : i32
          %ne3A_189 = arith.xori %lt3A_186, %lt3A_188 : i1
          %and3A_190 = arith.andi %ne3A_189, %ne3A_184 : i1
          %add3A_191 = arith.addi %rem3A_182, %select_n3A_181 : i32
          %select_n3A_192 = arith.select %and3A_190, %add3A_191, %rem3A_182 : i32
          %eq3A_193 = arith.constant 0 : i32
          %eq3A_194 = arith.cmpi eq, %select_n3A_192, %eq3A_193 : i32
          %convert_element_type3A_195 = arith.extui %eq3A_194 : i1 to i32
          %cond3A_196 = arith.constant 0 : i32
          %cond3A_197 = arith.cmpi ne, %convert_element_type3A_195, %cond3A_196 : i32
          scf.if %cond3A_197 {
            %dma_start3A = arith.constant 0 : i32
            %dma_start3A_261 = arith.constant 0 : i32
            %dma_start3A_262 = arith.constant 0 : i32
            %dma_start3A_263 = tpu.memref_slice %arg10[%dma_start3A, %dma_start3A_261, %dma_start3A_262] : memref<4x64x128xf32, #tpu.memory_space<vmem>> -> memref<1x64x128xf32, #tpu.memory_space<vmem>>
            %dma_start3A_264 = tpu.memref_squeeze %dma_start3A_263 : memref<1x64x128xf32, #tpu.memory_space<vmem>> -> memref<64x128xf32, #tpu.memory_space<vmem>>
            %dma_start3A_265 = arith.constant 0 : i32
            %dma_start3A_266 = tpu.memref_slice %arg4[%dma_start3A_265, %multiple_of3A] : memref<64x1000000xf32, #tpu.memory_space<hbm>> -> memref<64x128xf32, #tpu.memory_space<hbm>>
            %dma_start3A_267 = arith.constant 0 : i32
            %dma_start3A_268 = arith.constant 0 : i32
            %dma_start3A_269 = tpu.memref_slice %arg10[%dma_start3A, %dma_start3A_267, %dma_start3A_268] : memref<4x64x128xf32, #tpu.memory_space<vmem>> -> memref<1x64x128xf32, #tpu.memory_space<vmem>>
            %dma_start3A_270 = tpu.memref_squeeze %dma_start3A_269 : memref<1x64x128xf32, #tpu.memory_space<vmem>> -> memref<64x128xf32, #tpu.memory_space<vmem>>
            %dma_start3A_271 = arith.constant 0 : i32
            %dma_start3A_272 = tpu.memref_slice %arg4[%dma_start3A_271, %multiple_of3A] : memref<64x1000000xf32, #tpu.memory_space<hbm>> -> memref<64x128xf32, #tpu.memory_space<hbm>>
            tpu.enqueue_dma source(%dma_start3A_272 : memref<64x128xf32, #tpu.memory_space<hbm>>) target(%dma_start3A_270 : memref<64x128xf32, #tpu.memory_space<vmem>>) target_semaphore(%arg12 : memref<!tpu.dma_semaphore, #tpu.memory_space<semaphore_mem>>)
          } else {
          }
          %jit3A_198 = arith.constant 4 : i32
          %eq3A_199 = arith.constant 0 : i32
          %eq3A_200 = arith.cmpi eq, %jit3A_198, %eq3A_199 : i32
          %jit3A_201 = arith.constant 1 : i32
          %select_n3A_202 = arith.select %eq3A_200, %jit3A_201, %jit3A_198 : i32
          %rem3A_203 = arith.remsi %add3A_174, %select_n3A_202 : i32
          %ne3A_204 = arith.constant 0 : i32
          %ne3A_205 = arith.cmpi ne, %rem3A_203, %ne3A_204 : i32
          %lt3A_206 = arith.constant 0 : i32
          %lt3A_207 = arith.cmpi slt, %rem3A_203, %lt3A_206 : i32
          %lt3A_208 = arith.constant 0 : i32
          %lt3A_209 = arith.cmpi slt, %select_n3A_202, %lt3A_208 : i32
          %ne3A_210 = arith.xori %lt3A_207, %lt3A_209 : i1
          %and3A_211 = arith.andi %ne3A_210, %ne3A_205 : i1
          %add3A_212 = arith.addi %rem3A_203, %select_n3A_202 : i32
          %select_n3A_213 = arith.select %and3A_211, %add3A_212, %rem3A_203 : i32
          %eq3A_214 = arith.constant 1 : i32
          %eq3A_215 = arith.cmpi eq, %select_n3A_213, %eq3A_214 : i32
          %convert_element_type3A_216 = arith.extui %eq3A_215 : i1 to i32
          %cond3A_217 = arith.constant 0 : i32
          %cond3A_218 = arith.cmpi ne, %convert_element_type3A_216, %cond3A_217 : i32
          scf.if %cond3A_218 {
            %dma_start3A = arith.constant 1 : i32
            %dma_start3A_261 = arith.constant 0 : i32
            %dma_start3A_262 = arith.constant 0 : i32
            %dma_start3A_263 = tpu.memref_slice %arg10[%dma_start3A, %dma_start3A_261, %dma_start3A_262] : memref<4x64x128xf32, #tpu.memory_space<vmem>> -> memref<1x64x128xf32, #tpu.memory_space<vmem>>
            %dma_start3A_264 = tpu.memref_squeeze %dma_start3A_263 : memref<1x64x128xf32, #tpu.memory_space<vmem>> -> memref<64x128xf32, #tpu.memory_space<vmem>>
            %dma_start3A_265 = arith.constant 0 : i32
            %dma_start3A_266 = tpu.memref_slice %arg4[%dma_start3A_265, %multiple_of3A] : memref<64x1000000xf32, #tpu.memory_space<hbm>> -> memref<64x128xf32, #tpu.memory_space<hbm>>
            %dma_start3A_267 = arith.constant 0 : i32
            %dma_start3A_268 = arith.constant 0 : i32
            %dma_start3A_269 = tpu.memref_slice %arg10[%dma_start3A, %dma_start3A_267, %dma_start3A_268] : memref<4x64x128xf32, #tpu.memory_space<vmem>> -> memref<1x64x128xf32, #tpu.memory_space<vmem>>
            %dma_start3A_270 = tpu.memref_squeeze %dma_start3A_269 : memref<1x64x128xf32, #tpu.memory_space<vmem>> -> memref<64x128xf32, #tpu.memory_space<vmem>>
            %dma_start3A_271 = arith.constant 0 : i32
            %dma_start3A_272 = tpu.memref_slice %arg4[%dma_start3A_271, %multiple_of3A] : memref<64x1000000xf32, #tpu.memory_space<hbm>> -> memref<64x128xf32, #tpu.memory_space<hbm>>
            tpu.enqueue_dma source(%dma_start3A_272 : memref<64x128xf32, #tpu.memory_space<hbm>>) target(%dma_start3A_270 : memref<64x128xf32, #tpu.memory_space<vmem>>) target_semaphore(%arg13 : memref<!tpu.dma_semaphore, #tpu.memory_space<semaphore_mem>>)
          } else {
          }
          %jit3A_219 = arith.constant 4 : i32
          %eq3A_220 = arith.constant 0 : i32
          %eq3A_221 = arith.cmpi eq, %jit3A_219, %eq3A_220 : i32
          %jit3A_222 = arith.constant 1 : i32
          %select_n3A_223 = arith.select %eq3A_221, %jit3A_222, %jit3A_219 : i32
          %rem3A_224 = arith.remsi %add3A_174, %select_n3A_223 : i32
          %ne3A_225 = arith.constant 0 : i32
          %ne3A_226 = arith.cmpi ne, %rem3A_224, %ne3A_225 : i32
          %lt3A_227 = arith.constant 0 : i32
          %lt3A_228 = arith.cmpi slt, %rem3A_224, %lt3A_227 : i32
          %lt3A_229 = arith.constant 0 : i32
          %lt3A_230 = arith.cmpi slt, %select_n3A_223, %lt3A_229 : i32
          %ne3A_231 = arith.xori %lt3A_228, %lt3A_230 : i1
          %and3A_232 = arith.andi %ne3A_231, %ne3A_226 : i1
          %add3A_233 = arith.addi %rem3A_224, %select_n3A_223 : i32
          %select_n3A_234 = arith.select %and3A_232, %add3A_233, %rem3A_224 : i32
          %eq3A_235 = arith.constant 2 : i32
          %eq3A_236 = arith.cmpi eq, %select_n3A_234, %eq3A_235 : i32
          %convert_element_type3A_237 = arith.extui %eq3A_236 : i1 to i32
          %cond3A_238 = arith.constant 0 : i32
          %cond3A_239 = arith.cmpi ne, %convert_element_type3A_237, %cond3A_238 : i32
          scf.if %cond3A_239 {
            %dma_start3A = arith.constant 2 : i32
            %dma_start3A_261 = arith.constant 0 : i32
            %dma_start3A_262 = arith.constant 0 : i32
            %dma_start3A_263 = tpu.memref_slice %arg10[%dma_start3A, %dma_start3A_261, %dma_start3A_262] : memref<4x64x128xf32, #tpu.memory_space<vmem>> -> memref<1x64x128xf32, #tpu.memory_space<vmem>>
            %dma_start3A_264 = tpu.memref_squeeze %dma_start3A_263 : memref<1x64x128xf32, #tpu.memory_space<vmem>> -> memref<64x128xf32, #tpu.memory_space<vmem>>
            %dma_start3A_265 = arith.constant 0 : i32
            %dma_start3A_266 = tpu.memref_slice %arg4[%dma_start3A_265, %multiple_of3A] : memref<64x1000000xf32, #tpu.memory_space<hbm>> -> memref<64x128xf32, #tpu.memory_space<hbm>>
            %dma_start3A_267 = arith.constant 0 : i32
            %dma_start3A_268 = arith.constant 0 : i32
            %dma_start3A_269 = tpu.memref_slice %arg10[%dma_start3A, %dma_start3A_267, %dma_start3A_268] : memref<4x64x128xf32, #tpu.memory_space<vmem>> -> memref<1x64x128xf32, #tpu.memory_space<vmem>>
            %dma_start3A_270 = tpu.memref_squeeze %dma_start3A_269 : memref<1x64x128xf32, #tpu.memory_space<vmem>> -> memref<64x128xf32, #tpu.memory_space<vmem>>
            %dma_start3A_271 = arith.constant 0 : i32
            %dma_start3A_272 = tpu.memref_slice %arg4[%dma_start3A_271, %multiple_of3A] : memref<64x1000000xf32, #tpu.memory_space<hbm>> -> memref<64x128xf32, #tpu.memory_space<hbm>>
            tpu.enqueue_dma source(%dma_start3A_272 : memref<64x128xf32, #tpu.memory_space<hbm>>) target(%dma_start3A_270 : memref<64x128xf32, #tpu.memory_space<vmem>>) target_semaphore(%arg14 : memref<!tpu.dma_semaphore, #tpu.memory_space<semaphore_mem>>)
          } else {
          }
          %jit3A_240 = arith.constant 4 : i32
          %eq3A_241 = arith.constant 0 : i32
          %eq3A_242 = arith.cmpi eq, %jit3A_240, %eq3A_241 : i32
          %jit3A_243 = arith.constant 1 : i32
          %select_n3A_244 = arith.select %eq3A_242, %jit3A_243, %jit3A_240 : i32
          %rem3A_245 = arith.remsi %add3A_174, %select_n3A_244 : i32
          %ne3A_246 = arith.constant 0 : i32
          %ne3A_247 = arith.cmpi ne, %rem3A_245, %ne3A_246 : i32
          %lt3A_248 = arith.constant 0 : i32
          %lt3A_249 = arith.cmpi slt, %rem3A_245, %lt3A_248 : i32
          %lt3A_250 = arith.constant 0 : i32
          %lt3A_251 = arith.cmpi slt, %select_n3A_244, %lt3A_250 : i32
          %ne3A_252 = arith.xori %lt3A_249, %lt3A_251 : i1
          %and3A_253 = arith.andi %ne3A_252, %ne3A_247 : i1
          %add3A_254 = arith.addi %rem3A_245, %select_n3A_244 : i32
          %select_n3A_255 = arith.select %and3A_253, %add3A_254, %rem3A_245 : i32
          %eq3A_256 = arith.constant 3 : i32
          %eq3A_257 = arith.cmpi eq, %select_n3A_255, %eq3A_256 : i32
          %convert_element_type3A_258 = arith.extui %eq3A_257 : i1 to i32
          %cond3A_259 = arith.constant 0 : i32
          %cond3A_260 = arith.cmpi ne, %convert_element_type3A_258, %cond3A_259 : i32
          scf.if %cond3A_260 {
            %dma_start3A = arith.constant 3 : i32
            %dma_start3A_261 = arith.constant 0 : i32
            %dma_start3A_262 = arith.constant 0 : i32
            %dma_start3A_263 = tpu.memref_slice %arg10[%dma_start3A, %dma_start3A_261, %dma_start3A_262] : memref<4x64x128xf32, #tpu.memory_space<vmem>> -> memref<1x64x128xf32, #tpu.memory_space<vmem>>
            %dma_start3A_264 = tpu.memref_squeeze %dma_start3A_263 : memref<1x64x128xf32, #tpu.memory_space<vmem>> -> memref<64x128xf32, #tpu.memory_space<vmem>>
            %dma_start3A_265 = arith.constant 0 : i32
            %dma_start3A_266 = tpu.memref_slice %arg4[%dma_start3A_265, %multiple_of3A] : memref<64x1000000xf32, #tpu.memory_space<hbm>> -> memref<64x128xf32, #tpu.memory_space<hbm>>
            %dma_start3A_267 = arith.constant 0 : i32
            %dma_start3A_268 = arith.constant 0 : i32
            %dma_start3A_269 = tpu.memref_slice %arg10[%dma_start3A, %dma_start3A_267, %dma_start3A_268] : memref<4x64x128xf32, #tpu.memory_space<vmem>> -> memref<1x64x128xf32, #tpu.memory_space<vmem>>
            %dma_start3A_270 = tpu.memref_squeeze %dma_start3A_269 : memref<1x64x128xf32, #tpu.memory_space<vmem>> -> memref<64x128xf32, #tpu.memory_space<vmem>>
            %dma_start3A_271 = arith.constant 0 : i32
            %dma_start3A_272 = tpu.memref_slice %arg4[%dma_start3A_271, %multiple_of3A] : memref<64x1000000xf32, #tpu.memory_space<hbm>> -> memref<64x128xf32, #tpu.memory_space<hbm>>
            tpu.enqueue_dma source(%dma_start3A_272 : memref<64x128xf32, #tpu.memory_space<hbm>>) target(%dma_start3A_270 : memref<64x128xf32, #tpu.memory_space<vmem>>) target_semaphore(%arg15 : memref<!tpu.dma_semaphore, #tpu.memory_space<semaphore_mem>>)
          } else {
          }
        } else {
        }
        %jit3A_154 = arith.constant 4 : i32
        %eq3A_155 = arith.constant 0 : i32
        %eq3A_156 = arith.cmpi eq, %jit3A_154, %eq3A_155 : i32
        %jit3A_157 = arith.constant 1 : i32
        %select_n3A_158 = arith.select %eq3A_156, %jit3A_157, %jit3A_154 : i32
        %rem3A_159 = arith.remsi %while3A_69, %select_n3A_158 : i32
        %ne3A_160 = arith.constant 0 : i32
        %ne3A_161 = arith.cmpi ne, %rem3A_159, %ne3A_160 : i32
        %lt3A_162 = arith.constant 0 : i32
        %lt3A_163 = arith.cmpi slt, %rem3A_159, %lt3A_162 : i32
        %lt3A_164 = arith.constant 0 : i32
        %lt3A_165 = arith.cmpi slt, %select_n3A_158, %lt3A_164 : i32
        %ne3A_166 = arith.xori %lt3A_163, %lt3A_165 : i1
        %and3A_167 = arith.andi %ne3A_166, %ne3A_161 : i1
        %add3A_168 = arith.addi %rem3A_159, %select_n3A_158 : i32
        %select_n3A_169 = arith.select %and3A_167, %add3A_168, %rem3A_159 : i32
        %while3A_170 = scf.while (%while3A_173 = %while3A_68) : (i32) -> i32 {
          %min3A_174 = arith.constant 1023 : i32
          %min3A_175 = arith.minsi %while3A_173, %min3A_174 : i32
          %add3A_176 = vector.broadcast %min3A_175 : i32 to vector<16xi32>
          %add3A_177 = arith.addi %broadcast_in_dim3A_1, %add3A_176 : vector<16xi32>
          %gather3A_178 = tpu.vector_load_idx %arg7[%add3A_177] : memref<1024xi32, #tpu.memory_space<vmem>>[vector<16xi32>], vector<16xi32>,
          %slice3A_179 = vector.extract_strided_slice %gather3A_178 {offsets = [0], sizes = [1], strides = [1]} : vector<16xi32> to vector<1xi32>
          %squeeze3A_180 = vector.extract %slice3A_179[0] : i32 from vector<1xi32>
          %lt3A_181 = arith.constant 1024 : i32
          %lt3A_182 = arith.cmpi slt, %while3A_173, %lt3A_181 : i32
          %lt3A_183 = arith.constant 999936 : i32
          %lt3A_184 = arith.cmpi slt, %squeeze3A_180, %lt3A_183 : i32
          %and3A_185 = arith.andi %lt3A_182, %lt3A_184 : i1
          %shift_right_arithmetic3A_186 = arith.constant 7 : i32
          %shift_right_arithmetic3A_187 = arith.shrsi %squeeze3A_180, %shift_right_arithmetic3A_186 : i32
          %eq3A_188 = arith.cmpi eq, %shift_right_arithmetic3A_187, %while3A_69 : i32
          %and3A_189 = arith.andi %and3A_185, %eq3A_188 : i1
          scf.condition(%and3A_189) %while3A_173 : i32
        } do {
        ^bb0(%while3A_173: i32):
          %add3A_174 = vector.broadcast %while3A_173 : i32 to vector<16xi32>
          %add3A_175 = arith.addi %broadcast_in_dim3A_1, %add3A_174 : vector<16xi32>
          %gather3A_176 = tpu.vector_load_idx %arg7[%add3A_175] : memref<1024xi32, #tpu.memory_space<vmem>>[vector<16xi32>], vector<16xi32>,
          %slice3A_177 = vector.extract_strided_slice %gather3A_176 {offsets = [0], sizes = [1], strides = [1]} : vector<16xi32> to vector<1xi32>
          %squeeze3A_178 = vector.extract %slice3A_177[0] : i32 from vector<1xi32>
          %and3A_179 = arith.constant 127 : i32
          %and3A_180 = arith.andi %squeeze3A_178, %and3A_179 : i32
          %jit3A_181 = arith.constant 8 : i32
          %eq3A_182 = arith.constant 0 : i32
          %eq3A_183 = arith.cmpi eq, %jit3A_181, %eq3A_182 : i32
          %jit3A_184 = arith.constant 1 : i32
          %select_n3A_185 = arith.select %eq3A_183, %jit3A_184, %jit3A_181 : i32
          %rem3A_186 = arith.remsi %while3A_173, %select_n3A_185 : i32
          %ne3A_187 = arith.constant 0 : i32
          %ne3A_188 = arith.cmpi ne, %rem3A_186, %ne3A_187 : i32
          %lt3A_189 = arith.constant 0 : i32
          %lt3A_190 = arith.cmpi slt, %rem3A_186, %lt3A_189 : i32
          %lt3A_191 = arith.constant 0 : i32
          %lt3A_192 = arith.cmpi slt, %select_n3A_185, %lt3A_191 : i32
          %ne3A_193 = arith.xori %lt3A_190, %lt3A_192 : i1
          %and3A_194 = arith.andi %ne3A_193, %ne3A_188 : i1
          %add3A_195 = arith.addi %rem3A_186, %select_n3A_185 : i32
          %select_n3A_196 = arith.select %and3A_194, %add3A_195, %rem3A_186 : i32
          %eq3A_197 = arith.constant 0 : i32
          %eq3A_198 = arith.cmpi eq, %select_n3A_196, %eq3A_197 : i32
          %ge3A = arith.constant 32 : i32
          %ge3A_199 = arith.cmpi sge, %while3A_173, %ge3A : i32
          %and3A_200 = arith.andi %eq3A_198, %ge3A_199 : i1
          %convert_element_type3A_201 = arith.extui %and3A_200 : i1 to i32
          %cond3A_202 = arith.constant 0 : i32
          %cond3A_203 = arith.cmpi ne, %convert_element_type3A_201, %cond3A_202 : i32
          scf.if %cond3A_203 {
            %shift_right_arithmetic3A_357 = arith.constant 3 : i32
            %shift_right_arithmetic3A_358 = arith.shrsi %while3A_173, %shift_right_arithmetic3A_357 : i32
            %jit3A_359 = arith.constant 4 : i32
            %eq3A_360 = arith.constant 0 : i32
            %eq3A_361 = arith.cmpi eq, %jit3A_359, %eq3A_360 : i32
            %jit3A_362 = arith.constant 1 : i32
            %select_n3A_363 = arith.select %eq3A_361, %jit3A_362, %jit3A_359 : i32
            %rem3A_364 = arith.remsi %shift_right_arithmetic3A_358, %select_n3A_363 : i32
            %ne3A_365 = arith.constant 0 : i32
            %ne3A_366 = arith.cmpi ne, %rem3A_364, %ne3A_365 : i32
            %lt3A_367 = arith.constant 0 : i32
            %lt3A_368 = arith.cmpi slt, %rem3A_364, %lt3A_367 : i32
            %lt3A_369 = arith.constant 0 : i32
            %lt3A_370 = arith.cmpi slt, %select_n3A_363, %lt3A_369 : i32
            %ne3A_371 = arith.xori %lt3A_368, %lt3A_370 : i1
            %and3A_372 = arith.andi %ne3A_371, %ne3A_366 : i1
            %add3A_373 = arith.addi %rem3A_364, %select_n3A_363 : i32
            %select_n3A_374 = arith.select %and3A_372, %add3A_373, %rem3A_364 : i32
            %eq3A_375 = arith.constant 0 : i32
            %eq3A_376 = arith.cmpi eq, %select_n3A_374, %eq3A_375 : i32
            %convert_element_type3A_377 = arith.extui %eq3A_376 : i1 to i32
            %cond3A_378 = arith.constant 0 : i32
            %cond3A_379 = arith.cmpi ne, %convert_element_type3A_377, %cond3A_378 : i32
            scf.if %cond3A_379 {
              %scan3A_449 = arith.constant 0 : i32
              %scan3A_450 = arith.constant 0 : i32
              %scan3A_451 = arith.constant 8 : i32
              %scan3A_452 = arith.addi %scan3A_450, %scan3A_451 : i32
              %scan3A_453 = arith.constant 1 : i32
              scf.for %scan3A_455 = %scan3A_450 to %scan3A_452 step %scan3A_453  : i32 {
                %dma_wait3A = arith.constant 0 : i32
                %dma_wait3A_456 = arith.constant 0 : i32
                %dma_wait3A_457 = arith.constant 0 : i32
                %dma_wait3A_458 = tpu.memref_slice %arg11[%dma_wait3A, %dma_wait3A_457] : memref<32x64xf32, #tpu.memory_space<vmem>> -> memref<1x64xf32, #tpu.memory_space<vmem>>
                %dma_wait3A_459 = tpu.memref_squeeze %dma_wait3A_458 : memref<1x64xf32, #tpu.memory_space<vmem>> -> memref<64xf32, #tpu.memory_space<vmem>>
                %dma_wait3A_460 = arith.constant 0 : i32
                %dma_wait3A_461 = tpu.memref_slice %arg6[%dma_wait3A_456, %dma_wait3A_460] : memref<32768x128xf32, #tpu.memory_space<hbm>> -> memref<1x64xf32, #tpu.memory_space<hbm>>
                %dma_wait3A_462 = tpu.memref_squeeze %dma_wait3A_461 : memref<1x64xf32, #tpu.memory_space<hbm>> -> memref<64xf32, #tpu.memory_space<hbm>>
                %dma_wait3A_463 = arith.constant 0 : i32
                %dma_wait3A_464 = tpu.memref_slice %arg6[%dma_wait3A_456, %dma_wait3A_463] : memref<32768x128xf32, #tpu.memory_space<hbm>> -> memref<1x64xf32, #tpu.memory_space<hbm>>
                %dma_wait3A_465 = tpu.memref_squeeze %dma_wait3A_464 : memref<1x64xf32, #tpu.memory_space<hbm>> -> memref<64xf32, #tpu.memory_space<hbm>>
                %dma_wait3A_466 = arith.constant 0 : i32
                %dma_wait3A_467 = tpu.memref_slice %arg11[%dma_wait3A, %dma_wait3A_466] : memref<32x64xf32, #tpu.memory_space<vmem>> -> memref<1x64xf32, #tpu.memory_space<vmem>>
                %dma_wait3A_468 = tpu.memref_squeeze %dma_wait3A_467 : memref<1x64xf32, #tpu.memory_space<vmem>> -> memref<64xf32, #tpu.memory_space<vmem>>
                tpu.wait_dma2 semaphore(%arg16 : memref<!tpu.dma_semaphore, #tpu.memory_space<semaphore_mem>>) src(%dma_wait3A_468 : memref<64xf32, #tpu.memory_space<vmem>>) dst(%dma_wait3A_465 : memref<64xf32, #tpu.memory_space<hbm>>)
              }
              %scan3A_454 = arith.constant 8 : i32
            } else {
            }
            %shift_right_arithmetic3A_380 = arith.constant 3 : i32
            %shift_right_arithmetic3A_381 = arith.shrsi %while3A_173, %shift_right_arithmetic3A_380 : i32
            %jit3A_382 = arith.constant 4 : i32
            %eq3A_383 = arith.constant 0 : i32
            %eq3A_384 = arith.cmpi eq, %jit3A_382, %eq3A_383 : i32
            %jit3A_385 = arith.constant 1 : i32
            %select_n3A_386 = arith.select %eq3A_384, %jit3A_385, %jit3A_382 : i32
            %rem3A_387 = arith.remsi %shift_right_arithmetic3A_381, %select_n3A_386 : i32
            %ne3A_388 = arith.constant 0 : i32
            %ne3A_389 = arith.cmpi ne, %rem3A_387, %ne3A_388 : i32
            %lt3A_390 = arith.constant 0 : i32
            %lt3A_391 = arith.cmpi slt, %rem3A_387, %lt3A_390 : i32
            %lt3A_392 = arith.constant 0 : i32
            %lt3A_393 = arith.cmpi slt, %select_n3A_386, %lt3A_392 : i32
            %ne3A_394 = arith.xori %lt3A_391, %lt3A_393 : i1
            %and3A_395 = arith.andi %ne3A_394, %ne3A_389 : i1
            %add3A_396 = arith.addi %rem3A_387, %select_n3A_386 : i32
            %select_n3A_397 = arith.select %and3A_395, %add3A_396, %rem3A_387 : i32
            %eq3A_398 = arith.constant 1 : i32
            %eq3A_399 = arith.cmpi eq, %select_n3A_397, %eq3A_398 : i32
            %convert_element_type3A_400 = arith.extui %eq3A_399 : i1 to i32
            %cond3A_401 = arith.constant 0 : i32
            %cond3A_402 = arith.cmpi ne, %convert_element_type3A_400, %cond3A_401 : i32
            scf.if %cond3A_402 {
              %scan3A_449 = arith.constant 0 : i32
              %scan3A_450 = arith.constant 0 : i32
              %scan3A_451 = arith.constant 8 : i32
              %scan3A_452 = arith.addi %scan3A_450, %scan3A_451 : i32
              %scan3A_453 = arith.constant 1 : i32
              scf.for %scan3A_455 = %scan3A_450 to %scan3A_452 step %scan3A_453  : i32 {
                %dma_wait3A = arith.constant 0 : i32
                %dma_wait3A_456 = arith.constant 0 : i32
                %dma_wait3A_457 = arith.constant 0 : i32
                %dma_wait3A_458 = tpu.memref_slice %arg11[%dma_wait3A, %dma_wait3A_457] : memref<32x64xf32, #tpu.memory_space<vmem>> -> memref<1x64xf32, #tpu.memory_space<vmem>>
                %dma_wait3A_459 = tpu.memref_squeeze %dma_wait3A_458 : memref<1x64xf32, #tpu.memory_space<vmem>> -> memref<64xf32, #tpu.memory_space<vmem>>
                %dma_wait3A_460 = arith.constant 0 : i32
                %dma_wait3A_461 = tpu.memref_slice %arg6[%dma_wait3A_456, %dma_wait3A_460] : memref<32768x128xf32, #tpu.memory_space<hbm>> -> memref<1x64xf32, #tpu.memory_space<hbm>>
                %dma_wait3A_462 = tpu.memref_squeeze %dma_wait3A_461 : memref<1x64xf32, #tpu.memory_space<hbm>> -> memref<64xf32, #tpu.memory_space<hbm>>
                %dma_wait3A_463 = arith.constant 0 : i32
                %dma_wait3A_464 = tpu.memref_slice %arg6[%dma_wait3A_456, %dma_wait3A_463] : memref<32768x128xf32, #tpu.memory_space<hbm>> -> memref<1x64xf32, #tpu.memory_space<hbm>>
                %dma_wait3A_465 = tpu.memref_squeeze %dma_wait3A_464 : memref<1x64xf32, #tpu.memory_space<hbm>> -> memref<64xf32, #tpu.memory_space<hbm>>
                %dma_wait3A_466 = arith.constant 0 : i32
                %dma_wait3A_467 = tpu.memref_slice %arg11[%dma_wait3A, %dma_wait3A_466] : memref<32x64xf32, #tpu.memory_space<vmem>> -> memref<1x64xf32, #tpu.memory_space<vmem>>
                %dma_wait3A_468 = tpu.memref_squeeze %dma_wait3A_467 : memref<1x64xf32, #tpu.memory_space<vmem>> -> memref<64xf32, #tpu.memory_space<vmem>>
                tpu.wait_dma2 semaphore(%arg17 : memref<!tpu.dma_semaphore, #tpu.memory_space<semaphore_mem>>) src(%dma_wait3A_468 : memref<64xf32, #tpu.memory_space<vmem>>) dst(%dma_wait3A_465 : memref<64xf32, #tpu.memory_space<hbm>>)
              }
              %scan3A_454 = arith.constant 8 : i32
            } else {
            }
            %shift_right_arithmetic3A_403 = arith.constant 3 : i32
            %shift_right_arithmetic3A_404 = arith.shrsi %while3A_173, %shift_right_arithmetic3A_403 : i32
            %jit3A_405 = arith.constant 4 : i32
            %eq3A_406 = arith.constant 0 : i32
            %eq3A_407 = arith.cmpi eq, %jit3A_405, %eq3A_406 : i32
            %jit3A_408 = arith.constant 1 : i32
            %select_n3A_409 = arith.select %eq3A_407, %jit3A_408, %jit3A_405 : i32
            %rem3A_410 = arith.remsi %shift_right_arithmetic3A_404, %select_n3A_409 : i32
            %ne3A_411 = arith.constant 0 : i32
            %ne3A_412 = arith.cmpi ne, %rem3A_410, %ne3A_411 : i32
            %lt3A_413 = arith.constant 0 : i32
            %lt3A_414 = arith.cmpi slt, %rem3A_410, %lt3A_413 : i32
            %lt3A_415 = arith.constant 0 : i32
            %lt3A_416 = arith.cmpi slt, %select_n3A_409, %lt3A_415 : i32
            %ne3A_417 = arith.xori %lt3A_414, %lt3A_416 : i1
            %and3A_418 = arith.andi %ne3A_417, %ne3A_412 : i1
            %add3A_419 = arith.addi %rem3A_410, %select_n3A_409 : i32
            %select_n3A_420 = arith.select %and3A_418, %add3A_419, %rem3A_410 : i32
            %eq3A_421 = arith.constant 2 : i32
            %eq3A_422 = arith.cmpi eq, %select_n3A_420, %eq3A_421 : i32
            %convert_element_type3A_423 = arith.extui %eq3A_422 : i1 to i32
            %cond3A_424 = arith.constant 0 : i32
            %cond3A_425 = arith.cmpi ne, %convert_element_type3A_423, %cond3A_424 : i32
            scf.if %cond3A_425 {
              %scan3A_449 = arith.constant 0 : i32
              %scan3A_450 = arith.constant 0 : i32
              %scan3A_451 = arith.constant 8 : i32
              %scan3A_452 = arith.addi %scan3A_450, %scan3A_451 : i32
              %scan3A_453 = arith.constant 1 : i32
              scf.for %scan3A_455 = %scan3A_450 to %scan3A_452 step %scan3A_453  : i32 {
                %dma_wait3A = arith.constant 0 : i32
                %dma_wait3A_456 = arith.constant 0 : i32
                %dma_wait3A_457 = arith.constant 0 : i32
                %dma_wait3A_458 = tpu.memref_slice %arg11[%dma_wait3A, %dma_wait3A_457] : memref<32x64xf32, #tpu.memory_space<vmem>> -> memref<1x64xf32, #tpu.memory_space<vmem>>
                %dma_wait3A_459 = tpu.memref_squeeze %dma_wait3A_458 : memref<1x64xf32, #tpu.memory_space<vmem>> -> memref<64xf32, #tpu.memory_space<vmem>>
                %dma_wait3A_460 = arith.constant 0 : i32
                %dma_wait3A_461 = tpu.memref_slice %arg6[%dma_wait3A_456, %dma_wait3A_460] : memref<32768x128xf32, #tpu.memory_space<hbm>> -> memref<1x64xf32, #tpu.memory_space<hbm>>
                %dma_wait3A_462 = tpu.memref_squeeze %dma_wait3A_461 : memref<1x64xf32, #tpu.memory_space<hbm>> -> memref<64xf32, #tpu.memory_space<hbm>>
                %dma_wait3A_463 = arith.constant 0 : i32
                %dma_wait3A_464 = tpu.memref_slice %arg6[%dma_wait3A_456, %dma_wait3A_463] : memref<32768x128xf32, #tpu.memory_space<hbm>> -> memref<1x64xf32, #tpu.memory_space<hbm>>
                %dma_wait3A_465 = tpu.memref_squeeze %dma_wait3A_464 : memref<1x64xf32, #tpu.memory_space<hbm>> -> memref<64xf32, #tpu.memory_space<hbm>>
                %dma_wait3A_466 = arith.constant 0 : i32
                %dma_wait3A_467 = tpu.memref_slice %arg11[%dma_wait3A, %dma_wait3A_466] : memref<32x64xf32, #tpu.memory_space<vmem>> -> memref<1x64xf32, #tpu.memory_space<vmem>>
                %dma_wait3A_468 = tpu.memref_squeeze %dma_wait3A_467 : memref<1x64xf32, #tpu.memory_space<vmem>> -> memref<64xf32, #tpu.memory_space<vmem>>
                tpu.wait_dma2 semaphore(%arg18 : memref<!tpu.dma_semaphore, #tpu.memory_space<semaphore_mem>>) src(%dma_wait3A_468 : memref<64xf32, #tpu.memory_space<vmem>>) dst(%dma_wait3A_465 : memref<64xf32, #tpu.memory_space<hbm>>)
              }
              %scan3A_454 = arith.constant 8 : i32
            } else {
            }
            %shift_right_arithmetic3A_426 = arith.constant 3 : i32
            %shift_right_arithmetic3A_427 = arith.shrsi %while3A_173, %shift_right_arithmetic3A_426 : i32
            %jit3A_428 = arith.constant 4 : i32
            %eq3A_429 = arith.constant 0 : i32
            %eq3A_430 = arith.cmpi eq, %jit3A_428, %eq3A_429 : i32
            %jit3A_431 = arith.constant 1 : i32
            %select_n3A_432 = arith.select %eq3A_430, %jit3A_431, %jit3A_428 : i32
            %rem3A_433 = arith.remsi %shift_right_arithmetic3A_427, %select_n3A_432 : i32
            %ne3A_434 = arith.constant 0 : i32
            %ne3A_435 = arith.cmpi ne, %rem3A_433, %ne3A_434 : i32
            %lt3A_436 = arith.constant 0 : i32
            %lt3A_437 = arith.cmpi slt, %rem3A_433, %lt3A_436 : i32
            %lt3A_438 = arith.constant 0 : i32
            %lt3A_439 = arith.cmpi slt, %select_n3A_432, %lt3A_438 : i32
            %ne3A_440 = arith.xori %lt3A_437, %lt3A_439 : i1
            %and3A_441 = arith.andi %ne3A_440, %ne3A_435 : i1
            %add3A_442 = arith.addi %rem3A_433, %select_n3A_432 : i32
            %select_n3A_443 = arith.select %and3A_441, %add3A_442, %rem3A_433 : i32
            %eq3A_444 = arith.constant 3 : i32
            %eq3A_445 = arith.cmpi eq, %select_n3A_443, %eq3A_444 : i32
            %convert_element_type3A_446 = arith.extui %eq3A_445 : i1 to i32
            %cond3A_447 = arith.constant 0 : i32
            %cond3A_448 = arith.cmpi ne, %convert_element_type3A_446, %cond3A_447 : i32
            scf.if %cond3A_448 {
              %scan3A_449 = arith.constant 0 : i32
              %scan3A_450 = arith.constant 0 : i32
              %scan3A_451 = arith.constant 8 : i32
              %scan3A_452 = arith.addi %scan3A_450, %scan3A_451 : i32
              %scan3A_453 = arith.constant 1 : i32
              scf.for %scan3A_455 = %scan3A_450 to %scan3A_452 step %scan3A_453  : i32 {
                %dma_wait3A = arith.constant 0 : i32
                %dma_wait3A_456 = arith.constant 0 : i32
                %dma_wait3A_457 = arith.constant 0 : i32
                %dma_wait3A_458 = tpu.memref_slice %arg11[%dma_wait3A, %dma_wait3A_457] : memref<32x64xf32, #tpu.memory_space<vmem>> -> memref<1x64xf32, #tpu.memory_space<vmem>>
                %dma_wait3A_459 = tpu.memref_squeeze %dma_wait3A_458 : memref<1x64xf32, #tpu.memory_space<vmem>> -> memref<64xf32, #tpu.memory_space<vmem>>
                %dma_wait3A_460 = arith.constant 0 : i32
                %dma_wait3A_461 = tpu.memref_slice %arg6[%dma_wait3A_456, %dma_wait3A_460] : memref<32768x128xf32, #tpu.memory_space<hbm>> -> memref<1x64xf32, #tpu.memory_space<hbm>>
                %dma_wait3A_462 = tpu.memref_squeeze %dma_wait3A_461 : memref<1x64xf32, #tpu.memory_space<hbm>> -> memref<64xf32, #tpu.memory_space<hbm>>
                %dma_wait3A_463 = arith.constant 0 : i32
                %dma_wait3A_464 = tpu.memref_slice %arg6[%dma_wait3A_456, %dma_wait3A_463] : memref<32768x128xf32, #tpu.memory_space<hbm>> -> memref<1x64xf32, #tpu.memory_space<hbm>>
                %dma_wait3A_465 = tpu.memref_squeeze %dma_wait3A_464 : memref<1x64xf32, #tpu.memory_space<hbm>> -> memref<64xf32, #tpu.memory_space<hbm>>
                %dma_wait3A_466 = arith.constant 0 : i32
                %dma_wait3A_467 = tpu.memref_slice %arg11[%dma_wait3A, %dma_wait3A_466] : memref<32x64xf32, #tpu.memory_space<vmem>> -> memref<1x64xf32, #tpu.memory_space<vmem>>
                %dma_wait3A_468 = tpu.memref_squeeze %dma_wait3A_467 : memref<1x64xf32, #tpu.memory_space<vmem>> -> memref<64xf32, #tpu.memory_space<vmem>>
                tpu.wait_dma2 semaphore(%arg19 : memref<!tpu.dma_semaphore, #tpu.memory_space<semaphore_mem>>) src(%dma_wait3A_468 : memref<64xf32, #tpu.memory_space<vmem>>) dst(%dma_wait3A_465 : memref<64xf32, #tpu.memory_space<hbm>>)
              }
              %scan3A_454 = arith.constant 8 : i32
            } else {
            }
          } else {
          }
          %jit3A_204 = arith.constant 32 : i32
          %eq3A_205 = arith.constant 0 : i32
          %eq3A_206 = arith.cmpi eq, %jit3A_204, %eq3A_205 : i32
          %jit3A_207 = arith.constant 1 : i32
          %select_n3A_208 = arith.select %eq3A_206, %jit3A_207, %jit3A_204 : i32
          %rem3A_209 = arith.remsi %while3A_173, %select_n3A_208 : i32
          %ne3A_210 = arith.constant 0 : i32
          %ne3A_211 = arith.cmpi ne, %rem3A_209, %ne3A_210 : i32
          %lt3A_212 = arith.constant 0 : i32
          %lt3A_213 = arith.cmpi slt, %rem3A_209, %lt3A_212 : i32
          %lt3A_214 = arith.constant 0 : i32
          %lt3A_215 = arith.cmpi slt, %select_n3A_208, %lt3A_214 : i32
          %ne3A_216 = arith.xori %lt3A_213, %lt3A_215 : i1
          %and3A_217 = arith.andi %ne3A_216, %ne3A_211 : i1
          %add3A_218 = arith.addi %rem3A_209, %select_n3A_208 : i32
          %select_n3A_219 = arith.select %and3A_217, %add3A_218, %rem3A_209 : i32
          %add3A_220 = vector.broadcast %select_n3A_169 : i32 to vector<16xi32>
          %add3A_221 = arith.addi %broadcast_in_dim3A_1, %add3A_220 : vector<16xi32>
          %add3A_222 = arith.constant 0 : i32
          %add3A_223 = vector.broadcast %add3A_222 : i32 to vector<16xi32>
          %add3A_224 = arith.addi %iota3A, %add3A_223 : vector<16xi32>
          %add3A_225 = vector.broadcast %and3A_180 : i32 to vector<16xi32>
          %add3A_226 = arith.addi %broadcast_in_dim3A_1, %add3A_225 : vector<16xi32>
          %gather3A_227 = tpu.vector_load_idx %arg10[%add3A_221, %add3A_224, %add3A_226] : memref<4x64x128xf32, #tpu.memory_space<vmem>>[vector<16xi32>, vector<16xi32>, vector<16xi32>], vector<16xf32>,
          %swap3A = arith.index_cast %select_n3A_219 : i32 to index
          %swap3A_228 = arith.constant 0 : index
          %swap3A_229 = tpu.vector_load %arg11[%swap3A, %swap3A_228] {strides = array<i32>} : memref<32x64xf32, #tpu.memory_space<vmem>>, vector<16xf32>,
          tpu.vector_store %arg11[%swap3A, %swap3A_228], %gather3A_227 {strides = array<i32>} : memref<32x64xf32, #tpu.memory_space<vmem>>, vector<16xf32>,
          %add3A_230 = vector.broadcast %select_n3A_169 : i32 to vector<16xi32>
          %add3A_231 = arith.addi %broadcast_in_dim3A_1, %add3A_230 : vector<16xi32>
          %add3A_232 = arith.constant 16 : i32
          %add3A_233 = vector.broadcast %add3A_232 : i32 to vector<16xi32>
          %add3A_234 = arith.addi %iota3A, %add3A_233 : vector<16xi32>
          %add3A_235 = vector.broadcast %and3A_180 : i32 to vector<16xi32>
          %add3A_236 = arith.addi %broadcast_in_dim3A_1, %add3A_235 : vector<16xi32>
          %gather3A_237 = tpu.vector_load_idx %arg10[%add3A_231, %add3A_234, %add3A_236] : memref<4x64x128xf32, #tpu.memory_space<vmem>>[vector<16xi32>, vector<16xi32>, vector<16xi32>], vector<16xf32>,
          %swap3A_238 = arith.index_cast %select_n3A_219 : i32 to index
          %swap3A_239 = arith.constant 16 : index
          %swap3A_240 = tpu.vector_load %arg11[%swap3A_238, %swap3A_239] {strides = array<i32>} : memref<32x64xf32, #tpu.memory_space<vmem>>, vector<16xf32>,
          tpu.vector_store %arg11[%swap3A_238, %swap3A_239], %gather3A_237 {strides = array<i32>} : memref<32x64xf32, #tpu.memory_space<vmem>>, vector<16xf32>,
          %add3A_241 = vector.broadcast %select_n3A_169 : i32 to vector<16xi32>
          %add3A_242 = arith.addi %broadcast_in_dim3A_1, %add3A_241 : vector<16xi32>
          %add3A_243 = arith.constant 32 : i32
          %add3A_244 = vector.broadcast %add3A_243 : i32 to vector<16xi32>
          %add3A_245 = arith.addi %iota3A, %add3A_244 : vector<16xi32>
          %add3A_246 = vector.broadcast %and3A_180 : i32 to vector<16xi32>
          %add3A_247 = arith.addi %broadcast_in_dim3A_1, %add3A_246 : vector<16xi32>
          %gather3A_248 = tpu.vector_load_idx %arg10[%add3A_242, %add3A_245, %add3A_247] : memref<4x64x128xf32, #tpu.memory_space<vmem>>[vector<16xi32>, vector<16xi32>, vector<16xi32>], vector<16xf32>,
          %swap3A_249 = arith.index_cast %select_n3A_219 : i32 to index
          %swap3A_250 = arith.constant 32 : index
          %swap3A_251 = tpu.vector_load %arg11[%swap3A_249, %swap3A_250] {strides = array<i32>} : memref<32x64xf32, #tpu.memory_space<vmem>>, vector<16xf32>,
          tpu.vector_store %arg11[%swap3A_249, %swap3A_250], %gather3A_248 {strides = array<i32>} : memref<32x64xf32, #tpu.memory_space<vmem>>, vector<16xf32>,
          %add3A_252 = vector.broadcast %select_n3A_169 : i32 to vector<16xi32>
          %add3A_253 = arith.addi %broadcast_in_dim3A_1, %add3A_252 : vector<16xi32>
          %add3A_254 = arith.constant 48 : i32
          %add3A_255 = vector.broadcast %add3A_254 : i32 to vector<16xi32>
          %add3A_256 = arith.addi %iota3A, %add3A_255 : vector<16xi32>
          %add3A_257 = vector.broadcast %and3A_180 : i32 to vector<16xi32>
          %add3A_258 = arith.addi %broadcast_in_dim3A_1, %add3A_257 : vector<16xi32>
          %gather3A_259 = tpu.vector_load_idx %arg10[%add3A_253, %add3A_256, %add3A_258] : memref<4x64x128xf32, #tpu.memory_space<vmem>>[vector<16xi32>, vector<16xi32>, vector<16xi32>], vector<16xf32>,
          %swap3A_260 = arith.index_cast %select_n3A_219 : i32 to index
          %swap3A_261 = arith.constant 48 : index
          %swap3A_262 = tpu.vector_load %arg11[%swap3A_260, %swap3A_261] {strides = array<i32>} : memref<32x64xf32, #tpu.memory_space<vmem>>, vector<16xf32>,
          tpu.vector_store %arg11[%swap3A_260, %swap3A_261], %gather3A_259 {strides = array<i32>} : memref<32x64xf32, #tpu.memory_space<vmem>>, vector<16xf32>,
          %shift_right_arithmetic3A_263 = arith.constant 3 : i32
          %shift_right_arithmetic3A_264 = arith.shrsi %while3A_173, %shift_right_arithmetic3A_263 : i32
          %jit3A_265 = arith.constant 4 : i32
          %eq3A_266 = arith.constant 0 : i32
          %eq3A_267 = arith.cmpi eq, %jit3A_265, %eq3A_266 : i32
          %jit3A_268 = arith.constant 1 : i32
          %select_n3A_269 = arith.select %eq3A_267, %jit3A_268, %jit3A_265 : i32
          %rem3A_270 = arith.remsi %shift_right_arithmetic3A_264, %select_n3A_269 : i32
          %ne3A_271 = arith.constant 0 : i32
          %ne3A_272 = arith.cmpi ne, %rem3A_270, %ne3A_271 : i32
          %lt3A_273 = arith.constant 0 : i32
          %lt3A_274 = arith.cmpi slt, %rem3A_270, %lt3A_273 : i32
          %lt3A_275 = arith.constant 0 : i32
          %lt3A_276 = arith.cmpi slt, %select_n3A_269, %lt3A_275 : i32
          %ne3A_277 = arith.xori %lt3A_274, %lt3A_276 : i1
          %and3A_278 = arith.andi %ne3A_277, %ne3A_272 : i1
          %add3A_279 = arith.addi %rem3A_270, %select_n3A_269 : i32
          %select_n3A_280 = arith.select %and3A_278, %add3A_279, %rem3A_270 : i32
          %eq3A_281 = arith.constant 0 : i32
          %eq3A_282 = arith.cmpi eq, %select_n3A_280, %eq3A_281 : i32
          %convert_element_type3A_283 = arith.extui %eq3A_282 : i1 to i32
          %cond3A_284 = arith.constant 0 : i32
          %cond3A_285 = arith.cmpi ne, %convert_element_type3A_283, %cond3A_284 : i32
          scf.if %cond3A_285 {
            %add3A_357 = vector.broadcast %while3A_173 : i32 to vector<16xi32>
            %add3A_358 = arith.addi %broadcast_in_dim3A_1, %add3A_357 : vector<16xi32>
            %gather3A_359 = tpu.vector_load_idx %arg8[%add3A_358] : memref<1024xi32, #tpu.memory_space<vmem>>[vector<16xi32>], vector<16xi32>,
            %slice3A_360 = vector.extract_strided_slice %gather3A_359 {offsets = [0], sizes = [1], strides = [1]} : vector<16xi32> to vector<1xi32>
            %squeeze3A_361 = vector.extract %slice3A_360[0] : i32 from vector<1xi32>
            %dma_start3A = arith.constant 0 : i32
            %dma_start3A_362 = tpu.memref_slice %arg11[%select_n3A_219, %dma_start3A] : memref<32x64xf32, #tpu.memory_space<vmem>> -> memref<1x64xf32, #tpu.memory_space<vmem>>
            %dma_start3A_363 = tpu.memref_squeeze %dma_start3A_362 : memref<1x64xf32, #tpu.memory_space<vmem>> -> memref<64xf32, #tpu.memory_space<vmem>>
            %dma_start3A_364 = arith.constant 0 : i32
            %dma_start3A_365 = tpu.memref_slice %arg6[%squeeze3A_361, %dma_start3A_364] : memref<32768x128xf32, #tpu.memory_space<hbm>> -> memref<1x64xf32, #tpu.memory_space<hbm>>
            %dma_start3A_366 = tpu.memref_squeeze %dma_start3A_365 : memref<1x64xf32, #tpu.memory_space<hbm>> -> memref<64xf32, #tpu.memory_space<hbm>>
            %dma_start3A_367 = arith.constant 0 : i32
            %dma_start3A_368 = tpu.memref_slice %arg6[%squeeze3A_361, %dma_start3A_367] : memref<32768x128xf32, #tpu.memory_space<hbm>> -> memref<1x64xf32, #tpu.memory_space<hbm>>
            %dma_start3A_369 = tpu.memref_squeeze %dma_start3A_368 : memref<1x64xf32, #tpu.memory_space<hbm>> -> memref<64xf32, #tpu.memory_space<hbm>>
            %dma_start3A_370 = arith.constant 0 : i32
            %dma_start3A_371 = tpu.memref_slice %arg11[%select_n3A_219, %dma_start3A_370] : memref<32x64xf32, #tpu.memory_space<vmem>> -> memref<1x64xf32, #tpu.memory_space<vmem>>
            %dma_start3A_372 = tpu.memref_squeeze %dma_start3A_371 : memref<1x64xf32, #tpu.memory_space<vmem>> -> memref<64xf32, #tpu.memory_space<vmem>>
            tpu.enqueue_dma source(%dma_start3A_372 : memref<64xf32, #tpu.memory_space<vmem>>) target(%dma_start3A_369 : memref<64xf32, #tpu.memory_space<hbm>>) target_semaphore(%arg16 : memref<!tpu.dma_semaphore, #tpu.memory_space<semaphore_mem>>)
          } else {
          }
          %shift_right_arithmetic3A_286 = arith.constant 3 : i32
          %shift_right_arithmetic3A_287 = arith.shrsi %while3A_173, %shift_right_arithmetic3A_286 : i32
          %jit3A_288 = arith.constant 4 : i32
          %eq3A_289 = arith.constant 0 : i32
          %eq3A_290 = arith.cmpi eq, %jit3A_288, %eq3A_289 : i32
          %jit3A_291 = arith.constant 1 : i32
          %select_n3A_292 = arith.select %eq3A_290, %jit3A_291, %jit3A_288 : i32
          %rem3A_293 = arith.remsi %shift_right_arithmetic3A_287, %select_n3A_292 : i32
          %ne3A_294 = arith.constant 0 : i32
          %ne3A_295 = arith.cmpi ne, %rem3A_293, %ne3A_294 : i32
          %lt3A_296 = arith.constant 0 : i32
          %lt3A_297 = arith.cmpi slt, %rem3A_293, %lt3A_296 : i32
          %lt3A_298 = arith.constant 0 : i32
          %lt3A_299 = arith.cmpi slt, %select_n3A_292, %lt3A_298 : i32
          %ne3A_300 = arith.xori %lt3A_297, %lt3A_299 : i1
          %and3A_301 = arith.andi %ne3A_300, %ne3A_295 : i1
          %add3A_302 = arith.addi %rem3A_293, %select_n3A_292 : i32
          %select_n3A_303 = arith.select %and3A_301, %add3A_302, %rem3A_293 : i32
          %eq3A_304 = arith.constant 1 : i32
          %eq3A_305 = arith.cmpi eq, %select_n3A_303, %eq3A_304 : i32
          %convert_element_type3A_306 = arith.extui %eq3A_305 : i1 to i32
          %cond3A_307 = arith.constant 0 : i32
          %cond3A_308 = arith.cmpi ne, %convert_element_type3A_306, %cond3A_307 : i32
          scf.if %cond3A_308 {
            %add3A_357 = vector.broadcast %while3A_173 : i32 to vector<16xi32>
            %add3A_358 = arith.addi %broadcast_in_dim3A_1, %add3A_357 : vector<16xi32>
            %gather3A_359 = tpu.vector_load_idx %arg8[%add3A_358] : memref<1024xi32, #tpu.memory_space<vmem>>[vector<16xi32>], vector<16xi32>,
            %slice3A_360 = vector.extract_strided_slice %gather3A_359 {offsets = [0], sizes = [1], strides = [1]} : vector<16xi32> to vector<1xi32>
            %squeeze3A_361 = vector.extract %slice3A_360[0] : i32 from vector<1xi32>
            %dma_start3A = arith.constant 0 : i32
            %dma_start3A_362 = tpu.memref_slice %arg11[%select_n3A_219, %dma_start3A] : memref<32x64xf32, #tpu.memory_space<vmem>> -> memref<1x64xf32, #tpu.memory_space<vmem>>
            %dma_start3A_363 = tpu.memref_squeeze %dma_start3A_362 : memref<1x64xf32, #tpu.memory_space<vmem>> -> memref<64xf32, #tpu.memory_space<vmem>>
            %dma_start3A_364 = arith.constant 0 : i32
            %dma_start3A_365 = tpu.memref_slice %arg6[%squeeze3A_361, %dma_start3A_364] : memref<32768x128xf32, #tpu.memory_space<hbm>> -> memref<1x64xf32, #tpu.memory_space<hbm>>
            %dma_start3A_366 = tpu.memref_squeeze %dma_start3A_365 : memref<1x64xf32, #tpu.memory_space<hbm>> -> memref<64xf32, #tpu.memory_space<hbm>>
            %dma_start3A_367 = arith.constant 0 : i32
            %dma_start3A_368 = tpu.memref_slice %arg6[%squeeze3A_361, %dma_start3A_367] : memref<32768x128xf32, #tpu.memory_space<hbm>> -> memref<1x64xf32, #tpu.memory_space<hbm>>
            %dma_start3A_369 = tpu.memref_squeeze %dma_start3A_368 : memref<1x64xf32, #tpu.memory_space<hbm>> -> memref<64xf32, #tpu.memory_space<hbm>>
            %dma_start3A_370 = arith.constant 0 : i32
            %dma_start3A_371 = tpu.memref_slice %arg11[%select_n3A_219, %dma_start3A_370] : memref<32x64xf32, #tpu.memory_space<vmem>> -> memref<1x64xf32, #tpu.memory_space<vmem>>
            %dma_start3A_372 = tpu.memref_squeeze %dma_start3A_371 : memref<1x64xf32, #tpu.memory_space<vmem>> -> memref<64xf32, #tpu.memory_space<vmem>>
            tpu.enqueue_dma source(%dma_start3A_372 : memref<64xf32, #tpu.memory_space<vmem>>) target(%dma_start3A_369 : memref<64xf32, #tpu.memory_space<hbm>>) target_semaphore(%arg17 : memref<!tpu.dma_semaphore, #tpu.memory_space<semaphore_mem>>)
          } else {
          }
          %shift_right_arithmetic3A_309 = arith.constant 3 : i32
          %shift_right_arithmetic3A_310 = arith.shrsi %while3A_173, %shift_right_arithmetic3A_309 : i32
          %jit3A_311 = arith.constant 4 : i32
          %eq3A_312 = arith.constant 0 : i32
          %eq3A_313 = arith.cmpi eq, %jit3A_311, %eq3A_312 : i32
          %jit3A_314 = arith.constant 1 : i32
          %select_n3A_315 = arith.select %eq3A_313, %jit3A_314, %jit3A_311 : i32
          %rem3A_316 = arith.remsi %shift_right_arithmetic3A_310, %select_n3A_315 : i32
          %ne3A_317 = arith.constant 0 : i32
          %ne3A_318 = arith.cmpi ne, %rem3A_316, %ne3A_317 : i32
          %lt3A_319 = arith.constant 0 : i32
          %lt3A_320 = arith.cmpi slt, %rem3A_316, %lt3A_319 : i32
          %lt3A_321 = arith.constant 0 : i32
          %lt3A_322 = arith.cmpi slt, %select_n3A_315, %lt3A_321 : i32
          %ne3A_323 = arith.xori %lt3A_320, %lt3A_322 : i1
          %and3A_324 = arith.andi %ne3A_323, %ne3A_318 : i1
          %add3A_325 = arith.addi %rem3A_316, %select_n3A_315 : i32
          %select_n3A_326 = arith.select %and3A_324, %add3A_325, %rem3A_316 : i32
          %eq3A_327 = arith.constant 2 : i32
          %eq3A_328 = arith.cmpi eq, %select_n3A_326, %eq3A_327 : i32
          %convert_element_type3A_329 = arith.extui %eq3A_328 : i1 to i32
          %cond3A_330 = arith.constant 0 : i32
          %cond3A_331 = arith.cmpi ne, %convert_element_type3A_329, %cond3A_330 : i32
          scf.if %cond3A_331 {
            %add3A_357 = vector.broadcast %while3A_173 : i32 to vector<16xi32>
            %add3A_358 = arith.addi %broadcast_in_dim3A_1, %add3A_357 : vector<16xi32>
            %gather3A_359 = tpu.vector_load_idx %arg8[%add3A_358] : memref<1024xi32, #tpu.memory_space<vmem>>[vector<16xi32>], vector<16xi32>,
            %slice3A_360 = vector.extract_strided_slice %gather3A_359 {offsets = [0], sizes = [1], strides = [1]} : vector<16xi32> to vector<1xi32>
            %squeeze3A_361 = vector.extract %slice3A_360[0] : i32 from vector<1xi32>
            %dma_start3A = arith.constant 0 : i32
            %dma_start3A_362 = tpu.memref_slice %arg11[%select_n3A_219, %dma_start3A] : memref<32x64xf32, #tpu.memory_space<vmem>> -> memref<1x64xf32, #tpu.memory_space<vmem>>
            %dma_start3A_363 = tpu.memref_squeeze %dma_start3A_362 : memref<1x64xf32, #tpu.memory_space<vmem>> -> memref<64xf32, #tpu.memory_space<vmem>>
            %dma_start3A_364 = arith.constant 0 : i32
            %dma_start3A_365 = tpu.memref_slice %arg6[%squeeze3A_361, %dma_start3A_364] : memref<32768x128xf32, #tpu.memory_space<hbm>> -> memref<1x64xf32, #tpu.memory_space<hbm>>
            %dma_start3A_366 = tpu.memref_squeeze %dma_start3A_365 : memref<1x64xf32, #tpu.memory_space<hbm>> -> memref<64xf32, #tpu.memory_space<hbm>>
            %dma_start3A_367 = arith.constant 0 : i32
            %dma_start3A_368 = tpu.memref_slice %arg6[%squeeze3A_361, %dma_start3A_367] : memref<32768x128xf32, #tpu.memory_space<hbm>> -> memref<1x64xf32, #tpu.memory_space<hbm>>
            %dma_start3A_369 = tpu.memref_squeeze %dma_start3A_368 : memref<1x64xf32, #tpu.memory_space<hbm>> -> memref<64xf32, #tpu.memory_space<hbm>>
            %dma_start3A_370 = arith.constant 0 : i32
            %dma_start3A_371 = tpu.memref_slice %arg11[%select_n3A_219, %dma_start3A_370] : memref<32x64xf32, #tpu.memory_space<vmem>> -> memref<1x64xf32, #tpu.memory_space<vmem>>
            %dma_start3A_372 = tpu.memref_squeeze %dma_start3A_371 : memref<1x64xf32, #tpu.memory_space<vmem>> -> memref<64xf32, #tpu.memory_space<vmem>>
            tpu.enqueue_dma source(%dma_start3A_372 : memref<64xf32, #tpu.memory_space<vmem>>) target(%dma_start3A_369 : memref<64xf32, #tpu.memory_space<hbm>>) target_semaphore(%arg18 : memref<!tpu.dma_semaphore, #tpu.memory_space<semaphore_mem>>)
          } else {
          }
          %shift_right_arithmetic3A_332 = arith.constant 3 : i32
          %shift_right_arithmetic3A_333 = arith.shrsi %while3A_173, %shift_right_arithmetic3A_332 : i32
          %jit3A_334 = arith.constant 4 : i32
          %eq3A_335 = arith.constant 0 : i32
          %eq3A_336 = arith.cmpi eq, %jit3A_334, %eq3A_335 : i32
          %jit3A_337 = arith.constant 1 : i32
          %select_n3A_338 = arith.select %eq3A_336, %jit3A_337, %jit3A_334 : i32
          %rem3A_339 = arith.remsi %shift_right_arithmetic3A_333, %select_n3A_338 : i32
          %ne3A_340 = arith.constant 0 : i32
          %ne3A_341 = arith.cmpi ne, %rem3A_339, %ne3A_340 : i32
          %lt3A_342 = arith.constant 0 : i32
          %lt3A_343 = arith.cmpi slt, %rem3A_339, %lt3A_342 : i32
          %lt3A_344 = arith.constant 0 : i32
          %lt3A_345 = arith.cmpi slt, %select_n3A_338, %lt3A_344 : i32
          %ne3A_346 = arith.xori %lt3A_343, %lt3A_345 : i1
          %and3A_347 = arith.andi %ne3A_346, %ne3A_341 : i1
          %add3A_348 = arith.addi %rem3A_339, %select_n3A_338 : i32
          %select_n3A_349 = arith.select %and3A_347, %add3A_348, %rem3A_339 : i32
          %eq3A_350 = arith.constant 3 : i32
          %eq3A_351 = arith.cmpi eq, %select_n3A_349, %eq3A_350 : i32
          %convert_element_type3A_352 = arith.extui %eq3A_351 : i1 to i32
          %cond3A_353 = arith.constant 0 : i32
          %cond3A_354 = arith.cmpi ne, %convert_element_type3A_352, %cond3A_353 : i32
          scf.if %cond3A_354 {
            %add3A_357 = vector.broadcast %while3A_173 : i32 to vector<16xi32>
            %add3A_358 = arith.addi %broadcast_in_dim3A_1, %add3A_357 : vector<16xi32>
            %gather3A_359 = tpu.vector_load_idx %arg8[%add3A_358] : memref<1024xi32, #tpu.memory_space<vmem>>[vector<16xi32>], vector<16xi32>,
            %slice3A_360 = vector.extract_strided_slice %gather3A_359 {offsets = [0], sizes = [1], strides = [1]} : vector<16xi32> to vector<1xi32>
            %squeeze3A_361 = vector.extract %slice3A_360[0] : i32 from vector<1xi32>
            %dma_start3A = arith.constant 0 : i32
            %dma_start3A_362 = tpu.memref_slice %arg11[%select_n3A_219, %dma_start3A] : memref<32x64xf32, #tpu.memory_space<vmem>> -> memref<1x64xf32, #tpu.memory_space<vmem>>
            %dma_start3A_363 = tpu.memref_squeeze %dma_start3A_362 : memref<1x64xf32, #tpu.memory_space<vmem>> -> memref<64xf32, #tpu.memory_space<vmem>>
            %dma_start3A_364 = arith.constant 0 : i32
            %dma_start3A_365 = tpu.memref_slice %arg6[%squeeze3A_361, %dma_start3A_364] : memref<32768x128xf32, #tpu.memory_space<hbm>> -> memref<1x64xf32, #tpu.memory_space<hbm>>
            %dma_start3A_366 = tpu.memref_squeeze %dma_start3A_365 : memref<1x64xf32, #tpu.memory_space<hbm>> -> memref<64xf32, #tpu.memory_space<hbm>>
            %dma_start3A_367 = arith.constant 0 : i32
            %dma_start3A_368 = tpu.memref_slice %arg6[%squeeze3A_361, %dma_start3A_367] : memref<32768x128xf32, #tpu.memory_space<hbm>> -> memref<1x64xf32, #tpu.memory_space<hbm>>
            %dma_start3A_369 = tpu.memref_squeeze %dma_start3A_368 : memref<1x64xf32, #tpu.memory_space<hbm>> -> memref<64xf32, #tpu.memory_space<hbm>>
            %dma_start3A_370 = arith.constant 0 : i32
            %dma_start3A_371 = tpu.memref_slice %arg11[%select_n3A_219, %dma_start3A_370] : memref<32x64xf32, #tpu.memory_space<vmem>> -> memref<1x64xf32, #tpu.memory_space<vmem>>
            %dma_start3A_372 = tpu.memref_squeeze %dma_start3A_371 : memref<1x64xf32, #tpu.memory_space<vmem>> -> memref<64xf32, #tpu.memory_space<vmem>>
            tpu.enqueue_dma source(%dma_start3A_372 : memref<64xf32, #tpu.memory_space<vmem>>) target(%dma_start3A_369 : memref<64xf32, #tpu.memory_space<hbm>>) target_semaphore(%arg19 : memref<!tpu.dma_semaphore, #tpu.memory_space<semaphore_mem>>)
          } else {
          }
          %add3A_355 = arith.constant 1 : i32
          %add3A_356 = arith.addi %while3A_173, %add3A_355 : i32
          scf.yield %add3A_356 : i32
        }
        %add3A_171 = arith.constant 1 : i32
        %add3A_172 = arith.addi %while3A_69, %add3A_171 : i32
        scf.yield %while3A_170, %add3A_172 : i32, i32
      }
    } else {
    }
    %scan3A = arith.constant 1024 : i32
    %scan3A_19 = arith.constant 0 : i32
    %scan3A_20 = arith.constant 1024 : i32
    %scan3A_21 = arith.addi %scan3A_19, %scan3A_20 : i32
    %scan3A_22 = arith.constant 1 : i32
    %scan3A_23 = scf.for %scan3A_49 = %scan3A_19 to %scan3A_21 step %scan3A_22 iter_args(%scan3A_50 = %scan3A) -> (i32)  : i32 {
      %add3A_51 = vector.broadcast %scan3A_49 : i32 to vector<16xi32>
      %add3A_52 = arith.addi %broadcast_in_dim3A_1, %add3A_51 : vector<16xi32>
      %gather3A_53 = tpu.vector_load_idx %arg7[%add3A_52] : memref<1024xi32, #tpu.memory_space<vmem>>[vector<16xi32>], vector<16xi32>,
      %slice3A_54 = vector.extract_strided_slice %gather3A_53 {offsets = [0], sizes = [1], strides = [1]} : vector<16xi32> to vector<1xi32>
      %squeeze3A_55 = vector.extract %slice3A_54[0] : i32 from vector<1xi32>
      %ge3A = arith.constant 999936 : i32
      %ge3A_56 = arith.cmpi sge, %squeeze3A_55, %ge3A : i32
      %eq3A = arith.constant 1024 : i32
      %eq3A_57 = arith.cmpi eq, %scan3A_50, %eq3A : i32
      %and3A = arith.andi %ge3A_56, %eq3A_57 : i1
      %select_n3A = arith.select %and3A, %scan3A_49, %scan3A_50 : i32
      scf.yield %select_n3A : i32
    }
    %scan3A_24 = arith.constant 1024 : i32
    %while3A = scf.while (%while3A_49 = %scan3A_23) : (i32) -> i32 {
      %lt3A_50 = arith.constant 1024 : i32
      %lt3A_51 = arith.cmpi slt, %while3A_49, %lt3A_50 : i32
      scf.condition(%lt3A_51) %while3A_49 : i32
    } do {
    ^bb0(%while3A_49: i32):
      %add3A_50 = vector.broadcast %while3A_49 : i32 to vector<16xi32>
      %add3A_51 = arith.addi %broadcast_in_dim3A_1, %add3A_50 : vector<16xi32>
      %gather3A_52 = tpu.vector_load_idx %arg7[%add3A_51] : memref<1024xi32, #tpu.memory_space<vmem>>[vector<16xi32>], vector<16xi32>,
      %slice3A_53 = vector.extract_strided_slice %gather3A_52 {offsets = [0], sizes = [1], strides = [1]} : vector<16xi32> to vector<1xi32>
      %squeeze3A_54 = vector.extract %slice3A_53[0] : i32 from vector<1xi32>
      %sub3A = arith.constant 999936 : i32
      %sub3A_55 = arith.subi %squeeze3A_54, %sub3A : i32
      %jit3A = arith.constant 8 : i32
      %eq3A = arith.constant 0 : i32
      %eq3A_56 = arith.cmpi eq, %jit3A, %eq3A : i32
      %jit3A_57 = arith.constant 1 : i32
      %select_n3A = arith.select %eq3A_56, %jit3A_57, %jit3A : i32
      %rem3A = arith.remsi %while3A_49, %select_n3A : i32
      %ne3A = arith.constant 0 : i32
      %ne3A_58 = arith.cmpi ne, %rem3A, %ne3A : i32
      %lt3A_59 = arith.constant 0 : i32
      %lt3A_60 = arith.cmpi slt, %rem3A, %lt3A_59 : i32
      %lt3A_61 = arith.constant 0 : i32
      %lt3A_62 = arith.cmpi slt, %select_n3A, %lt3A_61 : i32
      %ne3A_63 = arith.xori %lt3A_60, %lt3A_62 : i1
      %and3A = arith.andi %ne3A_63, %ne3A_58 : i1
      %add3A_64 = arith.addi %rem3A, %select_n3A : i32
      %select_n3A_65 = arith.select %and3A, %add3A_64, %rem3A : i32
      %eq3A_66 = arith.constant 0 : i32
      %eq3A_67 = arith.cmpi eq, %select_n3A_65, %eq3A_66 : i32
      %ge3A = arith.constant 32 : i32
      %ge3A_68 = arith.cmpi sge, %while3A_49, %ge3A : i32
      %and3A_69 = arith.andi %eq3A_67, %ge3A_68 : i1
      %convert_element_type3A_70 = arith.extui %and3A_69 : i1 to i32
      %cond3A_71 = arith.constant 0 : i32
      %cond3A_72 = arith.cmpi ne, %convert_element_type3A_70, %cond3A_71 : i32
      scf.if %cond3A_72 {
        %shift_right_arithmetic3A_218 = arith.constant 3 : i32
        %shift_right_arithmetic3A_219 = arith.shrsi %while3A_49, %shift_right_arithmetic3A_218 : i32
        %jit3A_220 = arith.constant 4 : i32
        %eq3A_221 = arith.constant 0 : i32
        %eq3A_222 = arith.cmpi eq, %jit3A_220, %eq3A_221 : i32
        %jit3A_223 = arith.constant 1 : i32
        %select_n3A_224 = arith.select %eq3A_222, %jit3A_223, %jit3A_220 : i32
        %rem3A_225 = arith.remsi %shift_right_arithmetic3A_219, %select_n3A_224 : i32
        %ne3A_226 = arith.constant 0 : i32
        %ne3A_227 = arith.cmpi ne, %rem3A_225, %ne3A_226 : i32
        %lt3A_228 = arith.constant 0 : i32
        %lt3A_229 = arith.cmpi slt, %rem3A_225, %lt3A_228 : i32
        %lt3A_230 = arith.constant 0 : i32
        %lt3A_231 = arith.cmpi slt, %select_n3A_224, %lt3A_230 : i32
        %ne3A_232 = arith.xori %lt3A_229, %lt3A_231 : i1
        %and3A_233 = arith.andi %ne3A_232, %ne3A_227 : i1
        %add3A_234 = arith.addi %rem3A_225, %select_n3A_224 : i32
        %select_n3A_235 = arith.select %and3A_233, %add3A_234, %rem3A_225 : i32
        %eq3A_236 = arith.constant 0 : i32
        %eq3A_237 = arith.cmpi eq, %select_n3A_235, %eq3A_236 : i32
        %convert_element_type3A_238 = arith.extui %eq3A_237 : i1 to i32
        %cond3A_239 = arith.constant 0 : i32
        %cond3A_240 = arith.cmpi ne, %convert_element_type3A_238, %cond3A_239 : i32
        scf.if %cond3A_240 {
          %scan3A_310 = arith.constant 0 : i32
          %scan3A_311 = arith.constant 0 : i32
          %scan3A_312 = arith.constant 8 : i32
          %scan3A_313 = arith.addi %scan3A_311, %scan3A_312 : i32
          %scan3A_314 = arith.constant 1 : i32
          scf.for %scan3A_316 = %scan3A_311 to %scan3A_313 step %scan3A_314  : i32 {
            %dma_wait3A = arith.constant 0 : i32
            %dma_wait3A_317 = arith.constant 0 : i32
            %dma_wait3A_318 = arith.constant 0 : i32
            %dma_wait3A_319 = tpu.memref_slice %arg11[%dma_wait3A, %dma_wait3A_318] : memref<32x64xf32, #tpu.memory_space<vmem>> -> memref<1x64xf32, #tpu.memory_space<vmem>>
            %dma_wait3A_320 = tpu.memref_squeeze %dma_wait3A_319 : memref<1x64xf32, #tpu.memory_space<vmem>> -> memref<64xf32, #tpu.memory_space<vmem>>
            %dma_wait3A_321 = arith.constant 0 : i32
            %dma_wait3A_322 = tpu.memref_slice %arg6[%dma_wait3A_317, %dma_wait3A_321] : memref<32768x128xf32, #tpu.memory_space<hbm>> -> memref<1x64xf32, #tpu.memory_space<hbm>>
            %dma_wait3A_323 = tpu.memref_squeeze %dma_wait3A_322 : memref<1x64xf32, #tpu.memory_space<hbm>> -> memref<64xf32, #tpu.memory_space<hbm>>
            %dma_wait3A_324 = arith.constant 0 : i32
            %dma_wait3A_325 = tpu.memref_slice %arg6[%dma_wait3A_317, %dma_wait3A_324] : memref<32768x128xf32, #tpu.memory_space<hbm>> -> memref<1x64xf32, #tpu.memory_space<hbm>>
            %dma_wait3A_326 = tpu.memref_squeeze %dma_wait3A_325 : memref<1x64xf32, #tpu.memory_space<hbm>> -> memref<64xf32, #tpu.memory_space<hbm>>
            %dma_wait3A_327 = arith.constant 0 : i32
            %dma_wait3A_328 = tpu.memref_slice %arg11[%dma_wait3A, %dma_wait3A_327] : memref<32x64xf32, #tpu.memory_space<vmem>> -> memref<1x64xf32, #tpu.memory_space<vmem>>
            %dma_wait3A_329 = tpu.memref_squeeze %dma_wait3A_328 : memref<1x64xf32, #tpu.memory_space<vmem>> -> memref<64xf32, #tpu.memory_space<vmem>>
            tpu.wait_dma2 semaphore(%arg16 : memref<!tpu.dma_semaphore, #tpu.memory_space<semaphore_mem>>) src(%dma_wait3A_329 : memref<64xf32, #tpu.memory_space<vmem>>) dst(%dma_wait3A_326 : memref<64xf32, #tpu.memory_space<hbm>>)
          }
          %scan3A_315 = arith.constant 8 : i32
        } else {
        }
        %shift_right_arithmetic3A_241 = arith.constant 3 : i32
        %shift_right_arithmetic3A_242 = arith.shrsi %while3A_49, %shift_right_arithmetic3A_241 : i32
        %jit3A_243 = arith.constant 4 : i32
        %eq3A_244 = arith.constant 0 : i32
        %eq3A_245 = arith.cmpi eq, %jit3A_243, %eq3A_244 : i32
        %jit3A_246 = arith.constant 1 : i32
        %select_n3A_247 = arith.select %eq3A_245, %jit3A_246, %jit3A_243 : i32
        %rem3A_248 = arith.remsi %shift_right_arithmetic3A_242, %select_n3A_247 : i32
        %ne3A_249 = arith.constant 0 : i32
        %ne3A_250 = arith.cmpi ne, %rem3A_248, %ne3A_249 : i32
        %lt3A_251 = arith.constant 0 : i32
        %lt3A_252 = arith.cmpi slt, %rem3A_248, %lt3A_251 : i32
        %lt3A_253 = arith.constant 0 : i32
        %lt3A_254 = arith.cmpi slt, %select_n3A_247, %lt3A_253 : i32
        %ne3A_255 = arith.xori %lt3A_252, %lt3A_254 : i1
        %and3A_256 = arith.andi %ne3A_255, %ne3A_250 : i1
        %add3A_257 = arith.addi %rem3A_248, %select_n3A_247 : i32
        %select_n3A_258 = arith.select %and3A_256, %add3A_257, %rem3A_248 : i32
        %eq3A_259 = arith.constant 1 : i32
        %eq3A_260 = arith.cmpi eq, %select_n3A_258, %eq3A_259 : i32
        %convert_element_type3A_261 = arith.extui %eq3A_260 : i1 to i32
        %cond3A_262 = arith.constant 0 : i32
        %cond3A_263 = arith.cmpi ne, %convert_element_type3A_261, %cond3A_262 : i32
        scf.if %cond3A_263 {
          %scan3A_310 = arith.constant 0 : i32
          %scan3A_311 = arith.constant 0 : i32
          %scan3A_312 = arith.constant 8 : i32
          %scan3A_313 = arith.addi %scan3A_311, %scan3A_312 : i32
          %scan3A_314 = arith.constant 1 : i32
          scf.for %scan3A_316 = %scan3A_311 to %scan3A_313 step %scan3A_314  : i32 {
            %dma_wait3A = arith.constant 0 : i32
            %dma_wait3A_317 = arith.constant 0 : i32
            %dma_wait3A_318 = arith.constant 0 : i32
            %dma_wait3A_319 = tpu.memref_slice %arg11[%dma_wait3A, %dma_wait3A_318] : memref<32x64xf32, #tpu.memory_space<vmem>> -> memref<1x64xf32, #tpu.memory_space<vmem>>
            %dma_wait3A_320 = tpu.memref_squeeze %dma_wait3A_319 : memref<1x64xf32, #tpu.memory_space<vmem>> -> memref<64xf32, #tpu.memory_space<vmem>>
            %dma_wait3A_321 = arith.constant 0 : i32
            %dma_wait3A_322 = tpu.memref_slice %arg6[%dma_wait3A_317, %dma_wait3A_321] : memref<32768x128xf32, #tpu.memory_space<hbm>> -> memref<1x64xf32, #tpu.memory_space<hbm>>
            %dma_wait3A_323 = tpu.memref_squeeze %dma_wait3A_322 : memref<1x64xf32, #tpu.memory_space<hbm>> -> memref<64xf32, #tpu.memory_space<hbm>>
            %dma_wait3A_324 = arith.constant 0 : i32
            %dma_wait3A_325 = tpu.memref_slice %arg6[%dma_wait3A_317, %dma_wait3A_324] : memref<32768x128xf32, #tpu.memory_space<hbm>> -> memref<1x64xf32, #tpu.memory_space<hbm>>
            %dma_wait3A_326 = tpu.memref_squeeze %dma_wait3A_325 : memref<1x64xf32, #tpu.memory_space<hbm>> -> memref<64xf32, #tpu.memory_space<hbm>>
            %dma_wait3A_327 = arith.constant 0 : i32
            %dma_wait3A_328 = tpu.memref_slice %arg11[%dma_wait3A, %dma_wait3A_327] : memref<32x64xf32, #tpu.memory_space<vmem>> -> memref<1x64xf32, #tpu.memory_space<vmem>>
            %dma_wait3A_329 = tpu.memref_squeeze %dma_wait3A_328 : memref<1x64xf32, #tpu.memory_space<vmem>> -> memref<64xf32, #tpu.memory_space<vmem>>
            tpu.wait_dma2 semaphore(%arg17 : memref<!tpu.dma_semaphore, #tpu.memory_space<semaphore_mem>>) src(%dma_wait3A_329 : memref<64xf32, #tpu.memory_space<vmem>>) dst(%dma_wait3A_326 : memref<64xf32, #tpu.memory_space<hbm>>)
          }
          %scan3A_315 = arith.constant 8 : i32
        } else {
        }
        %shift_right_arithmetic3A_264 = arith.constant 3 : i32
        %shift_right_arithmetic3A_265 = arith.shrsi %while3A_49, %shift_right_arithmetic3A_264 : i32
        %jit3A_266 = arith.constant 4 : i32
        %eq3A_267 = arith.constant 0 : i32
        %eq3A_268 = arith.cmpi eq, %jit3A_266, %eq3A_267 : i32
        %jit3A_269 = arith.constant 1 : i32
        %select_n3A_270 = arith.select %eq3A_268, %jit3A_269, %jit3A_266 : i32
        %rem3A_271 = arith.remsi %shift_right_arithmetic3A_265, %select_n3A_270 : i32
        %ne3A_272 = arith.constant 0 : i32
        %ne3A_273 = arith.cmpi ne, %rem3A_271, %ne3A_272 : i32
        %lt3A_274 = arith.constant 0 : i32
        %lt3A_275 = arith.cmpi slt, %rem3A_271, %lt3A_274 : i32
        %lt3A_276 = arith.constant 0 : i32
        %lt3A_277 = arith.cmpi slt, %select_n3A_270, %lt3A_276 : i32
        %ne3A_278 = arith.xori %lt3A_275, %lt3A_277 : i1
        %and3A_279 = arith.andi %ne3A_278, %ne3A_273 : i1
        %add3A_280 = arith.addi %rem3A_271, %select_n3A_270 : i32
        %select_n3A_281 = arith.select %and3A_279, %add3A_280, %rem3A_271 : i32
        %eq3A_282 = arith.constant 2 : i32
        %eq3A_283 = arith.cmpi eq, %select_n3A_281, %eq3A_282 : i32
        %convert_element_type3A_284 = arith.extui %eq3A_283 : i1 to i32
        %cond3A_285 = arith.constant 0 : i32
        %cond3A_286 = arith.cmpi ne, %convert_element_type3A_284, %cond3A_285 : i32
        scf.if %cond3A_286 {
          %scan3A_310 = arith.constant 0 : i32
          %scan3A_311 = arith.constant 0 : i32
          %scan3A_312 = arith.constant 8 : i32
          %scan3A_313 = arith.addi %scan3A_311, %scan3A_312 : i32
          %scan3A_314 = arith.constant 1 : i32
          scf.for %scan3A_316 = %scan3A_311 to %scan3A_313 step %scan3A_314  : i32 {
            %dma_wait3A = arith.constant 0 : i32
            %dma_wait3A_317 = arith.constant 0 : i32
            %dma_wait3A_318 = arith.constant 0 : i32
            %dma_wait3A_319 = tpu.memref_slice %arg11[%dma_wait3A, %dma_wait3A_318] : memref<32x64xf32, #tpu.memory_space<vmem>> -> memref<1x64xf32, #tpu.memory_space<vmem>>
            %dma_wait3A_320 = tpu.memref_squeeze %dma_wait3A_319 : memref<1x64xf32, #tpu.memory_space<vmem>> -> memref<64xf32, #tpu.memory_space<vmem>>
            %dma_wait3A_321 = arith.constant 0 : i32
            %dma_wait3A_322 = tpu.memref_slice %arg6[%dma_wait3A_317, %dma_wait3A_321] : memref<32768x128xf32, #tpu.memory_space<hbm>> -> memref<1x64xf32, #tpu.memory_space<hbm>>
            %dma_wait3A_323 = tpu.memref_squeeze %dma_wait3A_322 : memref<1x64xf32, #tpu.memory_space<hbm>> -> memref<64xf32, #tpu.memory_space<hbm>>
            %dma_wait3A_324 = arith.constant 0 : i32
            %dma_wait3A_325 = tpu.memref_slice %arg6[%dma_wait3A_317, %dma_wait3A_324] : memref<32768x128xf32, #tpu.memory_space<hbm>> -> memref<1x64xf32, #tpu.memory_space<hbm>>
            %dma_wait3A_326 = tpu.memref_squeeze %dma_wait3A_325 : memref<1x64xf32, #tpu.memory_space<hbm>> -> memref<64xf32, #tpu.memory_space<hbm>>
            %dma_wait3A_327 = arith.constant 0 : i32
            %dma_wait3A_328 = tpu.memref_slice %arg11[%dma_wait3A, %dma_wait3A_327] : memref<32x64xf32, #tpu.memory_space<vmem>> -> memref<1x64xf32, #tpu.memory_space<vmem>>
            %dma_wait3A_329 = tpu.memref_squeeze %dma_wait3A_328 : memref<1x64xf32, #tpu.memory_space<vmem>> -> memref<64xf32, #tpu.memory_space<vmem>>
            tpu.wait_dma2 semaphore(%arg18 : memref<!tpu.dma_semaphore, #tpu.memory_space<semaphore_mem>>) src(%dma_wait3A_329 : memref<64xf32, #tpu.memory_space<vmem>>) dst(%dma_wait3A_326 : memref<64xf32, #tpu.memory_space<hbm>>)
          }
          %scan3A_315 = arith.constant 8 : i32
        } else {
        }
        %shift_right_arithmetic3A_287 = arith.constant 3 : i32
        %shift_right_arithmetic3A_288 = arith.shrsi %while3A_49, %shift_right_arithmetic3A_287 : i32
        %jit3A_289 = arith.constant 4 : i32
        %eq3A_290 = arith.constant 0 : i32
        %eq3A_291 = arith.cmpi eq, %jit3A_289, %eq3A_290 : i32
        %jit3A_292 = arith.constant 1 : i32
        %select_n3A_293 = arith.select %eq3A_291, %jit3A_292, %jit3A_289 : i32
        %rem3A_294 = arith.remsi %shift_right_arithmetic3A_288, %select_n3A_293 : i32
        %ne3A_295 = arith.constant 0 : i32
        %ne3A_296 = arith.cmpi ne, %rem3A_294, %ne3A_295 : i32
        %lt3A_297 = arith.constant 0 : i32
        %lt3A_298 = arith.cmpi slt, %rem3A_294, %lt3A_297 : i32
        %lt3A_299 = arith.constant 0 : i32
        %lt3A_300 = arith.cmpi slt, %select_n3A_293, %lt3A_299 : i32
        %ne3A_301 = arith.xori %lt3A_298, %lt3A_300 : i1
        %and3A_302 = arith.andi %ne3A_301, %ne3A_296 : i1
        %add3A_303 = arith.addi %rem3A_294, %select_n3A_293 : i32
        %select_n3A_304 = arith.select %and3A_302, %add3A_303, %rem3A_294 : i32
        %eq3A_305 = arith.constant 3 : i32
        %eq3A_306 = arith.cmpi eq, %select_n3A_304, %eq3A_305 : i32
        %convert_element_type3A_307 = arith.extui %eq3A_306 : i1 to i32
        %cond3A_308 = arith.constant 0 : i32
        %cond3A_309 = arith.cmpi ne, %convert_element_type3A_307, %cond3A_308 : i32
        scf.if %cond3A_309 {
          %scan3A_310 = arith.constant 0 : i32
          %scan3A_311 = arith.constant 0 : i32
          %scan3A_312 = arith.constant 8 : i32
          %scan3A_313 = arith.addi %scan3A_311, %scan3A_312 : i32
          %scan3A_314 = arith.constant 1 : i32
          scf.for %scan3A_316 = %scan3A_311 to %scan3A_313 step %scan3A_314  : i32 {
            %dma_wait3A = arith.constant 0 : i32
            %dma_wait3A_317 = arith.constant 0 : i32
            %dma_wait3A_318 = arith.constant 0 : i32
            %dma_wait3A_319 = tpu.memref_slice %arg11[%dma_wait3A, %dma_wait3A_318] : memref<32x64xf32, #tpu.memory_space<vmem>> -> memref<1x64xf32, #tpu.memory_space<vmem>>
            %dma_wait3A_320 = tpu.memref_squeeze %dma_wait3A_319 : memref<1x64xf32, #tpu.memory_space<vmem>> -> memref<64xf32, #tpu.memory_space<vmem>>
            %dma_wait3A_321 = arith.constant 0 : i32
            %dma_wait3A_322 = tpu.memref_slice %arg6[%dma_wait3A_317, %dma_wait3A_321] : memref<32768x128xf32, #tpu.memory_space<hbm>> -> memref<1x64xf32, #tpu.memory_space<hbm>>
            %dma_wait3A_323 = tpu.memref_squeeze %dma_wait3A_322 : memref<1x64xf32, #tpu.memory_space<hbm>> -> memref<64xf32, #tpu.memory_space<hbm>>
            %dma_wait3A_324 = arith.constant 0 : i32
            %dma_wait3A_325 = tpu.memref_slice %arg6[%dma_wait3A_317, %dma_wait3A_324] : memref<32768x128xf32, #tpu.memory_space<hbm>> -> memref<1x64xf32, #tpu.memory_space<hbm>>
            %dma_wait3A_326 = tpu.memref_squeeze %dma_wait3A_325 : memref<1x64xf32, #tpu.memory_space<hbm>> -> memref<64xf32, #tpu.memory_space<hbm>>
            %dma_wait3A_327 = arith.constant 0 : i32
            %dma_wait3A_328 = tpu.memref_slice %arg11[%dma_wait3A, %dma_wait3A_327] : memref<32x64xf32, #tpu.memory_space<vmem>> -> memref<1x64xf32, #tpu.memory_space<vmem>>
            %dma_wait3A_329 = tpu.memref_squeeze %dma_wait3A_328 : memref<1x64xf32, #tpu.memory_space<vmem>> -> memref<64xf32, #tpu.memory_space<vmem>>
            tpu.wait_dma2 semaphore(%arg19 : memref<!tpu.dma_semaphore, #tpu.memory_space<semaphore_mem>>) src(%dma_wait3A_329 : memref<64xf32, #tpu.memory_space<vmem>>) dst(%dma_wait3A_326 : memref<64xf32, #tpu.memory_space<hbm>>)
          }
          %scan3A_315 = arith.constant 8 : i32
        } else {
        }
      } else {
      }
      %jit3A_73 = arith.constant 32 : i32
      %eq3A_74 = arith.constant 0 : i32
      %eq3A_75 = arith.cmpi eq, %jit3A_73, %eq3A_74 : i32
      %jit3A_76 = arith.constant 1 : i32
      %select_n3A_77 = arith.select %eq3A_75, %jit3A_76, %jit3A_73 : i32
      %rem3A_78 = arith.remsi %while3A_49, %select_n3A_77 : i32
      %ne3A_79 = arith.constant 0 : i32
      %ne3A_80 = arith.cmpi ne, %rem3A_78, %ne3A_79 : i32
      %lt3A_81 = arith.constant 0 : i32
      %lt3A_82 = arith.cmpi slt, %rem3A_78, %lt3A_81 : i32
      %lt3A_83 = arith.constant 0 : i32
      %lt3A_84 = arith.cmpi slt, %select_n3A_77, %lt3A_83 : i32
      %ne3A_85 = arith.xori %lt3A_82, %lt3A_84 : i1
      %and3A_86 = arith.andi %ne3A_85, %ne3A_80 : i1
      %add3A_87 = arith.addi %rem3A_78, %select_n3A_77 : i32
      %select_n3A_88 = arith.select %and3A_86, %add3A_87, %rem3A_78 : i32
      %add3A_89 = arith.constant 0 : i32
      %add3A_90 = vector.broadcast %add3A_89 : i32 to vector<16xi32>
      %add3A_91 = arith.addi %iota3A, %add3A_90 : vector<16xi32>
      %add3A_92 = vector.broadcast %sub3A_55 : i32 to vector<16xi32>
      %add3A_93 = arith.addi %broadcast_in_dim3A_1, %add3A_92 : vector<16xi32>
      %gather3A_94 = tpu.vector_load_idx %arg9[%add3A_91, %add3A_93] : memref<64x128xf32, #tpu.memory_space<vmem>>[vector<16xi32>, vector<16xi32>], vector<16xf32>,
      %swap3A = arith.index_cast %select_n3A_88 : i32 to index
      %swap3A_95 = arith.constant 0 : index
      %swap3A_96 = tpu.vector_load %arg11[%swap3A, %swap3A_95] {strides = array<i32>} : memref<32x64xf32, #tpu.memory_space<vmem>>, vector<16xf32>,
      tpu.vector_store %arg11[%swap3A, %swap3A_95], %gather3A_94 {strides = array<i32>} : memref<32x64xf32, #tpu.memory_space<vmem>>, vector<16xf32>,
      %add3A_97 = arith.constant 16 : i32
      %add3A_98 = vector.broadcast %add3A_97 : i32 to vector<16xi32>
      %add3A_99 = arith.addi %iota3A, %add3A_98 : vector<16xi32>
      %add3A_100 = vector.broadcast %sub3A_55 : i32 to vector<16xi32>
      %add3A_101 = arith.addi %broadcast_in_dim3A_1, %add3A_100 : vector<16xi32>
      %gather3A_102 = tpu.vector_load_idx %arg9[%add3A_99, %add3A_101] : memref<64x128xf32, #tpu.memory_space<vmem>>[vector<16xi32>, vector<16xi32>], vector<16xf32>,
      %swap3A_103 = arith.index_cast %select_n3A_88 : i32 to index
      %swap3A_104 = arith.constant 16 : index
      %swap3A_105 = tpu.vector_load %arg11[%swap3A_103, %swap3A_104] {strides = array<i32>} : memref<32x64xf32, #tpu.memory_space<vmem>>, vector<16xf32>,
      tpu.vector_store %arg11[%swap3A_103, %swap3A_104], %gather3A_102 {strides = array<i32>} : memref<32x64xf32, #tpu.memory_space<vmem>>, vector<16xf32>,
      %add3A_106 = arith.constant 32 : i32
      %add3A_107 = vector.broadcast %add3A_106 : i32 to vector<16xi32>
      %add3A_108 = arith.addi %iota3A, %add3A_107 : vector<16xi32>
      %add3A_109 = vector.broadcast %sub3A_55 : i32 to vector<16xi32>
      %add3A_110 = arith.addi %broadcast_in_dim3A_1, %add3A_109 : vector<16xi32>
      %gather3A_111 = tpu.vector_load_idx %arg9[%add3A_108, %add3A_110] : memref<64x128xf32, #tpu.memory_space<vmem>>[vector<16xi32>, vector<16xi32>], vector<16xf32>,
      %swap3A_112 = arith.index_cast %select_n3A_88 : i32 to index
      %swap3A_113 = arith.constant 32 : index
      %swap3A_114 = tpu.vector_load %arg11[%swap3A_112, %swap3A_113] {strides = array<i32>} : memref<32x64xf32, #tpu.memory_space<vmem>>, vector<16xf32>,
      tpu.vector_store %arg11[%swap3A_112, %swap3A_113], %gather3A_111 {strides = array<i32>} : memref<32x64xf32, #tpu.memory_space<vmem>>, vector<16xf32>,
      %add3A_115 = arith.constant 48 : i32
      %add3A_116 = vector.broadcast %add3A_115 : i32 to vector<16xi32>
      %add3A_117 = arith.addi %iota3A, %add3A_116 : vector<16xi32>
      %add3A_118 = vector.broadcast %sub3A_55 : i32 to vector<16xi32>
      %add3A_119 = arith.addi %broadcast_in_dim3A_1, %add3A_118 : vector<16xi32>
      %gather3A_120 = tpu.vector_load_idx %arg9[%add3A_117, %add3A_119] : memref<64x128xf32, #tpu.memory_space<vmem>>[vector<16xi32>, vector<16xi32>], vector<16xf32>,
      %swap3A_121 = arith.index_cast %select_n3A_88 : i32 to index
      %swap3A_122 = arith.constant 48 : index
      %swap3A_123 = tpu.vector_load %arg11[%swap3A_121, %swap3A_122] {strides = array<i32>} : memref<32x64xf32, #tpu.memory_space<vmem>>, vector<16xf32>,
      tpu.vector_store %arg11[%swap3A_121, %swap3A_122], %gather3A_120 {strides = array<i32>} : memref<32x64xf32, #tpu.memory_space<vmem>>, vector<16xf32>,
      %shift_right_arithmetic3A_124 = arith.constant 3 : i32
      %shift_right_arithmetic3A_125 = arith.shrsi %while3A_49, %shift_right_arithmetic3A_124 : i32
      %jit3A_126 = arith.constant 4 : i32
      %eq3A_127 = arith.constant 0 : i32
      %eq3A_128 = arith.cmpi eq, %jit3A_126, %eq3A_127 : i32
      %jit3A_129 = arith.constant 1 : i32
      %select_n3A_130 = arith.select %eq3A_128, %jit3A_129, %jit3A_126 : i32
      %rem3A_131 = arith.remsi %shift_right_arithmetic3A_125, %select_n3A_130 : i32
      %ne3A_132 = arith.constant 0 : i32
      %ne3A_133 = arith.cmpi ne, %rem3A_131, %ne3A_132 : i32
      %lt3A_134 = arith.constant 0 : i32
      %lt3A_135 = arith.cmpi slt, %rem3A_131, %lt3A_134 : i32
      %lt3A_136 = arith.constant 0 : i32
      %lt3A_137 = arith.cmpi slt, %select_n3A_130, %lt3A_136 : i32
      %ne3A_138 = arith.xori %lt3A_135, %lt3A_137 : i1
      %and3A_139 = arith.andi %ne3A_138, %ne3A_133 : i1
      %add3A_140 = arith.addi %rem3A_131, %select_n3A_130 : i32
      %select_n3A_141 = arith.select %and3A_139, %add3A_140, %rem3A_131 : i32
      %eq3A_142 = arith.constant 0 : i32
      %eq3A_143 = arith.cmpi eq, %select_n3A_141, %eq3A_142 : i32
      %convert_element_type3A_144 = arith.extui %eq3A_143 : i1 to i32
      %cond3A_145 = arith.constant 0 : i32
      %cond3A_146 = arith.cmpi ne, %convert_element_type3A_144, %cond3A_145 : i32
      scf.if %cond3A_146 {
        %add3A_218 = vector.broadcast %while3A_49 : i32 to vector<16xi32>
        %add3A_219 = arith.addi %broadcast_in_dim3A_1, %add3A_218 : vector<16xi32>
        %gather3A_220 = tpu.vector_load_idx %arg8[%add3A_219] : memref<1024xi32, #tpu.memory_space<vmem>>[vector<16xi32>], vector<16xi32>,
        %slice3A_221 = vector.extract_strided_slice %gather3A_220 {offsets = [0], sizes = [1], strides = [1]} : vector<16xi32> to vector<1xi32>
        %squeeze3A_222 = vector.extract %slice3A_221[0] : i32 from vector<1xi32>
        %dma_start3A = arith.constant 0 : i32
        %dma_start3A_223 = tpu.memref_slice %arg11[%select_n3A_88, %dma_start3A] : memref<32x64xf32, #tpu.memory_space<vmem>> -> memref<1x64xf32, #tpu.memory_space<vmem>>
        %dma_start3A_224 = tpu.memref_squeeze %dma_start3A_223 : memref<1x64xf32, #tpu.memory_space<vmem>> -> memref<64xf32, #tpu.memory_space<vmem>>
        %dma_start3A_225 = arith.constant 0 : i32
        %dma_start3A_226 = tpu.memref_slice %arg6[%squeeze3A_222, %dma_start3A_225] : memref<32768x128xf32, #tpu.memory_space<hbm>> -> memref<1x64xf32, #tpu.memory_space<hbm>>
        %dma_start3A_227 = tpu.memref_squeeze %dma_start3A_226 : memref<1x64xf32, #tpu.memory_space<hbm>> -> memref<64xf32, #tpu.memory_space<hbm>>
        %dma_start3A_228 = arith.constant 0 : i32
        %dma_start3A_229 = tpu.memref_slice %arg6[%squeeze3A_222, %dma_start3A_228] : memref<32768x128xf32, #tpu.memory_space<hbm>> -> memref<1x64xf32, #tpu.memory_space<hbm>>
        %dma_start3A_230 = tpu.memref_squeeze %dma_start3A_229 : memref<1x64xf32, #tpu.memory_space<hbm>> -> memref<64xf32, #tpu.memory_space<hbm>>
        %dma_start3A_231 = arith.constant 0 : i32
        %dma_start3A_232 = tpu.memref_slice %arg11[%select_n3A_88, %dma_start3A_231] : memref<32x64xf32, #tpu.memory_space<vmem>> -> memref<1x64xf32, #tpu.memory_space<vmem>>
        %dma_start3A_233 = tpu.memref_squeeze %dma_start3A_232 : memref<1x64xf32, #tpu.memory_space<vmem>> -> memref<64xf32, #tpu.memory_space<vmem>>
        tpu.enqueue_dma source(%dma_start3A_233 : memref<64xf32, #tpu.memory_space<vmem>>) target(%dma_start3A_230 : memref<64xf32, #tpu.memory_space<hbm>>) target_semaphore(%arg16 : memref<!tpu.dma_semaphore, #tpu.memory_space<semaphore_mem>>)
      } else {
      }
      %shift_right_arithmetic3A_147 = arith.constant 3 : i32
      %shift_right_arithmetic3A_148 = arith.shrsi %while3A_49, %shift_right_arithmetic3A_147 : i32
      %jit3A_149 = arith.constant 4 : i32
      %eq3A_150 = arith.constant 0 : i32
      %eq3A_151 = arith.cmpi eq, %jit3A_149, %eq3A_150 : i32
      %jit3A_152 = arith.constant 1 : i32
      %select_n3A_153 = arith.select %eq3A_151, %jit3A_152, %jit3A_149 : i32
      %rem3A_154 = arith.remsi %shift_right_arithmetic3A_148, %select_n3A_153 : i32
      %ne3A_155 = arith.constant 0 : i32
      %ne3A_156 = arith.cmpi ne, %rem3A_154, %ne3A_155 : i32
      %lt3A_157 = arith.constant 0 : i32
      %lt3A_158 = arith.cmpi slt, %rem3A_154, %lt3A_157 : i32
      %lt3A_159 = arith.constant 0 : i32
      %lt3A_160 = arith.cmpi slt, %select_n3A_153, %lt3A_159 : i32
      %ne3A_161 = arith.xori %lt3A_158, %lt3A_160 : i1
      %and3A_162 = arith.andi %ne3A_161, %ne3A_156 : i1
      %add3A_163 = arith.addi %rem3A_154, %select_n3A_153 : i32
      %select_n3A_164 = arith.select %and3A_162, %add3A_163, %rem3A_154 : i32
      %eq3A_165 = arith.constant 1 : i32
      %eq3A_166 = arith.cmpi eq, %select_n3A_164, %eq3A_165 : i32
      %convert_element_type3A_167 = arith.extui %eq3A_166 : i1 to i32
      %cond3A_168 = arith.constant 0 : i32
      %cond3A_169 = arith.cmpi ne, %convert_element_type3A_167, %cond3A_168 : i32
      scf.if %cond3A_169 {
        %add3A_218 = vector.broadcast %while3A_49 : i32 to vector<16xi32>
        %add3A_219 = arith.addi %broadcast_in_dim3A_1, %add3A_218 : vector<16xi32>
        %gather3A_220 = tpu.vector_load_idx %arg8[%add3A_219] : memref<1024xi32, #tpu.memory_space<vmem>>[vector<16xi32>], vector<16xi32>,
        %slice3A_221 = vector.extract_strided_slice %gather3A_220 {offsets = [0], sizes = [1], strides = [1]} : vector<16xi32> to vector<1xi32>
        %squeeze3A_222 = vector.extract %slice3A_221[0] : i32 from vector<1xi32>
        %dma_start3A = arith.constant 0 : i32
        %dma_start3A_223 = tpu.memref_slice %arg11[%select_n3A_88, %dma_start3A] : memref<32x64xf32, #tpu.memory_space<vmem>> -> memref<1x64xf32, #tpu.memory_space<vmem>>
        %dma_start3A_224 = tpu.memref_squeeze %dma_start3A_223 : memref<1x64xf32, #tpu.memory_space<vmem>> -> memref<64xf32, #tpu.memory_space<vmem>>
        %dma_start3A_225 = arith.constant 0 : i32
        %dma_start3A_226 = tpu.memref_slice %arg6[%squeeze3A_222, %dma_start3A_225] : memref<32768x128xf32, #tpu.memory_space<hbm>> -> memref<1x64xf32, #tpu.memory_space<hbm>>
        %dma_start3A_227 = tpu.memref_squeeze %dma_start3A_226 : memref<1x64xf32, #tpu.memory_space<hbm>> -> memref<64xf32, #tpu.memory_space<hbm>>
        %dma_start3A_228 = arith.constant 0 : i32
        %dma_start3A_229 = tpu.memref_slice %arg6[%squeeze3A_222, %dma_start3A_228] : memref<32768x128xf32, #tpu.memory_space<hbm>> -> memref<1x64xf32, #tpu.memory_space<hbm>>
        %dma_start3A_230 = tpu.memref_squeeze %dma_start3A_229 : memref<1x64xf32, #tpu.memory_space<hbm>> -> memref<64xf32, #tpu.memory_space<hbm>>
        %dma_start3A_231 = arith.constant 0 : i32
        %dma_start3A_232 = tpu.memref_slice %arg11[%select_n3A_88, %dma_start3A_231] : memref<32x64xf32, #tpu.memory_space<vmem>> -> memref<1x64xf32, #tpu.memory_space<vmem>>
        %dma_start3A_233 = tpu.memref_squeeze %dma_start3A_232 : memref<1x64xf32, #tpu.memory_space<vmem>> -> memref<64xf32, #tpu.memory_space<vmem>>
        tpu.enqueue_dma source(%dma_start3A_233 : memref<64xf32, #tpu.memory_space<vmem>>) target(%dma_start3A_230 : memref<64xf32, #tpu.memory_space<hbm>>) target_semaphore(%arg17 : memref<!tpu.dma_semaphore, #tpu.memory_space<semaphore_mem>>)
      } else {
      }
      %shift_right_arithmetic3A_170 = arith.constant 3 : i32
      %shift_right_arithmetic3A_171 = arith.shrsi %while3A_49, %shift_right_arithmetic3A_170 : i32
      %jit3A_172 = arith.constant 4 : i32
      %eq3A_173 = arith.constant 0 : i32
      %eq3A_174 = arith.cmpi eq, %jit3A_172, %eq3A_173 : i32
      %jit3A_175 = arith.constant 1 : i32
      %select_n3A_176 = arith.select %eq3A_174, %jit3A_175, %jit3A_172 : i32
      %rem3A_177 = arith.remsi %shift_right_arithmetic3A_171, %select_n3A_176 : i32
      %ne3A_178 = arith.constant 0 : i32
      %ne3A_179 = arith.cmpi ne, %rem3A_177, %ne3A_178 : i32
      %lt3A_180 = arith.constant 0 : i32
      %lt3A_181 = arith.cmpi slt, %rem3A_177, %lt3A_180 : i32
      %lt3A_182 = arith.constant 0 : i32
      %lt3A_183 = arith.cmpi slt, %select_n3A_176, %lt3A_182 : i32
      %ne3A_184 = arith.xori %lt3A_181, %lt3A_183 : i1
      %and3A_185 = arith.andi %ne3A_184, %ne3A_179 : i1
      %add3A_186 = arith.addi %rem3A_177, %select_n3A_176 : i32
      %select_n3A_187 = arith.select %and3A_185, %add3A_186, %rem3A_177 : i32
      %eq3A_188 = arith.constant 2 : i32
      %eq3A_189 = arith.cmpi eq, %select_n3A_187, %eq3A_188 : i32
      %convert_element_type3A_190 = arith.extui %eq3A_189 : i1 to i32
      %cond3A_191 = arith.constant 0 : i32
      %cond3A_192 = arith.cmpi ne, %convert_element_type3A_190, %cond3A_191 : i32
      scf.if %cond3A_192 {
        %add3A_218 = vector.broadcast %while3A_49 : i32 to vector<16xi32>
        %add3A_219 = arith.addi %broadcast_in_dim3A_1, %add3A_218 : vector<16xi32>
        %gather3A_220 = tpu.vector_load_idx %arg8[%add3A_219] : memref<1024xi32, #tpu.memory_space<vmem>>[vector<16xi32>], vector<16xi32>,
        %slice3A_221 = vector.extract_strided_slice %gather3A_220 {offsets = [0], sizes = [1], strides = [1]} : vector<16xi32> to vector<1xi32>
        %squeeze3A_222 = vector.extract %slice3A_221[0] : i32 from vector<1xi32>
        %dma_start3A = arith.constant 0 : i32
        %dma_start3A_223 = tpu.memref_slice %arg11[%select_n3A_88, %dma_start3A] : memref<32x64xf32, #tpu.memory_space<vmem>> -> memref<1x64xf32, #tpu.memory_space<vmem>>
        %dma_start3A_224 = tpu.memref_squeeze %dma_start3A_223 : memref<1x64xf32, #tpu.memory_space<vmem>> -> memref<64xf32, #tpu.memory_space<vmem>>
        %dma_start3A_225 = arith.constant 0 : i32
        %dma_start3A_226 = tpu.memref_slice %arg6[%squeeze3A_222, %dma_start3A_225] : memref<32768x128xf32, #tpu.memory_space<hbm>> -> memref<1x64xf32, #tpu.memory_space<hbm>>
        %dma_start3A_227 = tpu.memref_squeeze %dma_start3A_226 : memref<1x64xf32, #tpu.memory_space<hbm>> -> memref<64xf32, #tpu.memory_space<hbm>>
        %dma_start3A_228 = arith.constant 0 : i32
        %dma_start3A_229 = tpu.memref_slice %arg6[%squeeze3A_222, %dma_start3A_228] : memref<32768x128xf32, #tpu.memory_space<hbm>> -> memref<1x64xf32, #tpu.memory_space<hbm>>
        %dma_start3A_230 = tpu.memref_squeeze %dma_start3A_229 : memref<1x64xf32, #tpu.memory_space<hbm>> -> memref<64xf32, #tpu.memory_space<hbm>>
        %dma_start3A_231 = arith.constant 0 : i32
        %dma_start3A_232 = tpu.memref_slice %arg11[%select_n3A_88, %dma_start3A_231] : memref<32x64xf32, #tpu.memory_space<vmem>> -> memref<1x64xf32, #tpu.memory_space<vmem>>
        %dma_start3A_233 = tpu.memref_squeeze %dma_start3A_232 : memref<1x64xf32, #tpu.memory_space<vmem>> -> memref<64xf32, #tpu.memory_space<vmem>>
        tpu.enqueue_dma source(%dma_start3A_233 : memref<64xf32, #tpu.memory_space<vmem>>) target(%dma_start3A_230 : memref<64xf32, #tpu.memory_space<hbm>>) target_semaphore(%arg18 : memref<!tpu.dma_semaphore, #tpu.memory_space<semaphore_mem>>)
      } else {
      }
      %shift_right_arithmetic3A_193 = arith.constant 3 : i32
      %shift_right_arithmetic3A_194 = arith.shrsi %while3A_49, %shift_right_arithmetic3A_193 : i32
      %jit3A_195 = arith.constant 4 : i32
      %eq3A_196 = arith.constant 0 : i32
      %eq3A_197 = arith.cmpi eq, %jit3A_195, %eq3A_196 : i32
      %jit3A_198 = arith.constant 1 : i32
      %select_n3A_199 = arith.select %eq3A_197, %jit3A_198, %jit3A_195 : i32
      %rem3A_200 = arith.remsi %shift_right_arithmetic3A_194, %select_n3A_199 : i32
      %ne3A_201 = arith.constant 0 : i32
      %ne3A_202 = arith.cmpi ne, %rem3A_200, %ne3A_201 : i32
      %lt3A_203 = arith.constant 0 : i32
      %lt3A_204 = arith.cmpi slt, %rem3A_200, %lt3A_203 : i32
      %lt3A_205 = arith.constant 0 : i32
      %lt3A_206 = arith.cmpi slt, %select_n3A_199, %lt3A_205 : i32
      %ne3A_207 = arith.xori %lt3A_204, %lt3A_206 : i1
      %and3A_208 = arith.andi %ne3A_207, %ne3A_202 : i1
      %add3A_209 = arith.addi %rem3A_200, %select_n3A_199 : i32
      %select_n3A_210 = arith.select %and3A_208, %add3A_209, %rem3A_200 : i32
      %eq3A_211 = arith.constant 3 : i32
      %eq3A_212 = arith.cmpi eq, %select_n3A_210, %eq3A_211 : i32
      %convert_element_type3A_213 = arith.extui %eq3A_212 : i1 to i32
      %cond3A_214 = arith.constant 0 : i32
      %cond3A_215 = arith.cmpi ne, %convert_element_type3A_213, %cond3A_214 : i32
      scf.if %cond3A_215 {
        %add3A_218 = vector.broadcast %while3A_49 : i32 to vector<16xi32>
        %add3A_219 = arith.addi %broadcast_in_dim3A_1, %add3A_218 : vector<16xi32>
        %gather3A_220 = tpu.vector_load_idx %arg8[%add3A_219] : memref<1024xi32, #tpu.memory_space<vmem>>[vector<16xi32>], vector<16xi32>,
        %slice3A_221 = vector.extract_strided_slice %gather3A_220 {offsets = [0], sizes = [1], strides = [1]} : vector<16xi32> to vector<1xi32>
        %squeeze3A_222 = vector.extract %slice3A_221[0] : i32 from vector<1xi32>
        %dma_start3A = arith.constant 0 : i32
        %dma_start3A_223 = tpu.memref_slice %arg11[%select_n3A_88, %dma_start3A] : memref<32x64xf32, #tpu.memory_space<vmem>> -> memref<1x64xf32, #tpu.memory_space<vmem>>
        %dma_start3A_224 = tpu.memref_squeeze %dma_start3A_223 : memref<1x64xf32, #tpu.memory_space<vmem>> -> memref<64xf32, #tpu.memory_space<vmem>>
        %dma_start3A_225 = arith.constant 0 : i32
        %dma_start3A_226 = tpu.memref_slice %arg6[%squeeze3A_222, %dma_start3A_225] : memref<32768x128xf32, #tpu.memory_space<hbm>> -> memref<1x64xf32, #tpu.memory_space<hbm>>
        %dma_start3A_227 = tpu.memref_squeeze %dma_start3A_226 : memref<1x64xf32, #tpu.memory_space<hbm>> -> memref<64xf32, #tpu.memory_space<hbm>>
        %dma_start3A_228 = arith.constant 0 : i32
        %dma_start3A_229 = tpu.memref_slice %arg6[%squeeze3A_222, %dma_start3A_228] : memref<32768x128xf32, #tpu.memory_space<hbm>> -> memref<1x64xf32, #tpu.memory_space<hbm>>
        %dma_start3A_230 = tpu.memref_squeeze %dma_start3A_229 : memref<1x64xf32, #tpu.memory_space<hbm>> -> memref<64xf32, #tpu.memory_space<hbm>>
        %dma_start3A_231 = arith.constant 0 : i32
        %dma_start3A_232 = tpu.memref_slice %arg11[%select_n3A_88, %dma_start3A_231] : memref<32x64xf32, #tpu.memory_space<vmem>> -> memref<1x64xf32, #tpu.memory_space<vmem>>
        %dma_start3A_233 = tpu.memref_squeeze %dma_start3A_232 : memref<1x64xf32, #tpu.memory_space<vmem>> -> memref<64xf32, #tpu.memory_space<vmem>>
        tpu.enqueue_dma source(%dma_start3A_233 : memref<64xf32, #tpu.memory_space<vmem>>) target(%dma_start3A_230 : memref<64xf32, #tpu.memory_space<hbm>>) target_semaphore(%arg19 : memref<!tpu.dma_semaphore, #tpu.memory_space<semaphore_mem>>)
      } else {
      }
      %add3A_216 = arith.constant 1 : i32
      %add3A_217 = arith.addi %while3A_49, %add3A_216 : i32
      scf.yield %add3A_217 : i32
    }
    %scan3A_25 = arith.constant 0 : i32
    %scan3A_26 = arith.constant 0 : i32
    %scan3A_27 = arith.constant 8 : i32
    %scan3A_28 = arith.addi %scan3A_26, %scan3A_27 : i32
    %scan3A_29 = arith.constant 1 : i32
    scf.for %scan3A_49 = %scan3A_26 to %scan3A_28 step %scan3A_29  : i32 {
      %dma_wait3A = arith.constant 0 : i32
      %dma_wait3A_50 = arith.constant 0 : i32
      %dma_wait3A_51 = arith.constant 0 : i32
      %dma_wait3A_52 = tpu.memref_slice %arg11[%dma_wait3A, %dma_wait3A_51] : memref<32x64xf32, #tpu.memory_space<vmem>> -> memref<1x64xf32, #tpu.memory_space<vmem>>
      %dma_wait3A_53 = tpu.memref_squeeze %dma_wait3A_52 : memref<1x64xf32, #tpu.memory_space<vmem>> -> memref<64xf32, #tpu.memory_space<vmem>>
      %dma_wait3A_54 = arith.constant 0 : i32
      %dma_wait3A_55 = tpu.memref_slice %arg6[%dma_wait3A_50, %dma_wait3A_54] : memref<32768x128xf32, #tpu.memory_space<hbm>> -> memref<1x64xf32, #tpu.memory_space<hbm>>
      %dma_wait3A_56 = tpu.memref_squeeze %dma_wait3A_55 : memref<1x64xf32, #tpu.memory_space<hbm>> -> memref<64xf32, #tpu.memory_space<hbm>>
      %dma_wait3A_57 = arith.constant 0 : i32
      %dma_wait3A_58 = tpu.memref_slice %arg6[%dma_wait3A_50, %dma_wait3A_57] : memref<32768x128xf32, #tpu.memory_space<hbm>> -> memref<1x64xf32, #tpu.memory_space<hbm>>
      %dma_wait3A_59 = tpu.memref_squeeze %dma_wait3A_58 : memref<1x64xf32, #tpu.memory_space<hbm>> -> memref<64xf32, #tpu.memory_space<hbm>>
      %dma_wait3A_60 = arith.constant 0 : i32
      %dma_wait3A_61 = tpu.memref_slice %arg11[%dma_wait3A, %dma_wait3A_60] : memref<32x64xf32, #tpu.memory_space<vmem>> -> memref<1x64xf32, #tpu.memory_space<vmem>>
      %dma_wait3A_62 = tpu.memref_squeeze %dma_wait3A_61 : memref<1x64xf32, #tpu.memory_space<vmem>> -> memref<64xf32, #tpu.memory_space<vmem>>
      tpu.wait_dma2 semaphore(%arg16 : memref<!tpu.dma_semaphore, #tpu.memory_space<semaphore_mem>>) src(%dma_wait3A_62 : memref<64xf32, #tpu.memory_space<vmem>>) dst(%dma_wait3A_59 : memref<64xf32, #tpu.memory_space<hbm>>)
    }
    %scan3A_30 = arith.constant 8 : i32
    %scan3A_31 = arith.constant 0 : i32
    %scan3A_32 = arith.constant 0 : i32
    %scan3A_33 = arith.constant 8 : i32
    %scan3A_34 = arith.addi %scan3A_32, %scan3A_33 : i32
    %scan3A_35 = arith.constant 1 : i32
    scf.for %scan3A_49 = %scan3A_32 to %scan3A_34 step %scan3A_35  : i32 {
      %dma_wait3A = arith.constant 0 : i32
      %dma_wait3A_50 = arith.constant 0 : i32
      %dma_wait3A_51 = arith.constant 0 : i32
      %dma_wait3A_52 = tpu.memref_slice %arg11[%dma_wait3A, %dma_wait3A_51] : memref<32x64xf32, #tpu.memory_space<vmem>> -> memref<1x64xf32, #tpu.memory_space<vmem>>
      %dma_wait3A_53 = tpu.memref_squeeze %dma_wait3A_52 : memref<1x64xf32, #tpu.memory_space<vmem>> -> memref<64xf32, #tpu.memory_space<vmem>>
      %dma_wait3A_54 = arith.constant 0 : i32
      %dma_wait3A_55 = tpu.memref_slice %arg6[%dma_wait3A_50, %dma_wait3A_54] : memref<32768x128xf32, #tpu.memory_space<hbm>> -> memref<1x64xf32, #tpu.memory_space<hbm>>
      %dma_wait3A_56 = tpu.memref_squeeze %dma_wait3A_55 : memref<1x64xf32, #tpu.memory_space<hbm>> -> memref<64xf32, #tpu.memory_space<hbm>>
      %dma_wait3A_57 = arith.constant 0 : i32
      %dma_wait3A_58 = tpu.memref_slice %arg6[%dma_wait3A_50, %dma_wait3A_57] : memref<32768x128xf32, #tpu.memory_space<hbm>> -> memref<1x64xf32, #tpu.memory_space<hbm>>
      %dma_wait3A_59 = tpu.memref_squeeze %dma_wait3A_58 : memref<1x64xf32, #tpu.memory_space<hbm>> -> memref<64xf32, #tpu.memory_space<hbm>>
      %dma_wait3A_60 = arith.constant 0 : i32
      %dma_wait3A_61 = tpu.memref_slice %arg11[%dma_wait3A, %dma_wait3A_60] : memref<32x64xf32, #tpu.memory_space<vmem>> -> memref<1x64xf32, #tpu.memory_space<vmem>>
      %dma_wait3A_62 = tpu.memref_squeeze %dma_wait3A_61 : memref<1x64xf32, #tpu.memory_space<vmem>> -> memref<64xf32, #tpu.memory_space<vmem>>
      tpu.wait_dma2 semaphore(%arg17 : memref<!tpu.dma_semaphore, #tpu.memory_space<semaphore_mem>>) src(%dma_wait3A_62 : memref<64xf32, #tpu.memory_space<vmem>>) dst(%dma_wait3A_59 : memref<64xf32, #tpu.memory_space<hbm>>)
    }
    %scan3A_36 = arith.constant 8 : i32
    %scan3A_37 = arith.constant 0 : i32
    %scan3A_38 = arith.constant 0 : i32
    %scan3A_39 = arith.constant 8 : i32
    %scan3A_40 = arith.addi %scan3A_38, %scan3A_39 : i32
    %scan3A_41 = arith.constant 1 : i32
    scf.for %scan3A_49 = %scan3A_38 to %scan3A_40 step %scan3A_41  : i32 {
      %dma_wait3A = arith.constant 0 : i32
      %dma_wait3A_50 = arith.constant 0 : i32
      %dma_wait3A_51 = arith.constant 0 : i32
      %dma_wait3A_52 = tpu.memref_slice %arg11[%dma_wait3A, %dma_wait3A_51] : memref<32x64xf32, #tpu.memory_space<vmem>> -> memref<1x64xf32, #tpu.memory_space<vmem>>
      %dma_wait3A_53 = tpu.memref_squeeze %dma_wait3A_52 : memref<1x64xf32, #tpu.memory_space<vmem>> -> memref<64xf32, #tpu.memory_space<vmem>>
      %dma_wait3A_54 = arith.constant 0 : i32
      %dma_wait3A_55 = tpu.memref_slice %arg6[%dma_wait3A_50, %dma_wait3A_54] : memref<32768x128xf32, #tpu.memory_space<hbm>> -> memref<1x64xf32, #tpu.memory_space<hbm>>
      %dma_wait3A_56 = tpu.memref_squeeze %dma_wait3A_55 : memref<1x64xf32, #tpu.memory_space<hbm>> -> memref<64xf32, #tpu.memory_space<hbm>>
      %dma_wait3A_57 = arith.constant 0 : i32
      %dma_wait3A_58 = tpu.memref_slice %arg6[%dma_wait3A_50, %dma_wait3A_57] : memref<32768x128xf32, #tpu.memory_space<hbm>> -> memref<1x64xf32, #tpu.memory_space<hbm>>
      %dma_wait3A_59 = tpu.memref_squeeze %dma_wait3A_58 : memref<1x64xf32, #tpu.memory_space<hbm>> -> memref<64xf32, #tpu.memory_space<hbm>>
      %dma_wait3A_60 = arith.constant 0 : i32
      %dma_wait3A_61 = tpu.memref_slice %arg11[%dma_wait3A, %dma_wait3A_60] : memref<32x64xf32, #tpu.memory_space<vmem>> -> memref<1x64xf32, #tpu.memory_space<vmem>>
      %dma_wait3A_62 = tpu.memref_squeeze %dma_wait3A_61 : memref<1x64xf32, #tpu.memory_space<vmem>> -> memref<64xf32, #tpu.memory_space<vmem>>
      tpu.wait_dma2 semaphore(%arg18 : memref<!tpu.dma_semaphore, #tpu.memory_space<semaphore_mem>>) src(%dma_wait3A_62 : memref<64xf32, #tpu.memory_space<vmem>>) dst(%dma_wait3A_59 : memref<64xf32, #tpu.memory_space<hbm>>)
    }
    %scan3A_42 = arith.constant 8 : i32
    %scan3A_43 = arith.constant 0 : i32
    %scan3A_44 = arith.constant 0 : i32
    %scan3A_45 = arith.constant 8 : i32
    %scan3A_46 = arith.addi %scan3A_44, %scan3A_45 : i32
    %scan3A_47 = arith.constant 1 : i32
    scf.for %scan3A_49 = %scan3A_44 to %scan3A_46 step %scan3A_47  : i32 {
      %dma_wait3A = arith.constant 0 : i32
      %dma_wait3A_50 = arith.constant 0 : i32
      %dma_wait3A_51 = arith.constant 0 : i32
      %dma_wait3A_52 = tpu.memref_slice %arg11[%dma_wait3A, %dma_wait3A_51] : memref<32x64xf32, #tpu.memory_space<vmem>> -> memref<1x64xf32, #tpu.memory_space<vmem>>
      %dma_wait3A_53 = tpu.memref_squeeze %dma_wait3A_52 : memref<1x64xf32, #tpu.memory_space<vmem>> -> memref<64xf32, #tpu.memory_space<vmem>>
      %dma_wait3A_54 = arith.constant 0 : i32
      %dma_wait3A_55 = tpu.memref_slice %arg6[%dma_wait3A_50, %dma_wait3A_54] : memref<32768x128xf32, #tpu.memory_space<hbm>> -> memref<1x64xf32, #tpu.memory_space<hbm>>
      %dma_wait3A_56 = tpu.memref_squeeze %dma_wait3A_55 : memref<1x64xf32, #tpu.memory_space<hbm>> -> memref<64xf32, #tpu.memory_space<hbm>>
      %dma_wait3A_57 = arith.constant 0 : i32
      %dma_wait3A_58 = tpu.memref_slice %arg6[%dma_wait3A_50, %dma_wait3A_57] : memref<32768x128xf32, #tpu.memory_space<hbm>> -> memref<1x64xf32, #tpu.memory_space<hbm>>
      %dma_wait3A_59 = tpu.memref_squeeze %dma_wait3A_58 : memref<1x64xf32, #tpu.memory_space<hbm>> -> memref<64xf32, #tpu.memory_space<hbm>>
      %dma_wait3A_60 = arith.constant 0 : i32
      %dma_wait3A_61 = tpu.memref_slice %arg11[%dma_wait3A, %dma_wait3A_60] : memref<32x64xf32, #tpu.memory_space<vmem>> -> memref<1x64xf32, #tpu.memory_space<vmem>>
      %dma_wait3A_62 = tpu.memref_squeeze %dma_wait3A_61 : memref<1x64xf32, #tpu.memory_space<vmem>> -> memref<64xf32, #tpu.memory_space<vmem>>
      tpu.wait_dma2 semaphore(%arg19 : memref<!tpu.dma_semaphore, #tpu.memory_space<semaphore_mem>>) src(%dma_wait3A_62 : memref<64xf32, #tpu.memory_space<vmem>>) dst(%dma_wait3A_59 : memref<64xf32, #tpu.memory_space<hbm>>)
    }
    %scan3A_48 = arith.constant 8 : i32
    return
  }
}

</mosaic_0001>

<sc_bundles>
// kernel: kernel.4.cloned.1.call-start
scs
__scs_entry_jumppad:
0x0: {  	(pc) =	sbr.rel $0x88, $3  }
0x1: {  	(tag) =	ssettag $0x0;
	lr =	simm.s32 $0x1  }
0x2: {  	[smem:$0x3F9F] =	sst lr;
	_ =	strace $0xD0000000  }
0x3: {  	_ = 	snop  }
0x4: {  	_ = 	snop  }
0x5: {  	_ = 	snop  }
0x6: {  	_ = 	snop  }
0x7: {  	_ = 	snop  }
__scs_overlays_trampoline_lowered:
0x8: {  	[smem:$0x3FAE] =	sst s0  }
0x9: {  	[smem:$0x3FAF] =	sst s1  }
0xa: {  	[smem:$0x3FB0] =	sst s2  }
0xb: {  	[smem:$0x3FB1] =	sst s3  }
0xc: {  	[smem:$0x3FB2] =	sst s4  }
0xd: {  	[smem:$0x3FB3] =	sst s5  }
0xe: {  	[smem:$0x3FB4] =	sst s6  }
0xf: {  	[smem:$0x3FB5] =	sst s7  }
0x10: {  	[smem:$0x3FB6] =	sst s8  }
0x11: {  	[smem:$0x3FB7] =	sst s9;
	s0 =	simm.s32 @!p0 $0x0  }
0x12: {  	s1 =	sld [smem:$0x3F9D];
	s0 =	simm.s32 @p0 $0x1  }
0x13: {  	[smem:$0x3FB8] =	sst s0;
	s0 =	simm.s32 @!p1 $0x0  }
0x14: {  	s2 =	sld [smem:$0x3F9C];
	s0 =	simm.s32 @p1 $0x1  }
0x15: {  	[smem:$0x3FB9] =	sst s0;
	s0 =	simm.s32 @!p2 $0x0  }
0x16: {  	s3 =	sld [smem:$0x3FDB];
	s0 =	simm.s32 @p2 $0x1  }
0x17: {  	s4 =	simm.s32 $0x1BF5;
	[smem:$0x3FBB] =	sst s0  }
0x18: {  	s0 =	sld [smem:$0x3F9E];
	_ =	swait.ge [sflag:s4], $0x0  }
0x19: {  	s7 =	sld [smem:$0x3F9F]  }
0x1a: {  	s8 =	sadd.s32 $0xFFFFE003, lr  }
0x1b: {  	s9 =	sadd.s32 $0xFFFFFEF7, lr;
	s5 =	simm.s32 $0xFFFFFFFF;
	p2 =	slt.u32 s8, $0xFFFFF086  }
0x1c: {  	p1 =	slt.u32 s9, $0xF7A;
	s5 =	simm.s32 @!p2 $0x0  }
0x1d: {  	s5 =	simm.s32 @p1 $0x1;
	p0 =	seq.s32 s7, s2  }
0x1e: {  	s7 =	smul.u32 @!p0 $0xF7A, s2;
	p2 =	seq.s32 @!p0 s5, $0x0  }
0x1f: {  	s9 =	smul.u32 $0xF7A, s1;
	s8 =	simm.s32 @!p0 $0x1BF5;
	p2 =	por !p2, p0  }
0x20: {  	[sflag:s8] =	ssyncset.s32 @!p0 $0xFFFFF086;
	s6 =	sadd.s32 @!p0 s3, s7;
	s7 =	simm.s32 @!p0 $0x108  }
0x21: {  	s3 =	sadd.s32 s3, s9;
	s6 =	sadd.s32 @!p0 $0x88, s6;
	s7 =	simm.s32 @p2 $0x1082  }
0x22: {  	[simem:s7], [sflag:s8] =	dma.local @!p0 [hbm:s6], $0xF7A  }
0x23: {  	s9 =	sor.u32 $0xD0000000, s2;
	s6 =	simm.s32 $0x108;
	_ =	swait.ge @!p0 [sflag:s8], $0x0  }
0x24: {  	s3 =	sadd.s32 $0x88, s3;
	s6 =	simm.s32 @!p1 $0x1082;
	[sflag:s4] =	ssyncset.s32 $0xFFFFF086  }
0x25: {  	[simem:s6], [sflag:s4] =	dma.local [hbm:s3], $0xF7A  }
0x26: {  	[smem:$0x3F9F] =	sst s1;
	(tag) =	ssettag s2;
	_ =	strace s9  }
0x27: {  	s1 =	sld [smem:$0x3FAF]  }
0x28: {  	s2 =	sld [smem:$0x3FB0]  }
0x29: {  	s4 =	sld [smem:$0x3FB2]  }
0x2a: {  	p0 =	seq.s32 s5, $0x0;
	s5 =	sld [smem:$0x3FB3]  }
0x2b: {  	s6 =	sld [smem:$0x3FB4]  }
0x2c: {  	s7 =	sld [smem:$0x3FB5]  }
0x2d: {  	s3 =	simm.s32 $0x108;
	s8 =	sld [smem:$0x3FB6]  }
0x2e: {  	s3 =	simm.s32 @!p0 $0x1082;
	s9 =	sld [smem:$0x3FB7]  }
0x2f: {  	lr =	sadd.s32 s0, s3;
	s0 =	sld [smem:$0x3FAE]  }
0x30: {  	s3 =	sld [smem:$0x3FB1]  }
0x31: {  	[smem:$0x3FBA] =	sst s10  }
0x32: {  	s10 =	sld [smem:$0x3FB8];
	_ =	sdelay $0x3  }
0x33: {  	p0 =	seq.s32 s10, $0x1;
	s10 =	sld [smem:$0x3FBA];
	_ =	sdelay $0x3  }
0x34: {  	[smem:$0x3FBA] =	sst s10  }
0x35: {  	s10 =	sld [smem:$0x3FB9];
	_ =	sdelay $0x3  }
0x36: {  	p1 =	seq.s32 s10, $0x1;
	s10 =	sld [smem:$0x3FBA];
	_ =	sdelay $0x3  }
0x37: {  	[smem:$0x3FBA] =	sst s10  }
0x38: {  	s10 =	sld [smem:$0x3FBB]  }
0x39: {  	_ = 	snop;
	(pc) =	sbr.ind lr, $3  }
0x3a: {  	_ = 	snop  }
0x3b: {  	_ = 	snop  }
0x3c: {  	p2 =	seq.s32 s10, $0x1;
	s10 =	sld [smem:$0x3FBA]  }
0x3d: {  	_ =	shalt  }
0x3e: {  	_ =	shalt  }
0x3f: {  	_ =	shalt  }
0x40: {  	_ =	shalt  }
0x41: {  	_ =	shalt  }
0x42: {  	_ =	shalt  }
0x43: {  	_ =	shalt  }
0x44: {  	_ =	shalt  }
0x45: {  	_ =	shalt  }
0x46: {  	_ =	shalt  }
0x47: {  	_ =	shalt  }
0x48: {  	_ =	shalt  }
0x49: {  	_ =	shalt  }
0x4a: {  	_ =	shalt  }
0x4b: {  	_ =	shalt  }
0x4c: {  	_ =	shalt  }
0x4d: {  	_ =	shalt  }
0x4e: {  	_ =	shalt  }
0x4f: {  	_ =	shalt  }
0x50: {  	_ =	shalt  }
0x51: {  	_ =	shalt  }
0x52: {  	_ =	shalt  }
0x53: {  	_ =	shalt  }
0x54: {  	_ =	shalt  }
0x55: {  	_ =	shalt  }
0x56: {  	_ =	shalt  }
0x57: {  	_ =	shalt  }
0x58: {  	_ =	shalt  }
0x59: {  	_ =	shalt  }
0x5a: {  	_ =	shalt  }
0x5b: {  	_ =	shalt  }
0x5c: {  	_ =	shalt  }
0x5d: {  	_ =	shalt  }
0x5e: {  	_ =	shalt  }
0x5f: {  	_ =	shalt  }
0x60: {  	_ =	shalt  }
0x61: {  	_ =	shalt  }
0x62: {  	_ =	shalt  }
0x63: {  	_ =	shalt  }
0x64: {  	_ =	shalt  }
0x65: {  	_ =	shalt  }
0x66: {  	_ =	shalt  }
0x67: {  	_ =	shalt  }
0x68: {  	_ =	shalt  }
0x69: {  	_ =	shalt  }
0x6a: {  	_ =	shalt  }
0x6b: {  	_ =	shalt  }
0x6c: {  	_ =	shalt  }
0x6d: {  	_ =	shalt  }
0x6e: {  	_ =	shalt  }
0x6f: {  	_ =	shalt  }
0x70: {  	_ =	shalt  }
0x71: {  	_ =	shalt  }
0x72: {  	_ =	shalt  }
0x73: {  	_ =	shalt  }
0x74: {  	_ =	shalt  }
0x75: {  	_ =	shalt  }
0x76: {  	_ =	shalt  }
0x77: {  	_ =	shalt  }
0x78: {  	_ =	shalt  }
0x79: {  	_ =	shalt  }
0x7a: {  	_ =	shalt  }
0x7b: {  	_ =	shalt  }
0x7c: {  	_ =	shalt  }
0x7d: {  	_ =	shalt  }
0x7e: {  	_ =	shalt  }
0x7f: {  	_ =	shalt  }
0x80: {  	_ =	shalt  }
0x81: {  	_ =	shalt  }
0x82: {  	_ =	shalt  }
0x83: {  	_ =	shalt  }
0x84: {  	_ =	shalt  }
0x85: {  	_ =	shalt  }
0x86: {  	_ =	shalt  }
0x87: {  	_ =	shalt  }
.Lfunc_end0:
.L_simem_size_0:
called_computation_lowered:
.L_overlay_start_0:
0x88: {  	s2 =	sld [smem:$0x3FD9]  }
0x89: {  	s3 =	sld [smem:$0x3FFE];
	_ =	sdelay $0x1  }
0x8a: {  	s1 =	srdreg.scid  }
0x8b: {  	s0 =	sand.u32 $0x1, s1  }
0x8c: {  	s17 =	sshll.u32 s0, $0xA;
	s2 =	sadd.s32 s3, s2  }
0x8d: {  	s2 =	sadd.s32 s2, s17  }
0x8e: {  	[smem:$0x3FC6] =	sst s2  }
0x8f: {  	_ = 	snop  }
0x90: {  	s2 =	sld [smem:$0x3FC8]  }
0x91: {  	s18 =	sld [smem:$0x3FD0];
	(tm) =	ssettm $0x1  }
0x92: {  	s4 =	sld [smem:$0x3FFB];
	_ =	sdelay $0x3  }
0x93: {  	_ =	strace s4  }
0x94: {  	s4 =	sld [smem:$0x3FFC];
	_ =	sdelay $0x3  }
0x95: {  	_ =	strace s4  }
0x96: {  	s4 =	sld [smem:$0x3FFD];
	_ =	sdelay $0x3  }
0x97: {  	_ =	strace s4  }
0x98: {  	_ =	strace $0x8FFFFFFF  }
0x99: {  	s19 =	sld [smem:$0x3FDB];
	_ =	sdelay $0x1  }
0x9a: {  	s5 =	simm.s32 $_scs_section_size  }
0x9b: {  	s6 =	simm.s32 $_size__tile_overlayer_lowered;
	s7 =	simm.s32 $_tile_overlayer_lowered  }
0x9c: {  	s22 =	simm.s32 $0x1BFF;
	s21 =	sshll.u32 s7, $0x1;
	s4 =	sadd.s32 s5, s19  }
0x9d: {  	s8 =	simm.s32 $0x0;
	s20 =	sshll.u32 s6, $0x1;
	s6 =	sadd.s32 s21, s4  }
0x9e: {  	[timem:s8], [sflag:s22] =	dma.local [hbm:s6], s20  }
0x9f: {  	_ =	swait.ge [sflag:s22], s20  }
0xa0: {  	s5 =	ssub.s32 $0x0, s20;
	[sflag:s22] =	ssyncset.done $0x0  }
0xa1: {  	[sflag:s22] =	ssyncadd.s32 s5;
	_ =	sdelay $0x1  }
0xa2: {  	s23 =	simm.s32 $0x1B8B  }
0xa3: {  	_ =	swait.ge [sflag:s23], $0x1  }
0xa4: {  	[sflag:s23] =	ssyncset.done $0x0  }
0xa5: {  	s25 =	simm.s32 $0x1B8E;
	s24 =	sld [smem:$0x3FFE];
	[sflag:s23] =	ssyncadd.s32 $0xFFFFFFFF  }
0xa6: {  	s26 =	simm.s32 $execute0_lowered;
	[smem:$0x3FD2] =	sst s25  }
0xa7: {  	s6 =	sshll.u32 s26, $0x1;
	_ =	strace $0x80000046;
	[dreg:$0x1] =	wrdreg $0xFFFFFFFF  }
0xa8: {  	s28 =	simm.s32 $_size_execute0_lowered;
	s4 =	sadd.s32 s4, s6;
	[dreg:$0x0] =	wrdreg $0x0  }
0xa9: {  	s6 =	sshll.u32 s28, $0x1;
	[dreg:$0x2] =	wrdreg s4  }
0xaa: {  	[dreg:$0x3] =	wrdreg s6  }
0xab: {  	[dreg:$0x4] =	wrdreg $0xC0  }
0xac: {  	_ =	task [dreg:s8], $0x5FFFF  }
0xad: {  	[dreg:$0x1] =	wrdreg $0xFFFFFFFF  }
0xae: {  	[dreg:$0x0] =	wrdreg $0x60  }
0xaf: {  	[dreg:$0x2] =	wrdreg s24  }
0xb0: {  	[dreg:$0x3] =	wrdreg s2  }
0xb1: {  	[dreg:$0x4] =	wrdreg s18  }
0xb2: {  	[dreg:$0x5] =	wrdreg $0x9  }
0xb3: {  	_ =	task.clear_ibuf [dreg:s8], $0x6FFFF;
	_ =	strace $0x90000046  }
0xb4: {  	s29 =	simm.s32 $0x9;
	_ =	strace $0x80000048  }
0xb5: {  	_ =	swait.ge [sflag:s29], $0x1  }
0xb6: {  	[sflag:s29] =	ssyncadd.s32 $0xFFFFFFFF  }
0xb7: {  	_ =	strace $0x90000048  }
0xb8: {  	_ =	sfence  }
0xb9: {  	s30 =	sld [smem:$0x0];
	_ =	sdelay $0x2  }
0xba: {  	s31 =	sshll.u32 s1, $0xD;
	s1 =	sshrl.u32 s1, $0x2  }
0xbb: {  	s3 =	sand.u32 $0x4000, s31;
	s1 =	sadd.s32 s1, s30  }
0xbc: {  	s0 =	sor.u32 s3, s0;
	s1 =	sshll.u32 s1, $0x11  }
0xbd: {  	s0 =	sor.u32 s1, s0  }
0xbe: {  	s0 =	sadd.s32 $0x8F2B, s0  }
0xbf: {  	[sflag:s0] =	ssyncadd.remote.s32 $0x1  }
0xc0: {  	_ =	sfence.sel $0xFFFF  }
0xc1: {  	[dreg:$0x0] =	wrdreg $0xFFFFFFFF;
	(pc) =	sbr.abs _section_cstart, $3  }
0xc2: {  	[dreg:$0x1] =	wrdreg $0xFFFFFFFF  }
0xc3: {  	_ =	task.clear_ibuf [dreg:s8], $0x2FFFF;
	_ =	strace $0x9FFFFFFF  }
0xc4: {  	(tm) =	ssettm $0x7FFFFFFF  }
0xc5: {  	_ =	shalt  }
tec
execute0_lowered:
.L_overlay_start_1:
0x0: {  	(tag) =	ssettag $0x1  }
0x1: {  	s6 =	rddreg [dreg:$0x0]  }
0x2: {  	s1 =	rddreg [dreg:$0x1]  }
0x3: {  	s3 =	rddreg [dreg:$0x2]  }
0x4: {  	s0 =	rddreg [dreg:$0x3];
	s4 =	simm.s32 $0x0  }
0x5: {  	s5 =	srdreg.scid;
	s2 =	stileid.u32;
	s11 =	simm.s32 $0x9  }
0x6: {  	s12 =	simm.s32 $0x800;
	s13 =	simm.s32 $0x2800;
	s14 =	simm.s32 $0x5  }
0x7: {  	s15 =	simm.s32 $0x6;
	s16 =	simm.s32 $0x7;
	s17 =	simm.s32 $0x8  }
0x8: {  	s18 =	simm.s32 $0x0;
	[smem:$0x7FF] =	sst s4;
	s5 =	sand.u32 $0x1, s5  }
0x9: {  	s7 =	sshll.u32 s2, $0x5;
	s8 =	sshll.u32 s2, $0x8;
	s9 =	sshll.u32 s5, $0x4  }
.Ltmp0:
0xa: {  	s7 =	sand.u32 $0x60, s7;
	s10 =	ssub.s32 $0x2, s5;
	(pc) =	sbr.rel .LBB2_1-.Ltmp0, $4  }
0xb: {  	v0 =	vlaneseq.u32;
	s30 =	sand.u32 $0xC00, s8;
	_ =	strace $0x80000047;
	s7 =	sor.u32 s9, s7  }
0xc: {  	v0 =	vmul.u32 $0x80, v0;
	s5 =	sadd.s32 $0x2000, s6;
	s31 =	sshrl.u32 s10, $0x1;
	s7 =	sor.u32 s30, s7  }
0xd: {  	v1 =	vimm.s32 $0x3FF;
	s9 =	simm.s32 $0x80;
	s8 =	ssub.s32 s10, s31;
	s6 =	sadd.s32 s6, s7  }
0xe: {  	v2 =	vor.u32 $0x800, v0;
	v3 =	vor.u32 $0x1000, v0;
	v4 =	vor.u32 $0x1800, v0;
	s10 =	simm.s32 $0x400;
	s8 =	smax.u32 s8, $0x1;
	s7 =	sadd.s32 $0x1000, s6  }
.LBB2_6:
0xf: {  	s21 =	simm.s32 @!p5 $0x0  }
0x10: {  	p1 =	por $0x0, $0x0;
	s21 =	simm.s32 @p5 $0x1  }
0x11: {  	[smem:$0x7F5] =	sst s21;
	s21 =	simm.s32 @!p1 $0x0  }
0x12: {  	s21 =	simm.s32 @p1 $0x1  }
0x13: {  	p5 =	por p6, p6;
	[smem:$0x7F6] =	sst s21  }
.LBB2_17:
0x14: {  	_ =	sdelay $0x2  }
0x15: {  	s21 =	sld [smem:$0x7F5]  }
0x16: {  	p2 =	por @!p4 p3, p5;
	s30 =	sld [smem:$0x7F6]  }
0x17: {  	p3 =	por @!p4 !p3, p5;
	s29 =	sld [smem:$0x7F0];
	p2 =	por p2, p4  }
0x18: {  	s31 =	sld [smem:$0x7F7];
	s28 =	simm.s32 @!p2 $0x5;
	p1 =	seq.s32 s21, $0x1  }
0x19: {  	p6 =	por @!p4 p1, p5;
	p2 =	por @!p4 !p1, p5;
	p1 =	por !p3, p4  }
0x1a: {  	p3 =	seq.s32 s30, $0x1;
	p5 =	seq.s32 s29, $0x1;
	p6 =	por p6, p4  }
0x1b: {  	v5 =	vmov s23;
	s28 =	simm.s32 @p1 $0x6;
	p1 =	por !p5, !p3;
	s23 =	spop @p3 (v2sf)  }
0x1c: {  	s21 =	simm.s32 @!p6 $0x7;
	s26 =	smov.u32 @p1 s24;
	s23 =	sshll.u32 @p3 s23, $0x4  }
0x1d: {  	p1 =	por !p2, p4;
	p6 =	seq.s32 s31, $0x1;
	s23 =	sand.u32 @p3 $0x1FFFFFF0, s23  }
0x1e: {  	s21 =	simm.s32 @p1 $0x8;
	p1 =	por !p6, p4;
	s23 =	sadd.s32 @p3 s5, s23  }
0x1f: {  	[hbm4b:s23+s4] =	stream.linear.scatter @p3 [tilespmem:s25], [sflag:s26], $0x40, $0x38;
	[tilespmem:$0xB800] =	vst v63  }
0x20: {  	s28 =	smov.u32 @p1 s21;
	v6 =	vld.idx.msk [tilespmem:v5+s4+$0x0], $0xffff  }
0x21: {  	_ =	swait.ge @!p0 [sflag:s28], $0x40  }
0x22: {  	[sflag:s28] =	ssyncset.done @!p0 $0x0  }
0x23: {  	[sflag:s28] =	ssyncadd.s32 @!p0 $0xFFFFFFC0  }
0x24: {  	_ =	swait.ge @!p0 [sflag:s28], $0x40  }
0x25: {  	[sflag:s28] =	ssyncset.done @!p0 $0x0;
	(v2sf) =	vpush v6, $0x0  }
0x26: {  	[sflag:s28] =	ssyncadd.s32 @!p0 $0xFFFFFFC0  }
0x27: {  	_ =	swait.ge @!p0 [sflag:s28], $0x40  }
0x28: {  	[sflag:s28] =	ssyncset.done @!p0 $0x0  }
0x29: {  	[sflag:s28] =	ssyncadd.s32 @!p0 $0xFFFFFFC0  }
0x2a: {  	_ =	swait.ge @!p0 [sflag:s28], $0x40  }
0x2b: {  	[sflag:s28] =	ssyncset.done @!p0 $0x0  }
0x2c: {  	[sflag:s28] =	ssyncadd.s32 @!p0 $0xFFFFFFC0  }
0x2d: {  	_ =	swait.ge @!p0 [sflag:s28], $0x40  }
0x2e: {  	[sflag:s28] =	ssyncset.done @!p0 $0x0  }
0x2f: {  	[sflag:s28] =	ssyncadd.s32 @!p0 $0xFFFFFFC0  }
0x30: {  	_ =	swait.ge @!p0 [sflag:s28], $0x40  }
0x31: {  	[sflag:s28] =	ssyncset.done @!p0 $0x0  }
0x32: {  	[sflag:s28] =	ssyncadd.s32 @!p0 $0xFFFFFFC0  }
0x33: {  	_ =	swait.ge @!p0 [sflag:s28], $0x40  }
0x34: {  	s26 =	spop (v2sf)  }
0x35: {  	s21 =	sadd.s32 $0xFFF0BE00, s26  }
0x36: {  	[sflag:s28] =	ssyncset.done @!p0 $0x0;
	v6 =	vadd.s32 s21, v0  }
0x37: {  	[sflag:s28] =	ssyncadd.s32 @!p0 $0xFFFFFFC0  }
0x38: {  	_ =	swait.ge @!p0 [sflag:s28], $0x40  }
0x39: {  	[sflag:s28] =	ssyncset.done @!p0 $0x0  }
0x3a: {  	[sflag:s28] =	ssyncadd.s32 @!p0 $0xFFFFFFC0  }
0x3b: {  	v6 =	vld.idx.msk [tilespmem:v6+s12+$0x0], $0xffff  }
0x3c: {  	v7 =	vadd.s32 s21, v2;
	_ =	sdelay $0x2  }
0x3d: {  	s19 =	sand.u32 $0xF80, s19  }
0x3e: {  	[tilespmem:s19+$0xA800] =	vst v6  }
0x3f: {  	v6 =	vld.idx.msk [tilespmem:v7+s12+$0x0], $0xffff  }
0x40: {  	v7 =	vadd.s32 s21, v3;
	_ =	sdelay $0x3  }
0x41: {  	[tilespmem:s19+$0xA810] =	vst v6  }
0x42: {  	v6 =	vld.idx.msk [tilespmem:v7+s12+$0x0], $0xffff  }
0x43: {  	v7 =	vadd.s32 s21, v4;
	_ =	sdelay $0x3  }
0x44: {  	[tilespmem:s19+$0xA820] =	vst v6  }
0x45: {  	v6 =	vld.idx.msk [tilespmem:v7+s12+$0x0], $0xffff;
	_ =	sdelay $0x4  }
0x46: {  	[tilespmem:s19+$0xA830] =	vst v6  }
0x47: {  	v5 =	vld.idx.msk [tilespmem:v5+s10+$0x0], $0xffff;
	_ =	sdelay $0x4  }
0x48: {  	(v2sf) =	vpush v5, $0x0;
	_ =	sdelay $0xa  }
0x49: {  	s29 =	sld [smem:$0x7F8];
	_ =	sdelay $0x2  }
0x4a: {  	p6 =	seq.s32 s29, $0x1  }
0x4b: {  	p0 =	seq.s32 @!p6 s22, $0x0;
	s30 =	spop (v2sf)  }
0x4c: {  	s22 =	simm.s32 $0x5;
	p0 =	por !p0, p6;
	s21 =	sshll.u32 s30, $0x4  }
0x4d: {  	s22 =	simm.s32 @p0 $0x6;
	p0 =	por p6, p6;
	s21 =	sand.u32 $0x1FFFFFF0, s21  }
0x4e: {  	s22 =	smov.u32 @p0 s20;
	s19 =	sadd.s32 $0xA800, s19;
	s31 =	sadd.s32 s5, s21  }
0x4f: {  	[hbm4b:s31+s4] =	stream.linear.scatter [tilespmem:s19], [sflag:s22], $0x40, $0x38;
	[tilespmem:$0xB800] =	vst v63  }
.LBB2_18:
0x50: {  	_ =	swait.ge [sflag:s14], $0x40  }
0x51: {  	[sflag:s14] =	ssyncset.done $0x0  }
0x52: {  	[sflag:s14] =	ssyncadd.s32 $0xFFFFFFC0  }
0x53: {  	_ =	swait.ge [sflag:s14], $0x40  }
0x54: {  	[sflag:s14] =	ssyncset.done $0x0  }
0x55: {  	[sflag:s14] =	ssyncadd.s32 $0xFFFFFFC0  }
0x56: {  	_ =	swait.ge [sflag:s14], $0x40  }
0x57: {  	[sflag:s14] =	ssyncset.done $0x0  }
0x58: {  	[sflag:s14] =	ssyncadd.s32 $0xFFFFFFC0  }
0x59: {  	_ =	swait.ge [sflag:s14], $0x40  }
0x5a: {  	[sflag:s14] =	ssyncset.done $0x0  }
0x5b: {  	[sflag:s14] =	ssyncadd.s32 $0xFFFFFFC0  }
0x5c: {  	_ =	swait.ge [sflag:s14], $0x40  }
0x5d: {  	[sflag:s14] =	ssyncset.done $0x0  }
0x5e: {  	[sflag:s14] =	ssyncadd.s32 $0xFFFFFFC0  }
0x5f: {  	_ =	swait.ge [sflag:s14], $0x40  }
0x60: {  	[sflag:s14] =	ssyncset.done $0x0  }
0x61: {  	[sflag:s14] =	ssyncadd.s32 $0xFFFFFFC0  }
0x62: {  	_ =	swait.ge [sflag:s14], $0x40  }
0x63: {  	[sflag:s14] =	ssyncset.done $0x0  }
0x64: {  	[sflag:s14] =	ssyncadd.s32 $0xFFFFFFC0  }
0x65: {  	_ =	swait.ge [sflag:s14], $0x40  }
0x66: {  	[sflag:s14] =	ssyncset.done $0x0  }
0x67: {  	[sflag:s14] =	ssyncadd.s32 $0xFFFFFFC0  }
0x68: {  	_ =	swait.ge [sflag:s15], $0x40  }
0x69: {  	[sflag:s15] =	ssyncset.done $0x0  }
0x6a: {  	[sflag:s15] =	ssyncadd.s32 $0xFFFFFFC0  }
0x6b: {  	_ =	swait.ge [sflag:s15], $0x40  }
0x6c: {  	[sflag:s15] =	ssyncset.done $0x0  }
0x6d: {  	[sflag:s15] =	ssyncadd.s32 $0xFFFFFFC0  }
0x6e: {  	_ =	swait.ge [sflag:s15], $0x40  }
0x6f: {  	[sflag:s15] =	ssyncset.done $0x0  }
0x70: {  	[sflag:s15] =	ssyncadd.s32 $0xFFFFFFC0  }
0x71: {  	_ =	swait.ge [sflag:s15], $0x40  }
0x72: {  	[sflag:s15] =	ssyncset.done $0x0  }
0x73: {  	[sflag:s15] =	ssyncadd.s32 $0xFFFFFFC0  }
0x74: {  	_ =	swait.ge [sflag:s15], $0x40  }
0x75: {  	[sflag:s15] =	ssyncset.done $0x0  }
0x76: {  	[sflag:s15] =	ssyncadd.s32 $0xFFFFFFC0  }
0x77: {  	_ =	swait.ge [sflag:s15], $0x40  }
0x78: {  	[sflag:s15] =	ssyncset.done $0x0  }
0x79: {  	[sflag:s15] =	ssyncadd.s32 $0xFFFFFFC0  }
0x7a: {  	_ =	swait.ge [sflag:s15], $0x40  }
0x7b: {  	[sflag:s15] =	ssyncset.done $0x0  }
0x7c: {  	[sflag:s15] =	ssyncadd.s32 $0xFFFFFFC0  }
0x7d: {  	_ =	swait.ge [sflag:s15], $0x40  }
0x7e: {  	[sflag:s15] =	ssyncset.done $0x0  }
0x7f: {  	[sflag:s15] =	ssyncadd.s32 $0xFFFFFFC0  }
0x80: {  	_ =	swait.ge [sflag:s16], $0x40  }
0x81: {  	[sflag:s16] =	ssyncset.done $0x0  }
0x82: {  	[sflag:s16] =	ssyncadd.s32 $0xFFFFFFC0  }
0x83: {  	_ =	swait.ge [sflag:s16], $0x40  }
0x84: {  	[sflag:s16] =	ssyncset.done $0x0  }
0x85: {  	[sflag:s16] =	ssyncadd.s32 $0xFFFFFFC0  }
0x86: {  	_ =	swait.ge [sflag:s16], $0x40  }
0x87: {  	[sflag:s16] =	ssyncset.done $0x0  }
0x88: {  	[sflag:s16] =	ssyncadd.s32 $0xFFFFFFC0  }
0x89: {  	_ =	swait.ge [sflag:s16], $0x40  }
0x8a: {  	[sflag:s16] =	ssyncset.done $0x0  }
0x8b: {  	[sflag:s16] =	ssyncadd.s32 $0xFFFFFFC0  }
0x8c: {  	_ =	swait.ge [sflag:s16], $0x40  }
0x8d: {  	[sflag:s16] =	ssyncset.done $0x0  }
0x8e: {  	[sflag:s16] =	ssyncadd.s32 $0xFFFFFFC0  }
0x8f: {  	_ =	swait.ge [sflag:s16], $0x40  }
0x90: {  	[sflag:s16] =	ssyncset.done $0x0  }
0x91: {  	[sflag:s16] =	ssyncadd.s32 $0xFFFFFFC0  }
0x92: {  	_ =	swait.ge [sflag:s16], $0x40  }
0x93: {  	[sflag:s16] =	ssyncset.done $0x0  }
0x94: {  	[sflag:s16] =	ssyncadd.s32 $0xFFFFFFC0  }
0x95: {  	_ =	swait.ge [sflag:s16], $0x40  }
0x96: {  	[sflag:s16] =	ssyncset.done $0x0  }
0x97: {  	[sflag:s16] =	ssyncadd.s32 $0xFFFFFFC0  }
0x98: {  	_ =	swait.ge [sflag:s17], $0x40  }
0x99: {  	[sflag:s17] =	ssyncset.done $0x0  }
0x9a: {  	[sflag:s17] =	ssyncadd.s32 $0xFFFFFFC0  }
0x9b: {  	_ =	swait.ge [sflag:s17], $0x40  }
0x9c: {  	[sflag:s17] =	ssyncset.done $0x0  }
0x9d: {  	[sflag:s17] =	ssyncadd.s32 $0xFFFFFFC0  }
0x9e: {  	_ =	swait.ge [sflag:s17], $0x40  }
0x9f: {  	[sflag:s17] =	ssyncset.done $0x0  }
0xa0: {  	[sflag:s17] =	ssyncadd.s32 $0xFFFFFFC0  }
0xa1: {  	_ =	swait.ge [sflag:s17], $0x40  }
0xa2: {  	[sflag:s17] =	ssyncset.done $0x0  }
0xa3: {  	[sflag:s17] =	ssyncadd.s32 $0xFFFFFFC0  }
0xa4: {  	_ =	swait.ge [sflag:s17], $0x40  }
0xa5: {  	[sflag:s17] =	ssyncset.done $0x0  }
0xa6: {  	[sflag:s17] =	ssyncadd.s32 $0xFFFFFFC0  }
0xa7: {  	_ =	swait.ge [sflag:s17], $0x40  }
0xa8: {  	[sflag:s17] =	ssyncset.done $0x0  }
0xa9: {  	s18 =	sadd.s32 $0x1, s18;
	[sflag:s17] =	ssyncadd.s32 $0xFFFFFFC0  }
0xaa: {  	p0 =	seq.s32 s18, s8;
	_ =	swait.ge [sflag:s17], $0x40  }
.Ltmp1:
0xab: {  	[sflag:s17] =	ssyncset.done $0x0;
	(pc) =	sbr.rel @p0 .LBB2_19-.Ltmp1, $4  }
0xac: {  	[sflag:s17] =	ssyncadd.s32 $0xFFFFFFC0  }
0xad: {  	_ =	swait.ge [sflag:s17], $0x40  }
0xae: {  	[sflag:s17] =	ssyncset.done $0x0  }
0xaf: {  	[sflag:s17] =	ssyncadd.s32 $0xFFFFFFC0  }
.LBB2_1:
0xb0: {  	[tilespmem:s4], [sflag:$0x9] =	stream.strided.gather [hbm4b:s6+s9], $0x400, s10, s9, $0x38;
	[tilespmem:$0xB800] =	vst v63  }
0xb1: {  	_ =	swait.ge [sflag:s11], $0x400  }
0xb2: {  	[sflag:s11] =	ssyncset.done $0x0  }
0xb3: {  	[sflag:s11] =	ssyncadd.s32 $0xFFFFFC00  }
0xb4: {  	[tilespmem:s10], [sflag:$0x9] =	stream.strided.gather [hbm4b:s7+s9], $0x400, s10, s9, $0x38;
	[tilespmem:$0xB800] =	vst v63  }
0xb5: {  	_ =	swait.ge [sflag:s11], $0x400  }
0xb6: {  	[sflag:s11] =	ssyncset.done $0x0  }
0xb7: {  	[sflag:s11] =	ssyncadd.s32 $0xFFFFFC00  }
0xb8: {  	[tilespmem:s12], [sflag:$0x9] =	stream.linear.gather [hbm4b:s3+s4], $0x2000, $0x38;
	[tilespmem:$0xB800] =	vst v63  }
0xb9: {  	_ =	swait.ge [sflag:s11], $0x2000  }
0xba: {  	[sflag:s11] =	ssyncset.done $0x0  }
0xbb: {  	[sflag:s11] =	ssyncadd.s32 $0xFFFFE000  }
0xbc: {  	v5 =	vld.msk [tilespmem:s4+$0x0], $0xffff;
	_ =	sdelay $0x4  }
0xbd: {  	(v2sf) =	vpush v5, $0x0  }
0xbe: {  	v6 =	vld.idx.msk [tilespmem:v1+s4+$0x0], $0xffff;
	_ =	sdelay $0x4  }
0xbf: {  	(v2sf) =	vpush v6, $0x0;
	_ =	sdelay $0x8  }
0xc0: {  	s19 =	spop (v2sf)  }
0xc1: {  	p0 =	slt.s32 s19, $0xF4200  }
.Ltmp2:
0xc2: {  	_ = 	snop;
	(pc) =	sbr.rel @!p0 .LBB2_2-.Ltmp2, $2  }
0xc3: {  	_ =	sdelay $0x2  }
0xc4: {  	s20 =	spop (v2sf)  }
0xc5: {  	s21 =	sshra.s32 s19, $0x7  }
0xc6: {  	p0 =	slt.s32 s21, $0x1E83;
	s19 =	smov.u32 s21  }
0xc7: {  	s20 =	sshra.s32 s20, $0x7;
	s19 =	simm.s32 @!p0 $0x1E83  }
0xc8: {  	p0 =	slt.s32 s20, s19  }
0xc9: {  	s22 =	sand.u32 @!p0 $0x3, s19  }
0xca: {  	p1 =	sgt.s32 @!p0 s22, $0x1  }
0xcb: {  	p2 =	por !p1, p0  }
0xcc: {  	s23 =	sshll.u32 @!p0 s19, $0x7;
	p2 =	seq.s32 @!p2 s22, $0x2  }
0xcd: {  	s23 =	sand.u32 @!p0 $0x1FFFFF80, s23;
	p3 =	por @!p0 !p2, !p1;
	p2 =	por @!p0 p2, !p1  }
0xce: {  	s23 =	sadd.s32 @!p0 s1, s23;
	p3 =	por p3, p0;
	p2 =	por p2, p0  }
0xcf: {  	s24 =	simm.s32 @!p3 $0x400;
	s25 =	simm.s32 @!p3 $0x7A1400;
	s26 =	simm.s32 @!p3 $0x6800  }
0xd0: {  	[tilespmem:s26], [sflag:$0x3] =	stream.strided.gather @!p3 [hbm4b:s23+s24], $0x2000, s25, s24, $0x38;
	[tilespmem:$0xB800] =	vst v63  }
0xd1: {  	s24 =	simm.s32 @!p2 $0x400;
	s25 =	simm.s32 @!p2 $0x7A1400;
	s26 =	simm.s32 @!p2 $0x8800  }
0xd2: {  	[tilespmem:s26], [sflag:$0x4] =	stream.strided.gather @!p2 [hbm4b:s23+s24], $0x2000, s25, s24, $0x38;
	[tilespmem:$0xB800] =	vst v63  }
0xd3: {  	p2 =	por p1, p0  }
0xd4: {  	p2 =	seq.s32 @!p2 s22, $0x0  }
0xd5: {  	p3 =	por @!p0 !p2, p1;
	p1 =	por @!p0 p2, p1  }
0xd6: {  	p3 =	por p3, p0;
	p1 =	por p1, p0  }
0xd7: {  	s22 =	simm.s32 @!p3 $0x400;
	s24 =	simm.s32 @!p3 $0x7A1400;
	s25 =	simm.s32 @!p3 $0x2800  }
0xd8: {  	[tilespmem:s25], [sflag:$0x1] =	stream.strided.gather @!p3 [hbm4b:s23+s22], $0x2000, s24, s22, $0x38;
	[tilespmem:$0xB800] =	vst v63  }
0xd9: {  	s22 =	simm.s32 @!p1 $0x400;
	s24 =	simm.s32 @!p1 $0x7A1400;
	s25 =	simm.s32 @!p1 $0x4800  }
0xda: {  	[tilespmem:s25], [sflag:$0x2] =	stream.strided.gather @!p1 [hbm4b:s23+s22], $0x2000, s24, s22, $0x38;
	[tilespmem:$0xB800] =	vst v63  }
0xdb: {  	p1 =	slt.s32 s20, $0x1E83  }
0xdc: {  	s20 =	simm.s32 @!p1 $0x1E83  }
0xdd: {  	p1 =	sge.s32 s21, s20  }
0xde: {  	s21 =	sadd.s32 @!p1 $0x1, s19  }
0xdf: {  	s22 =	sand.u32 @!p1 $0x3, s21  }
0xe0: {  	p2 =	sgt.s32 @!p1 s22, $0x1  }
0xe1: {  	p3 =	por !p2, p1  }
0xe2: {  	s21 =	sshll.u32 @!p1 s21, $0x7;
	p3 =	seq.s32 @!p3 s22, $0x2  }
0xe3: {  	s21 =	sand.u32 @!p1 $0x1FFFFF80, s21;
	p4 =	por @!p1 !p3, !p2;
	p3 =	por @!p1 p3, !p2  }
0xe4: {  	s21 =	sadd.s32 @!p1 s1, s21;
	p4 =	por p4, p1;
	p3 =	por p3, p1  }
0xe5: {  	s23 =	simm.s32 @!p4 $0x400;
	s24 =	simm.s32 @!p4 $0x7A1400;
	s25 =	simm.s32 @!p4 $0x6800  }
0xe6: {  	[tilespmem:s25], [sflag:$0x3] =	stream.strided.gather @!p4 [hbm4b:s21+s23], $0x2000, s24, s23, $0x38;
	[tilespmem:$0xB800] =	vst v63  }
0xe7: {  	s23 =	simm.s32 @!p3 $0x400;
	s24 =	simm.s32 @!p3 $0x7A1400;
	s25 =	simm.s32 @!p3 $0x8800  }
0xe8: {  	[tilespmem:s25], [sflag:$0x4] =	stream.strided.gather @!p3 [hbm4b:s21+s23], $0x2000, s24, s23, $0x38;
	[tilespmem:$0xB800] =	vst v63  }
0xe9: {  	p3 =	por p2, p1  }
0xea: {  	p3 =	seq.s32 @!p3 s22, $0x0  }
0xeb: {  	p4 =	por @!p1 !p3, p2;
	p2 =	por @!p1 p3, p2  }
0xec: {  	p4 =	por p4, p1;
	p1 =	por p2, p1  }
0xed: {  	s22 =	simm.s32 @!p4 $0x400;
	s23 =	simm.s32 @!p4 $0x7A1400;
	s24 =	simm.s32 @!p4 $0x2800  }
0xee: {  	[tilespmem:s24], [sflag:$0x1] =	stream.strided.gather @!p4 [hbm4b:s21+s22], $0x2000, s23, s22, $0x38;
	[tilespmem:$0xB800] =	vst v63  }
0xef: {  	s22 =	simm.s32 @!p1 $0x400;
	s23 =	simm.s32 @!p1 $0x7A1400;
	s24 =	simm.s32 @!p1 $0x4800  }
0xf0: {  	[tilespmem:s24], [sflag:$0x2] =	stream.strided.gather @!p1 [hbm4b:s21+s22], $0x2000, s23, s22, $0x38;
	[tilespmem:$0xB800] =	vst v63  }
0xf1: {  	s21 =	sadd.s32 $0x2, s19  }
0xf2: {  	p1 =	sgt.s32 s21, s20  }
0xf3: {  	s22 =	sand.u32 @!p1 $0x3, s21  }
0xf4: {  	p2 =	sgt.s32 @!p1 s22, $0x1  }
0xf5: {  	p3 =	por !p2, p1  }
0xf6: {  	s21 =	sshll.u32 @!p1 s21, $0x7;
	p3 =	seq.s32 @!p3 s22, $0x2  }
0xf7: {  	s21 =	sand.u32 @!p1 $0x1FFFFF80, s21;
	p4 =	por @!p1 !p3, !p2;
	p3 =	por @!p1 p3, !p2  }
0xf8: {  	s21 =	sadd.s32 @!p1 s1, s21;
	p4 =	por p4, p1;
	p3 =	por p3, p1  }
0xf9: {  	s23 =	simm.s32 @!p4 $0x400;
	s24 =	simm.s32 @!p4 $0x7A1400;
	s25 =	simm.s32 @!p4 $0x6800  }
0xfa: {  	[tilespmem:s25], [sflag:$0x3] =	stream.strided.gather @!p4 [hbm4b:s21+s23], $0x2000, s24, s23, $0x38;
	[tilespmem:$0xB800] =	vst v63  }
0xfb: {  	s23 =	simm.s32 @!p3 $0x400;
	s24 =	simm.s32 @!p3 $0x7A1400;
	s25 =	simm.s32 @!p3 $0x8800  }
0xfc: {  	[tilespmem:s25], [sflag:$0x4] =	stream.strided.gather @!p3 [hbm4b:s21+s23], $0x2000, s24, s23, $0x38;
	[tilespmem:$0xB800] =	vst v63  }
0xfd: {  	p3 =	por p2, p1  }
0xfe: {  	p3 =	seq.s32 @!p3 s22, $0x0  }
0xff: {  	p4 =	por @!p1 !p3, p2;
	p2 =	por @!p1 p3, p2  }
.Ltmp3:
0x100: {  	p4 =	por p4, p1;
	p1 =	por p2, p1;
	(pc) =	sbr.rel @!p0 .LBB2_8-.Ltmp3, $4  }
0x101: {  	s22 =	simm.s32 @!p4 $0x400;
	s23 =	simm.s32 @!p4 $0x7A1400;
	s24 =	simm.s32 @!p4 $0x2800  }
0x102: {  	[tilespmem:s24], [sflag:$0x1] =	stream.strided.gather @!p4 [hbm4b:s21+s22], $0x2000, s23, s22, $0x38;
	[tilespmem:$0xB800] =	vst v63  }
0x103: {  	s22 =	simm.s32 @!p1 $0x400;
	s23 =	simm.s32 @!p1 $0x7A1400;
	s24 =	simm.s32 @!p1 $0x4800  }
0x104: {  	[tilespmem:s24], [sflag:$0x2] =	stream.strided.gather @!p1 [hbm4b:s21+s22], $0x2000, s23, s22, $0x38;
	[tilespmem:$0xB800] =	vst v63  }
.LBB2_2:
0x105: {  	s21 =	simm.s32 $0x0  }
0x106: {  	v5 =	vmov s21  }
0x107: {  	s22 =	simm.s32 $0x1  }
0x108: {  	s20 =	simm.s32 $0x2;
	v6 =	vmov s22  }
0x109: {  	v7 =	vmov s20;
	_ =	sdelay $0x1  }
0x10a: {  	v5 =	vld.idx.msk [tilespmem:v5+s4+$0x0], $0xffff;
	_ =	sdelay $0x1  }
0x10b: {  	v6 =	vld.idx.msk [tilespmem:v6+s4+$0x0], $0xffff  }
0x10c: {  	v7 =	vld.idx.msk [tilespmem:v7+s4+$0x0], $0xffff;
	_ =	sdelay $0x1  }
0x10d: {  	(v2sf) =	vpush v5, $0x0;
	_ =	sdelay $0x1  }
0x10e: {  	(v2sf) =	vpush v6, $0x0  }
0x10f: {  	(v2sf) =	vpush v7, $0x0;
	_ =	sdelay $0x1  }
0x110: {  	s19 =	simm.s32 $0x3  }
0x111: {  	v8 =	vmov s19;
	_ =	sdelay $0x4  }
0x112: {  	s23 =	simm.s32 $0x400;
	s24 =	simm.s32 $0x4;
	v5 =	vld.idx.msk [tilespmem:v8+s4+$0x0], $0xffff  }
.LBB2_3:
0x113: {  	p0 =	seq.s32 s24, $0x3FF  }
0x114: {  	v6 =	vmov s24;
	s25 =	smov.u32 s19;
	s19 =	smov.u32 s24;
	s24 =	sadd.s32 $0x1, s24  }
.Ltmp4:
0x115: {  	(pc) =	sbr.rel @!p0 .LBB2_3-.Ltmp4, $4  }
0x116: {  	s26 =	spop (v2sf)  }
0x117: {  	p1 =	sgt.s32 s26, $0xF41FF;
	s26 =	smov.u32 s23  }
0x118: {  	p2 =	seq.s32 s23, $0x400;
	s26 =	smov.u32 @p1 s21;
	s21 =	smov.u32 s22  }
0x119: {  	s22 =	smov.u32 s20;
	s20 =	smov.u32 s25;
	(v2sf) =	vpush v5, $0x0;
	v5 =	vld.idx.msk [tilespmem:v6+s4+$0x0], $0xffff;
	s23 =	smov.u32 @p2 s26  }
0x11a: {  	_ =	sdelay $0x3  }
0x11b: {  	(v2sf) =	vpush v5, $0x0;
	_ =	sdelay $0x5  }
0x11c: {  	s24 =	spop (v2sf)  }
0x11d: {  	p0 =	sgt.s32 s24, $0xF41FF;
	s24 =	smov.u32 s23  }
0x11e: {  	p1 =	seq.s32 s23, $0x400;
	s24 =	smov.u32 @p0 s21  }
0x11f: {  	s29 =	spop (v2sf);
	s23 =	smov.u32 @p1 s24  }
0x120: {  	p0 =	sgt.s32 s29, $0xF41FF;
	s21 =	smov.u32 s23  }
0x121: {  	p1 =	seq.s32 s23, $0x400;
	s21 =	smov.u32 @p0 s22  }
0x122: {  	s23 =	smov.u32 @p1 s21;
	s30 =	spop (v2sf)  }
0x123: {  	s21 =	smov.u32 s23;
	p0 =	sgt.s32 s30, $0xF41FF  }
0x124: {  	p1 =	seq.s32 s23, $0x400;
	s21 =	smov.u32 @p0 s20  }
0x125: {  	s23 =	smov.u32 @p1 s21;
	s31 =	spop (v2sf)  }
0x126: {  	s20 =	smov.u32 s23;
	p0 =	sgt.s32 s31, $0xF41FF  }
0x127: {  	p1 =	seq.s32 s23, $0x400;
	s20 =	smov.u32 @p0 s19  }
0x128: {  	s23 =	smov.u32 @p1 s20  }
0x129: {  	p0 =	sgt.u32 s23, $0x3FF  }
.Ltmp5:
0x12a: {  	_ = 	snop;
	(pc) =	sbr.rel @p0 .LBB2_18-.Ltmp5, $1  }
0x12b: {  	_ =	sdelay $0x3  }
0x12c: {  	s20 =	sand.u32 $0x7, s23;
	p4 =	slt.u32 s23, $0x20  }
0x12d: {  	s21 =	sshrl.u32 s23, $0x3;
	p6 =	sne.s32 @!p4 s20, $0x0  }
0x12e: {  	s22 =	sand.u32 $0x3, s21;
	p0 =	por p6, p4  }
0x12f: {  	p3 =	sgt.s32 @!p0 s22, $0x1  }
0x130: {  	p5 =	por @!p4 p3, p6  }
0x131: {  	p5 =	por p5, p4  }
0x132: {  	s20 =	simm.s32 @!p5 $0x0  }
0x133: {  	p1 =	por @!p4 !p3, p6;
	s20 =	simm.s32 @p5 $0x1  }
0x134: {  	[smem:$0x7F9] =	sst s20;
	s20 =	simm.s32 @!p1 $0x0  }
0x135: {  	p2 =	sgt.s32 s22, $0x1;
	s20 =	simm.s32 @p1 $0x1  }
0x136: {  	p1 =	por p1, p4;
	[smem:$0x7F7] =	sst s20;
	s20 =	simm.s32 @!p2 $0x0  }
0x137: {  	s29 =	sld [smem:$0x7F9];
	p1 =	seq.s32 @!p1 s22, $0x2;
	s20 =	simm.s32 @p2 $0x1  }
0x138: {  	[smem:$0x7F8] =	sst s20;
	s20 =	simm.s32 @!p1 $0x0  }
0x139: {  	s20 =	simm.s32 @p1 $0x1  }
0x13a: {  	p5 =	seq.s32 @p2 s22, $0x2;
	[smem:$0x7FA] =	sst s20  }
0x13b: {  	p2 =	por !p5, !p2;
	p5 =	seq.s32 s29, $0x1;
	s24 =	sld [smem:$0x7FA]  }
0x13c: {  	p1 =	seq.s32 @!p5 s22, $0x0  }
0x13d: {  	s20 =	simm.s32 @!p1 $0x0  }
0x13e: {  	s21 =	sadd.s32 $0x1, s23;
	s20 =	simm.s32 @p1 $0x1;
	p1 =	seq.s32 s24, $0x1  }
0x13f: {  	p5 =	por @!p0 !p1, !p3;
	p1 =	seq.s32 s21, $0x400  }
0x140: {  	[smem:$0x7FB] =	sst s20;
	s24 =	simm.s32 @!p1 $0x0  }
0x141: {  	s30 =	sld [smem:$0x7FB];
	s24 =	simm.s32 @p1 $0x1  }
0x142: {  	[smem:$0x7FC] =	sst s24  }
0x143: {  	s31 =	sld [smem:$0x7FC];
	_ =	sdelay $0x1  }
0x144: {  	p1 =	seq.s32 s30, $0x1  }
0x145: {  	p3 =	por @!p0 !p1, p3;
	p1 =	seq.s32 s31, $0x1  }
.Ltmp6:
0x146: {  	_ = 	snop;
	(pc) =	sbr.rel @p1 .LBB2_6-.Ltmp6, $3  }
0x147: {  	_ =	sdelay $0x1  }
0x148: {  	s20 =	simm.s32 @!p2 $0x7  }
0x149: {  	s19 =	sshll.u32 s23, $0x7;
	s20 =	simm.s32 @p2 $0x8  }
0x14a: {  	p1 =	por @!p4 p5, p6  }
0x14b: {  	v5 =	vmov s23;
	s25 =	sld [smem:$0x7F7];
	p1 =	por p1, p4  }
0x14c: {  	s23 =	simm.s32 @!p1 $0x7;
	p1 =	por @!p4 p3, p6;
	p3 =	por @!p4 !p3, p6  }
0x14d: {  	p5 =	por @!p4 !p5, p6;
	p1 =	por p1, p4;
	p3 =	por !p3, p4  }
0x14e: {  	p6 =	seq.s32 s25, $0x1;
	s24 =	simm.s32 @!p1 $0x5;
	p1 =	por !p5, p4  }
0x14f: {  	s24 =	simm.s32 @p3 $0x6;
	s23 =	simm.s32 @p1 $0x8;
	p1 =	por !p6, p4  }
0x150: {  	v6 =	vld.idx.msk [tilespmem:v5+s4+$0x0], $0xffff;
	s24 =	smov.u32 @p1 s23  }
0x151: {  	_ =	swait.ge @!p0 [sflag:s24], $0x40  }
0x152: {  	[sflag:s24] =	ssyncset.done @!p0 $0x0  }
0x153: {  	[sflag:s24] =	ssyncadd.s32 @!p0 $0xFFFFFFC0  }
0x154: {  	_ =	swait.ge @!p0 [sflag:s24], $0x40  }
0x155: {  	[sflag:s24] =	ssyncset.done @!p0 $0x0;
	(v2sf) =	vpush v6, $0x0  }
0x156: {  	[sflag:s24] =	ssyncadd.s32 @!p0 $0xFFFFFFC0  }
0x157: {  	_ =	swait.ge @!p0 [sflag:s24], $0x40  }
0x158: {  	[sflag:s24] =	ssyncset.done @!p0 $0x0  }
0x159: {  	[sflag:s24] =	ssyncadd.s32 @!p0 $0xFFFFFFC0  }
0x15a: {  	_ =	swait.ge @!p0 [sflag:s24], $0x40  }
0x15b: {  	[sflag:s24] =	ssyncset.done @!p0 $0x0  }
0x15c: {  	[sflag:s24] =	ssyncadd.s32 @!p0 $0xFFFFFFC0  }
0x15d: {  	_ =	swait.ge @!p0 [sflag:s24], $0x40  }
0x15e: {  	[sflag:s24] =	ssyncset.done @!p0 $0x0  }
0x15f: {  	[sflag:s24] =	ssyncadd.s32 @!p0 $0xFFFFFFC0  }
0x160: {  	_ =	swait.ge @!p0 [sflag:s24], $0x40  }
0x161: {  	[sflag:s24] =	ssyncset.done @!p0 $0x0  }
0x162: {  	[sflag:s24] =	ssyncadd.s32 @!p0 $0xFFFFFFC0  }
0x163: {  	_ =	swait.ge @!p0 [sflag:s24], $0x40  }
0x164: {  	s25 =	spop (v2sf)  }
0x165: {  	s23 =	sadd.s32 $0xFFF0BE00, s25  }
0x166: {  	[sflag:s24] =	ssyncset.done @!p0 $0x0;
	v6 =	vadd.s32 s23, v0  }
0x167: {  	[sflag:s24] =	ssyncadd.s32 @!p0 $0xFFFFFFC0  }
0x168: {  	_ =	swait.ge @!p0 [sflag:s24], $0x40  }
0x169: {  	[sflag:s24] =	ssyncset.done @!p0 $0x0  }
0x16a: {  	[sflag:s24] =	ssyncadd.s32 @!p0 $0xFFFFFFC0  }
0x16b: {  	s26 =	sld [smem:$0x7F8];
	v6 =	vld.idx.msk [tilespmem:v6+s12+$0x0], $0xffff  }
0x16c: {  	v7 =	vadd.s32 s23, v2  }
0x16d: {  	p4 =	slt.u32 s21, $0x20;
	s25 =	sand.u32 $0xF80, s19  }
0x16e: {  	s24 =	sand.u32 $0x7, s21;
	p2 =	seq.s32 s26, $0x1;
	s26 =	sshrl.u32 s21, $0x3  }
0x16f: {  	p5 =	sne.s32 @!p4 s24, $0x0;
	p0 =	seq.s32 @!p2 s22, $0x0;
	s22 =	sand.u32 $0x3, s26  }
0x170: {  	p1 =	por !p0, p2;
	p0 =	por p5, p4;
	p2 =	por p2, p2;
	[tilespmem:s25+$0xA800] =	vst v6  }
0x171: {  	s24 =	simm.s32 @!p2 $0x0;
	p3 =	sgt.s32 @!p0 s22, $0x1;
	v6 =	vld.idx.msk [tilespmem:v7+s12+$0x0], $0xffff  }
0x172: {  	s24 =	simm.s32 @p2 $0x1;
	p2 =	por @!p4 p3, p5;
	v7 =	vadd.s32 s23, v3  }
0x173: {  	s26 =	simm.s32 @!p2 $0x0  }
0x174: {  	[smem:$0x7F0] =	sst s24;
	s24 =	simm.s32 $0x5;
	s26 =	simm.s32 @p2 $0x1  }
0x175: {  	s24 =	simm.s32 @p1 $0x6;
	p1 =	por @!p4 !p3, p5;
	[smem:$0x7F1] =	sst s26  }
0x176: {  	s26 =	simm.s32 @!p1 $0x0;
	s29 =	sld [smem:$0x7F1];
	[tilespmem:s25+$0xA810] =	vst v6  }
0x177: {  	s26 =	simm.s32 @p1 $0x1;
	p1 =	por p1, p4;
	v6 =	vld.idx.msk [tilespmem:v7+s12+$0x0], $0xffff  }
0x178: {  	[smem:$0x7F7] =	sst s26;
	s26 =	simm.s32 @!p1 $0x0;
	v7 =	vadd.s32 s23, v4  }
0x179: {  	s26 =	simm.s32 @p1 $0x1;
	p1 =	seq.s32 s29, $0x1  }
0x17a: {  	p1 =	por p1, p4  }
0x17b: {  	[smem:$0x7F2] =	sst s26;
	s26 =	simm.s32 @!p1 $0x0  }
0x17c: {  	s26 =	simm.s32 @p1 $0x1;
	[tilespmem:s25+$0xA820] =	vst v6  }
0x17d: {  	[smem:$0x7F3] =	sst s26;
	v6 =	vld.idx.msk [tilespmem:v7+s12+$0x0], $0xffff  }
0x17e: {  	s31 =	sld [smem:$0x7F3]  }
0x17f: {  	p6 =	sgt.s32 s22, $0x1  }
0x180: {  	p2 =	seq.s32 @p6 s22, $0x2;
	s26 =	simm.s32 @!p6 $0x0  }
0x181: {  	p1 =	por !p2, !p6;
	s26 =	simm.s32 @p6 $0x1;
	p6 =	seq.s32 s31, $0x1  }
0x182: {  	p6 =	seq.s32 @!p6 s22, $0x0;
	[tilespmem:s25+$0xA830] =	vst v6  }
0x183: {  	[smem:$0x7F8] =	sst s26;
	s26 =	simm.s32 @!p6 $0x0;
	v5 =	vld.idx.msk [tilespmem:v5+s10+$0x0], $0xffff  }
0x184: {  	s30 =	sld [smem:$0x7F2];
	s26 =	simm.s32 @p6 $0x1  }
0x185: {  	[smem:$0x7F4] =	sst s26  }
0x186: {  	s26 =	sld [smem:$0x7F4]  }
0x187: {  	s23 =	sadd.s32 $0x1, s21;
	p2 =	seq.s32 s30, $0x1;
	s28 =	simm.s32 @!p1 $0x7  }
0x188: {  	p2 =	seq.s32 @!p2 s22, $0x2;
	s28 =	simm.s32 @p1 $0x8;
	p1 =	seq.s32 s23, $0x400;
	(v2sf) =	vpush v5, $0x0  }
.Ltmp7:
0x189: {  	p6 =	por @!p0 !p2, !p3;
	p2 =	seq.s32 s26, $0x1;
	(pc) =	sbr.rel @p1 .LBB2_14-.Ltmp7, $4  }
0x18a: {  	p3 =	por @!p0 !p2, p3;
	p2 =	por $0x1, $0x1  }
0x18b: {  	s26 =	simm.s32 @!p2 $0x0  }
0x18c: {  	s26 =	simm.s32 @p2 $0x1  }
0x18d: {  	s19 =	sadd.s32 $0x80, s19;
	s25 =	sadd.s32 $0xA800, s25;
	[smem:$0x7F6] =	sst s26  }
.LBB2_15:
0x18e: {  	_ =	sdelay $0xb  }
0x18f: {  	s31 =	sld [smem:$0x7F0]  }
0x190: {  	p1 =	por @!p4 p6, p5;
	p2 =	por @!p4 p3, p5;
	p3 =	por @!p4 !p3, p5  }
0x191: {  	s29 =	smov.u32 s23;
	p2 =	por p2, p4;
	s30 =	spop (v2sf)  }
0x192: {  	s26 =	simm.s32 @!p2 $0x5;
	p2 =	seq.s32 s31, $0x1;
	s30 =	sshll.u32 s30, $0x4  }
0x193: {  	p1 =	por p1, p4;
	s24 =	smov.u32 @p2 s20;
	s20 =	sand.u32 $0x1FFFFFF0, s30  }
0x194: {  	p3 =	por !p3, p4;
	s31 =	sld [smem:$0x7F7];
	s20 =	sadd.s32 s5, s20  }
0x195: {  	[hbm4b:s20+s4] =	stream.linear.scatter [tilespmem:s25], [sflag:s24], $0x40, $0x38;
	[tilespmem:$0xB800] =	vst v63  }
0x196: {  	v5 =	vmov s21;
	s21 =	simm.s32 @!p1 $0x7;
	p1 =	por @!p4 !p6, p5;
	s25 =	sld [smem:$0x7F8]  }
0x197: {  	s23 =	sadd.s32 $0x1, s23;
	s26 =	simm.s32 @p3 $0x6;
	p1 =	por !p1, p4  }
0x198: {  	s21 =	simm.s32 @p1 $0x8;
	p2 =	seq.s32 s23, $0x400;
	p6 =	seq.s32 s31, $0x1  }
0x199: {  	p1 =	por !p6, p4;
	s20 =	simm.s32 @!p2 $0x0;
	p3 =	seq.s32 s25, $0x1  }
0x19a: {  	s26 =	smov.u32 @p1 s21;
	s20 =	simm.s32 @p2 $0x1;
	p1 =	seq.s32 @!p3 s22, $0x0  }
0x19b: {  	v6 =	vld.idx.msk [tilespmem:v5+s4+$0x0], $0xffff;
	[smem:$0x7EF] =	sst s20;
	p2 =	por !p1, p3;
	p1 =	por p3, p3  }
0x19c: {  	_ =	swait.ge @!p0 [sflag:s26], $0x40;
	s22 =	simm.s32 @!p1 $0x0  }
0x19d: {  	[sflag:s26] =	ssyncset.done @!p0 $0x0;
	s22 =	simm.s32 @p1 $0x1  }
0x19e: {  	[sflag:s26] =	ssyncadd.s32 @!p0 $0xFFFFFFC0;
	[smem:$0x7F0] =	sst s22  }
0x19f: {  	_ =	swait.ge @!p0 [sflag:s26], $0x40  }
0x1a0: {  	[sflag:s26] =	ssyncset.done @!p0 $0x0;
	(v2sf) =	vpush v6, $0x0  }
0x1a1: {  	[sflag:s26] =	ssyncadd.s32 @!p0 $0xFFFFFFC0  }
0x1a2: {  	_ =	swait.ge @!p0 [sflag:s26], $0x40  }
0x1a3: {  	[sflag:s26] =	ssyncset.done @!p0 $0x0  }
0x1a4: {  	[sflag:s26] =	ssyncadd.s32 @!p0 $0xFFFFFFC0  }
0x1a5: {  	_ =	swait.ge @!p0 [sflag:s26], $0x40  }
0x1a6: {  	[sflag:s26] =	ssyncset.done @!p0 $0x0  }
0x1a7: {  	[sflag:s26] =	ssyncadd.s32 @!p0 $0xFFFFFFC0  }
0x1a8: {  	_ =	swait.ge @!p0 [sflag:s26], $0x40  }
0x1a9: {  	[sflag:s26] =	ssyncset.done @!p0 $0x0  }
0x1aa: {  	[sflag:s26] =	ssyncadd.s32 @!p0 $0xFFFFFFC0  }
0x1ab: {  	_ =	swait.ge @!p0 [sflag:s26], $0x40  }
0x1ac: {  	[sflag:s26] =	ssyncset.done @!p0 $0x0  }
0x1ad: {  	[sflag:s26] =	ssyncadd.s32 @!p0 $0xFFFFFFC0  }
0x1ae: {  	_ =	swait.ge @!p0 [sflag:s26], $0x40  }
0x1af: {  	s21 =	smov.u32 s29;
	s29 =	spop (v2sf)  }
0x1b0: {  	s22 =	sadd.s32 $0xFFF0BE00, s29  }
0x1b1: {  	[sflag:s26] =	ssyncset.done @!p0 $0x0;
	v6 =	vadd.s32 s22, v0  }
0x1b2: {  	[sflag:s26] =	ssyncadd.s32 @!p0 $0xFFFFFFC0  }
0x1b3: {  	_ =	swait.ge @!p0 [sflag:s26], $0x40  }
0x1b4: {  	[sflag:s26] =	ssyncset.done @!p0 $0x0  }
0x1b5: {  	[sflag:s26] =	ssyncadd.s32 @!p0 $0xFFFFFFC0  }
0x1b6: {  	v6 =	vld.idx.msk [tilespmem:v6+s12+$0x0], $0xffff  }
0x1b7: {  	v7 =	vadd.s32 s22, v2;
	_ =	sdelay $0x2  }
0x1b8: {  	s30 =	sand.u32 $0xF80, s19  }
0x1b9: {  	[tilespmem:s30+$0xA800] =	vst v6  }
0x1ba: {  	v6 =	vld.idx.msk [tilespmem:v7+s12+$0x0], $0xffff  }
0x1bb: {  	v7 =	vadd.s32 s22, v3;
	_ =	sdelay $0x3  }
0x1bc: {  	[tilespmem:s30+$0xA810] =	vst v6  }
0x1bd: {  	p4 =	slt.u32 s21, $0x20;
	v6 =	vld.idx.msk [tilespmem:v7+s12+$0x0], $0xffff;
	v7 =	vadd.s32 s22, v4;
	s22 =	sand.u32 $0x7, s21  }
0x1be: {  	s31 =	sshrl.u32 s21, $0x3;
	p5 =	sne.s32 @!p4 s22, $0x0  }
0x1bf: {  	s22 =	sand.u32 $0x3, s31;
	p1 =	por p5, p4  }
0x1c0: {  	s24 =	simm.s32 $0x5;
	p3 =	sgt.s32 @!p1 s22, $0x1  }
0x1c1: {  	s24 =	simm.s32 @p2 $0x6;
	p2 =	por @!p4 p3, p5  }
0x1c2: {  	s26 =	simm.s32 @!p2 $0x0  }
0x1c3: {  	p0 =	por @!p4 !p3, p5;
	[tilespmem:s30+$0xA820] =	vst v6;
	s26 =	simm.s32 @p2 $0x1  }
0x1c4: {  	v6 =	vld.idx.msk [tilespmem:v7+s12+$0x0], $0xffff;
	[smem:$0x7ED] =	sst s26;
	s26 =	simm.s32 @!p0 $0x0  }
0x1c5: {  	s26 =	simm.s32 @p0 $0x1;
	p0 =	por p0, p4  }
0x1c6: {  	[smem:$0x7F7] =	sst s26;
	s26 =	simm.s32 @!p0 $0x0  }
0x1c7: {  	s29 =	sld [smem:$0x7ED];
	s26 =	simm.s32 @p0 $0x1  }
0x1c8: {  	p6 =	sgt.s32 s22, $0x1;
	[smem:$0x7EE] =	sst s26  }
0x1c9: {  	s25 =	sadd.s32 $0xA800, s30;
	p2 =	seq.s32 @p6 s22, $0x2;
	[tilespmem:s30+$0xA830] =	vst v6;
	s30 =	sld [smem:$0x7EE]  }
0x1ca: {  	s31 =	sld [smem:$0x7EF];
	p2 =	por !p2, !p6  }
0x1cb: {  	p0 =	por p1, p1;
	p1 =	seq.s32 s29, $0x1;
	s26 =	simm.s32 @!p6 $0x0  }
0x1cc: {  	p1 =	por p1, p4;
	s26 =	simm.s32 @p6 $0x1;
	p6 =	seq.s32 s30, $0x1  }
0x1cd: {  	p1 =	seq.s32 @!p1 s22, $0x0;
	p6 =	seq.s32 @!p6 s22, $0x2  }
0x1ce: {  	v5 =	vld.idx.msk [tilespmem:v5+s10+$0x0], $0xffff;
	p6 =	por @!p0 !p6, !p3;
	p3 =	por @!p0 !p1, p3;
	p1 =	seq.s32 s31, $0x1  }
.Ltmp8:
0x1cf: {  	_ = 	snop;
	(pc) =	sbr.rel @!p1 .LBB2_15-.Ltmp8, $3  }
0x1d0: {  	_ =	sdelay $0x1  }
0x1d1: {  	s20 =	smov.u32 s28;
	s28 =	simm.s32 @!p2 $0x7  }
0x1d2: {  	s19 =	sadd.s32 $0x80, s19;
	s28 =	simm.s32 @p2 $0x8;
	[smem:$0x7F8] =	sst s26;
	(v2sf) =	vpush v5, $0x0  }
.Ltmp9:
0x1d3: {  	(pc) =	sbr.rel .LBB2_17-.Ltmp9, $4  }
0x1d4: {  	_ = 	snop  }
0x1d5: {  	s23 =	simm.s32 @!p6 $0x0  }
0x1d6: {  	s26 =	smov.u32 s20;
	s23 =	simm.s32 @p6 $0x1  }
0x1d7: {  	s20 =	smov.u32 s28;
	[smem:$0x7F5] =	sst s23;
	s23 =	smov.u32 s21  }
.LBB2_8:
.Ltmp10:
0x1d8: {  	(pc) =	sbr.rel .LBB2_9-.Ltmp10, $3  }
0x1d9: {  	_ =	sdelay $0x1  }
0x1da: {  	p0 =	sgt.s32 s19, s20;
	s21 =	smov.u32 s20  }
0x1db: {  	s22 =	simm.s32 $0x0;
	s21 =	smov.u32 @p0 s19  }
.LBB2_12:
0x1dc: {  	p0 =	seq.s32 s19, s21  }
.Ltmp11:
0x1dd: {  	_ = 	snop;
	(pc) =	sbr.rel @p0 .LBB2_2-.Ltmp11, $3  }
0x1de: {  	_ =	sdelay $0x1  }
0x1df: {  	s23 =	sadd.s32 $0x1, s19  }
0x1e0: {  	s19 =	smov.u32 s23  }
.LBB2_9:
0x1e1: {  	s23 =	sand.u32 $0x3, s19  }
0x1e2: {  	s24 =	sadd.s32 $0x3, s19;
	p2 =	sgt.s32 s23, $0x1  }
0x1e3: {  	s26 =	simm.s32 $0x1;
	p0 =	seq.s32 @p2 s23, $0x2;
	p3 =	seq.s32 @!p2 s23, $0x0  }
0x1e4: {  	p1 =	por !p0, !p2;
	p0 =	sgt.s32 s24, s20;
	p3 =	por !p3, p2  }
0x1e5: {  	s25 =	simm.s32 @!p1 $0x3;
	s28 =	sand.u32 @!p0 $0x3, s24;
	s26 =	simm.s32 @p3 $0x2  }
0x1e6: {  	s24 =	sshll.u32 @!p0 s24, $0x7;
	s25 =	simm.s32 @p1 $0x4;
	p1 =	sgt.s32 @!p0 s28, $0x1  }
0x1e7: {  	s24 =	sand.u32 @!p0 $0x1FFFFF80, s24;
	s26 =	smov.u32 @p2 s25;
	p2 =	por !p1, p0  }
0x1e8: {  	s24 =	sadd.s32 @!p0 s1, s24;
	_ =	swait.ge [sflag:s26], $0x2000;
	p2 =	seq.s32 @!p2 s28, $0x2  }
0x1e9: {  	[sflag:s26] =	ssyncset.done $0x0;
	p3 =	por @!p0 !p2, !p1;
	p2 =	por @!p0 p2, !p1  }
0x1ea: {  	[sflag:s26] =	ssyncadd.s32 $0xFFFFE000;
	p3 =	por p3, p0;
	p2 =	por p2, p0  }
0x1eb: {  	s25 =	simm.s32 @!p3 $0x400;
	s26 =	simm.s32 @!p3 $0x7A1400;
	s29 =	simm.s32 @!p3 $0x6800  }
0x1ec: {  	[tilespmem:s29], [sflag:$0x3] =	stream.strided.gather @!p3 [hbm4b:s24+s25], $0x2000, s26, s25, $0x38;
	[tilespmem:$0xB800] =	vst v63  }
0x1ed: {  	s25 =	simm.s32 @!p2 $0x400;
	s26 =	simm.s32 @!p2 $0x7A1400;
	s29 =	simm.s32 @!p2 $0x8800  }
0x1ee: {  	[tilespmem:s29], [sflag:$0x4] =	stream.strided.gather @!p2 [hbm4b:s24+s25], $0x2000, s26, s25, $0x38;
	[tilespmem:$0xB800] =	vst v63  }
0x1ef: {  	p2 =	por p1, p0  }
0x1f0: {  	s23 =	sshll.u32 s23, $0xD;
	p2 =	seq.s32 @!p2 s28, $0x0  }
0x1f1: {  	v5 =	vor.u32 s23, v0;
	p3 =	por @!p0 !p2, p1;
	p1 =	por @!p0 p2, p1  }
0x1f2: {  	v6 =	vor.u32 s23, v2;
	v7 =	vor.u32 s23, v3;
	v8 =	vor.u32 s23, v4;
	s23 =	sshll.u32 s22, $0x7;
	p3 =	por p3, p0;
	p0 =	por p1, p0  }
0x1f3: {  	s25 =	simm.s32 @!p3 $0x400;
	s26 =	simm.s32 @!p3 $0x7A1400;
	s28 =	simm.s32 @!p3 $0x2800  }
0x1f4: {  	[tilespmem:s28], [sflag:$0x1] =	stream.strided.gather @!p3 [hbm4b:s24+s25], $0x2000, s26, s25, $0x38;
	[tilespmem:$0xB800] =	vst v63  }
0x1f5: {  	s25 =	simm.s32 @!p0 $0x400;
	s26 =	simm.s32 @!p0 $0x7A1400;
	s28 =	simm.s32 @!p0 $0x4800  }
0x1f6: {  	[tilespmem:s28], [sflag:$0x2] =	stream.strided.gather @!p0 [hbm4b:s24+s25], $0x2000, s26, s25, $0x38;
	[tilespmem:$0xB800] =	vst v63  }
.LBB2_10:
0x1f7: {  	p0 =	slt.s32 s22, $0x3FF;
	s24 =	smov.u32 s22  }
0x1f8: {  	s24 =	simm.s32 @!p0 $0x3FF  }
0x1f9: {  	v9 =	vmov s24;
	_ =	sdelay $0x4  }
0x1fa: {  	v9 =	vld.idx.msk [tilespmem:v9+s4+$0x0], $0xffff;
	_ =	sdelay $0x4  }
0x1fb: {  	(v2sf) =	vpush v9, $0x0;
	_ =	sdelay $0xe  }
0x1fc: {  	p0 =	sgt.s32 s22, $0x3FF;
	s24 =	spop (v2sf)  }
0x1fd: {  	p1 =	sgt.s32 @!p0 s24, $0xF41FF  }
0x1fe: {  	s24 =	sshra.s32 s24, $0x7;
	p0 =	por p0, p1  }
0x1ff: {  	p1 =	sne.s32 @!p0 s24, s19  }
0x200: {  	p0 =	por p0, p1  }
.Ltmp12:
0x201: {  	_ = 	snop;
	(pc) =	sbr.rel @p0 .LBB2_12-.Ltmp12, $1  }
0x202: {  	_ =	sdelay $0x3  }
0x203: {  	v9 =	vmov s22;
	_ =	sdelay $0x4  }
0x204: {  	v10 =	vld.idx.msk [tilespmem:v9+s4+$0x0], $0xffff;
	_ =	sdelay $0x4  }
0x205: {  	(v2sf) =	vpush v10, $0x0  }
0x206: {  	s24 =	sand.u32 $0x7, s22;
	p1 =	slt.s32 s22, $0x20  }
0x207: {  	s25 =	sshrl.u32 s22, $0x3;
	p3 =	sne.s32 @!p1 s24, $0x0  }
0x208: {  	s24 =	sand.u32 $0x3, s25;
	p0 =	por p3, p1  }
0x209: {  	p4 =	sgt.s32 @!p0 s24, $0x1  }
0x20a: {  	p2 =	por @!p1 !p4, p3  }
0x20b: {  	p5 =	por p2, p1  }
0x20c: {  	p6 =	por @!p1 p4, p3;
	s25 =	simm.s32 @!p2 $0x0;
	p5 =	seq.s32 @!p5 s24, $0x2  }
0x20d: {  	p6 =	por p6, p1;
	s25 =	simm.s32 @p2 $0x1;
	p5 =	por @!p0 !p5, !p4  }
0x20e: {  	p6 =	seq.s32 @!p6 s24, $0x0;
	[smem:$0x7FD] =	sst s25;
	p2 =	por @!p1 p5, p3  }
0x20f: {  	p4 =	por @!p0 !p6, p4;
	s28 =	sld [smem:$0x7FD];
	p2 =	por p2, p1  }
0x210: {  	p5 =	por @!p1 !p5, p3;
	s25 =	simm.s32 @!p2 $0x7;
	p2 =	por @!p1 p4, p3  }
0x211: {  	p3 =	por @!p1 !p4, p3;
	p4 =	por !p5, p1;
	p2 =	por p2, p1  }
0x212: {  	p6 =	seq.s32 s28, $0x1;
	s26 =	simm.s32 @!p2 $0x5;
	p2 =	por !p3, p1  }
0x213: {  	s25 =	simm.s32 @p4 $0x8;
	p1 =	por !p6, p1;
	s26 =	simm.s32 @p2 $0x6  }
0x214: {  	s26 =	smov.u32 @p1 s25;
	s31 =	spop (v2sf)  }
0x215: {  	_ =	swait.ge @!p0 [sflag:s26], $0x40  }
0x216: {  	[sflag:s26] =	ssyncset.done @!p0 $0x0  }
0x217: {  	[sflag:s26] =	ssyncadd.s32 @!p0 $0xFFFFFFC0  }
0x218: {  	_ =	swait.ge @!p0 [sflag:s26], $0x40  }
0x219: {  	[sflag:s26] =	ssyncset.done @!p0 $0x0  }
0x21a: {  	[sflag:s26] =	ssyncadd.s32 @!p0 $0xFFFFFFC0  }
0x21b: {  	_ =	swait.ge @!p0 [sflag:s26], $0x40  }
0x21c: {  	[sflag:s26] =	ssyncset.done @!p0 $0x0  }
0x21d: {  	[sflag:s26] =	ssyncadd.s32 @!p0 $0xFFFFFFC0  }
0x21e: {  	_ =	swait.ge @!p0 [sflag:s26], $0x40  }
0x21f: {  	[sflag:s26] =	ssyncset.done @!p0 $0x0  }
0x220: {  	[sflag:s26] =	ssyncadd.s32 @!p0 $0xFFFFFFC0  }
0x221: {  	_ =	swait.ge @!p0 [sflag:s26], $0x40  }
0x222: {  	[sflag:s26] =	ssyncset.done @!p0 $0x0  }
0x223: {  	[sflag:s26] =	ssyncadd.s32 @!p0 $0xFFFFFFC0  }
0x224: {  	_ =	swait.ge @!p0 [sflag:s26], $0x40  }
0x225: {  	[sflag:s26] =	ssyncset.done @!p0 $0x0  }
0x226: {  	[sflag:s26] =	ssyncadd.s32 @!p0 $0xFFFFFFC0  }
0x227: {  	s29 =	sand.u32 $0x7F, s31;
	_ =	swait.ge @!p0 [sflag:s26], $0x40  }
0x228: {  	v10 =	vor.u32 s29, v5;
	[sflag:s26] =	ssyncset.done @!p0 $0x0  }
0x229: {  	[sflag:s26] =	ssyncadd.s32 @!p0 $0xFFFFFFC0  }
0x22a: {  	_ =	swait.ge @!p0 [sflag:s26], $0x40  }
0x22b: {  	[sflag:s26] =	ssyncset.done @!p0 $0x0  }
0x22c: {  	[sflag:s26] =	ssyncadd.s32 @!p0 $0xFFFFFFC0  }
0x22d: {  	v10 =	vld.idx.msk [tilespmem:v10+s13+$0x0], $0xffff  }
0x22e: {  	v11 =	vor.u32 s29, v6;
	_ =	sdelay $0x2  }
0x22f: {  	s30 =	sand.u32 $0xF80, s23  }
0x230: {  	[tilespmem:s30+$0xA800] =	vst v10  }
0x231: {  	v10 =	vld.idx.msk [tilespmem:v11+s13+$0x0], $0xffff  }
0x232: {  	v11 =	vor.u32 s29, v7;
	_ =	sdelay $0x3  }
0x233: {  	[tilespmem:s30+$0xA810] =	vst v10  }
0x234: {  	v10 =	vld.idx.msk [tilespmem:v11+s13+$0x0], $0xffff  }
0x235: {  	v11 =	vor.u32 s29, v8;
	_ =	sdelay $0x3  }
0x236: {  	[tilespmem:s30+$0xA820] =	vst v10  }
0x237: {  	v10 =	vld.idx.msk [tilespmem:v11+s13+$0x0], $0xffff;
	_ =	sdelay $0x4  }
0x238: {  	[tilespmem:s30+$0xA830] =	vst v10  }
0x239: {  	v9 =	vld.idx.msk [tilespmem:v9+s10+$0x0], $0xffff;
	_ =	sdelay $0x4  }
0x23a: {  	(v2sf) =	vpush v9, $0x0;
	_ =	sdelay $0xc  }
0x23b: {  	s22 =	sadd.s32 $0x1, s22;
	s23 =	sadd.s32 $0x80, s23;
	p0 =	sgt.s32 s24, $0x1  }
0x23c: {  	s28 =	simm.s32 $0x5;
	p1 =	seq.s32 @p0 s24, $0x2;
	p2 =	seq.s32 @!p0 s24, $0x0  }
.Ltmp13:
0x23d: {  	p1 =	por !p1, !p0;
	s31 =	spop (v2sf);
	(pc) =	sbr.rel .LBB2_10-.Ltmp13, $4  }
0x23e: {  	p2 =	por !p2, p0;
	s25 =	simm.s32 @!p1 $0x7;
	s24 =	sshll.u32 s31, $0x4  }
0x23f: {  	s28 =	simm.s32 @p2 $0x6;
	s25 =	simm.s32 @p1 $0x8;
	s24 =	sand.u32 $0x1FFFFFF0, s24  }
0x240: {  	s26 =	sadd.s32 $0xA800, s30;
	s28 =	smov.u32 @p0 s25;
	s24 =	sadd.s32 s5, s24  }
0x241: {  	[hbm4b:s24+s4] =	stream.linear.scatter [tilespmem:s26], [sflag:s28], $0x40, $0x38;
	[tilespmem:$0xB800] =	vst v63  }
.LBB2_14:
.Ltmp14:
0x242: {  	(pc) =	sbr.rel .LBB2_17-.Ltmp14, $4  }
0x243: {  	_ = 	snop  }
0x244: {  	s23 =	simm.s32 @!p6 $0x0  }
0x245: {  	s26 =	smov.u32 s20;
	s23 =	simm.s32 @p6 $0x1  }
0x246: {  	s20 =	smov.u32 s28;
	[smem:$0x7F5] =	sst s23;
	s23 =	smov.u32 s21  }
.LBB2_19:
0x247: {  	_ =	sfence.sel $0x180000  }
0x248: {  	[bflag:$0x0] =	sbarrier.arrive $0xFFFF  }
0x249: {  	p0 =	sne.s32 s2, $0x0;
	_ =	strace $0x90000047  }
0x24a: {  	s0 =	sadd.s32 @!p0 $0x100000, s0;
	[bflag:$0x2] =	sbarrier.arrive $0xFFFF  }
0x24b: {  	[sflag:s0] =	ssyncadd.tile.s32 @!p0 $0x1;
	_ =	shalt  }
.Lfunc_end2:
_tile_overlayer_lowered:
.L_overlay_start_2:
0x24c: {  	(tag) =	ssettag $0x2  }
0x24d: {  	s0 =	rddreg [dreg:$0x0];
	s2 =	stileid.u32  }
0x24e: {  	s1 =	rddreg [dreg:$0x1];
	p0 =	sne.s32 s2, $0x0  }
0x24f: {  	s3 =	rddreg [dreg:$0x2];
	[bflag:$0x3] =	sbarrier.arrive $0xFFFF;
	s2 =	simm.s32 @!p0 $0x1C09  }
0x250: {  	[timem:s3], [sflag:s2] =	dma.local @!p0 [hbm:s0], s1  }
0x251: {  	s0 =	simm.s32 @!p0 $0x9  }
0x252: {  	_ =	swait.ge @!p0 [sflag:s0], s1  }
0x253: {  	s1 =	ssub.s32 @!p0 $0x0, s1;
	[sflag:s0] =	ssyncset.done @!p0 $0x0  }
0x254: {  	[sflag:s0] =	ssyncadd.s32 @!p0 s1  }
0x255: {  	[bflag:$0x3] =	sbarrier.arrive $0xFFFF  }
0x256: {  	_ =	shalt  }

// kernel: kernel.7.cloned.1.call-start
scs
__scs_entry_jumppad:
0x0: {  	(pc) =	sbr.rel $0x88, $3  }
0x1: {  	(tag) =	ssettag $0x0;
	lr =	simm.s32 $0x1  }
0x2: {  	[smem:$0x3F9F] =	sst lr;
	_ =	strace $0xD0000000  }
0x3: {  	_ = 	snop  }
0x4: {  	_ = 	snop  }
0x5: {  	_ = 	snop  }
0x6: {  	_ = 	snop  }
0x7: {  	_ = 	snop  }
__scs_overlays_trampoline_lowered:
0x8: {  	[smem:$0x3FAE] =	sst s0  }
0x9: {  	[smem:$0x3FAF] =	sst s1  }
0xa: {  	[smem:$0x3FB0] =	sst s2  }
0xb: {  	[smem:$0x3FB1] =	sst s3  }
0xc: {  	[smem:$0x3FB2] =	sst s4  }
0xd: {  	[smem:$0x3FB3] =	sst s5  }
0xe: {  	[smem:$0x3FB4] =	sst s6  }
0xf: {  	[smem:$0x3FB5] =	sst s7  }
0x10: {  	[smem:$0x3FB6] =	sst s8  }
0x11: {  	[smem:$0x3FB7] =	sst s9;
	s0 =	simm.s32 @!p0 $0x0  }
0x12: {  	s1 =	sld [smem:$0x3F9D];
	s0 =	simm.s32 @p0 $0x1  }
0x13: {  	[smem:$0x3FB8] =	sst s0;
	s0 =	simm.s32 @!p1 $0x0  }
0x14: {  	s2 =	sld [smem:$0x3F9C];
	s0 =	simm.s32 @p1 $0x1  }
0x15: {  	[smem:$0x3FB9] =	sst s0;
	s0 =	simm.s32 @!p2 $0x0  }
0x16: {  	s3 =	sld [smem:$0x3FDB];
	s0 =	simm.s32 @p2 $0x1  }
0x17: {  	s4 =	simm.s32 $0x1BF5;
	[smem:$0x3FBB] =	sst s0  }
0x18: {  	s0 =	sld [smem:$0x3F9E];
	_ =	swait.ge [sflag:s4], $0x0  }
0x19: {  	s7 =	sld [smem:$0x3F9F]  }
0x1a: {  	s8 =	sadd.s32 $0xFFFFE003, lr  }
0x1b: {  	s9 =	sadd.s32 $0xFFFFFEF7, lr;
	s5 =	simm.s32 $0xFFFFFFFF;
	p2 =	slt.u32 s8, $0xFFFFF086  }
0x1c: {  	p1 =	slt.u32 s9, $0xF7A;
	s5 =	simm.s32 @!p2 $0x0  }
0x1d: {  	s5 =	simm.s32 @p1 $0x1;
	p0 =	seq.s32 s7, s2  }
0x1e: {  	s7 =	smul.u32 @!p0 $0xF7A, s2;
	p2 =	seq.s32 @!p0 s5, $0x0  }
0x1f: {  	s9 =	smul.u32 $0xF7A, s1;
	s8 =	simm.s32 @!p0 $0x1BF5;
	p2 =	por !p2, p0  }
0x20: {  	[sflag:s8] =	ssyncset.s32 @!p0 $0xFFFFF086;
	s6 =	sadd.s32 @!p0 s3, s7;
	s7 =	simm.s32 @!p0 $0x108  }
0x21: {  	s3 =	sadd.s32 s3, s9;
	s6 =	sadd.s32 @!p0 $0x88, s6;
	s7 =	simm.s32 @p2 $0x1082  }
0x22: {  	[simem:s7], [sflag:s8] =	dma.local @!p0 [hbm:s6], $0xF7A  }
0x23: {  	s9 =	sor.u32 $0xD0000000, s2;
	s6 =	simm.s32 $0x108;
	_ =	swait.ge @!p0 [sflag:s8], $0x0  }
0x24: {  	s3 =	sadd.s32 $0x88, s3;
	s6 =	simm.s32 @!p1 $0x1082;
	[sflag:s4] =	ssyncset.s32 $0xFFFFF086  }
0x25: {  	[simem:s6], [sflag:s4] =	dma.local [hbm:s3], $0xF7A  }
0x26: {  	[smem:$0x3F9F] =	sst s1;
	(tag) =	ssettag s2;
	_ =	strace s9  }
0x27: {  	s1 =	sld [smem:$0x3FAF]  }
0x28: {  	s2 =	sld [smem:$0x3FB0]  }
0x29: {  	s4 =	sld [smem:$0x3FB2]  }
0x2a: {  	p0 =	seq.s32 s5, $0x0;
	s5 =	sld [smem:$0x3FB3]  }
0x2b: {  	s6 =	sld [smem:$0x3FB4]  }
0x2c: {  	s7 =	sld [smem:$0x3FB5]  }
0x2d: {  	s3 =	simm.s32 $0x108;
	s8 =	sld [smem:$0x3FB6]  }
0x2e: {  	s3 =	simm.s32 @!p0 $0x1082;
	s9 =	sld [smem:$0x3FB7]  }
0x2f: {  	lr =	sadd.s32 s0, s3;
	s0 =	sld [smem:$0x3FAE]  }
0x30: {  	s3 =	sld [smem:$0x3FB1]  }
0x31: {  	[smem:$0x3FBA] =	sst s10  }
0x32: {  	s10 =	sld [smem:$0x3FB8];
	_ =	sdelay $0x3  }
0x33: {  	p0 =	seq.s32 s10, $0x1;
	s10 =	sld [smem:$0x3FBA];
	_ =	sdelay $0x3  }
0x34: {  	[smem:$0x3FBA] =	sst s10  }
0x35: {  	s10 =	sld [smem:$0x3FB9];
	_ =	sdelay $0x3  }
0x36: {  	p1 =	seq.s32 s10, $0x1;
	s10 =	sld [smem:$0x3FBA];
	_ =	sdelay $0x3  }
0x37: {  	[smem:$0x3FBA] =	sst s10  }
0x38: {  	s10 =	sld [smem:$0x3FBB]  }
0x39: {  	_ = 	snop;
	(pc) =	sbr.ind lr, $3  }
0x3a: {  	_ = 	snop  }
0x3b: {  	_ = 	snop  }
0x3c: {  	p2 =	seq.s32 s10, $0x1;
	s10 =	sld [smem:$0x3FBA]  }
0x3d: {  	_ =	shalt  }
0x3e: {  	_ =	shalt  }
0x3f: {  	_ =	shalt  }
0x40: {  	_ =	shalt  }
0x41: {  	_ =	shalt  }
0x42: {  	_ =	shalt  }
0x43: {  	_ =	shalt  }
0x44: {  	_ =	shalt  }
0x45: {  	_ =	shalt  }
0x46: {  	_ =	shalt  }
0x47: {  	_ =	shalt  }
0x48: {  	_ =	shalt  }
0x49: {  	_ =	shalt  }
0x4a: {  	_ =	shalt  }
0x4b: {  	_ =	shalt  }
0x4c: {  	_ =	shalt  }
0x4d: {  	_ =	shalt  }
0x4e: {  	_ =	shalt  }
0x4f: {  	_ =	shalt  }
0x50: {  	_ =	shalt  }
0x51: {  	_ =	shalt  }
0x52: {  	_ =	shalt  }
0x53: {  	_ =	shalt  }
0x54: {  	_ =	shalt  }
0x55: {  	_ =	shalt  }
0x56: {  	_ =	shalt  }
0x57: {  	_ =	shalt  }
0x58: {  	_ =	shalt  }
0x59: {  	_ =	shalt  }
0x5a: {  	_ =	shalt  }
0x5b: {  	_ =	shalt  }
0x5c: {  	_ =	shalt  }
0x5d: {  	_ =	shalt  }
0x5e: {  	_ =	shalt  }
0x5f: {  	_ =	shalt  }
0x60: {  	_ =	shalt  }
0x61: {  	_ =	shalt  }
0x62: {  	_ =	shalt  }
0x63: {  	_ =	shalt  }
0x64: {  	_ =	shalt  }
0x65: {  	_ =	shalt  }
0x66: {  	_ =	shalt  }
0x67: {  	_ =	shalt  }
0x68: {  	_ =	shalt  }
0x69: {  	_ =	shalt  }
0x6a: {  	_ =	shalt  }
0x6b: {  	_ =	shalt  }
0x6c: {  	_ =	shalt  }
0x6d: {  	_ =	shalt  }
0x6e: {  	_ =	shalt  }
0x6f: {  	_ =	shalt  }
0x70: {  	_ =	shalt  }
0x71: {  	_ =	shalt  }
0x72: {  	_ =	shalt  }
0x73: {  	_ =	shalt  }
0x74: {  	_ =	shalt  }
0x75: {  	_ =	shalt  }
0x76: {  	_ =	shalt  }
0x77: {  	_ =	shalt  }
0x78: {  	_ =	shalt  }
0x79: {  	_ =	shalt  }
0x7a: {  	_ =	shalt  }
0x7b: {  	_ =	shalt  }
0x7c: {  	_ =	shalt  }
0x7d: {  	_ =	shalt  }
0x7e: {  	_ =	shalt  }
0x7f: {  	_ =	shalt  }
0x80: {  	_ =	shalt  }
0x81: {  	_ =	shalt  }
0x82: {  	_ =	shalt  }
0x83: {  	_ =	shalt  }
0x84: {  	_ =	shalt  }
0x85: {  	_ =	shalt  }
0x86: {  	_ =	shalt  }
0x87: {  	_ =	shalt  }
.Lfunc_end0:
.L_simem_size_0:
called_computation.1_lowered:
.L_overlay_start_0:
0x88: {  	s2 =	sld [smem:$0x3FD9]  }
0x89: {  	s3 =	sld [smem:$0x3FFE];
	_ =	sdelay $0x1  }
0x8a: {  	s1 =	srdreg.scid  }
0x8b: {  	s0 =	sand.u32 $0x1, s1  }
0x8c: {  	s17 =	sshll.u32 s0, $0xA;
	s2 =	sadd.s32 s3, s2  }
0x8d: {  	s2 =	sadd.s32 s2, s17  }
0x8e: {  	[smem:$0x3FC6] =	sst s2  }
0x8f: {  	_ = 	snop  }
0x90: {  	s2 =	sld [smem:$0x3FD0];
	(tm) =	ssettm $0x1  }
0x91: {  	s18 =	sld [smem:$0x3FFB];
	_ =	sdelay $0x3  }
0x92: {  	_ =	strace s18  }
0x93: {  	s3 =	sld [smem:$0x3FFC];
	_ =	sdelay $0x3  }
0x94: {  	_ =	strace s3  }
0x95: {  	s3 =	sld [smem:$0x3FFD];
	_ =	sdelay $0x3  }
0x96: {  	_ =	strace s3  }
0x97: {  	_ =	strace $0x8FFFFFFF  }
0x98: {  	s19 =	sld [smem:$0x3FDB];
	_ =	sdelay $0x1  }
0x99: {  	s4 =	simm.s32 $_scs_section_size  }
0x9a: {  	s5 =	simm.s32 $_size__tile_overlayer_lowered;
	s6 =	simm.s32 $_tile_overlayer_lowered  }
0x9b: {  	s22 =	simm.s32 $0x1BFF;
	s21 =	sshll.u32 s6, $0x1;
	s3 =	sadd.s32 s4, s19  }
0x9c: {  	s7 =	simm.s32 $0x0;
	s20 =	sshll.u32 s5, $0x1;
	s5 =	sadd.s32 s21, s3  }
0x9d: {  	[timem:s7], [sflag:s22] =	dma.local [hbm:s5], s20  }
0x9e: {  	_ =	swait.ge [sflag:s22], s20  }
0x9f: {  	s4 =	ssub.s32 $0x0, s20;
	[sflag:s22] =	ssyncset.done $0x0  }
0xa0: {  	[sflag:s22] =	ssyncadd.s32 s4;
	_ =	sdelay $0x1  }
0xa1: {  	s23 =	simm.s32 $0x1B8B  }
0xa2: {  	_ =	swait.ge [sflag:s23], $0x1  }
0xa3: {  	[sflag:s23] =	ssyncset.done $0x0  }
0xa4: {  	s25 =	simm.s32 $0x1B8E;
	s24 =	sld [smem:$0x3FFE];
	[sflag:s23] =	ssyncadd.s32 $0xFFFFFFFF  }
0xa5: {  	s26 =	simm.s32 $execute0_lowered;
	[smem:$0x3FD2] =	sst s25  }
0xa6: {  	s5 =	sshll.u32 s26, $0x1;
	_ =	strace $0x80000049;
	[dreg:$0x1] =	wrdreg $0xFFFFFFFF  }
0xa7: {  	s28 =	simm.s32 $_size_execute0_lowered;
	s3 =	sadd.s32 s3, s5;
	[dreg:$0x0] =	wrdreg $0x0  }
0xa8: {  	s5 =	sshll.u32 s28, $0x1;
	[dreg:$0x2] =	wrdreg s3  }
0xa9: {  	[dreg:$0x3] =	wrdreg s5  }
0xaa: {  	[dreg:$0x4] =	wrdreg $0xC0  }
0xab: {  	_ =	task [dreg:s7], $0x5FFFF  }
0xac: {  	[dreg:$0x1] =	wrdreg $0xFFFFFFFF  }
0xad: {  	[dreg:$0x0] =	wrdreg $0x60  }
0xae: {  	[dreg:$0x2] =	wrdreg s24  }
0xaf: {  	[dreg:$0x3] =	wrdreg s2  }
0xb0: {  	[dreg:$0x4] =	wrdreg $0x9  }
0xb1: {  	_ =	task.clear_ibuf [dreg:s7], $0x5FFFF;
	_ =	strace $0x90000049  }
0xb2: {  	s29 =	simm.s32 $0x9;
	_ =	strace $0x8000004B  }
0xb3: {  	_ =	swait.ge [sflag:s29], $0x1  }
0xb4: {  	[sflag:s29] =	ssyncadd.s32 $0xFFFFFFFF  }
0xb5: {  	_ =	strace $0x9000004B  }
0xb6: {  	_ =	sfence  }
0xb7: {  	s30 =	sld [smem:$0x0];
	_ =	sdelay $0x2  }
0xb8: {  	s31 =	sshll.u32 s1, $0xD;
	s1 =	sshrl.u32 s1, $0x2  }
0xb9: {  	s3 =	sand.u32 $0x4000, s31;
	s1 =	sadd.s32 s1, s30  }
0xba: {  	s0 =	sor.u32 s3, s0;
	s1 =	sshll.u32 s1, $0x11  }
0xbb: {  	s0 =	sor.u32 s1, s0  }
0xbc: {  	s0 =	sadd.s32 $0x8F2B, s0  }
0xbd: {  	[sflag:s0] =	ssyncadd.remote.s32 $0x1  }
0xbe: {  	_ =	sfence.sel $0xFFFF  }
0xbf: {  	[dreg:$0x0] =	wrdreg $0xFFFFFFFF;
	(pc) =	sbr.abs _section_cstart, $3  }
0xc0: {  	[dreg:$0x1] =	wrdreg $0xFFFFFFFF  }
0xc1: {  	_ =	task.clear_ibuf [dreg:s7], $0x2FFFF;
	_ =	strace $0x9FFFFFFF  }
0xc2: {  	(tm) =	ssettm $0x7FFFFFFF  }
0xc3: {  	_ =	shalt  }
tec
execute0_lowered:
.L_overlay_start_1:
0x0: {  	(tag) =	ssettag $0x1  }
0x1: {  	s3 =	rddreg [dreg:$0x0];
	s1 =	srdreg.scid  }
0x2: {  	s0 =	stileid.u32;
	s7 =	rddreg [dreg:$0x1]  }
0x3: {  	s2 =	simm.s32 $0x0;
	s10 =	simm.s32 $0x1;
	s11 =	simm.s32 $0x10000  }
0x4: {  	s12 =	simm.s32 $0x2;
	s13 =	simm.s32 $0x10600;
	s14 =	simm.s32 $0x3  }
0x5: {  	s15 =	simm.s32 $0x0;
	s4 =	sand.u32 $0x1, s1;
	s1 =	rddreg [dreg:$0x2]  }
0x6: {  	s20 =	simm.s32 $0x0;
	s5 =	sshll.u32 s0, $0x1;
	[smem:$0x7FF] =	sst s2  }
0x7: {  	s8 =	sor.u32 s4, s5;
	s4 =	ssub.s32 $0x2, s4;
	_ =	strace $0x8000004A  }
0x8: {  	s5 =	sshll.u32 s8, $0xE;
	s31 =	sshrl.u32 s4, $0x1;
	s8 =	sshll.u32 s8, $0x6  }
0x9: {  	s6 =	sadd.s32 s5, s3;
	s9 =	ssub.s32 s4, s31;
	s7 =	sadd.s32 s7, s8  }
0xa: {  	s3 =	sadd.s32 $0x2000, s6;
	s4 =	sadd.s32 $0x3000, s6;
	s5 =	sadd.s32 $0x4000, s6  }
0xb: {  	vm0 =	vcmask $0x3F3C;
	s6 =	sadd.s32 $0x5000, s6;
	s8 =	smax.u32 s9, $0x1;
	s9 =	simm.s32 $0x8000  }
.LBB2_1:
0xc: {  	[tilespmem:s2], [sflag:$0x1] =	stream.linear.gather [hbm4b:s3+s2], $0x8000, $0x38;
	[tilespmem:$0x10800] =	vst v63  }
0xd: {  	_ = 	snop  }
0xe: {  	[tilespmem:s9], [sflag:$0x2] =	stream.linear.gather [hbm4b:s4+s2], $0x8000, $0x38;
	[tilespmem:$0x10800] =	vst v63  }
0xf: {  	_ =	swait.ge [sflag:s10], $0x8000  }
0x10: {  	[sflag:s10] =	ssyncset.done $0x0  }
0x11: {  	s16 =	simm.s32 $0x100;
	s17 =	simm.s32 $0x0;
	[sflag:s10] =	ssyncadd.s32 $0xFFFF8000  }
.LBB2_2:
0x12: {  	v0 =	vld [tilespmem:s16+$0xFFFFFF00]  }
0x13: {  	v1 =	vld [tilespmem:s16+$0xFFFFFF80]  }
0x14: {  	v2 =	vld [tilespmem:s16+$0xFFFFFF10]  }
0x15: {  	v3 =	vld [tilespmem:s16+$0xFFFFFF90]  }
0x16: {  	v4 =	vld [tilespmem:s16+$0xFFFFFF20]  }
0x17: {  	v5 =	vld [tilespmem:s16+$0xFFFFFFA0]  }
0x18: {  	v7 =	vld [tilespmem:s16+$0xFFFFFF30];
	v6 =	vmul.f32 v1, v0  }
0x19: {  	v8 =	vld [tilespmem:s16+$0xFFFFFFB0]  }
0x1a: {  	v0 =	vmul.f32 v0, v0;
	v9 =	vmul.f32 v3, v2;
	v6 =	vadd.f32 $0.0e+00, v6  }
0x1b: {  	v1 =	vmul.f32 v1, v1;
	v2 =	vmul.f32 v2, v2  }
0x1c: {  	v3 =	vmul.f32 v3, v3;
	v34 =	vmul.f32 v5, v4;
	v6 =	vadd.f32 v9, v6  }
0x1d: {  	v35 =	vmul.f32 v4, v4;
	v37 =	vmul.f32 v5, v5;
	v0 =	vadd.f32 v2, v0  }
0x1e: {  	v38 =	vmul.f32 v8, v7;
	v1 =	vadd.f32 v3, v1;
	v36 =	vadd.f32 v34, v6  }
0x1f: {  	v39 =	vmul.f32 v7, v7;
	v0 =	vadd.f32 v35, v0  }
0x20: {  	v40 =	vmul.f32 v8, v8;
	v1 =	vadd.f32 v37, v1;
	v3 =	vadd.f32 v38, v36  }
0x21: {  	v0 =	vadd.f32 v39, v0  }
0x22: {  	v1 =	vadd.f32 v40, v1;
	(xrf2) =	vadd.scan.msk.f32 $0xffff, v3  }
0x23: {  	(xrf2) =	vadd.scan.msk.f32 $0xffff, v0  }
0x24: {  	(xrf2) =	vadd.scan.msk.f32 $0xffff, v1;
	_ =	sdelay $0x3  }
0x25: {  	v41 =	vmov s17  }
0x26: {  	v42 =	vor.u32 $0x200, v41  }
0x27: {  	v43 =	vor.u32 $0x400, v41;
	_ =	sdelay $0x1  }
0x28: {  	v3, _, _ =	vpop (xrf2)  }
0x29: {  	[tilespmem:v41+s11+$0x0] =	vst.idx.msk vm0, v3;
	v44, _, _ =	vpop (xrf2)  }
0x2a: {  	[tilespmem:v42+s11+$0x0] =	vst.idx.msk vm0, v44;
	v45, _, _ =	vpop (xrf2)  }
0x2b: {  	[tilespmem:v43+s11+$0x0] =	vst.idx.msk vm0, v45  }
0x2c: {  	v0 =	vld [tilespmem:s16+$0x0]  }
0x2d: {  	v1 =	vld [tilespmem:s16+$0x80]  }
0x2e: {  	v2 =	vld [tilespmem:s16+$0x10]  }
0x2f: {  	v3 =	vld [tilespmem:s16+$0x90]  }
0x30: {  	v46 =	vld [tilespmem:s16+$0x20]  }
0x31: {  	v47 =	vld [tilespmem:s16+$0xA0]  }
0x32: {  	v49 =	vld [tilespmem:s16+$0x30];
	v48 =	vmul.f32 v1, v0  }
0x33: {  	v50 =	vld [tilespmem:s16+$0xB0]  }
0x34: {  	v0 =	vmul.f32 v0, v0;
	v51 =	vmul.f32 v3, v2;
	v6 =	vadd.f32 $0.0e+00, v48  }
0x35: {  	v1 =	vmul.f32 v1, v1;
	v2 =	vmul.f32 v2, v2  }
0x36: {  	v3 =	vmul.f32 v3, v3;
	v52 =	vmul.f32 v47, v46;
	v6 =	vadd.f32 v51, v6  }
0x37: {  	v53 =	vmul.f32 v46, v46;
	v55 =	vmul.f32 v47, v47;
	v0 =	vadd.f32 v2, v0  }
0x38: {  	v56 =	vmul.f32 v50, v49;
	v1 =	vadd.f32 v3, v1;
	v54 =	vadd.f32 v52, v6  }
0x39: {  	v57 =	vmul.f32 v49, v49;
	v0 =	vadd.f32 v53, v0  }
0x3a: {  	v58 =	vmul.f32 v50, v50;
	v1 =	vadd.f32 v55, v1;
	v3 =	vadd.f32 v56, v54  }
0x3b: {  	v0 =	vadd.f32 v57, v0  }
0x3c: {  	v1 =	vadd.f32 v58, v1;
	(xrf2) =	vadd.scan.msk.f32 $0xffff, v3  }
0x3d: {  	(xrf2) =	vadd.scan.msk.f32 $0xffff, v0  }
0x3e: {  	(xrf2) =	vadd.scan.msk.f32 $0xffff, v1;
	_ =	sdelay $0x2  }
0x3f: {  	s18 =	sadd.s32 $0x1, s17  }
0x40: {  	v59 =	vmov s18  }
0x41: {  	v60 =	vor.u32 $0x200, v59  }
0x42: {  	p0 =	slt.u32 s17, $0x7E;
	v61 =	vor.u32 $0x400, v59  }
.Ltmp0:
0x43: {  	_ = 	snop;
	(pc) =	sbr.rel @p0 .LBB2_2-.Ltmp0, $4  }
0x44: {  	v3, _, _ =	vpop (xrf2)  }
0x45: {  	v62, _, _ =	vpop (xrf2);
	[tilespmem:v59+s11+$0x0] =	vst.idx.msk vm0, v3  }
0x46: {  	[tilespmem:v60+s11+$0x0] =	vst.idx.msk vm0, v62;
	v63, _, _ =	vpop (xrf2)  }
0x47: {  	s17 =	sadd.s32 $0x2, s17;
	s16 =	sadd.s32 $0x200, s16;
	[tilespmem:v61+s11+$0x0] =	vst.idx.msk vm0, v63  }
0x48: {  	[tilespmem:s2], [sflag:$0x1] =	stream.linear.gather [hbm4b:s5+s2], $0x8000, $0x38;
	[tilespmem:$0x10800] =	vst v63  }
0x49: {  	_ =	swait.ge [sflag:s12], $0x8000  }
0x4a: {  	[sflag:s12] =	ssyncset.done $0x0  }
0x4b: {  	s16 =	simm.s32 $0xFFFFFFFE;
	s17 =	simm.s32 $0x8100;
	[sflag:s12] =	ssyncadd.s32 $0xFFFF8000  }
.LBB2_4:
0x4c: {  	v0 =	vld [tilespmem:s17+$0xFFFFFF00]  }
0x4d: {  	v1 =	vld [tilespmem:s17+$0xFFFFFF80]  }
0x4e: {  	v2 =	vld [tilespmem:s17+$0xFFFFFF10]  }
0x4f: {  	v3 =	vld [tilespmem:s17+$0xFFFFFF90]  }
0x50: {  	v4 =	vld [tilespmem:s17+$0xFFFFFF20]  }
0x51: {  	v5 =	vld [tilespmem:s17+$0xFFFFFFA0]  }
0x52: {  	v7 =	vld [tilespmem:s17+$0xFFFFFF30];
	v6 =	vmul.f32 v1, v0  }
0x53: {  	v8 =	vld [tilespmem:s17+$0xFFFFFFB0]  }
0x54: {  	v0 =	vmul.f32 v0, v0;
	v9 =	vmul.f32 v3, v2;
	v6 =	vadd.f32 $0.0e+00, v6  }
0x55: {  	v1 =	vmul.f32 v1, v1;
	v2 =	vmul.f32 v2, v2  }
0x56: {  	v3 =	vmul.f32 v3, v3;
	v34 =	vmul.f32 v5, v4;
	v6 =	vadd.f32 v9, v6  }
0x57: {  	v35 =	vmul.f32 v4, v4;
	v37 =	vmul.f32 v5, v5;
	v0 =	vadd.f32 v2, v0  }
0x58: {  	v38 =	vmul.f32 v8, v7;
	v1 =	vadd.f32 v3, v1;
	v36 =	vadd.f32 v34, v6  }
0x59: {  	v39 =	vmul.f32 v7, v7;
	v0 =	vadd.f32 v35, v0  }
0x5a: {  	v40 =	vmul.f32 v8, v8;
	v1 =	vadd.f32 v37, v1;
	v3 =	vadd.f32 v38, v36  }
0x5b: {  	v0 =	vadd.f32 v39, v0  }
0x5c: {  	v1 =	vadd.f32 v40, v1;
	(xrf2) =	vadd.scan.msk.f32 $0xffff, v3  }
0x5d: {  	(xrf2) =	vadd.scan.msk.f32 $0xffff, v0  }
0x5e: {  	(xrf2) =	vadd.scan.msk.f32 $0xffff, v1;
	_ =	sdelay $0x2  }
0x5f: {  	s18 =	sadd.s32 $0x82, s16  }
0x60: {  	v41 =	vmov s18  }
0x61: {  	v42 =	vor.u32 $0x280, v41  }
0x62: {  	v43 =	vor.u32 $0x480, v41;
	_ =	sdelay $0x1  }
0x63: {  	v3, _, _ =	vpop (xrf2)  }
0x64: {  	[tilespmem:v41+s11+$0x0] =	vst.idx.msk vm0, v3;
	v44, _, _ =	vpop (xrf2)  }
0x65: {  	[tilespmem:v42+s11+$0x0] =	vst.idx.msk vm0, v44;
	v45, _, _ =	vpop (xrf2)  }
0x66: {  	[tilespmem:v43+s11+$0x0] =	vst.idx.msk vm0, v45  }
0x67: {  	v0 =	vld [tilespmem:s17+$0x0]  }
0x68: {  	v1 =	vld [tilespmem:s17+$0x80]  }
0x69: {  	v2 =	vld [tilespmem:s17+$0x10]  }
0x6a: {  	v3 =	vld [tilespmem:s17+$0x90]  }
0x6b: {  	v46 =	vld [tilespmem:s17+$0x20]  }
0x6c: {  	v47 =	vld [tilespmem:s17+$0xA0]  }
0x6d: {  	v49 =	vld [tilespmem:s17+$0x30];
	v48 =	vmul.f32 v1, v0  }
0x6e: {  	v50 =	vld [tilespmem:s17+$0xB0]  }
0x6f: {  	v0 =	vmul.f32 v0, v0;
	v51 =	vmul.f32 v3, v2;
	v6 =	vadd.f32 $0.0e+00, v48  }
0x70: {  	v1 =	vmul.f32 v1, v1;
	v2 =	vmul.f32 v2, v2  }
0x71: {  	v3 =	vmul.f32 v3, v3;
	v52 =	vmul.f32 v47, v46;
	v6 =	vadd.f32 v51, v6  }
0x72: {  	v53 =	vmul.f32 v46, v46;
	v55 =	vmul.f32 v47, v47;
	v0 =	vadd.f32 v2, v0  }
0x73: {  	v56 =	vmul.f32 v50, v49;
	v1 =	vadd.f32 v3, v1;
	v54 =	vadd.f32 v52, v6  }
0x74: {  	v57 =	vmul.f32 v49, v49;
	v0 =	vadd.f32 v53, v0  }
0x75: {  	v58 =	vmul.f32 v50, v50;
	v1 =	vadd.f32 v55, v1;
	v3 =	vadd.f32 v56, v54  }
0x76: {  	v0 =	vadd.f32 v57, v0  }
0x77: {  	v1 =	vadd.f32 v58, v1;
	(xrf2) =	vadd.scan.msk.f32 $0xffff, v3  }
0x78: {  	(xrf2) =	vadd.scan.msk.f32 $0xffff, v0  }
0x79: {  	(xrf2) =	vadd.scan.msk.f32 $0xffff, v1;
	_ =	sdelay $0x2  }
0x7a: {  	s31 =	sadd.s32 $0x83, s16  }
0x7b: {  	v59 =	vmov s31  }
0x7c: {  	s16 =	sadd.s32 $0x2, s16;
	v60 =	vor.u32 $0x280, v59  }
0x7d: {  	p0 =	slt.u32 s16, $0x7E;
	v61 =	vor.u32 $0x480, v59  }
.Ltmp1:
0x7e: {  	_ = 	snop;
	(pc) =	sbr.rel @p0 .LBB2_4-.Ltmp1, $4  }
0x7f: {  	v3, _, _ =	vpop (xrf2)  }
0x80: {  	v62, _, _ =	vpop (xrf2);
	[tilespmem:v59+s11+$0x0] =	vst.idx.msk vm0, v3  }
0x81: {  	[tilespmem:v60+s11+$0x0] =	vst.idx.msk vm0, v62;
	v63, _, _ =	vpop (xrf2)  }
0x82: {  	s17 =	sadd.s32 $0x200, s17;
	[tilespmem:v61+s11+$0x0] =	vst.idx.msk vm0, v63  }
0x83: {  	[tilespmem:s9], [sflag:$0x2] =	stream.linear.gather [hbm4b:s6+s2], $0x8000, $0x38;
	[tilespmem:$0x10800] =	vst v63  }
0x84: {  	_ =	swait.ge [sflag:s10], $0x8000  }
0x85: {  	[sflag:s10] =	ssyncset.done $0x0  }
0x86: {  	s16 =	simm.s32 $0xFFFFFFFE;
	s17 =	simm.s32 $0x100;
	[sflag:s10] =	ssyncadd.s32 $0xFFFF8000  }
.LBB2_6:
0x87: {  	v0 =	vld [tilespmem:s17+$0xFFFFFF00]  }
0x88: {  	v1 =	vld [tilespmem:s17+$0xFFFFFF80]  }
0x89: {  	v2 =	vld [tilespmem:s17+$0xFFFFFF10]  }
0x8a: {  	v3 =	vld [tilespmem:s17+$0xFFFFFF90]  }
0x8b: {  	v4 =	vld [tilespmem:s17+$0xFFFFFF20]  }
0x8c: {  	v5 =	vld [tilespmem:s17+$0xFFFFFFA0]  }
0x8d: {  	v7 =	vld [tilespmem:s17+$0xFFFFFF30];
	v6 =	vmul.f32 v1, v0  }
0x8e: {  	v8 =	vld [tilespmem:s17+$0xFFFFFFB0]  }
0x8f: {  	v0 =	vmul.f32 v0, v0;
	v9 =	vmul.f32 v3, v2;
	v6 =	vadd.f32 $0.0e+00, v6  }
0x90: {  	v1 =	vmul.f32 v1, v1;
	v2 =	vmul.f32 v2, v2  }
0x91: {  	v3 =	vmul.f32 v3, v3;
	v34 =	vmul.f32 v5, v4;
	v6 =	vadd.f32 v9, v6  }
0x92: {  	v35 =	vmul.f32 v4, v4;
	v37 =	vmul.f32 v5, v5;
	v0 =	vadd.f32 v2, v0  }
0x93: {  	v38 =	vmul.f32 v8, v7;
	v1 =	vadd.f32 v3, v1;
	v36 =	vadd.f32 v34, v6  }
0x94: {  	v39 =	vmul.f32 v7, v7;
	v0 =	vadd.f32 v35, v0  }
0x95: {  	v40 =	vmul.f32 v8, v8;
	v1 =	vadd.f32 v37, v1;
	v3 =	vadd.f32 v38, v36  }
0x96: {  	v0 =	vadd.f32 v39, v0  }
0x97: {  	v1 =	vadd.f32 v40, v1;
	(xrf2) =	vadd.scan.msk.f32 $0xffff, v3  }
0x98: {  	(xrf2) =	vadd.scan.msk.f32 $0xffff, v0  }
0x99: {  	(xrf2) =	vadd.scan.msk.f32 $0xffff, v1;
	_ =	sdelay $0x2  }
0x9a: {  	s18 =	sadd.s32 $0x102, s16  }
0x9b: {  	v41 =	vmov s18  }
0x9c: {  	v42 =	vor.u32 $0x300, v41  }
0x9d: {  	v43 =	vor.u32 $0x500, v41;
	_ =	sdelay $0x1  }
0x9e: {  	v3, _, _ =	vpop (xrf2)  }
0x9f: {  	[tilespmem:v41+s11+$0x0] =	vst.idx.msk vm0, v3;
	v44, _, _ =	vpop (xrf2)  }
0xa0: {  	[tilespmem:v42+s11+$0x0] =	vst.idx.msk vm0, v44;
	v45, _, _ =	vpop (xrf2)  }
0xa1: {  	[tilespmem:v43+s11+$0x0] =	vst.idx.msk vm0, v45  }
0xa2: {  	v0 =	vld [tilespmem:s17+$0x0]  }
0xa3: {  	v1 =	vld [tilespmem:s17+$0x80]  }
0xa4: {  	v2 =	vld [tilespmem:s17+$0x10]  }
0xa5: {  	v3 =	vld [tilespmem:s17+$0x90]  }
0xa6: {  	v46 =	vld [tilespmem:s17+$0x20]  }
0xa7: {  	v47 =	vld [tilespmem:s17+$0xA0]  }
0xa8: {  	v49 =	vld [tilespmem:s17+$0x30];
	v48 =	vmul.f32 v1, v0  }
0xa9: {  	v50 =	vld [tilespmem:s17+$0xB0]  }
0xaa: {  	v0 =	vmul.f32 v0, v0;
	v51 =	vmul.f32 v3, v2;
	v6 =	vadd.f32 $0.0e+00, v48  }
0xab: {  	v1 =	vmul.f32 v1, v1;
	v2 =	vmul.f32 v2, v2  }
0xac: {  	v3 =	vmul.f32 v3, v3;
	v52 =	vmul.f32 v47, v46;
	v6 =	vadd.f32 v51, v6  }
0xad: {  	v53 =	vmul.f32 v46, v46;
	v55 =	vmul.f32 v47, v47;
	v0 =	vadd.f32 v2, v0  }
0xae: {  	v56 =	vmul.f32 v50, v49;
	v1 =	vadd.f32 v3, v1;
	v54 =	vadd.f32 v52, v6  }
0xaf: {  	v57 =	vmul.f32 v49, v49;
	v0 =	vadd.f32 v53, v0  }
0xb0: {  	v58 =	vmul.f32 v50, v50;
	v1 =	vadd.f32 v55, v1;
	v3 =	vadd.f32 v56, v54  }
0xb1: {  	v0 =	vadd.f32 v57, v0  }
0xb2: {  	v1 =	vadd.f32 v58, v1;
	(xrf2) =	vadd.scan.msk.f32 $0xffff, v3  }
0xb3: {  	(xrf2) =	vadd.scan.msk.f32 $0xffff, v0  }
0xb4: {  	(xrf2) =	vadd.scan.msk.f32 $0xffff, v1;
	_ =	sdelay $0x2  }
0xb5: {  	s31 =	sadd.s32 $0x103, s16  }
0xb6: {  	v59 =	vmov s31  }
0xb7: {  	s16 =	sadd.s32 $0x2, s16;
	v60 =	vor.u32 $0x300, v59  }
0xb8: {  	p0 =	slt.u32 s16, $0x7E;
	v61 =	vor.u32 $0x500, v59  }
.Ltmp2:
0xb9: {  	_ = 	snop;
	(pc) =	sbr.rel @p0 .LBB2_6-.Ltmp2, $4  }
0xba: {  	v3, _, _ =	vpop (xrf2)  }
0xbb: {  	v62, _, _ =	vpop (xrf2);
	[tilespmem:v59+s11+$0x0] =	vst.idx.msk vm0, v3  }
0xbc: {  	[tilespmem:v60+s11+$0x0] =	vst.idx.msk vm0, v62;
	v63, _, _ =	vpop (xrf2)  }
0xbd: {  	s17 =	sadd.s32 $0x200, s17;
	[tilespmem:v61+s11+$0x0] =	vst.idx.msk vm0, v63  }
0xbe: {  	_ =	swait.ge [sflag:s12], $0x8000  }
0xbf: {  	[sflag:s12] =	ssyncset.done $0x0  }
0xc0: {  	s18 =	simm.s32 $0xFFFFFFFE;
	s19 =	simm.s32 $0x8100;
	[sflag:s12] =	ssyncadd.s32 $0xFFFF8000  }
.LBB2_8:
0xc1: {  	v0 =	vld [tilespmem:s19+$0xFFFFFF00]  }
0xc2: {  	v1 =	vld [tilespmem:s19+$0xFFFFFF80]  }
0xc3: {  	v2 =	vld [tilespmem:s19+$0xFFFFFF10]  }
0xc4: {  	v3 =	vld [tilespmem:s19+$0xFFFFFF90]  }
0xc5: {  	v4 =	vld [tilespmem:s19+$0xFFFFFF20]  }
0xc6: {  	v5 =	vld [tilespmem:s19+$0xFFFFFFA0]  }
0xc7: {  	v7 =	vld [tilespmem:s19+$0xFFFFFF30];
	v6 =	vmul.f32 v1, v0  }
0xc8: {  	v8 =	vld [tilespmem:s19+$0xFFFFFFB0]  }
0xc9: {  	v0 =	vmul.f32 v0, v0;
	v9 =	vmul.f32 v3, v2;
	v6 =	vadd.f32 $0.0e+00, v6  }
0xca: {  	v1 =	vmul.f32 v1, v1;
	v2 =	vmul.f32 v2, v2  }
0xcb: {  	v3 =	vmul.f32 v3, v3;
	v34 =	vmul.f32 v5, v4;
	v6 =	vadd.f32 v9, v6  }
0xcc: {  	v35 =	vmul.f32 v4, v4;
	v37 =	vmul.f32 v5, v5;
	v0 =	vadd.f32 v2, v0  }
0xcd: {  	v38 =	vmul.f32 v8, v7;
	v1 =	vadd.f32 v3, v1;
	v36 =	vadd.f32 v34, v6  }
0xce: {  	v39 =	vmul.f32 v7, v7;
	v0 =	vadd.f32 v35, v0  }
0xcf: {  	v40 =	vmul.f32 v8, v8;
	v1 =	vadd.f32 v37, v1;
	v3 =	vadd.f32 v38, v36  }
0xd0: {  	v0 =	vadd.f32 v39, v0  }
0xd1: {  	v1 =	vadd.f32 v40, v1;
	(xrf2) =	vadd.scan.msk.f32 $0xffff, v3  }
0xd2: {  	(xrf2) =	vadd.scan.msk.f32 $0xffff, v0  }
0xd3: {  	(xrf2) =	vadd.scan.msk.f32 $0xffff, v1;
	_ =	sdelay $0x2  }
0xd4: {  	s16 =	sadd.s32 $0x182, s18  }
0xd5: {  	v41 =	vmov s16  }
0xd6: {  	v42 =	vor.u32 $0x380, v41  }
0xd7: {  	v43 =	vor.u32 $0x580, v41;
	_ =	sdelay $0x1  }
0xd8: {  	s16 =	simm.s32 $0x10000;
	v3, _, _ =	vpop (xrf2)  }
0xd9: {  	[tilespmem:v41+s16+$0x0] =	vst.idx.msk vm0, v3;
	v44, _, _ =	vpop (xrf2)  }
0xda: {  	[tilespmem:v42+s16+$0x0] =	vst.idx.msk vm0, v44;
	v45, _, _ =	vpop (xrf2)  }
0xdb: {  	[tilespmem:v43+s16+$0x0] =	vst.idx.msk vm0, v45  }
0xdc: {  	v0 =	vld [tilespmem:s19+$0x0]  }
0xdd: {  	v1 =	vld [tilespmem:s19+$0x80]  }
0xde: {  	v2 =	vld [tilespmem:s19+$0x10]  }
0xdf: {  	v3 =	vld [tilespmem:s19+$0x90]  }
0xe0: {  	v46 =	vld [tilespmem:s19+$0x20]  }
0xe1: {  	v47 =	vld [tilespmem:s19+$0xA0]  }
0xe2: {  	v49 =	vld [tilespmem:s19+$0x30];
	v48 =	vmul.f32 v1, v0  }
0xe3: {  	v50 =	vld [tilespmem:s19+$0xB0]  }
0xe4: {  	v0 =	vmul.f32 v0, v0;
	v51 =	vmul.f32 v3, v2;
	v6 =	vadd.f32 $0.0e+00, v48  }
0xe5: {  	v1 =	vmul.f32 v1, v1;
	v2 =	vmul.f32 v2, v2  }
0xe6: {  	v3 =	vmul.f32 v3, v3;
	v52 =	vmul.f32 v47, v46;
	v6 =	vadd.f32 v51, v6  }
0xe7: {  	v53 =	vmul.f32 v46, v46;
	v55 =	vmul.f32 v47, v47;
	v0 =	vadd.f32 v2, v0  }
0xe8: {  	v56 =	vmul.f32 v50, v49;
	v1 =	vadd.f32 v3, v1;
	v54 =	vadd.f32 v52, v6  }
0xe9: {  	v57 =	vmul.f32 v49, v49;
	v0 =	vadd.f32 v53, v0  }
0xea: {  	v58 =	vmul.f32 v50, v50;
	v1 =	vadd.f32 v55, v1;
	v3 =	vadd.f32 v56, v54  }
0xeb: {  	v0 =	vadd.f32 v57, v0  }
0xec: {  	v1 =	vadd.f32 v58, v1;
	(xrf2) =	vadd.scan.msk.f32 $0xffff, v3  }
0xed: {  	(xrf2) =	vadd.scan.msk.f32 $0xffff, v0  }
0xee: {  	(xrf2) =	vadd.scan.msk.f32 $0xffff, v1;
	_ =	sdelay $0x2  }
0xef: {  	s17 =	sadd.s32 $0x183, s18  }
0xf0: {  	v59 =	vmov s17  }
0xf1: {  	s18 =	sadd.s32 $0x2, s18;
	v60 =	vor.u32 $0x380, v59  }
0xf2: {  	p0 =	slt.u32 s18, $0x7E;
	v61 =	vor.u32 $0x580, v59  }
.Ltmp3:
0xf3: {  	_ = 	snop;
	(pc) =	sbr.rel @p0 .LBB2_8-.Ltmp3, $4  }
0xf4: {  	v3, _, _ =	vpop (xrf2)  }
0xf5: {  	v62, _, _ =	vpop (xrf2);
	[tilespmem:v59+s16+$0x0] =	vst.idx.msk vm0, v3  }
0xf6: {  	[tilespmem:v60+s16+$0x0] =	vst.idx.msk vm0, v62;
	v63, _, _ =	vpop (xrf2)  }
0xf7: {  	s17 =	simm.s32 $0x10600;
	s19 =	sadd.s32 $0x200, s19;
	[tilespmem:v61+s16+$0x0] =	vst.idx.msk vm0, v63  }
0xf8: {  	s18 =	sand.u32 $0x1F0, s20  }
0xf9: {  	v0 =	vld [tilespmem:s18+$0x10200];
	_ =	sdelay $0x1  }
0xfa: {  	v1 =	vld [tilespmem:s18+$0x10400];
	_ =	sdelay $0x2  }
0xfb: {  	v2 =	vshra.s32 v0, $0x1;
	v0 =	vmul.f32 $5.000000000e-01, v0  }
0xfc: {  	v2 =	vsub.s32 $0x5F3759DF, v2  }
0xfd: {  	v4 =	vshra.s32 v1, $0x1;
	v1 =	vmul.f32 $5.000000000e-01, v1;
	v3 =	vmul.f32 v2, v0  }
0xfe: {  	v4 =	vsub.s32 $0x5F3759DF, v4  }
0xff: {  	v5 =	vmul.f32 v4, v1;
	v3 =	vmul.f32 v2, v3;
	_ =	sdelay $0x1  }
0x100: {  	v5 =	vmul.f32 v4, v5;
	v3 =	vsub.f32 $1.500000000e+00, v3;
	_ =	sdelay $0x1  }
0x101: {  	v58 =	vsub.f32 $1.500000000e+00, v5;
	v2 =	vmul.f32 v2, v3;
	_ =	sdelay $0x1  }
0x102: {  	v3 =	vmul.f32 v4, v58;
	v59 =	vmul.f32 v2, v0;
	_ =	sdelay $0x1  }
0x103: {  	v61 =	vmul.f32 v3, v1;
	v60 =	vmul.f32 v59, v2;
	_ =	sdelay $0x1  }
0x104: {  	v5 =	vmul.f32 v61, v3;
	v4 =	vsub.f32 $1.500000000e+00, v60;
	_ =	sdelay $0x1  }
0x105: {  	v62 =	vsub.f32 $1.500000000e+00, v5;
	v2 =	vmul.f32 v4, v2;
	_ =	sdelay $0x1  }
0x106: {  	v3 =	vmul.f32 v62, v3;
	v0 =	vmul.f32 v2, v0;
	_ =	sdelay $0x1  }
0x107: {  	v1 =	vmul.f32 v3, v1;
	v0 =	vmul.f32 v0, v2;
	_ =	sdelay $0x1  }
0x108: {  	v63 =	vld [tilespmem:s16+$0x0];
	v1 =	vmul.f32 v1, v3;
	v0 =	vsub.f32 $1.500000000e+00, v0;
	_ =	sdelay $0x1  }
0x109: {  	v1 =	vsub.f32 $1.500000000e+00, v1;
	v0 =	vmul.f32 v0, v2;
	_ =	sdelay $0x1  }
0x10a: {  	v1 =	vmul.f32 v1, v3;
	v0 =	vmin.f32 v0, $9.999999950e+11  }
0x10b: {  	v0 =	vmul.f32 v0, v63  }
0x10c: {  	v1 =	vmin.f32 v1, $9.999999950e+11  }
0x10d: {  	v0 =	vmul.f32 v1, v0  }
0x10e: {  	s31 =	sadd.s32 $0x10, s20  }
0x10f: {  	s19 =	sand.u32 $0x1F0, s31;
	s18 =	sadd.s32 $0x10, s31;
	[tilespmem:s17+$0x0] =	vst v0  }
.LBB2_10:
0x110: {  	p0 =	sne.s32 s18, $0x1F0;
	v0 =	vld [tilespmem:s19+$0x10200];
	_ =	sdelay $0x1  }
0x111: {  	v1 =	vld [tilespmem:s19+$0x10400];
	_ =	sdelay $0x2  }
0x112: {  	v2 =	vshra.s32 v0, $0x1;
	v0 =	vmul.f32 $5.000000000e-01, v0  }
0x113: {  	v2 =	vsub.s32 $0x5F3759DF, v2  }
0x114: {  	v3 =	vmul.f32 v2, v0;
	v4 =	vshra.s32 v1, $0x1;
	v1 =	vmul.f32 $5.000000000e-01, v1  }
0x115: {  	v4 =	vsub.s32 $0x5F3759DF, v4  }
0x116: {  	v3 =	vmul.f32 v2, v3;
	v5 =	vmul.f32 v4, v1;
	_ =	sdelay $0x1  }
0x117: {  	v3 =	vsub.f32 $1.500000000e+00, v3;
	v5 =	vmul.f32 v4, v5;
	_ =	sdelay $0x1  }
0x118: {  	v2 =	vmul.f32 v2, v3;
	v3 =	vsub.f32 $1.500000000e+00, v5;
	_ =	sdelay $0x1  }
0x119: {  	v5 =	vmul.f32 v2, v0;
	v3 =	vmul.f32 v4, v3;
	_ =	sdelay $0x1  }
0x11a: {  	v4 =	vmul.f32 v5, v2;
	v5 =	vmul.f32 v3, v1;
	_ =	sdelay $0x1  }
0x11b: {  	v4 =	vsub.f32 $1.500000000e+00, v4;
	v5 =	vmul.f32 v5, v3;
	_ =	sdelay $0x1  }
0x11c: {  	v2 =	vmul.f32 v4, v2;
	v4 =	vsub.f32 $1.500000000e+00, v5;
	_ =	sdelay $0x1  }
0x11d: {  	v0 =	vmul.f32 v2, v0;
	v3 =	vmul.f32 v4, v3;
	_ =	sdelay $0x1  }
0x11e: {  	v0 =	vmul.f32 v0, v2;
	v1 =	vmul.f32 v3, v1  }
0x11f: {  	s16 =	sadd.s32 $0x10, s16  }
0x120: {  	v4 =	vld [tilespmem:s16+$0x0];
	v0 =	vsub.f32 $1.500000000e+00, v0;
	v1 =	vmul.f32 v1, v3;
	_ =	sdelay $0x1  }
0x121: {  	v0 =	vmul.f32 v0, v2;
	v1 =	vsub.f32 $1.500000000e+00, v1;
	_ =	sdelay $0x1  }
0x122: {  	v0 =	vmin.f32 v0, $9.999999950e+11;
	v1 =	vmul.f32 v1, v3  }
.Ltmp4:
0x123: {  	v0 =	vmul.f32 v0, v4;
	(pc) =	sbr.rel @p0 .LBB2_10-.Ltmp4, $4  }
0x124: {  	v1 =	vmin.f32 v1, $9.999999950e+11  }
0x125: {  	v0 =	vmul.f32 v1, v0  }
0x126: {  	s17 =	sadd.s32 $0x10, s17  }
0x127: {  	s19 =	sand.u32 $0x1F0, s18;
	s18 =	sadd.s32 $0x10, s18;
	[tilespmem:s17+$0x0] =	vst v0  }
0x128: {  	v0 =	vld [tilespmem:s19+$0x10200];
	_ =	sdelay $0x1  }
0x129: {  	v1 =	vld [tilespmem:s19+$0x10400];
	_ =	sdelay $0x2  }
0x12a: {  	v2 =	vshra.s32 v0, $0x1;
	v0 =	vmul.f32 $5.000000000e-01, v0  }
0x12b: {  	v2 =	vsub.s32 $0x5F3759DF, v2  }
0x12c: {  	v4 =	vshra.s32 v1, $0x1;
	v1 =	vmul.f32 $5.000000000e-01, v1;
	v3 =	vmul.f32 v2, v0  }
0x12d: {  	v4 =	vsub.s32 $0x5F3759DF, v4  }
0x12e: {  	v5 =	vmul.f32 v4, v1;
	v3 =	vmul.f32 v2, v3;
	_ =	sdelay $0x1  }
0x12f: {  	v5 =	vmul.f32 v4, v5;
	v3 =	vsub.f32 $1.500000000e+00, v3;
	_ =	sdelay $0x1  }
0x130: {  	v58 =	vsub.f32 $1.500000000e+00, v5;
	v2 =	vmul.f32 v2, v3;
	_ =	sdelay $0x1  }
0x131: {  	v3 =	vmul.f32 v4, v58;
	v59 =	vmul.f32 v2, v0;
	_ =	sdelay $0x1  }
0x132: {  	v61 =	vmul.f32 v3, v1;
	v60 =	vmul.f32 v59, v2;
	_ =	sdelay $0x1  }
0x133: {  	v5 =	vmul.f32 v61, v3;
	v4 =	vsub.f32 $1.500000000e+00, v60;
	_ =	sdelay $0x1  }
0x134: {  	v62 =	vsub.f32 $1.500000000e+00, v5;
	v2 =	vmul.f32 v4, v2;
	_ =	sdelay $0x1  }
0x135: {  	v3 =	vmul.f32 v62, v3;
	v0 =	vmul.f32 v2, v0;
	_ =	sdelay $0x1  }
0x136: {  	v1 =	vmul.f32 v3, v1;
	v0 =	vmul.f32 v0, v2  }
0x137: {  	s16 =	sadd.s32 $0x10, s16  }
0x138: {  	v63 =	vld [tilespmem:s16+$0x0];
	v1 =	vmul.f32 v1, v3;
	v0 =	vsub.f32 $1.500000000e+00, v0;
	_ =	sdelay $0x1  }
0x139: {  	v1 =	vsub.f32 $1.500000000e+00, v1;
	v0 =	vmul.f32 v0, v2;
	_ =	sdelay $0x1  }
0x13a: {  	v1 =	vmul.f32 v1, v3;
	v0 =	vmin.f32 v0, $9.999999950e+11  }
0x13b: {  	v0 =	vmul.f32 v0, v63  }
0x13c: {  	v1 =	vmin.f32 v1, $9.999999950e+11  }
0x13d: {  	s15 =	sadd.s32 $0x1, s15;
	v0 =	vmul.f32 v1, v0  }
0x13e: {  	s31 =	sadd.s32 $0x10, s17;
	p0 =	sne.s32 s15, s8  }
.Ltmp5:
0x13f: {  	[tilespmem:s31+$0x0] =	vst v0;
	(pc) =	sbr.rel @p0 .LBB2_1-.Ltmp5, $4  }
0x140: {  	[hbm4b:s7+s2] =	stream.linear.scatter [tilespmem:s13], [sflag:$0x3], $0x200, $0x38;
	[tilespmem:$0x10800] =	vst v63  }
0x141: {  	_ =	swait.ge [sflag:s14], $0x200  }
0x142: {  	[sflag:s14] =	ssyncset.done $0x0  }
0x143: {  	[sflag:s14] =	ssyncadd.s32 $0xFFFFFE00  }
0x144: {  	_ =	sfence.sel $0x180000  }
0x145: {  	[bflag:$0x0] =	sbarrier.arrive $0xFFFF  }
0x146: {  	p0 =	sne.s32 s0, $0x0;
	_ =	strace $0x9000004A  }
0x147: {  	s0 =	sadd.s32 @!p0 $0x100000, s1;
	[bflag:$0x2] =	sbarrier.arrive $0xFFFF  }
0x148: {  	[sflag:s0] =	ssyncadd.tile.s32 @!p0 $0x1;
	_ =	shalt  }
.Lfunc_end2:
_tile_overlayer_lowered:
.L_overlay_start_2:
0x149: {  	(tag) =	ssettag $0x2  }
0x14a: {  	s0 =	rddreg [dreg:$0x0];
	s2 =	stileid.u32  }
0x14b: {  	s1 =	rddreg [dreg:$0x1];
	p0 =	sne.s32 s2, $0x0  }
0x14c: {  	s3 =	rddreg [dreg:$0x2];
	[bflag:$0x3] =	sbarrier.arrive $0xFFFF;
	s2 =	simm.s32 @!p0 $0x1C03  }
0x14d: {  	[timem:s3], [sflag:s2] =	dma.local @!p0 [hbm:s0], s1  }
0x14e: {  	s0 =	simm.s32 @!p0 $0x3  }
0x14f: {  	_ =	swait.ge @!p0 [sflag:s0], s1  }
0x150: {  	s1 =	ssub.s32 @!p0 $0x0, s1;
	[sflag:s0] =	ssyncset.done @!p0 $0x0  }
0x151: {  	[sflag:s0] =	ssyncadd.s32 @!p0 s1  }
0x152: {  	[bflag:$0x3] =	sbarrier.arrive $0xFFFF  }
0x153: {  	_ =	shalt  }

</sc_bundles>
